<compile_context>
chip_gen: v7x
topology: tpu7x:2x2x1
jax: 0.10.2.dev20260603
libtpu: 0.0.44.dev20260713+nightly
codegen_flags: <defaults>
</compile_context>

<pallas_src>
import functools

import jax
import jax.numpy as jnp
from jax import lax
from jax.experimental import pallas as pl
from jax.experimental.pallas import tpu as pltpu
from jax.experimental.pallas import tpu_sc as plsc

_N = 10000
_D = 256
_E = 160000
_NUM_PRED = 5
_DH = 128
_NP = 10112
_NS = 16
_CHUNK = 64
_ET = 10240
_NCHT = _ET // _CHUNK
_NCH = _NS * _NCHT
_EPAD = _NS * _ET
_RPT = _NP // _NS


def _take16(v, idx):
    return lax.gather(
        v, idx.reshape(16, 1),
        lax.GatherDimensionNumbers(offset_dims=(), collapsed_slice_dims=(0,),
                                   start_index_map=(0,)),
        slice_sizes=(1,), mode=lax.GatherScatterMode.PROMISE_IN_BOUNDS)


def _deg_count(idx_ref, deg_ref):
    iota = lax.iota(jnp.int32, 16)
    prev_i = jnp.maximum(iota - 1, 0)
    next_i = jnp.minimum(iota + 1, 15)
    for g in range(_CHUNK // 16):
        d = idx_ref[pl.ds(g * 16, 16)]
        d, _ = plsc.sort_key_val(d, d)
        dprev = _take16(d, prev_i)
        dnext = _take16(d, next_i)
        starts = (iota == 0) | (d != dprev)
        ends = (iota == 15) | (d != dnext)
        st = plsc.cummax(jnp.where(starts, iota, 0))
        cnt = (iota - st + 1).astype(jnp.float32)
        plsc.addupdate_scatter(deg_ref, [d], cnt, mask=ends)


def _sc_agg(xp, gidx, didx):
    mesh = plsc.VectorSubcoreMesh(core_axis_name="c", subcore_axis_name="s")

    @functools.partial(
        pl.kernel,
        out_type=[jax.ShapeDtypeStruct((2, _NP, _DH), jnp.float32),
                  jax.ShapeDtypeStruct((2 * _NS, _NP), jnp.float32)],
        mesh=mesh,
        scratch_types=[
            [pltpu.VMEM((_CHUNK,), jnp.int32) for _ in range(8)],
            [pltpu.VMEM((_CHUNK,), jnp.int32) for _ in range(8)],
            [pltpu.VMEM((_CHUNK, _DH), jnp.float32) for _ in range(4)],
            pltpu.VMEM((_NP,), jnp.float32),
            pltpu.VMEM_SHARED((_NP, _DH), jnp.float32),
            [pltpu.SemaphoreType.DMA for _ in range(8)],
            [pltpu.SemaphoreType.DMA for _ in range(8)],
            [pltpu.SemaphoreType.DMA for _ in range(4)],
            [pltpu.SemaphoreType.DMA for _ in range(4)],
        ],
        compiler_params=pltpu.CompilerParams(use_tc_tiling_on_sc=True, needs_layout_passes=False),
    )
    def k(xp_hbm, gidx_hbm, didx_hbm, out_hbm, deg_hbm,
          gbuf, dbuf, rows, deg_v, agg_sh, isem, jsem, gsem, ssem):
        c = lax.axis_index("c")
        s = lax.axis_index("s")
        r0 = s * _RPT

        def zero_rows(i, carry):
            for j in range(_DH // 16):
                rows[0][i, pl.ds(j * 16, 16)] = jnp.zeros((16,), jnp.float32)
            return carry

        lax.fori_loop(0, _CHUNK, zero_rows, 0)
        for q in range(_RPT // _CHUNK):
            pltpu.sync_copy(rows[0], agg_sh.at[pl.ds(r0 + q * _CHUNK, _CHUNK)])
        _REM = _RPT - (_RPT // _CHUNK) * _CHUNK
        if _REM:
            pltpu.sync_copy(
                rows[0].at[pl.ds(0, _REM)],
                agg_sh.at[pl.ds(r0 + _RPT - _REM, _REM)])

        def zero_deg(i, carry):
            deg_v[pl.ds(i * 16, 16)] = jnp.zeros((16,), jnp.float32)
            return carry

        lax.fori_loop(0, _NP // 16, zero_deg, 0)

        ebase = (s * _NCHT) * _CHUNK
        gbase = c * _EPAD + ebase

        def load_idx(i, a):
            pltpu.async_copy(
                gidx_hbm.at[pl.ds(gbase + i * _CHUNK, _CHUNK)], gbuf[a], isem[a])
            pltpu.async_copy(
                didx_hbm.at[pl.ds(ebase + i * _CHUNK, _CHUNK)], dbuf[a], jsem[a])

        def wait_idx(i, a):
            pltpu.make_async_copy(
                gidx_hbm.at[pl.ds(gbase + i * _CHUNK, _CHUNK)], gbuf[a], isem[a]).wait()
            pltpu.make_async_copy(
                didx_hbm.at[pl.ds(ebase + i * _CHUNK, _CHUNK)], dbuf[a], jsem[a]).wait()

        on_c0 = c == 0
        plsc.subcore_barrier()
        for a in range(6):
            load_idx(a, a)
        for b in range(2):
            wait_idx(b, b)
            pltpu.async_copy(xp_hbm.at[gbuf[b]], rows[b], gsem[b])

        def outer(g, carry):
            for a in range(8):
                i = g * 8 + a
                b = a % 4
                pltpu.make_async_copy(
                    xp_hbm.at[gbuf[a]], rows[b], gsem[b]).wait()
                pltpu.async_copy(
                    rows[b], agg_sh.at[dbuf[a]], ssem[b], add=True)
                b2 = (b + 2) % 4
                a2 = (a + 2) % 8
                a6 = (a + 6) % 8

                @pl.when(i >= 2)
                def _():
                    pltpu.make_async_copy(
                        rows[b2], agg_sh.at[dbuf[a6]], ssem[b2]).wait()

                @pl.when(i + 6 < _NCHT)
                def _():
                    load_idx(i + 6, a6)

                @pl.when(i + 2 < _NCHT)
                def _():
                    wait_idx(i + 2, a2)
                    pltpu.async_copy(xp_hbm.at[gbuf[a2]], rows[b2], gsem[b2])

                if a % 2 == 0:
                    @pl.when(on_c0)
                    def _():
                        _deg_count(dbuf[a], deg_v)
                else:
                    @pl.when(jnp.logical_not(on_c0))
                    def _():
                        _deg_count(dbuf[a], deg_v)
            return carry

        lax.fori_loop(0, _NCHT // 8, outer, 0)
        for j in (_NCHT - 2, _NCHT - 1):
            pltpu.make_async_copy(
                rows[j % 4], agg_sh.at[dbuf[j % 8]], ssem[j % 4]).wait()
        plsc.subcore_barrier()
        pltpu.sync_copy(agg_sh.at[pl.ds(r0, _RPT)], out_hbm.at[c, pl.ds(r0, _RPT)])

        pltpu.sync_copy(deg_v, deg_hbm.at[c * _NS + s])

    return k(xp, gidx, didx)


def _tc_pre_body(x_ref, ws_ref, be_ref, hp_ref):
    hp_ref[...] = (jnp.dot(x_ref[...], ws_ref[...],
                           preferred_element_type=jnp.float32) + be_ref[...])


def _tc_pre(x, W_self, be2):
    return pl.pallas_call(
        _tc_pre_body,
        grid=(_N // _BN,),
        in_specs=[
            pl.BlockSpec((_BN, _D), lambda i: (i, 0)),
            pl.BlockSpec((_D, _D), lambda i: (0, 0)),
            pl.BlockSpec((1, _D), lambda i: (0, 0)),
        ],
        out_specs=[pl.BlockSpec((_BN, _D), lambda i: (i, 0))],
        out_shape=[jax.ShapeDtypeStruct((_N, _D), jnp.float32)],
    )(x, W_self, be2)[0]


def _tc_body(hp_ref, aA_ref, aB_ref, dg_ref, nz_ref, wnA_ref, wnB_ref,
             wd_ref, bd_ref, wf_ref, bf_ref, pm_ref, pf_ref):
    d = jnp.maximum(dg_ref[...], 1.0)
    aA = aA_ref[0] / d
    aB = aB_ref[0] / d
    h = hp_ref[...]
    h = h + jnp.dot(aA, wnA_ref[...], preferred_element_type=jnp.float32)
    h = h + jnp.dot(aB, wnB_ref[...], preferred_element_type=jnp.float32)
    h = jnp.maximum(h, 0.0) + nz_ref[...]
    pm = jnp.maximum(
        jnp.dot(h, wd_ref[...], preferred_element_type=jnp.float32) + bd_ref[...], 0.0)
    pm_ref[...] = pm[:, 0:1]
    for k in range(_NUM_PRED):
        pf_ref[k] = jnp.tanh(
            jnp.dot(h, wf_ref[:, pl.ds(k * _D, _D)],
                    preferred_element_type=jnp.float32)
            + bf_ref[:, pl.ds(k * _D, _D)])


_BN = 2000


def _tc_dense(hpre, aggout, deg, noise, WnA, WnB, Wd8, bd8, W_f, bf2):
    return pl.pallas_call(
        _tc_body,
        grid=(_N // _BN,),
        in_specs=[
            pl.BlockSpec((_BN, _D), lambda i: (i, 0)),
            pl.BlockSpec((1, _BN, _DH), lambda i: (0, i, 0)),
            pl.BlockSpec((1, _BN, _DH), lambda i: (1, i, 0)),
            pl.BlockSpec((_BN, 1), lambda i: (i, 0)),
            pl.BlockSpec((_BN, _D), lambda i: (i, 0)),
            pl.BlockSpec((_DH, _D), lambda i: (0, 0)),
            pl.BlockSpec((_DH, _D), lambda i: (0, 0)),
            pl.BlockSpec((_D, 8), lambda i: (0, 0)),
            pl.BlockSpec((1, 8), lambda i: (0, 0)),
            pl.BlockSpec((_D, _NUM_PRED * _D), lambda i: (0, 0)),
            pl.BlockSpec((1, _NUM_PRED * _D), lambda i: (0, 0)),
        ],
        out_specs=[
            pl.BlockSpec((_BN, 1), lambda i: (i, 0)),
            pl.BlockSpec((_NUM_PRED, _BN, _D), lambda i: (0, i, 0)),
        ],
        out_shape=[
            jax.ShapeDtypeStruct((_N, 1), jnp.float32),
            jax.ShapeDtypeStruct((_NUM_PRED, _N, _D), jnp.float32),
        ],
    )(hpre, aggout, aggout, deg, noise, WnA, WnB, Wd8, bd8, W_f, bf2)


def kernel(x, edge_index, noise, W_self, W_neigh, b_enc, W_d, b_d, W_f, b_f):
    src = edge_index[0].astype(jnp.int32)
    dst = edge_index[1].astype(jnp.int32)
    xp = x.reshape(2 * _N, _DH)
    npad = _EPAD - _E
    src_p = jnp.concatenate([src, jnp.zeros((npad,), jnp.int32)])
    dst_p = jnp.concatenate([dst, jnp.full((npad,), _N, jnp.int32)])
    gidx = jnp.concatenate([2 * src_p, 2 * src_p + 1])

    be2 = b_enc.reshape(1, _D)
    hpre = _tc_pre(x, W_self, be2)
    aggout, deg16 = _sc_agg(xp, gidx, dst_p)

    Wd8 = jnp.pad(W_d, ((0, 0), (0, 7)))
    bd8 = jnp.pad(b_d, (0, 7)).reshape(1, 8)
    bf2 = b_f.reshape(1, _NUM_PRED * _D)
    WnA = W_neigh[:_DH]
    WnB = W_neigh[_DH:]
    deg2 = deg16.sum(axis=0)[:_N].reshape(_N, 1)

    pm, pf5 = _tc_dense(hpre, aggout, deg2, noise, WnA, WnB,
                        Wd8, bd8, W_f, bf2)
    return (pm, pf5.transpose(1, 0, 2))

# --- scband reference (transcript-rebuilt; emitter-appended) ---
"""Pipeline reference for scband-fed-gen-14963666059378 (READ-ONLY COPY).

The authoritative reference and input builder live on the scoring server;
editing this copy changes nothing except your own understanding.
"""

import jax, jax.numpy as jnp
import numpy as np

N = 10000
E = 160000
D = 256
NUM_PRED = 5

def setup_inputs(seed: int = 0):
    key = jax.random.key(seed)
    ks = jax.random.split(key, 10)
    x = jax.random.normal(ks[0], (N, D), dtype=jnp.float32)
    edge_index = jax.random.randint(ks[1], (2, E), 0, N, dtype=jnp.int32)
    # self.rand(h): gaussian perturbation applied to encoder output (NeighGen style)
    noise = jax.random.normal(ks[2], (N, D), dtype=jnp.float32) * 0.1
    # frozen encoder (GraphSAGE-mean layer, requires_grad_(False) in torch)
    W_self = jax.random.normal(ks[3], (D, D), dtype=jnp.float32) * 0.05
    W_neigh = jax.random.normal(ks[4], (D, D), dtype=jnp.float32) * 0.05
    b_enc = jnp.zeros((D,), dtype=jnp.float32)
    # dGen: predicts number of missing neighbors per seed node
    W_d = jax.random.normal(ks[5], (D, 1), dtype=jnp.float32) * 0.05
    b_d = jnp.zeros((1,), dtype=jnp.float32)
    # fGen: predicts features of NUM_PRED missing neighbors per seed node
    W_f = jax.random.normal(ks[6], (D, NUM_PRED * D), dtype=jnp.float32) * 0.05
    b_f = jnp.zeros((NUM_PRED * D,), dtype=jnp.float32)
    return {"x": x, "edge_index": edge_index, "noise": noise, "W_self": W_self, "W_neigh": W_neigh, "b_enc": b_enc, "W_d": W_d, "b_d": b_d, "W_f": W_f, "b_f": b_f}

def reference(x, edge_index, noise, W_self, W_neigh, b_enc, W_d, b_d, W_f, b_f):
    src = edge_index[0]
    dst = edge_index[1]
    # frozen encoder layer: mean-aggregate neighbor messages (gather + scatter-add)
    msgs = jnp.take(x, src, axis=0)
    agg = jax.ops.segment_sum(msgs, dst, num_segments=N)
    deg = jax.ops.segment_sum(jnp.ones((E,), dtype=jnp.float32), dst, num_segments=N)
    agg = agg / jnp.maximum(deg, 1.0)[:, None]
    h = jax.nn.relu(x @ W_self + agg @ W_neigh + b_enc)
    # h[key] = self.rand(h[key]) : stochastic perturbation of hidden reps
    h = h + noise
    # pred_missing = self.dGen(h, seeds)
    pred_missing = jax.nn.relu(h @ W_d + b_d)
    # pred_feat = self.fGen(h, seeds)
    pred_feat = jnp.tanh(h @ W_f + b_f).reshape(N, NUM_PRED, D)
    return (pred_missing, pred_feat)

if __name__ == "__main__":
    import jax
    _d = setup_inputs()
    print(jax.jit(kernel)(*tuple(_d.values())))

</pallas_src>

<mosaic_0001>
#map = affine_map<(d0, d1) -> (0, 0)>
#map1 = affine_map<(d0, d1) -> (0)>
#map2 = affine_map<(d0, d1) -> (0, 0, 0)>
module attributes {stable_mosaic.version = 14 : i64} {
  func.func @k(%arg0: i32, %arg1: i32, %arg2: memref<20000x128xf32, #tpu.memory_space<hbm>>, %arg3: memref<327680xi32, #tpu.memory_space<hbm>>, %arg4: memref<163840xi32, #tpu.memory_space<hbm>>, %arg5: memref<2x10112x128xf32, #tpu.memory_space<hbm>>, %arg6: memref<32x10112xf32, #tpu.memory_space<hbm>>, %arg7: memref<64xi32, #tpu.memory_space<vmem>>, %arg8: memref<64xi32, #tpu.memory_space<vmem>>, %arg9: memref<64xi32, #tpu.memory_space<vmem>>, %arg10: memref<64xi32, #tpu.memory_space<vmem>>, %arg11: memref<64xi32, #tpu.memory_space<vmem>>, %arg12: memref<64xi32, #tpu.memory_space<vmem>>, %arg13: memref<64xi32, #tpu.memory_space<vmem>>, %arg14: memref<64xi32, #tpu.memory_space<vmem>>, %arg15: memref<64xi32, #tpu.memory_space<vmem>>, %arg16: memref<64xi32, #tpu.memory_space<vmem>>, %arg17: memref<64xi32, #tpu.memory_space<vmem>>, %arg18: memref<64xi32, #tpu.memory_space<vmem>>, %arg19: memref<64xi32, #tpu.memory_space<vmem>>, %arg20: memref<64xi32, #tpu.memory_space<vmem>>, %arg21: memref<64xi32, #tpu.memory_space<vmem>>, %arg22: memref<64xi32, #tpu.memory_space<vmem>>, %arg23: memref<64x128xf32, #tpu.memory_space<vmem>>, %arg24: memref<64x128xf32, #tpu.memory_space<vmem>>, %arg25: memref<64x128xf32, #tpu.memory_space<vmem>>, %arg26: memref<64x128xf32, #tpu.memory_space<vmem>>, %arg27: memref<10112xf32, #tpu.memory_space<vmem>>, %arg28: memref<10112x128xf32, #tpu.memory_space<vmem_shared>>, %arg29: memref<!tpu.dma_semaphore, #tpu.memory_space<semaphore_mem>>, %arg30: memref<!tpu.dma_semaphore, #tpu.memory_space<semaphore_mem>>, %arg31: memref<!tpu.dma_semaphore, #tpu.memory_space<semaphore_mem>>, %arg32: memref<!tpu.dma_semaphore, #tpu.memory_space<semaphore_mem>>, %arg33: memref<!tpu.dma_semaphore, #tpu.memory_space<semaphore_mem>>, %arg34: memref<!tpu.dma_semaphore, #tpu.memory_space<semaphore_mem>>, %arg35: memref<!tpu.dma_semaphore, #tpu.memory_space<semaphore_mem>>, %arg36: memref<!tpu.dma_semaphore, #tpu.memory_space<semaphore_mem>>, %arg37: memref<!tpu.dma_semaphore, #tpu.memory_space<semaphore_mem>>, %arg38: memref<!tpu.dma_semaphore, #tpu.memory_space<semaphore_mem>>, %arg39: memref<!tpu.dma_semaphore, #tpu.memory_space<semaphore_mem>>, %arg40: memref<!tpu.dma_semaphore, #tpu.memory_space<semaphore_mem>>, %arg41: memref<!tpu.dma_semaphore, #tpu.memory_space<semaphore_mem>>, %arg42: memref<!tpu.dma_semaphore, #tpu.memory_space<semaphore_mem>>, %arg43: memref<!tpu.dma_semaphore, #tpu.memory_space<semaphore_mem>>, %arg44: memref<!tpu.dma_semaphore, #tpu.memory_space<semaphore_mem>>, %arg45: memref<!tpu.dma_semaphore, #tpu.memory_space<semaphore_mem>>, %arg46: memref<!tpu.dma_semaphore, #tpu.memory_space<semaphore_mem>>, %arg47: memref<!tpu.dma_semaphore, #tpu.memory_space<semaphore_mem>>, %arg48: memref<!tpu.dma_semaphore, #tpu.memory_space<semaphore_mem>>, %arg49: memref<!tpu.dma_semaphore, #tpu.memory_space<semaphore_mem>>, %arg50: memref<!tpu.dma_semaphore, #tpu.memory_space<semaphore_mem>>, %arg51: memref<!tpu.dma_semaphore, #tpu.memory_space<semaphore_mem>>, %arg52: memref<!tpu.dma_semaphore, #tpu.memory_space<semaphore_mem>>) attributes {dimension_semantics = [#tpu.dimension_semantics<core_parallel>, #tpu.dimension_semantics<subcore_parallel>], iteration_bounds = array<i64: 2, 16>, scalar_prefetch = 0 : i64, scratch_operands = 46 : i64, tpu.core_type = #tpu.core_type<sc_vector_subcore>, window_params = [{transform_indices = #map}, {transform_indices = #map1}, {transform_indices = #map1}, {transform_indices = #map2}, {transform_indices = #map}]} {
    %mul3A = arith.constant 632 : i32
    %mul3A_0 = arith.muli %arg1, %mul3A : i32
    %scan3A = arith.constant 0 : i32
    %scan3A_1 = arith.constant 0 : i32
    %scan3A_2 = arith.constant 64 : i32
    %scan3A_3 = arith.addi %scan3A_1, %scan3A_2 : i32
    %scan3A_4 = arith.constant 1 : i32
    scf.for %scan3A_124 = %scan3A_1 to %scan3A_3 step %scan3A_4  : i32 {
      %broadcast_in_dim3A = arith.constant 0.000000e+00 : f32
      %broadcast_in_dim3A_125 = vector.broadcast %broadcast_in_dim3A : f32 to vector<16xf32>
      %swap3A = arith.index_cast %scan3A_124 : i32 to index
      %swap3A_126 = arith.constant 0 : index
      %swap3A_127 = tpu.vector_load %arg23[%swap3A, %swap3A_126] {strides = array<i32>} : memref<64x128xf32, #tpu.memory_space<vmem>>, vector<16xf32>,
      tpu.vector_store %arg23[%swap3A, %swap3A_126], %broadcast_in_dim3A_125 {strides = array<i32>} : memref<64x128xf32, #tpu.memory_space<vmem>>, vector<16xf32>,
      %broadcast_in_dim3A_128 = arith.constant 0.000000e+00 : f32
      %broadcast_in_dim3A_129 = vector.broadcast %broadcast_in_dim3A_128 : f32 to vector<16xf32>
      %swap3A_130 = arith.index_cast %scan3A_124 : i32 to index
      %swap3A_131 = arith.constant 16 : index
      %swap3A_132 = tpu.vector_load %arg23[%swap3A_130, %swap3A_131] {strides = array<i32>} : memref<64x128xf32, #tpu.memory_space<vmem>>, vector<16xf32>,
      tpu.vector_store %arg23[%swap3A_130, %swap3A_131], %broadcast_in_dim3A_129 {strides = array<i32>} : memref<64x128xf32, #tpu.memory_space<vmem>>, vector<16xf32>,
      %broadcast_in_dim3A_133 = arith.constant 0.000000e+00 : f32
      %broadcast_in_dim3A_134 = vector.broadcast %broadcast_in_dim3A_133 : f32 to vector<16xf32>
      %swap3A_135 = arith.index_cast %scan3A_124 : i32 to index
      %swap3A_136 = arith.constant 32 : index
      %swap3A_137 = tpu.vector_load %arg23[%swap3A_135, %swap3A_136] {strides = array<i32>} : memref<64x128xf32, #tpu.memory_space<vmem>>, vector<16xf32>,
      tpu.vector_store %arg23[%swap3A_135, %swap3A_136], %broadcast_in_dim3A_134 {strides = array<i32>} : memref<64x128xf32, #tpu.memory_space<vmem>>, vector<16xf32>,
      %broadcast_in_dim3A_138 = arith.constant 0.000000e+00 : f32
      %broadcast_in_dim3A_139 = vector.broadcast %broadcast_in_dim3A_138 : f32 to vector<16xf32>
      %swap3A_140 = arith.index_cast %scan3A_124 : i32 to index
      %swap3A_141 = arith.constant 48 : index
      %swap3A_142 = tpu.vector_load %arg23[%swap3A_140, %swap3A_141] {strides = array<i32>} : memref<64x128xf32, #tpu.memory_space<vmem>>, vector<16xf32>,
      tpu.vector_store %arg23[%swap3A_140, %swap3A_141], %broadcast_in_dim3A_139 {strides = array<i32>} : memref<64x128xf32, #tpu.memory_space<vmem>>, vector<16xf32>,
      %broadcast_in_dim3A_143 = arith.constant 0.000000e+00 : f32
      %broadcast_in_dim3A_144 = vector.broadcast %broadcast_in_dim3A_143 : f32 to vector<16xf32>
      %swap3A_145 = arith.index_cast %scan3A_124 : i32 to index
      %swap3A_146 = arith.constant 64 : index
      %swap3A_147 = tpu.vector_load %arg23[%swap3A_145, %swap3A_146] {strides = array<i32>} : memref<64x128xf32, #tpu.memory_space<vmem>>, vector<16xf32>,
      tpu.vector_store %arg23[%swap3A_145, %swap3A_146], %broadcast_in_dim3A_144 {strides = array<i32>} : memref<64x128xf32, #tpu.memory_space<vmem>>, vector<16xf32>,
      %broadcast_in_dim3A_148 = arith.constant 0.000000e+00 : f32
      %broadcast_in_dim3A_149 = vector.broadcast %broadcast_in_dim3A_148 : f32 to vector<16xf32>
      %swap3A_150 = arith.index_cast %scan3A_124 : i32 to index
      %swap3A_151 = arith.constant 80 : index
      %swap3A_152 = tpu.vector_load %arg23[%swap3A_150, %swap3A_151] {strides = array<i32>} : memref<64x128xf32, #tpu.memory_space<vmem>>, vector<16xf32>,
      tpu.vector_store %arg23[%swap3A_150, %swap3A_151], %broadcast_in_dim3A_149 {strides = array<i32>} : memref<64x128xf32, #tpu.memory_space<vmem>>, vector<16xf32>,
      %broadcast_in_dim3A_153 = arith.constant 0.000000e+00 : f32
      %broadcast_in_dim3A_154 = vector.broadcast %broadcast_in_dim3A_153 : f32 to vector<16xf32>
      %swap3A_155 = arith.index_cast %scan3A_124 : i32 to index
      %swap3A_156 = arith.constant 96 : index
      %swap3A_157 = tpu.vector_load %arg23[%swap3A_155, %swap3A_156] {strides = array<i32>} : memref<64x128xf32, #tpu.memory_space<vmem>>, vector<16xf32>,
      tpu.vector_store %arg23[%swap3A_155, %swap3A_156], %broadcast_in_dim3A_154 {strides = array<i32>} : memref<64x128xf32, #tpu.memory_space<vmem>>, vector<16xf32>,
      %broadcast_in_dim3A_158 = arith.constant 0.000000e+00 : f32
      %broadcast_in_dim3A_159 = vector.broadcast %broadcast_in_dim3A_158 : f32 to vector<16xf32>
      %swap3A_160 = arith.index_cast %scan3A_124 : i32 to index
      %swap3A_161 = arith.constant 112 : index
      %swap3A_162 = tpu.vector_load %arg23[%swap3A_160, %swap3A_161] {strides = array<i32>} : memref<64x128xf32, #tpu.memory_space<vmem>>, vector<16xf32>,
      tpu.vector_store %arg23[%swap3A_160, %swap3A_161], %broadcast_in_dim3A_159 {strides = array<i32>} : memref<64x128xf32, #tpu.memory_space<vmem>>, vector<16xf32>,
    }
    %scan3A_5 = arith.constant 64 : i32
    %add3A = arith.constant 0 : i32
    %add3A_6 = arith.addi %mul3A_0, %add3A : i32
    "tpu.region"() ({
      %run_scoped3A = tpu.sem_alloc : memref<!tpu.dma_semaphore, #tpu.memory_space<semaphore_mem>>
      %dma_start3A_124 = arith.constant 0 : i32
      %dma_start3A_125 = tpu.memref_slice %arg28[%add3A_6, %dma_start3A_124] : memref<10112x128xf32, #tpu.memory_space<vmem_shared>> -> memref<64x128xf32, #tpu.memory_space<vmem_shared>>
      %dma_start3A_126 = arith.constant 0 : i32
      %dma_start3A_127 = tpu.memref_slice %arg28[%add3A_6, %dma_start3A_126] : memref<10112x128xf32, #tpu.memory_space<vmem_shared>> -> memref<64x128xf32, #tpu.memory_space<vmem_shared>>
      tpu.enqueue_dma source(%arg23 : memref<64x128xf32, #tpu.memory_space<vmem>>) target(%dma_start3A_127 : memref<64x128xf32, #tpu.memory_space<vmem_shared>>) target_semaphore(%run_scoped3A : memref<!tpu.dma_semaphore, #tpu.memory_space<semaphore_mem>>)
      %dma_wait3A_128 = arith.constant 0 : i32
      %dma_wait3A_129 = tpu.memref_slice %arg28[%add3A_6, %dma_wait3A_128] : memref<10112x128xf32, #tpu.memory_space<vmem_shared>> -> memref<64x128xf32, #tpu.memory_space<vmem_shared>>
      %dma_wait3A_130 = arith.constant 0 : i32
      %dma_wait3A_131 = tpu.memref_slice %arg28[%add3A_6, %dma_wait3A_130] : memref<10112x128xf32, #tpu.memory_space<vmem_shared>> -> memref<64x128xf32, #tpu.memory_space<vmem_shared>>
      tpu.wait_dma2 semaphore(%run_scoped3A : memref<!tpu.dma_semaphore, #tpu.memory_space<semaphore_mem>>) src(%arg23 : memref<64x128xf32, #tpu.memory_space<vmem>>) dst(%dma_wait3A_131 : memref<64x128xf32, #tpu.memory_space<vmem_shared>>)
      tpu.yield
    }) : () -> ()
    %add3A_7 = arith.constant 64 : i32
    %add3A_8 = arith.addi %mul3A_0, %add3A_7 : i32
    "tpu.region"() ({
      %run_scoped3A = tpu.sem_alloc : memref<!tpu.dma_semaphore, #tpu.memory_space<semaphore_mem>>
      %dma_start3A_124 = arith.constant 0 : i32
      %dma_start3A_125 = tpu.memref_slice %arg28[%add3A_8, %dma_start3A_124] : memref<10112x128xf32, #tpu.memory_space<vmem_shared>> -> memref<64x128xf32, #tpu.memory_space<vmem_shared>>
      %dma_start3A_126 = arith.constant 0 : i32
      %dma_start3A_127 = tpu.memref_slice %arg28[%add3A_8, %dma_start3A_126] : memref<10112x128xf32, #tpu.memory_space<vmem_shared>> -> memref<64x128xf32, #tpu.memory_space<vmem_shared>>
      tpu.enqueue_dma source(%arg23 : memref<64x128xf32, #tpu.memory_space<vmem>>) target(%dma_start3A_127 : memref<64x128xf32, #tpu.memory_space<vmem_shared>>) target_semaphore(%run_scoped3A : memref<!tpu.dma_semaphore, #tpu.memory_space<semaphore_mem>>)
      %dma_wait3A_128 = arith.constant 0 : i32
      %dma_wait3A_129 = tpu.memref_slice %arg28[%add3A_8, %dma_wait3A_128] : memref<10112x128xf32, #tpu.memory_space<vmem_shared>> -> memref<64x128xf32, #tpu.memory_space<vmem_shared>>
      %dma_wait3A_130 = arith.constant 0 : i32
      %dma_wait3A_131 = tpu.memref_slice %arg28[%add3A_8, %dma_wait3A_130] : memref<10112x128xf32, #tpu.memory_space<vmem_shared>> -> memref<64x128xf32, #tpu.memory_space<vmem_shared>>
      tpu.wait_dma2 semaphore(%run_scoped3A : memref<!tpu.dma_semaphore, #tpu.memory_space<semaphore_mem>>) src(%arg23 : memref<64x128xf32, #tpu.memory_space<vmem>>) dst(%dma_wait3A_131 : memref<64x128xf32, #tpu.memory_space<vmem_shared>>)
      tpu.yield
    }) : () -> ()
    %add3A_9 = arith.constant 128 : i32
    %add3A_10 = arith.addi %mul3A_0, %add3A_9 : i32
    "tpu.region"() ({
      %run_scoped3A = tpu.sem_alloc : memref<!tpu.dma_semaphore, #tpu.memory_space<semaphore_mem>>
      %dma_start3A_124 = arith.constant 0 : i32
      %dma_start3A_125 = tpu.memref_slice %arg28[%add3A_10, %dma_start3A_124] : memref<10112x128xf32, #tpu.memory_space<vmem_shared>> -> memref<64x128xf32, #tpu.memory_space<vmem_shared>>
      %dma_start3A_126 = arith.constant 0 : i32
      %dma_start3A_127 = tpu.memref_slice %arg28[%add3A_10, %dma_start3A_126] : memref<10112x128xf32, #tpu.memory_space<vmem_shared>> -> memref<64x128xf32, #tpu.memory_space<vmem_shared>>
      tpu.enqueue_dma source(%arg23 : memref<64x128xf32, #tpu.memory_space<vmem>>) target(%dma_start3A_127 : memref<64x128xf32, #tpu.memory_space<vmem_shared>>) target_semaphore(%run_scoped3A : memref<!tpu.dma_semaphore, #tpu.memory_space<semaphore_mem>>)
      %dma_wait3A_128 = arith.constant 0 : i32
      %dma_wait3A_129 = tpu.memref_slice %arg28[%add3A_10, %dma_wait3A_128] : memref<10112x128xf32, #tpu.memory_space<vmem_shared>> -> memref<64x128xf32, #tpu.memory_space<vmem_shared>>
      %dma_wait3A_130 = arith.constant 0 : i32
      %dma_wait3A_131 = tpu.memref_slice %arg28[%add3A_10, %dma_wait3A_130] : memref<10112x128xf32, #tpu.memory_space<vmem_shared>> -> memref<64x128xf32, #tpu.memory_space<vmem_shared>>
      tpu.wait_dma2 semaphore(%run_scoped3A : memref<!tpu.dma_semaphore, #tpu.memory_space<semaphore_mem>>) src(%arg23 : memref<64x128xf32, #tpu.memory_space<vmem>>) dst(%dma_wait3A_131 : memref<64x128xf32, #tpu.memory_space<vmem_shared>>)
      tpu.yield
    }) : () -> ()
    %add3A_11 = arith.constant 192 : i32
    %add3A_12 = arith.addi %mul3A_0, %add3A_11 : i32
    "tpu.region"() ({
      %run_scoped3A = tpu.sem_alloc : memref<!tpu.dma_semaphore, #tpu.memory_space<semaphore_mem>>
      %dma_start3A_124 = arith.constant 0 : i32
      %dma_start3A_125 = tpu.memref_slice %arg28[%add3A_12, %dma_start3A_124] : memref<10112x128xf32, #tpu.memory_space<vmem_shared>> -> memref<64x128xf32, #tpu.memory_space<vmem_shared>>
      %dma_start3A_126 = arith.constant 0 : i32
      %dma_start3A_127 = tpu.memref_slice %arg28[%add3A_12, %dma_start3A_126] : memref<10112x128xf32, #tpu.memory_space<vmem_shared>> -> memref<64x128xf32, #tpu.memory_space<vmem_shared>>
      tpu.enqueue_dma source(%arg23 : memref<64x128xf32, #tpu.memory_space<vmem>>) target(%dma_start3A_127 : memref<64x128xf32, #tpu.memory_space<vmem_shared>>) target_semaphore(%run_scoped3A : memref<!tpu.dma_semaphore, #tpu.memory_space<semaphore_mem>>)
      %dma_wait3A_128 = arith.constant 0 : i32
      %dma_wait3A_129 = tpu.memref_slice %arg28[%add3A_12, %dma_wait3A_128] : memref<10112x128xf32, #tpu.memory_space<vmem_shared>> -> memref<64x128xf32, #tpu.memory_space<vmem_shared>>
      %dma_wait3A_130 = arith.constant 0 : i32
      %dma_wait3A_131 = tpu.memref_slice %arg28[%add3A_12, %dma_wait3A_130] : memref<10112x128xf32, #tpu.memory_space<vmem_shared>> -> memref<64x128xf32, #tpu.memory_space<vmem_shared>>
      tpu.wait_dma2 semaphore(%run_scoped3A : memref<!tpu.dma_semaphore, #tpu.memory_space<semaphore_mem>>) src(%arg23 : memref<64x128xf32, #tpu.memory_space<vmem>>) dst(%dma_wait3A_131 : memref<64x128xf32, #tpu.memory_space<vmem_shared>>)
      tpu.yield
    }) : () -> ()
    %add3A_13 = arith.constant 256 : i32
    %add3A_14 = arith.addi %mul3A_0, %add3A_13 : i32
    "tpu.region"() ({
      %run_scoped3A = tpu.sem_alloc : memref<!tpu.dma_semaphore, #tpu.memory_space<semaphore_mem>>
      %dma_start3A_124 = arith.constant 0 : i32
      %dma_start3A_125 = tpu.memref_slice %arg28[%add3A_14, %dma_start3A_124] : memref<10112x128xf32, #tpu.memory_space<vmem_shared>> -> memref<64x128xf32, #tpu.memory_space<vmem_shared>>
      %dma_start3A_126 = arith.constant 0 : i32
      %dma_start3A_127 = tpu.memref_slice %arg28[%add3A_14, %dma_start3A_126] : memref<10112x128xf32, #tpu.memory_space<vmem_shared>> -> memref<64x128xf32, #tpu.memory_space<vmem_shared>>
      tpu.enqueue_dma source(%arg23 : memref<64x128xf32, #tpu.memory_space<vmem>>) target(%dma_start3A_127 : memref<64x128xf32, #tpu.memory_space<vmem_shared>>) target_semaphore(%run_scoped3A : memref<!tpu.dma_semaphore, #tpu.memory_space<semaphore_mem>>)
      %dma_wait3A_128 = arith.constant 0 : i32
      %dma_wait3A_129 = tpu.memref_slice %arg28[%add3A_14, %dma_wait3A_128] : memref<10112x128xf32, #tpu.memory_space<vmem_shared>> -> memref<64x128xf32, #tpu.memory_space<vmem_shared>>
      %dma_wait3A_130 = arith.constant 0 : i32
      %dma_wait3A_131 = tpu.memref_slice %arg28[%add3A_14, %dma_wait3A_130] : memref<10112x128xf32, #tpu.memory_space<vmem_shared>> -> memref<64x128xf32, #tpu.memory_space<vmem_shared>>
      tpu.wait_dma2 semaphore(%run_scoped3A : memref<!tpu.dma_semaphore, #tpu.memory_space<semaphore_mem>>) src(%arg23 : memref<64x128xf32, #tpu.memory_space<vmem>>) dst(%dma_wait3A_131 : memref<64x128xf32, #tpu.memory_space<vmem_shared>>)
      tpu.yield
    }) : () -> ()
    %add3A_15 = arith.constant 320 : i32
    %add3A_16 = arith.addi %mul3A_0, %add3A_15 : i32
    "tpu.region"() ({
      %run_scoped3A = tpu.sem_alloc : memref<!tpu.dma_semaphore, #tpu.memory_space<semaphore_mem>>
      %dma_start3A_124 = arith.constant 0 : i32
      %dma_start3A_125 = tpu.memref_slice %arg28[%add3A_16, %dma_start3A_124] : memref<10112x128xf32, #tpu.memory_space<vmem_shared>> -> memref<64x128xf32, #tpu.memory_space<vmem_shared>>
      %dma_start3A_126 = arith.constant 0 : i32
      %dma_start3A_127 = tpu.memref_slice %arg28[%add3A_16, %dma_start3A_126] : memref<10112x128xf32, #tpu.memory_space<vmem_shared>> -> memref<64x128xf32, #tpu.memory_space<vmem_shared>>
      tpu.enqueue_dma source(%arg23 : memref<64x128xf32, #tpu.memory_space<vmem>>) target(%dma_start3A_127 : memref<64x128xf32, #tpu.memory_space<vmem_shared>>) target_semaphore(%run_scoped3A : memref<!tpu.dma_semaphore, #tpu.memory_space<semaphore_mem>>)
      %dma_wait3A_128 = arith.constant 0 : i32
      %dma_wait3A_129 = tpu.memref_slice %arg28[%add3A_16, %dma_wait3A_128] : memref<10112x128xf32, #tpu.memory_space<vmem_shared>> -> memref<64x128xf32, #tpu.memory_space<vmem_shared>>
      %dma_wait3A_130 = arith.constant 0 : i32
      %dma_wait3A_131 = tpu.memref_slice %arg28[%add3A_16, %dma_wait3A_130] : memref<10112x128xf32, #tpu.memory_space<vmem_shared>> -> memref<64x128xf32, #tpu.memory_space<vmem_shared>>
      tpu.wait_dma2 semaphore(%run_scoped3A : memref<!tpu.dma_semaphore, #tpu.memory_space<semaphore_mem>>) src(%arg23 : memref<64x128xf32, #tpu.memory_space<vmem>>) dst(%dma_wait3A_131 : memref<64x128xf32, #tpu.memory_space<vmem_shared>>)
      tpu.yield
    }) : () -> ()
    %add3A_17 = arith.constant 384 : i32
    %add3A_18 = arith.addi %mul3A_0, %add3A_17 : i32
    "tpu.region"() ({
      %run_scoped3A = tpu.sem_alloc : memref<!tpu.dma_semaphore, #tpu.memory_space<semaphore_mem>>
      %dma_start3A_124 = arith.constant 0 : i32
      %dma_start3A_125 = tpu.memref_slice %arg28[%add3A_18, %dma_start3A_124] : memref<10112x128xf32, #tpu.memory_space<vmem_shared>> -> memref<64x128xf32, #tpu.memory_space<vmem_shared>>
      %dma_start3A_126 = arith.constant 0 : i32
      %dma_start3A_127 = tpu.memref_slice %arg28[%add3A_18, %dma_start3A_126] : memref<10112x128xf32, #tpu.memory_space<vmem_shared>> -> memref<64x128xf32, #tpu.memory_space<vmem_shared>>
      tpu.enqueue_dma source(%arg23 : memref<64x128xf32, #tpu.memory_space<vmem>>) target(%dma_start3A_127 : memref<64x128xf32, #tpu.memory_space<vmem_shared>>) target_semaphore(%run_scoped3A : memref<!tpu.dma_semaphore, #tpu.memory_space<semaphore_mem>>)
      %dma_wait3A_128 = arith.constant 0 : i32
      %dma_wait3A_129 = tpu.memref_slice %arg28[%add3A_18, %dma_wait3A_128] : memref<10112x128xf32, #tpu.memory_space<vmem_shared>> -> memref<64x128xf32, #tpu.memory_space<vmem_shared>>
      %dma_wait3A_130 = arith.constant 0 : i32
      %dma_wait3A_131 = tpu.memref_slice %arg28[%add3A_18, %dma_wait3A_130] : memref<10112x128xf32, #tpu.memory_space<vmem_shared>> -> memref<64x128xf32, #tpu.memory_space<vmem_shared>>
      tpu.wait_dma2 semaphore(%run_scoped3A : memref<!tpu.dma_semaphore, #tpu.memory_space<semaphore_mem>>) src(%arg23 : memref<64x128xf32, #tpu.memory_space<vmem>>) dst(%dma_wait3A_131 : memref<64x128xf32, #tpu.memory_space<vmem_shared>>)
      tpu.yield
    }) : () -> ()
    %add3A_19 = arith.constant 448 : i32
    %add3A_20 = arith.addi %mul3A_0, %add3A_19 : i32
    "tpu.region"() ({
      %run_scoped3A = tpu.sem_alloc : memref<!tpu.dma_semaphore, #tpu.memory_space<semaphore_mem>>
      %dma_start3A_124 = arith.constant 0 : i32
      %dma_start3A_125 = tpu.memref_slice %arg28[%add3A_20, %dma_start3A_124] : memref<10112x128xf32, #tpu.memory_space<vmem_shared>> -> memref<64x128xf32, #tpu.memory_space<vmem_shared>>
      %dma_start3A_126 = arith.constant 0 : i32
      %dma_start3A_127 = tpu.memref_slice %arg28[%add3A_20, %dma_start3A_126] : memref<10112x128xf32, #tpu.memory_space<vmem_shared>> -> memref<64x128xf32, #tpu.memory_space<vmem_shared>>
      tpu.enqueue_dma source(%arg23 : memref<64x128xf32, #tpu.memory_space<vmem>>) target(%dma_start3A_127 : memref<64x128xf32, #tpu.memory_space<vmem_shared>>) target_semaphore(%run_scoped3A : memref<!tpu.dma_semaphore, #tpu.memory_space<semaphore_mem>>)
      %dma_wait3A_128 = arith.constant 0 : i32
      %dma_wait3A_129 = tpu.memref_slice %arg28[%add3A_20, %dma_wait3A_128] : memref<10112x128xf32, #tpu.memory_space<vmem_shared>> -> memref<64x128xf32, #tpu.memory_space<vmem_shared>>
      %dma_wait3A_130 = arith.constant 0 : i32
      %dma_wait3A_131 = tpu.memref_slice %arg28[%add3A_20, %dma_wait3A_130] : memref<10112x128xf32, #tpu.memory_space<vmem_shared>> -> memref<64x128xf32, #tpu.memory_space<vmem_shared>>
      tpu.wait_dma2 semaphore(%run_scoped3A : memref<!tpu.dma_semaphore, #tpu.memory_space<semaphore_mem>>) src(%arg23 : memref<64x128xf32, #tpu.memory_space<vmem>>) dst(%dma_wait3A_131 : memref<64x128xf32, #tpu.memory_space<vmem_shared>>)
      tpu.yield
    }) : () -> ()
    %add3A_21 = arith.constant 512 : i32
    %add3A_22 = arith.addi %mul3A_0, %add3A_21 : i32
    "tpu.region"() ({
      %run_scoped3A = tpu.sem_alloc : memref<!tpu.dma_semaphore, #tpu.memory_space<semaphore_mem>>
      %dma_start3A_124 = arith.constant 0 : i32
      %dma_start3A_125 = tpu.memref_slice %arg28[%add3A_22, %dma_start3A_124] : memref<10112x128xf32, #tpu.memory_space<vmem_shared>> -> memref<64x128xf32, #tpu.memory_space<vmem_shared>>
      %dma_start3A_126 = arith.constant 0 : i32
      %dma_start3A_127 = tpu.memref_slice %arg28[%add3A_22, %dma_start3A_126] : memref<10112x128xf32, #tpu.memory_space<vmem_shared>> -> memref<64x128xf32, #tpu.memory_space<vmem_shared>>
      tpu.enqueue_dma source(%arg23 : memref<64x128xf32, #tpu.memory_space<vmem>>) target(%dma_start3A_127 : memref<64x128xf32, #tpu.memory_space<vmem_shared>>) target_semaphore(%run_scoped3A : memref<!tpu.dma_semaphore, #tpu.memory_space<semaphore_mem>>)
      %dma_wait3A_128 = arith.constant 0 : i32
      %dma_wait3A_129 = tpu.memref_slice %arg28[%add3A_22, %dma_wait3A_128] : memref<10112x128xf32, #tpu.memory_space<vmem_shared>> -> memref<64x128xf32, #tpu.memory_space<vmem_shared>>
      %dma_wait3A_130 = arith.constant 0 : i32
      %dma_wait3A_131 = tpu.memref_slice %arg28[%add3A_22, %dma_wait3A_130] : memref<10112x128xf32, #tpu.memory_space<vmem_shared>> -> memref<64x128xf32, #tpu.memory_space<vmem_shared>>
      tpu.wait_dma2 semaphore(%run_scoped3A : memref<!tpu.dma_semaphore, #tpu.memory_space<semaphore_mem>>) src(%arg23 : memref<64x128xf32, #tpu.memory_space<vmem>>) dst(%dma_wait3A_131 : memref<64x128xf32, #tpu.memory_space<vmem_shared>>)
      tpu.yield
    }) : () -> ()
    %add3A_23 = arith.constant 632 : i32
    %add3A_24 = arith.addi %mul3A_0, %add3A_23 : i32
    %sub3A = arith.constant 56 : i32
    %sub3A_25 = arith.subi %add3A_24, %sub3A : i32
    "tpu.region"() ({
      %run_scoped3A = tpu.sem_alloc : memref<!tpu.dma_semaphore, #tpu.memory_space<semaphore_mem>>
      %dma_start3A_124 = arith.constant 0 : i32
      %dma_start3A_125 = arith.constant 0 : i32
      %dma_start3A_126 = tpu.memref_slice %arg23[%dma_start3A_124, %dma_start3A_125] : memref<64x128xf32, #tpu.memory_space<vmem>> -> memref<56x128xf32, #tpu.memory_space<vmem>>
      %dma_start3A_127 = arith.constant 0 : i32
      %dma_start3A_128 = tpu.memref_slice %arg28[%sub3A_25, %dma_start3A_127] : memref<10112x128xf32, #tpu.memory_space<vmem_shared>> -> memref<56x128xf32, #tpu.memory_space<vmem_shared>>
      %dma_start3A_129 = arith.constant 0 : i32
      %dma_start3A_130 = tpu.memref_slice %arg28[%sub3A_25, %dma_start3A_129] : memref<10112x128xf32, #tpu.memory_space<vmem_shared>> -> memref<56x128xf32, #tpu.memory_space<vmem_shared>>
      %dma_start3A_131 = arith.constant 0 : i32
      %dma_start3A_132 = arith.constant 0 : i32
      %dma_start3A_133 = tpu.memref_slice %arg23[%dma_start3A_131, %dma_start3A_132] : memref<64x128xf32, #tpu.memory_space<vmem>> -> memref<56x128xf32, #tpu.memory_space<vmem>>
      tpu.enqueue_dma source(%dma_start3A_133 : memref<56x128xf32, #tpu.memory_space<vmem>>) target(%dma_start3A_130 : memref<56x128xf32, #tpu.memory_space<vmem_shared>>) target_semaphore(%run_scoped3A : memref<!tpu.dma_semaphore, #tpu.memory_space<semaphore_mem>>)
      %dma_wait3A_134 = arith.constant 0 : i32
      %dma_wait3A_135 = arith.constant 0 : i32
      %dma_wait3A_136 = tpu.memref_slice %arg23[%dma_wait3A_134, %dma_wait3A_135] : memref<64x128xf32, #tpu.memory_space<vmem>> -> memref<56x128xf32, #tpu.memory_space<vmem>>
      %dma_wait3A_137 = arith.constant 0 : i32
      %dma_wait3A_138 = tpu.memref_slice %arg28[%sub3A_25, %dma_wait3A_137] : memref<10112x128xf32, #tpu.memory_space<vmem_shared>> -> memref<56x128xf32, #tpu.memory_space<vmem_shared>>
      %dma_wait3A_139 = arith.constant 0 : i32
      %dma_wait3A_140 = tpu.memref_slice %arg28[%sub3A_25, %dma_wait3A_139] : memref<10112x128xf32, #tpu.memory_space<vmem_shared>> -> memref<56x128xf32, #tpu.memory_space<vmem_shared>>
      %dma_wait3A_141 = arith.constant 0 : i32
      %dma_wait3A_142 = arith.constant 0 : i32
      %dma_wait3A_143 = tpu.memref_slice %arg23[%dma_wait3A_141, %dma_wait3A_142] : memref<64x128xf32, #tpu.memory_space<vmem>> -> memref<56x128xf32, #tpu.memory_space<vmem>>
      tpu.wait_dma2 semaphore(%run_scoped3A : memref<!tpu.dma_semaphore, #tpu.memory_space<semaphore_mem>>) src(%dma_wait3A_143 : memref<56x128xf32, #tpu.memory_space<vmem>>) dst(%dma_wait3A_140 : memref<56x128xf32, #tpu.memory_space<vmem_shared>>)
      tpu.yield
    }) : () -> ()
    %scan3A_26 = arith.constant 0 : i32
    %scan3A_27 = arith.constant 0 : i32
    %scan3A_28 = arith.constant 632 : i32
    %scan3A_29 = arith.addi %scan3A_27, %scan3A_28 : i32
    %scan3A_30 = arith.constant 1 : i32
    scf.for %scan3A_124 = %scan3A_27 to %scan3A_29 step %scan3A_30  : i32 {
      %broadcast_in_dim3A = arith.constant 0.000000e+00 : f32
      %broadcast_in_dim3A_125 = vector.broadcast %broadcast_in_dim3A : f32 to vector<16xf32>
      %mul3A_126 = arith.constant 16 : i32
      %mul3A_127 = arith.muli %scan3A_124, %mul3A_126 : i32
      %swap3A = arith.index_cast %mul3A_127 : i32 to index
      %swap3A_128 = tpu.vector_load %arg27[%swap3A] {strides = array<i32>} : memref<10112xf32, #tpu.memory_space<vmem>>, vector<16xf32>,
      tpu.vector_store %arg27[%swap3A], %broadcast_in_dim3A_125 {strides = array<i32>} : memref<10112xf32, #tpu.memory_space<vmem>>, vector<16xf32>,
    }
    %scan3A_31 = arith.constant 632 : i32
    %mul3A_32 = arith.constant 160 : i32
    %mul3A_33 = arith.muli %arg1, %mul3A_32 : i32
    %mul3A_34 = arith.constant 64 : i32
    %mul3A_35 = arith.muli %mul3A_33, %mul3A_34 : i32
    %mul3A_36 = arith.constant 163840 : i32
    %mul3A_37 = arith.muli %arg0, %mul3A_36 : i32
    %add3A_38 = arith.addi %mul3A_37, %mul3A_35 : i32
    %eq3A = arith.constant 0 : i32
    %eq3A_39 = arith.cmpi eq, %arg0, %eq3A : i32
    %barrier3A = arith.constant 0 : index
    tpu.barrier barrier_id(%barrier3A)
    %add3A_40 = arith.constant 0 : i32
    %add3A_41 = arith.addi %add3A_38, %add3A_40 : i32
    %dma_start3A = tpu.memref_slice %arg3[%add3A_41] : memref<327680xi32, #tpu.memory_space<hbm>> -> memref<64xi32, #tpu.memory_space<hbm>>
    %dma_start3A_42 = tpu.memref_slice %arg3[%add3A_41] : memref<327680xi32, #tpu.memory_space<hbm>> -> memref<64xi32, #tpu.memory_space<hbm>>
    tpu.enqueue_dma source(%dma_start3A_42 : memref<64xi32, #tpu.memory_space<hbm>>) target(%arg7 : memref<64xi32, #tpu.memory_space<vmem>>) target_semaphore(%arg29 : memref<!tpu.dma_semaphore, #tpu.memory_space<semaphore_mem>>)
    %add3A_43 = arith.constant 0 : i32
    %add3A_44 = arith.addi %mul3A_35, %add3A_43 : i32
    %dma_start3A_45 = tpu.memref_slice %arg4[%add3A_44] : memref<163840xi32, #tpu.memory_space<hbm>> -> memref<64xi32, #tpu.memory_space<hbm>>
    %dma_start3A_46 = tpu.memref_slice %arg4[%add3A_44] : memref<163840xi32, #tpu.memory_space<hbm>> -> memref<64xi32, #tpu.memory_space<hbm>>
    tpu.enqueue_dma source(%dma_start3A_46 : memref<64xi32, #tpu.memory_space<hbm>>) target(%arg15 : memref<64xi32, #tpu.memory_space<vmem>>) target_semaphore(%arg37 : memref<!tpu.dma_semaphore, #tpu.memory_space<semaphore_mem>>)
    %add3A_47 = arith.constant 64 : i32
    %add3A_48 = arith.addi %add3A_38, %add3A_47 : i32
    %dma_start3A_49 = tpu.memref_slice %arg3[%add3A_48] : memref<327680xi32, #tpu.memory_space<hbm>> -> memref<64xi32, #tpu.memory_space<hbm>>
    %dma_start3A_50 = tpu.memref_slice %arg3[%add3A_48] : memref<327680xi32, #tpu.memory_space<hbm>> -> memref<64xi32, #tpu.memory_space<hbm>>
    tpu.enqueue_dma source(%dma_start3A_50 : memref<64xi32, #tpu.memory_space<hbm>>) target(%arg8 : memref<64xi32, #tpu.memory_space<vmem>>) target_semaphore(%arg30 : memref<!tpu.dma_semaphore, #tpu.memory_space<semaphore_mem>>)
    %add3A_51 = arith.constant 64 : i32
    %add3A_52 = arith.addi %mul3A_35, %add3A_51 : i32
    %dma_start3A_53 = tpu.memref_slice %arg4[%add3A_52] : memref<163840xi32, #tpu.memory_space<hbm>> -> memref<64xi32, #tpu.memory_space<hbm>>
    %dma_start3A_54 = tpu.memref_slice %arg4[%add3A_52] : memref<163840xi32, #tpu.memory_space<hbm>> -> memref<64xi32, #tpu.memory_space<hbm>>
    tpu.enqueue_dma source(%dma_start3A_54 : memref<64xi32, #tpu.memory_space<hbm>>) target(%arg16 : memref<64xi32, #tpu.memory_space<vmem>>) target_semaphore(%arg38 : memref<!tpu.dma_semaphore, #tpu.memory_space<semaphore_mem>>)
    %add3A_55 = arith.constant 128 : i32
    %add3A_56 = arith.addi %add3A_38, %add3A_55 : i32
    %dma_start3A_57 = tpu.memref_slice %arg3[%add3A_56] : memref<327680xi32, #tpu.memory_space<hbm>> -> memref<64xi32, #tpu.memory_space<hbm>>
    %dma_start3A_58 = tpu.memref_slice %arg3[%add3A_56] : memref<327680xi32, #tpu.memory_space<hbm>> -> memref<64xi32, #tpu.memory_space<hbm>>
    tpu.enqueue_dma source(%dma_start3A_58 : memref<64xi32, #tpu.memory_space<hbm>>) target(%arg9 : memref<64xi32, #tpu.memory_space<vmem>>) target_semaphore(%arg31 : memref<!tpu.dma_semaphore, #tpu.memory_space<semaphore_mem>>)
    %add3A_59 = arith.constant 128 : i32
    %add3A_60 = arith.addi %mul3A_35, %add3A_59 : i32
    %dma_start3A_61 = tpu.memref_slice %arg4[%add3A_60] : memref<163840xi32, #tpu.memory_space<hbm>> -> memref<64xi32, #tpu.memory_space<hbm>>
    %dma_start3A_62 = tpu.memref_slice %arg4[%add3A_60] : memref<163840xi32, #tpu.memory_space<hbm>> -> memref<64xi32, #tpu.memory_space<hbm>>
    tpu.enqueue_dma source(%dma_start3A_62 : memref<64xi32, #tpu.memory_space<hbm>>) target(%arg17 : memref<64xi32, #tpu.memory_space<vmem>>) target_semaphore(%arg39 : memref<!tpu.dma_semaphore, #tpu.memory_space<semaphore_mem>>)
    %add3A_63 = arith.constant 192 : i32
    %add3A_64 = arith.addi %add3A_38, %add3A_63 : i32
    %dma_start3A_65 = tpu.memref_slice %arg3[%add3A_64] : memref<327680xi32, #tpu.memory_space<hbm>> -> memref<64xi32, #tpu.memory_space<hbm>>
    %dma_start3A_66 = tpu.memref_slice %arg3[%add3A_64] : memref<327680xi32, #tpu.memory_space<hbm>> -> memref<64xi32, #tpu.memory_space<hbm>>
    tpu.enqueue_dma source(%dma_start3A_66 : memref<64xi32, #tpu.memory_space<hbm>>) target(%arg10 : memref<64xi32, #tpu.memory_space<vmem>>) target_semaphore(%arg32 : memref<!tpu.dma_semaphore, #tpu.memory_space<semaphore_mem>>)
    %add3A_67 = arith.constant 192 : i32
    %add3A_68 = arith.addi %mul3A_35, %add3A_67 : i32
    %dma_start3A_69 = tpu.memref_slice %arg4[%add3A_68] : memref<163840xi32, #tpu.memory_space<hbm>> -> memref<64xi32, #tpu.memory_space<hbm>>
    %dma_start3A_70 = tpu.memref_slice %arg4[%add3A_68] : memref<163840xi32, #tpu.memory_space<hbm>> -> memref<64xi32, #tpu.memory_space<hbm>>
    tpu.enqueue_dma source(%dma_start3A_70 : memref<64xi32, #tpu.memory_space<hbm>>) target(%arg18 : memref<64xi32, #tpu.memory_space<vmem>>) target_semaphore(%arg40 : memref<!tpu.dma_semaphore, #tpu.memory_space<semaphore_mem>>)
    %add3A_71 = arith.constant 256 : i32
    %add3A_72 = arith.addi %add3A_38, %add3A_71 : i32
    %dma_start3A_73 = tpu.memref_slice %arg3[%add3A_72] : memref<327680xi32, #tpu.memory_space<hbm>> -> memref<64xi32, #tpu.memory_space<hbm>>
    %dma_start3A_74 = tpu.memref_slice %arg3[%add3A_72] : memref<327680xi32, #tpu.memory_space<hbm>> -> memref<64xi32, #tpu.memory_space<hbm>>
    tpu.enqueue_dma source(%dma_start3A_74 : memref<64xi32, #tpu.memory_space<hbm>>) target(%arg11 : memref<64xi32, #tpu.memory_space<vmem>>) target_semaphore(%arg33 : memref<!tpu.dma_semaphore, #tpu.memory_space<semaphore_mem>>)
    %add3A_75 = arith.constant 256 : i32
    %add3A_76 = arith.addi %mul3A_35, %add3A_75 : i32
    %dma_start3A_77 = tpu.memref_slice %arg4[%add3A_76] : memref<163840xi32, #tpu.memory_space<hbm>> -> memref<64xi32, #tpu.memory_space<hbm>>
    %dma_start3A_78 = tpu.memref_slice %arg4[%add3A_76] : memref<163840xi32, #tpu.memory_space<hbm>> -> memref<64xi32, #tpu.memory_space<hbm>>
    tpu.enqueue_dma source(%dma_start3A_78 : memref<64xi32, #tpu.memory_space<hbm>>) target(%arg19 : memref<64xi32, #tpu.memory_space<vmem>>) target_semaphore(%arg41 : memref<!tpu.dma_semaphore, #tpu.memory_space<semaphore_mem>>)
    %add3A_79 = arith.constant 320 : i32
    %add3A_80 = arith.addi %add3A_38, %add3A_79 : i32
    %dma_start3A_81 = tpu.memref_slice %arg3[%add3A_80] : memref<327680xi32, #tpu.memory_space<hbm>> -> memref<64xi32, #tpu.memory_space<hbm>>
    %dma_start3A_82 = tpu.memref_slice %arg3[%add3A_80] : memref<327680xi32, #tpu.memory_space<hbm>> -> memref<64xi32, #tpu.memory_space<hbm>>
    tpu.enqueue_dma source(%dma_start3A_82 : memref<64xi32, #tpu.memory_space<hbm>>) target(%arg12 : memref<64xi32, #tpu.memory_space<vmem>>) target_semaphore(%arg34 : memref<!tpu.dma_semaphore, #tpu.memory_space<semaphore_mem>>)
    %add3A_83 = arith.constant 320 : i32
    %add3A_84 = arith.addi %mul3A_35, %add3A_83 : i32
    %dma_start3A_85 = tpu.memref_slice %arg4[%add3A_84] : memref<163840xi32, #tpu.memory_space<hbm>> -> memref<64xi32, #tpu.memory_space<hbm>>
    %dma_start3A_86 = tpu.memref_slice %arg4[%add3A_84] : memref<163840xi32, #tpu.memory_space<hbm>> -> memref<64xi32, #tpu.memory_space<hbm>>
    tpu.enqueue_dma source(%dma_start3A_86 : memref<64xi32, #tpu.memory_space<hbm>>) target(%arg20 : memref<64xi32, #tpu.memory_space<vmem>>) target_semaphore(%arg42 : memref<!tpu.dma_semaphore, #tpu.memory_space<semaphore_mem>>)
    %add3A_87 = arith.constant 0 : i32
    %add3A_88 = arith.addi %add3A_38, %add3A_87 : i32
    %dma_wait3A = tpu.memref_slice %arg3[%add3A_88] : memref<327680xi32, #tpu.memory_space<hbm>> -> memref<64xi32, #tpu.memory_space<hbm>>
    %dma_wait3A_89 = tpu.memref_slice %arg3[%add3A_88] : memref<327680xi32, #tpu.memory_space<hbm>> -> memref<64xi32, #tpu.memory_space<hbm>>
    tpu.wait_dma2 semaphore(%arg29 : memref<!tpu.dma_semaphore, #tpu.memory_space<semaphore_mem>>) src(%dma_wait3A_89 : memref<64xi32, #tpu.memory_space<hbm>>) dst(%arg7 : memref<64xi32, #tpu.memory_space<vmem>>)
    %add3A_90 = arith.constant 0 : i32
    %add3A_91 = arith.addi %mul3A_35, %add3A_90 : i32
    %dma_wait3A_92 = tpu.memref_slice %arg4[%add3A_91] : memref<163840xi32, #tpu.memory_space<hbm>> -> memref<64xi32, #tpu.memory_space<hbm>>
    %dma_wait3A_93 = tpu.memref_slice %arg4[%add3A_91] : memref<163840xi32, #tpu.memory_space<hbm>> -> memref<64xi32, #tpu.memory_space<hbm>>
    tpu.wait_dma2 semaphore(%arg37 : memref<!tpu.dma_semaphore, #tpu.memory_space<semaphore_mem>>) src(%dma_wait3A_93 : memref<64xi32, #tpu.memory_space<hbm>>) dst(%arg15 : memref<64xi32, #tpu.memory_space<vmem>>)
    %dma_start3A_94 = arith.constant 0 : i32
    %dma_start3A_95 = arith.constant 0 : i32
    %dma_start3A_96 = tpu.memref_slice %arg2[%dma_start3A_94, %dma_start3A_95] : memref<20000x128xf32, #tpu.memory_space<hbm>> -> memref<20000x128xf32, #tpu.memory_space<hbm>>
    tpu.enqueue_indirect_dma source(%dma_start3A_96 : memref<20000x128xf32, #tpu.memory_space<hbm>>) target(%arg23 : memref<64x128xf32, #tpu.memory_space<vmem>>) offsets(%arg7 : memref<64xi32, #tpu.memory_space<vmem>>) semaphore(%arg45 : memref<!tpu.dma_semaphore, #tpu.memory_space<semaphore_mem>>)
    %add3A_97 = arith.constant 64 : i32
    %add3A_98 = arith.addi %add3A_38, %add3A_97 : i32
    %dma_wait3A_99 = tpu.memref_slice %arg3[%add3A_98] : memref<327680xi32, #tpu.memory_space<hbm>> -> memref<64xi32, #tpu.memory_space<hbm>>
    %dma_wait3A_100 = tpu.memref_slice %arg3[%add3A_98] : memref<327680xi32, #tpu.memory_space<hbm>> -> memref<64xi32, #tpu.memory_space<hbm>>
    tpu.wait_dma2 semaphore(%arg30 : memref<!tpu.dma_semaphore, #tpu.memory_space<semaphore_mem>>) src(%dma_wait3A_100 : memref<64xi32, #tpu.memory_space<hbm>>) dst(%arg8 : memref<64xi32, #tpu.memory_space<vmem>>)
    %add3A_101 = arith.constant 64 : i32
    %add3A_102 = arith.addi %mul3A_35, %add3A_101 : i32
    %dma_wait3A_103 = tpu.memref_slice %arg4[%add3A_102] : memref<163840xi32, #tpu.memory_space<hbm>> -> memref<64xi32, #tpu.memory_space<hbm>>
    %dma_wait3A_104 = tpu.memref_slice %arg4[%add3A_102] : memref<163840xi32, #tpu.memory_space<hbm>> -> memref<64xi32, #tpu.memory_space<hbm>>
    tpu.wait_dma2 semaphore(%arg38 : memref<!tpu.dma_semaphore, #tpu.memory_space<semaphore_mem>>) src(%dma_wait3A_104 : memref<64xi32, #tpu.memory_space<hbm>>) dst(%arg16 : memref<64xi32, #tpu.memory_space<vmem>>)
    %dma_start3A_105 = arith.constant 0 : i32
    %dma_start3A_106 = arith.constant 0 : i32
    %dma_start3A_107 = tpu.memref_slice %arg2[%dma_start3A_105, %dma_start3A_106] : memref<20000x128xf32, #tpu.memory_space<hbm>> -> memref<20000x128xf32, #tpu.memory_space<hbm>>
    tpu.enqueue_indirect_dma source(%dma_start3A_107 : memref<20000x128xf32, #tpu.memory_space<hbm>>) target(%arg24 : memref<64x128xf32, #tpu.memory_space<vmem>>) offsets(%arg8 : memref<64xi32, #tpu.memory_space<vmem>>) semaphore(%arg46 : memref<!tpu.dma_semaphore, #tpu.memory_space<semaphore_mem>>)
    %scan3A_108 = arith.constant 0 : i32
    %scan3A_109 = arith.constant 0 : i32
    %scan3A_110 = arith.constant 20 : i32
    %scan3A_111 = arith.addi %scan3A_109, %scan3A_110 : i32
    %scan3A_112 = arith.constant 1 : i32
    scf.for %scan3A_124 = %scan3A_109 to %scan3A_111 step %scan3A_112  : i32 {
      %mul3A_125 = arith.constant 8 : i32
      %mul3A_126 = arith.muli %scan3A_124, %mul3A_125 : i32
      %add3A_127 = arith.constant 0 : i32
      %add3A_128 = arith.addi %mul3A_126, %add3A_127 : i32
      %dma_wait3A_129 = arith.constant 0 : i32
      %dma_wait3A_130 = arith.constant 0 : i32
      %dma_wait3A_131 = tpu.memref_slice %arg2[%dma_wait3A_129, %dma_wait3A_130] : memref<20000x128xf32, #tpu.memory_space<hbm>> -> memref<20000x128xf32, #tpu.memory_space<hbm>>
      tpu.wait_indirect_dma semaphore(%arg45 : memref<!tpu.dma_semaphore, #tpu.memory_space<semaphore_mem>>) src(%dma_wait3A_131 : memref<20000x128xf32, #tpu.memory_space<hbm>>) dst(%arg23 : memref<64x128xf32, #tpu.memory_space<vmem>>)
      %dma_start3A_132 = arith.constant 0 : i32
      %dma_start3A_133 = arith.constant 0 : i32
      %dma_start3A_134 = tpu.memref_slice %arg28[%dma_start3A_132, %dma_start3A_133] : memref<10112x128xf32, #tpu.memory_space<vmem_shared>> -> memref<10112x128xf32, #tpu.memory_space<vmem_shared>>
      tpu.enqueue_indirect_dma source(%arg23 : memref<64x128xf32, #tpu.memory_space<vmem>>) target(%dma_start3A_134 : memref<10112x128xf32, #tpu.memory_space<vmem_shared>>) offsets(%arg15 : memref<64xi32, #tpu.memory_space<vmem>>) semaphore(%arg49 : memref<!tpu.dma_semaphore, #tpu.memory_space<semaphore_mem>>) {add = true}
      %ge3A = arith.constant 2 : i32
      %ge3A_135 = arith.cmpi sge, %add3A_128, %ge3A : i32
      %convert_element_type3A = arith.extui %ge3A_135 : i1 to i32
      %cond3A = arith.constant 0 : i32
      %cond3A_136 = arith.cmpi ne, %convert_element_type3A, %cond3A : i32
      scf.if %cond3A_136 {
        %dma_wait3A_384 = arith.constant 0 : i32
        %dma_wait3A_385 = arith.constant 0 : i32
        %dma_wait3A_386 = tpu.memref_slice %arg28[%dma_wait3A_384, %dma_wait3A_385] : memref<10112x128xf32, #tpu.memory_space<vmem_shared>> -> memref<10112x128xf32, #tpu.memory_space<vmem_shared>>
        tpu.wait_indirect_dma semaphore(%arg51 : memref<!tpu.dma_semaphore, #tpu.memory_space<semaphore_mem>>) src(%arg25 : memref<64x128xf32, #tpu.memory_space<vmem>>) dst(%dma_wait3A_386 : memref<10112x128xf32, #tpu.memory_space<vmem_shared>>)
      } else {
      }
      %add3A_137 = arith.constant 6 : i32
      %add3A_138 = arith.addi %add3A_128, %add3A_137 : i32
      %lt3A = arith.constant 160 : i32
      %lt3A_139 = arith.cmpi slt, %add3A_138, %lt3A : i32
      %convert_element_type3A_140 = arith.extui %lt3A_139 : i1 to i32
      %cond3A_141 = arith.constant 0 : i32
      %cond3A_142 = arith.cmpi ne, %convert_element_type3A_140, %cond3A_141 : i32
      scf.if %cond3A_142 {
        %add3A_384 = arith.constant 6 : i32
        %add3A_385 = arith.addi %add3A_128, %add3A_384 : i32
        %mul3A_386 = arith.constant 64 : i32
        %mul3A_387 = arith.muli %add3A_385, %mul3A_386 : i32
        %add3A_388 = arith.addi %add3A_38, %mul3A_387 : i32
        %dma_start3A_389 = tpu.memref_slice %arg3[%add3A_388] : memref<327680xi32, #tpu.memory_space<hbm>> -> memref<64xi32, #tpu.memory_space<hbm>>
        %dma_start3A_390 = tpu.memref_slice %arg3[%add3A_388] : memref<327680xi32, #tpu.memory_space<hbm>> -> memref<64xi32, #tpu.memory_space<hbm>>
        tpu.enqueue_dma source(%dma_start3A_390 : memref<64xi32, #tpu.memory_space<hbm>>) target(%arg13 : memref<64xi32, #tpu.memory_space<vmem>>) target_semaphore(%arg35 : memref<!tpu.dma_semaphore, #tpu.memory_space<semaphore_mem>>)
        %mul3A_391 = arith.constant 64 : i32
        %mul3A_392 = arith.muli %add3A_385, %mul3A_391 : i32
        %add3A_393 = arith.addi %mul3A_35, %mul3A_392 : i32
        %dma_start3A_394 = tpu.memref_slice %arg4[%add3A_393] : memref<163840xi32, #tpu.memory_space<hbm>> -> memref<64xi32, #tpu.memory_space<hbm>>
        %dma_start3A_395 = tpu.memref_slice %arg4[%add3A_393] : memref<163840xi32, #tpu.memory_space<hbm>> -> memref<64xi32, #tpu.memory_space<hbm>>
        tpu.enqueue_dma source(%dma_start3A_395 : memref<64xi32, #tpu.memory_space<hbm>>) target(%arg21 : memref<64xi32, #tpu.memory_space<vmem>>) target_semaphore(%arg43 : memref<!tpu.dma_semaphore, #tpu.memory_space<semaphore_mem>>)
      } else {
      }
      %add3A_143 = arith.constant 2 : i32
      %add3A_144 = arith.addi %add3A_128, %add3A_143 : i32
      %lt3A_145 = arith.constant 160 : i32
      %lt3A_146 = arith.cmpi slt, %add3A_144, %lt3A_145 : i32
      %convert_element_type3A_147 = arith.extui %lt3A_146 : i1 to i32
      %cond3A_148 = arith.constant 0 : i32
      %cond3A_149 = arith.cmpi ne, %convert_element_type3A_147, %cond3A_148 : i32
      scf.if %cond3A_149 {
        %add3A_384 = arith.constant 2 : i32
        %add3A_385 = arith.addi %add3A_128, %add3A_384 : i32
        %mul3A_386 = arith.constant 64 : i32
        %mul3A_387 = arith.muli %add3A_385, %mul3A_386 : i32
        %add3A_388 = arith.addi %add3A_38, %mul3A_387 : i32
        %dma_wait3A_389 = tpu.memref_slice %arg3[%add3A_388] : memref<327680xi32, #tpu.memory_space<hbm>> -> memref<64xi32, #tpu.memory_space<hbm>>
        %dma_wait3A_390 = tpu.memref_slice %arg3[%add3A_388] : memref<327680xi32, #tpu.memory_space<hbm>> -> memref<64xi32, #tpu.memory_space<hbm>>
        tpu.wait_dma2 semaphore(%arg31 : memref<!tpu.dma_semaphore, #tpu.memory_space<semaphore_mem>>) src(%dma_wait3A_390 : memref<64xi32, #tpu.memory_space<hbm>>) dst(%arg9 : memref<64xi32, #tpu.memory_space<vmem>>)
        %mul3A_391 = arith.constant 64 : i32
        %mul3A_392 = arith.muli %add3A_385, %mul3A_391 : i32
        %add3A_393 = arith.addi %mul3A_35, %mul3A_392 : i32
        %dma_wait3A_394 = tpu.memref_slice %arg4[%add3A_393] : memref<163840xi32, #tpu.memory_space<hbm>> -> memref<64xi32, #tpu.memory_space<hbm>>
        %dma_wait3A_395 = tpu.memref_slice %arg4[%add3A_393] : memref<163840xi32, #tpu.memory_space<hbm>> -> memref<64xi32, #tpu.memory_space<hbm>>
        tpu.wait_dma2 semaphore(%arg39 : memref<!tpu.dma_semaphore, #tpu.memory_space<semaphore_mem>>) src(%dma_wait3A_395 : memref<64xi32, #tpu.memory_space<hbm>>) dst(%arg17 : memref<64xi32, #tpu.memory_space<vmem>>)
        %dma_start3A_396 = arith.constant 0 : i32
        %dma_start3A_397 = arith.constant 0 : i32
        %dma_start3A_398 = tpu.memref_slice %arg2[%dma_start3A_396, %dma_start3A_397] : memref<20000x128xf32, #tpu.memory_space<hbm>> -> memref<20000x128xf32, #tpu.memory_space<hbm>>
        tpu.enqueue_indirect_dma source(%dma_start3A_398 : memref<20000x128xf32, #tpu.memory_space<hbm>>) target(%arg25 : memref<64x128xf32, #tpu.memory_space<vmem>>) offsets(%arg9 : memref<64xi32, #tpu.memory_space<vmem>>) semaphore(%arg47 : memref<!tpu.dma_semaphore, #tpu.memory_space<semaphore_mem>>)
      } else {
      }
      %convert_element_type3A_150 = arith.extui %eq3A_39 : i1 to i32
      %cond3A_151 = arith.constant 0 : i32
      %cond3A_152 = arith.cmpi ne, %convert_element_type3A_150, %cond3A_151 : i32
      scf.if %cond3A_152 {
        %iota3A = tpu.iota {dimensions = array<i32: 0>} : vector<16xi32>
        %sub3A_384 = arith.constant 1 : i32
        %sub3A_385 = vector.broadcast %sub3A_384 : i32 to vector<16xi32>
        %sub3A_386 = arith.subi %iota3A, %sub3A_385 : vector<16xi32>
        %max3A = arith.constant 0 : i32
        %max3A_387 = vector.broadcast %max3A : i32 to vector<16xi32>
        %max3A_388 = arith.maxsi %sub3A_386, %max3A_387 : vector<16xi32>
        %add3A_389 = arith.constant 1 : i32
        %add3A_390 = vector.broadcast %add3A_389 : i32 to vector<16xi32>
        %add3A_391 = arith.addi %iota3A, %add3A_390 : vector<16xi32>
        %min3A = arith.constant 15 : i32
        %min3A_392 = vector.broadcast %min3A : i32 to vector<16xi32>
        %min3A_393 = arith.minsi %add3A_391, %min3A_392 : vector<16xi32>
        %get3A = arith.constant 0 : index
        %get3A_394 = tpu.vector_load %arg15[%get3A] {strides = array<i32>} : memref<64xi32, #tpu.memory_space<vmem>>, vector<16xi32>,
        %masked_sort3A = arith.constant dense<true> : vector<16xi1>
        %masked_sort3A_395 = arith.constant -2147483648 : i32
        %masked_sort3A_396 = vector.broadcast %masked_sort3A_395 : i32 to vector<16xi32>
        %masked_sort3A_397 = arith.xori %get3A_394, %masked_sort3A_396 : vector<16xi32>
        %masked_sort3A_398, %masked_sort3A_399, %masked_sort3A_400 = tpu.sort %masked_sort3A_397, %get3A_394 masked %masked_sort3A : (vector<16xi32>, vector<16xi32>, vector<16xi1>) -> (vector<16xi1>, vector<16xi32>, vector<16xi32>)
        %masked_sort3A_401 = arith.xori %masked_sort3A_399, %masked_sort3A_396 : vector<16xi32>
        %reshape3A = vector.shape_cast %max3A_388 : vector<16xi32> to vector<16x1xi32>
        %gather3A = vector.shape_cast %reshape3A : vector<16x1xi32> to vector<16xi32>
        %gather3A_402 = tpu.dynamic_gather %masked_sort3A_401[%gather3A] in [0] : vector<16xi32>, vector<16xi32> -> vector<16xi32>
        %reshape3A_403 = vector.shape_cast %min3A_393 : vector<16xi32> to vector<16x1xi32>
        %gather3A_404 = vector.shape_cast %reshape3A_403 : vector<16x1xi32> to vector<16xi32>
        %gather3A_405 = tpu.dynamic_gather %masked_sort3A_401[%gather3A_404] in [0] : vector<16xi32>, vector<16xi32> -> vector<16xi32>
        %eq3A_406 = arith.constant 0 : i32
        %eq3A_407 = vector.broadcast %eq3A_406 : i32 to vector<16xi32>
        %eq3A_408 = arith.cmpi eq, %iota3A, %eq3A_407 : vector<16xi32>
        %ne3A = arith.cmpi ne, %masked_sort3A_401, %gather3A_402 : vector<16xi32>
        %or3A = arith.ori %eq3A_408, %ne3A : vector<16xi1>
        %eq3A_409 = arith.constant 15 : i32
        %eq3A_410 = vector.broadcast %eq3A_409 : i32 to vector<16xi32>
        %eq3A_411 = arith.cmpi eq, %iota3A, %eq3A_410 : vector<16xi32>
        %ne3A_412 = arith.cmpi ne, %masked_sort3A_401, %gather3A_405 : vector<16xi32>
        %or3A_413 = arith.ori %eq3A_411, %ne3A_412 : vector<16xi1>
        %jit3A = arith.constant 0 : i32
        %broadcast_in_dim3A = vector.broadcast %jit3A : i32 to vector<16xi32>
        %select_n3A = arith.select %or3A, %iota3A, %broadcast_in_dim3A : vector<16xi1>, vector<16xi32>
        %broadcast_in_dim3A_414 = arith.constant true
        %broadcast_in_dim3A_415 = vector.broadcast %broadcast_in_dim3A_414 : i1 to vector<16xi1>
        %masked_cummax3A = arith.constant -2147483648 : i32
        %masked_cummax3A_416 = vector.broadcast %masked_cummax3A : i32 to vector<16xi32>
        %masked_cummax3A_417 = arith.xori %select_n3A, %masked_cummax3A_416 : vector<16xi32>
        %masked_cummax3A_418 = tpu.scan <max>, %masked_cummax3A_417 masked %broadcast_in_dim3A_415 : vector<16xi32>, vector<16xi1> -> vector<16xi32>
        %masked_cummax3A_419 = arith.xori %masked_cummax3A_418, %masked_cummax3A_416 : vector<16xi32>
        %sub3A_420 = arith.subi %iota3A, %masked_cummax3A_419 : vector<16xi32>
        %add3A_421 = arith.constant 1 : i32
        %add3A_422 = vector.broadcast %add3A_421 : i32 to vector<16xi32>
        %add3A_423 = arith.addi %sub3A_420, %add3A_422 : vector<16xi32>
        %convert_element_type3A_424 = arith.sitofp %add3A_423 : vector<16xi32> to vector<16xf32>
        tpu.vector_store_idx %arg27[%masked_sort3A_401], %convert_element_type3A_424 masked %or3A_413 {add = true} : memref<10112xf32, #tpu.memory_space<vmem>>[vector<16xi32>], vector<16xf32>, vector<16xi1>
        %get3A_425 = arith.constant 16 : index
        %get3A_426 = tpu.vector_load %arg15[%get3A_425] {strides = array<i32>} : memref<64xi32, #tpu.memory_space<vmem>>, vector<16xi32>,
        %masked_sort3A_427 = arith.constant dense<true> : vector<16xi1>
        %masked_sort3A_428 = arith.constant -2147483648 : i32
        %masked_sort3A_429 = vector.broadcast %masked_sort3A_428 : i32 to vector<16xi32>
        %masked_sort3A_430 = arith.xori %get3A_426, %masked_sort3A_429 : vector<16xi32>
        %masked_sort3A_431, %masked_sort3A_432, %masked_sort3A_433 = tpu.sort %masked_sort3A_430, %get3A_426 masked %masked_sort3A_427 : (vector<16xi32>, vector<16xi32>, vector<16xi1>) -> (vector<16xi1>, vector<16xi32>, vector<16xi32>)
        %masked_sort3A_434 = arith.xori %masked_sort3A_432, %masked_sort3A_429 : vector<16xi32>
        %reshape3A_435 = vector.shape_cast %max3A_388 : vector<16xi32> to vector<16x1xi32>
        %gather3A_436 = vector.shape_cast %reshape3A_435 : vector<16x1xi32> to vector<16xi32>
        %gather3A_437 = tpu.dynamic_gather %masked_sort3A_434[%gather3A_436] in [0] : vector<16xi32>, vector<16xi32> -> vector<16xi32>
        %reshape3A_438 = vector.shape_cast %min3A_393 : vector<16xi32> to vector<16x1xi32>
        %gather3A_439 = vector.shape_cast %reshape3A_438 : vector<16x1xi32> to vector<16xi32>
        %gather3A_440 = tpu.dynamic_gather %masked_sort3A_434[%gather3A_439] in [0] : vector<16xi32>, vector<16xi32> -> vector<16xi32>
        %eq3A_441 = arith.constant 0 : i32
        %eq3A_442 = vector.broadcast %eq3A_441 : i32 to vector<16xi32>
        %eq3A_443 = arith.cmpi eq, %iota3A, %eq3A_442 : vector<16xi32>
        %ne3A_444 = arith.cmpi ne, %masked_sort3A_434, %gather3A_437 : vector<16xi32>
        %or3A_445 = arith.ori %eq3A_443, %ne3A_444 : vector<16xi1>
        %eq3A_446 = arith.constant 15 : i32
        %eq3A_447 = vector.broadcast %eq3A_446 : i32 to vector<16xi32>
        %eq3A_448 = arith.cmpi eq, %iota3A, %eq3A_447 : vector<16xi32>
        %ne3A_449 = arith.cmpi ne, %masked_sort3A_434, %gather3A_440 : vector<16xi32>
        %or3A_450 = arith.ori %eq3A_448, %ne3A_449 : vector<16xi1>
        %jit3A_451 = arith.constant 0 : i32
        %broadcast_in_dim3A_452 = vector.broadcast %jit3A_451 : i32 to vector<16xi32>
        %select_n3A_453 = arith.select %or3A_445, %iota3A, %broadcast_in_dim3A_452 : vector<16xi1>, vector<16xi32>
        %broadcast_in_dim3A_454 = arith.constant true
        %broadcast_in_dim3A_455 = vector.broadcast %broadcast_in_dim3A_454 : i1 to vector<16xi1>
        %masked_cummax3A_456 = arith.constant -2147483648 : i32
        %masked_cummax3A_457 = vector.broadcast %masked_cummax3A_456 : i32 to vector<16xi32>
        %masked_cummax3A_458 = arith.xori %select_n3A_453, %masked_cummax3A_457 : vector<16xi32>
        %masked_cummax3A_459 = tpu.scan <max>, %masked_cummax3A_458 masked %broadcast_in_dim3A_455 : vector<16xi32>, vector<16xi1> -> vector<16xi32>
        %masked_cummax3A_460 = arith.xori %masked_cummax3A_459, %masked_cummax3A_457 : vector<16xi32>
        %sub3A_461 = arith.subi %iota3A, %masked_cummax3A_460 : vector<16xi32>
        %add3A_462 = arith.constant 1 : i32
        %add3A_463 = vector.broadcast %add3A_462 : i32 to vector<16xi32>
        %add3A_464 = arith.addi %sub3A_461, %add3A_463 : vector<16xi32>
        %convert_element_type3A_465 = arith.sitofp %add3A_464 : vector<16xi32> to vector<16xf32>
        tpu.vector_store_idx %arg27[%masked_sort3A_434], %convert_element_type3A_465 masked %or3A_450 {add = true} : memref<10112xf32, #tpu.memory_space<vmem>>[vector<16xi32>], vector<16xf32>, vector<16xi1>
        %get3A_466 = arith.constant 32 : index
        %get3A_467 = tpu.vector_load %arg15[%get3A_466] {strides = array<i32>} : memref<64xi32, #tpu.memory_space<vmem>>, vector<16xi32>,
        %masked_sort3A_468 = arith.constant dense<true> : vector<16xi1>
        %masked_sort3A_469 = arith.constant -2147483648 : i32
        %masked_sort3A_470 = vector.broadcast %masked_sort3A_469 : i32 to vector<16xi32>
        %masked_sort3A_471 = arith.xori %get3A_467, %masked_sort3A_470 : vector<16xi32>
        %masked_sort3A_472, %masked_sort3A_473, %masked_sort3A_474 = tpu.sort %masked_sort3A_471, %get3A_467 masked %masked_sort3A_468 : (vector<16xi32>, vector<16xi32>, vector<16xi1>) -> (vector<16xi1>, vector<16xi32>, vector<16xi32>)
        %masked_sort3A_475 = arith.xori %masked_sort3A_473, %masked_sort3A_470 : vector<16xi32>
        %reshape3A_476 = vector.shape_cast %max3A_388 : vector<16xi32> to vector<16x1xi32>
        %gather3A_477 = vector.shape_cast %reshape3A_476 : vector<16x1xi32> to vector<16xi32>
        %gather3A_478 = tpu.dynamic_gather %masked_sort3A_475[%gather3A_477] in [0] : vector<16xi32>, vector<16xi32> -> vector<16xi32>
        %reshape3A_479 = vector.shape_cast %min3A_393 : vector<16xi32> to vector<16x1xi32>
        %gather3A_480 = vector.shape_cast %reshape3A_479 : vector<16x1xi32> to vector<16xi32>
        %gather3A_481 = tpu.dynamic_gather %masked_sort3A_475[%gather3A_480] in [0] : vector<16xi32>, vector<16xi32> -> vector<16xi32>
        %eq3A_482 = arith.constant 0 : i32
        %eq3A_483 = vector.broadcast %eq3A_482 : i32 to vector<16xi32>
        %eq3A_484 = arith.cmpi eq, %iota3A, %eq3A_483 : vector<16xi32>
        %ne3A_485 = arith.cmpi ne, %masked_sort3A_475, %gather3A_478 : vector<16xi32>
        %or3A_486 = arith.ori %eq3A_484, %ne3A_485 : vector<16xi1>
        %eq3A_487 = arith.constant 15 : i32
        %eq3A_488 = vector.broadcast %eq3A_487 : i32 to vector<16xi32>
        %eq3A_489 = arith.cmpi eq, %iota3A, %eq3A_488 : vector<16xi32>
        %ne3A_490 = arith.cmpi ne, %masked_sort3A_475, %gather3A_481 : vector<16xi32>
        %or3A_491 = arith.ori %eq3A_489, %ne3A_490 : vector<16xi1>
        %jit3A_492 = arith.constant 0 : i32
        %broadcast_in_dim3A_493 = vector.broadcast %jit3A_492 : i32 to vector<16xi32>
        %select_n3A_494 = arith.select %or3A_486, %iota3A, %broadcast_in_dim3A_493 : vector<16xi1>, vector<16xi32>
        %broadcast_in_dim3A_495 = arith.constant true
        %broadcast_in_dim3A_496 = vector.broadcast %broadcast_in_dim3A_495 : i1 to vector<16xi1>
        %masked_cummax3A_497 = arith.constant -2147483648 : i32
        %masked_cummax3A_498 = vector.broadcast %masked_cummax3A_497 : i32 to vector<16xi32>
        %masked_cummax3A_499 = arith.xori %select_n3A_494, %masked_cummax3A_498 : vector<16xi32>
        %masked_cummax3A_500 = tpu.scan <max>, %masked_cummax3A_499 masked %broadcast_in_dim3A_496 : vector<16xi32>, vector<16xi1> -> vector<16xi32>
        %masked_cummax3A_501 = arith.xori %masked_cummax3A_500, %masked_cummax3A_498 : vector<16xi32>
        %sub3A_502 = arith.subi %iota3A, %masked_cummax3A_501 : vector<16xi32>
        %add3A_503 = arith.constant 1 : i32
        %add3A_504 = vector.broadcast %add3A_503 : i32 to vector<16xi32>
        %add3A_505 = arith.addi %sub3A_502, %add3A_504 : vector<16xi32>
        %convert_element_type3A_506 = arith.sitofp %add3A_505 : vector<16xi32> to vector<16xf32>
        tpu.vector_store_idx %arg27[%masked_sort3A_475], %convert_element_type3A_506 masked %or3A_491 {add = true} : memref<10112xf32, #tpu.memory_space<vmem>>[vector<16xi32>], vector<16xf32>, vector<16xi1>
        %get3A_507 = arith.constant 48 : index
        %get3A_508 = tpu.vector_load %arg15[%get3A_507] {strides = array<i32>} : memref<64xi32, #tpu.memory_space<vmem>>, vector<16xi32>,
        %masked_sort3A_509 = arith.constant dense<true> : vector<16xi1>
        %masked_sort3A_510 = arith.constant -2147483648 : i32
        %masked_sort3A_511 = vector.broadcast %masked_sort3A_510 : i32 to vector<16xi32>
        %masked_sort3A_512 = arith.xori %get3A_508, %masked_sort3A_511 : vector<16xi32>
        %masked_sort3A_513, %masked_sort3A_514, %masked_sort3A_515 = tpu.sort %masked_sort3A_512, %get3A_508 masked %masked_sort3A_509 : (vector<16xi32>, vector<16xi32>, vector<16xi1>) -> (vector<16xi1>, vector<16xi32>, vector<16xi32>)
        %masked_sort3A_516 = arith.xori %masked_sort3A_514, %masked_sort3A_511 : vector<16xi32>
        %reshape3A_517 = vector.shape_cast %max3A_388 : vector<16xi32> to vector<16x1xi32>
        %gather3A_518 = vector.shape_cast %reshape3A_517 : vector<16x1xi32> to vector<16xi32>
        %gather3A_519 = tpu.dynamic_gather %masked_sort3A_516[%gather3A_518] in [0] : vector<16xi32>, vector<16xi32> -> vector<16xi32>
        %reshape3A_520 = vector.shape_cast %min3A_393 : vector<16xi32> to vector<16x1xi32>
        %gather3A_521 = vector.shape_cast %reshape3A_520 : vector<16x1xi32> to vector<16xi32>
        %gather3A_522 = tpu.dynamic_gather %masked_sort3A_516[%gather3A_521] in [0] : vector<16xi32>, vector<16xi32> -> vector<16xi32>
        %eq3A_523 = arith.constant 0 : i32
        %eq3A_524 = vector.broadcast %eq3A_523 : i32 to vector<16xi32>
        %eq3A_525 = arith.cmpi eq, %iota3A, %eq3A_524 : vector<16xi32>
        %ne3A_526 = arith.cmpi ne, %masked_sort3A_516, %gather3A_519 : vector<16xi32>
        %or3A_527 = arith.ori %eq3A_525, %ne3A_526 : vector<16xi1>
        %eq3A_528 = arith.constant 15 : i32
        %eq3A_529 = vector.broadcast %eq3A_528 : i32 to vector<16xi32>
        %eq3A_530 = arith.cmpi eq, %iota3A, %eq3A_529 : vector<16xi32>
        %ne3A_531 = arith.cmpi ne, %masked_sort3A_516, %gather3A_522 : vector<16xi32>
        %or3A_532 = arith.ori %eq3A_530, %ne3A_531 : vector<16xi1>
        %jit3A_533 = arith.constant 0 : i32
        %broadcast_in_dim3A_534 = vector.broadcast %jit3A_533 : i32 to vector<16xi32>
        %select_n3A_535 = arith.select %or3A_527, %iota3A, %broadcast_in_dim3A_534 : vector<16xi1>, vector<16xi32>
        %broadcast_in_dim3A_536 = arith.constant true
        %broadcast_in_dim3A_537 = vector.broadcast %broadcast_in_dim3A_536 : i1 to vector<16xi1>
        %masked_cummax3A_538 = arith.constant -2147483648 : i32
        %masked_cummax3A_539 = vector.broadcast %masked_cummax3A_538 : i32 to vector<16xi32>
        %masked_cummax3A_540 = arith.xori %select_n3A_535, %masked_cummax3A_539 : vector<16xi32>
        %masked_cummax3A_541 = tpu.scan <max>, %masked_cummax3A_540 masked %broadcast_in_dim3A_537 : vector<16xi32>, vector<16xi1> -> vector<16xi32>
        %masked_cummax3A_542 = arith.xori %masked_cummax3A_541, %masked_cummax3A_539 : vector<16xi32>
        %sub3A_543 = arith.subi %iota3A, %masked_cummax3A_542 : vector<16xi32>
        %add3A_544 = arith.constant 1 : i32
        %add3A_545 = vector.broadcast %add3A_544 : i32 to vector<16xi32>
        %add3A_546 = arith.addi %sub3A_543, %add3A_545 : vector<16xi32>
        %convert_element_type3A_547 = arith.sitofp %add3A_546 : vector<16xi32> to vector<16xf32>
        tpu.vector_store_idx %arg27[%masked_sort3A_516], %convert_element_type3A_547 masked %or3A_532 {add = true} : memref<10112xf32, #tpu.memory_space<vmem>>[vector<16xi32>], vector<16xf32>, vector<16xi1>
      } else {
      }
      %mul3A_153 = arith.constant 8 : i32
      %mul3A_154 = arith.muli %scan3A_124, %mul3A_153 : i32
      %add3A_155 = arith.constant 1 : i32
      %add3A_156 = arith.addi %mul3A_154, %add3A_155 : i32
      %dma_wait3A_157 = arith.constant 0 : i32
      %dma_wait3A_158 = arith.constant 0 : i32
      %dma_wait3A_159 = tpu.memref_slice %arg2[%dma_wait3A_157, %dma_wait3A_158] : memref<20000x128xf32, #tpu.memory_space<hbm>> -> memref<20000x128xf32, #tpu.memory_space<hbm>>
      tpu.wait_indirect_dma semaphore(%arg46 : memref<!tpu.dma_semaphore, #tpu.memory_space<semaphore_mem>>) src(%dma_wait3A_159 : memref<20000x128xf32, #tpu.memory_space<hbm>>) dst(%arg24 : memref<64x128xf32, #tpu.memory_space<vmem>>)
      %dma_start3A_160 = arith.constant 0 : i32
      %dma_start3A_161 = arith.constant 0 : i32
      %dma_start3A_162 = tpu.memref_slice %arg28[%dma_start3A_160, %dma_start3A_161] : memref<10112x128xf32, #tpu.memory_space<vmem_shared>> -> memref<10112x128xf32, #tpu.memory_space<vmem_shared>>
      tpu.enqueue_indirect_dma source(%arg24 : memref<64x128xf32, #tpu.memory_space<vmem>>) target(%dma_start3A_162 : memref<10112x128xf32, #tpu.memory_space<vmem_shared>>) offsets(%arg16 : memref<64xi32, #tpu.memory_space<vmem>>) semaphore(%arg50 : memref<!tpu.dma_semaphore, #tpu.memory_space<semaphore_mem>>) {add = true}
      %ge3A_163 = arith.constant 2 : i32
      %ge3A_164 = arith.cmpi sge, %add3A_156, %ge3A_163 : i32
      %convert_element_type3A_165 = arith.extui %ge3A_164 : i1 to i32
      %cond3A_166 = arith.constant 0 : i32
      %cond3A_167 = arith.cmpi ne, %convert_element_type3A_165, %cond3A_166 : i32
      scf.if %cond3A_167 {
        %dma_wait3A_384 = arith.constant 0 : i32
        %dma_wait3A_385 = arith.constant 0 : i32
        %dma_wait3A_386 = tpu.memref_slice %arg28[%dma_wait3A_384, %dma_wait3A_385] : memref<10112x128xf32, #tpu.memory_space<vmem_shared>> -> memref<10112x128xf32, #tpu.memory_space<vmem_shared>>
        tpu.wait_indirect_dma semaphore(%arg52 : memref<!tpu.dma_semaphore, #tpu.memory_space<semaphore_mem>>) src(%arg26 : memref<64x128xf32, #tpu.memory_space<vmem>>) dst(%dma_wait3A_386 : memref<10112x128xf32, #tpu.memory_space<vmem_shared>>)
      } else {
      }
      %add3A_168 = arith.constant 6 : i32
      %add3A_169 = arith.addi %add3A_156, %add3A_168 : i32
      %lt3A_170 = arith.constant 160 : i32
      %lt3A_171 = arith.cmpi slt, %add3A_169, %lt3A_170 : i32
      %convert_element_type3A_172 = arith.extui %lt3A_171 : i1 to i32
      %cond3A_173 = arith.constant 0 : i32
      %cond3A_174 = arith.cmpi ne, %convert_element_type3A_172, %cond3A_173 : i32
      scf.if %cond3A_174 {
        %add3A_384 = arith.constant 6 : i32
        %add3A_385 = arith.addi %add3A_156, %add3A_384 : i32
        %mul3A_386 = arith.constant 64 : i32
        %mul3A_387 = arith.muli %add3A_385, %mul3A_386 : i32
        %add3A_388 = arith.addi %add3A_38, %mul3A_387 : i32
        %dma_start3A_389 = tpu.memref_slice %arg3[%add3A_388] : memref<327680xi32, #tpu.memory_space<hbm>> -> memref<64xi32, #tpu.memory_space<hbm>>
        %dma_start3A_390 = tpu.memref_slice %arg3[%add3A_388] : memref<327680xi32, #tpu.memory_space<hbm>> -> memref<64xi32, #tpu.memory_space<hbm>>
        tpu.enqueue_dma source(%dma_start3A_390 : memref<64xi32, #tpu.memory_space<hbm>>) target(%arg14 : memref<64xi32, #tpu.memory_space<vmem>>) target_semaphore(%arg36 : memref<!tpu.dma_semaphore, #tpu.memory_space<semaphore_mem>>)
        %mul3A_391 = arith.constant 64 : i32
        %mul3A_392 = arith.muli %add3A_385, %mul3A_391 : i32
        %add3A_393 = arith.addi %mul3A_35, %mul3A_392 : i32
        %dma_start3A_394 = tpu.memref_slice %arg4[%add3A_393] : memref<163840xi32, #tpu.memory_space<hbm>> -> memref<64xi32, #tpu.memory_space<hbm>>
        %dma_start3A_395 = tpu.memref_slice %arg4[%add3A_393] : memref<163840xi32, #tpu.memory_space<hbm>> -> memref<64xi32, #tpu.memory_space<hbm>>
        tpu.enqueue_dma source(%dma_start3A_395 : memref<64xi32, #tpu.memory_space<hbm>>) target(%arg22 : memref<64xi32, #tpu.memory_space<vmem>>) target_semaphore(%arg44 : memref<!tpu.dma_semaphore, #tpu.memory_space<semaphore_mem>>)
      } else {
      }
      %add3A_175 = arith.constant 2 : i32
      %add3A_176 = arith.addi %add3A_156, %add3A_175 : i32
      %lt3A_177 = arith.constant 160 : i32
      %lt3A_178 = arith.cmpi slt, %add3A_176, %lt3A_177 : i32
      %convert_element_type3A_179 = arith.extui %lt3A_178 : i1 to i32
      %cond3A_180 = arith.constant 0 : i32
      %cond3A_181 = arith.cmpi ne, %convert_element_type3A_179, %cond3A_180 : i32
      scf.if %cond3A_181 {
        %add3A_384 = arith.constant 2 : i32
        %add3A_385 = arith.addi %add3A_156, %add3A_384 : i32
        %mul3A_386 = arith.constant 64 : i32
        %mul3A_387 = arith.muli %add3A_385, %mul3A_386 : i32
        %add3A_388 = arith.addi %add3A_38, %mul3A_387 : i32
        %dma_wait3A_389 = tpu.memref_slice %arg3[%add3A_388] : memref<327680xi32, #tpu.memory_space<hbm>> -> memref<64xi32, #tpu.memory_space<hbm>>
        %dma_wait3A_390 = tpu.memref_slice %arg3[%add3A_388] : memref<327680xi32, #tpu.memory_space<hbm>> -> memref<64xi32, #tpu.memory_space<hbm>>
        tpu.wait_dma2 semaphore(%arg32 : memref<!tpu.dma_semaphore, #tpu.memory_space<semaphore_mem>>) src(%dma_wait3A_390 : memref<64xi32, #tpu.memory_space<hbm>>) dst(%arg10 : memref<64xi32, #tpu.memory_space<vmem>>)
        %mul3A_391 = arith.constant 64 : i32
        %mul3A_392 = arith.muli %add3A_385, %mul3A_391 : i32
        %add3A_393 = arith.addi %mul3A_35, %mul3A_392 : i32
        %dma_wait3A_394 = tpu.memref_slice %arg4[%add3A_393] : memref<163840xi32, #tpu.memory_space<hbm>> -> memref<64xi32, #tpu.memory_space<hbm>>
        %dma_wait3A_395 = tpu.memref_slice %arg4[%add3A_393] : memref<163840xi32, #tpu.memory_space<hbm>> -> memref<64xi32, #tpu.memory_space<hbm>>
        tpu.wait_dma2 semaphore(%arg40 : memref<!tpu.dma_semaphore, #tpu.memory_space<semaphore_mem>>) src(%dma_wait3A_395 : memref<64xi32, #tpu.memory_space<hbm>>) dst(%arg18 : memref<64xi32, #tpu.memory_space<vmem>>)
        %dma_start3A_396 = arith.constant 0 : i32
        %dma_start3A_397 = arith.constant 0 : i32
        %dma_start3A_398 = tpu.memref_slice %arg2[%dma_start3A_396, %dma_start3A_397] : memref<20000x128xf32, #tpu.memory_space<hbm>> -> memref<20000x128xf32, #tpu.memory_space<hbm>>
        tpu.enqueue_indirect_dma source(%dma_start3A_398 : memref<20000x128xf32, #tpu.memory_space<hbm>>) target(%arg26 : memref<64x128xf32, #tpu.memory_space<vmem>>) offsets(%arg10 : memref<64xi32, #tpu.memory_space<vmem>>) semaphore(%arg48 : memref<!tpu.dma_semaphore, #tpu.memory_space<semaphore_mem>>)
      } else {
      }
      %not3A = arith.constant true
      %not3A_182 = arith.xori %eq3A_39, %not3A : i1
      %convert_element_type3A_183 = arith.extui %not3A_182 : i1 to i32
      %cond3A_184 = arith.constant 0 : i32
      %cond3A_185 = arith.cmpi ne, %convert_element_type3A_183, %cond3A_184 : i32
      scf.if %cond3A_185 {
        %iota3A = tpu.iota {dimensions = array<i32: 0>} : vector<16xi32>
        %sub3A_384 = arith.constant 1 : i32
        %sub3A_385 = vector.broadcast %sub3A_384 : i32 to vector<16xi32>
        %sub3A_386 = arith.subi %iota3A, %sub3A_385 : vector<16xi32>
        %max3A = arith.constant 0 : i32
        %max3A_387 = vector.broadcast %max3A : i32 to vector<16xi32>
        %max3A_388 = arith.maxsi %sub3A_386, %max3A_387 : vector<16xi32>
        %add3A_389 = arith.constant 1 : i32
        %add3A_390 = vector.broadcast %add3A_389 : i32 to vector<16xi32>
        %add3A_391 = arith.addi %iota3A, %add3A_390 : vector<16xi32>
        %min3A = arith.constant 15 : i32
        %min3A_392 = vector.broadcast %min3A : i32 to vector<16xi32>
        %min3A_393 = arith.minsi %add3A_391, %min3A_392 : vector<16xi32>
        %get3A = arith.constant 0 : index
        %get3A_394 = tpu.vector_load %arg16[%get3A] {strides = array<i32>} : memref<64xi32, #tpu.memory_space<vmem>>, vector<16xi32>,
        %masked_sort3A = arith.constant dense<true> : vector<16xi1>
        %masked_sort3A_395 = arith.constant -2147483648 : i32
        %masked_sort3A_396 = vector.broadcast %masked_sort3A_395 : i32 to vector<16xi32>
        %masked_sort3A_397 = arith.xori %get3A_394, %masked_sort3A_396 : vector<16xi32>
        %masked_sort3A_398, %masked_sort3A_399, %masked_sort3A_400 = tpu.sort %masked_sort3A_397, %get3A_394 masked %masked_sort3A : (vector<16xi32>, vector<16xi32>, vector<16xi1>) -> (vector<16xi1>, vector<16xi32>, vector<16xi32>)
        %masked_sort3A_401 = arith.xori %masked_sort3A_399, %masked_sort3A_396 : vector<16xi32>
        %reshape3A = vector.shape_cast %max3A_388 : vector<16xi32> to vector<16x1xi32>
        %gather3A = vector.shape_cast %reshape3A : vector<16x1xi32> to vector<16xi32>
        %gather3A_402 = tpu.dynamic_gather %masked_sort3A_401[%gather3A] in [0] : vector<16xi32>, vector<16xi32> -> vector<16xi32>
        %reshape3A_403 = vector.shape_cast %min3A_393 : vector<16xi32> to vector<16x1xi32>
        %gather3A_404 = vector.shape_cast %reshape3A_403 : vector<16x1xi32> to vector<16xi32>
        %gather3A_405 = tpu.dynamic_gather %masked_sort3A_401[%gather3A_404] in [0] : vector<16xi32>, vector<16xi32> -> vector<16xi32>
        %eq3A_406 = arith.constant 0 : i32
        %eq3A_407 = vector.broadcast %eq3A_406 : i32 to vector<16xi32>
        %eq3A_408 = arith.cmpi eq, %iota3A, %eq3A_407 : vector<16xi32>
        %ne3A = arith.cmpi ne, %masked_sort3A_401, %gather3A_402 : vector<16xi32>
        %or3A = arith.ori %eq3A_408, %ne3A : vector<16xi1>
        %eq3A_409 = arith.constant 15 : i32
        %eq3A_410 = vector.broadcast %eq3A_409 : i32 to vector<16xi32>
        %eq3A_411 = arith.cmpi eq, %iota3A, %eq3A_410 : vector<16xi32>
        %ne3A_412 = arith.cmpi ne, %masked_sort3A_401, %gather3A_405 : vector<16xi32>
        %or3A_413 = arith.ori %eq3A_411, %ne3A_412 : vector<16xi1>
        %jit3A = arith.constant 0 : i32
        %broadcast_in_dim3A = vector.broadcast %jit3A : i32 to vector<16xi32>
        %select_n3A = arith.select %or3A, %iota3A, %broadcast_in_dim3A : vector<16xi1>, vector<16xi32>
        %broadcast_in_dim3A_414 = arith.constant true
        %broadcast_in_dim3A_415 = vector.broadcast %broadcast_in_dim3A_414 : i1 to vector<16xi1>
        %masked_cummax3A = arith.constant -2147483648 : i32
        %masked_cummax3A_416 = vector.broadcast %masked_cummax3A : i32 to vector<16xi32>
        %masked_cummax3A_417 = arith.xori %select_n3A, %masked_cummax3A_416 : vector<16xi32>
        %masked_cummax3A_418 = tpu.scan <max>, %masked_cummax3A_417 masked %broadcast_in_dim3A_415 : vector<16xi32>, vector<16xi1> -> vector<16xi32>
        %masked_cummax3A_419 = arith.xori %masked_cummax3A_418, %masked_cummax3A_416 : vector<16xi32>
        %sub3A_420 = arith.subi %iota3A, %masked_cummax3A_419 : vector<16xi32>
        %add3A_421 = arith.constant 1 : i32
        %add3A_422 = vector.broadcast %add3A_421 : i32 to vector<16xi32>
        %add3A_423 = arith.addi %sub3A_420, %add3A_422 : vector<16xi32>
        %convert_element_type3A_424 = arith.sitofp %add3A_423 : vector<16xi32> to vector<16xf32>
        tpu.vector_store_idx %arg27[%masked_sort3A_401], %convert_element_type3A_424 masked %or3A_413 {add = true} : memref<10112xf32, #tpu.memory_space<vmem>>[vector<16xi32>], vector<16xf32>, vector<16xi1>
        %get3A_425 = arith.constant 16 : index
        %get3A_426 = tpu.vector_load %arg16[%get3A_425] {strides = array<i32>} : memref<64xi32, #tpu.memory_space<vmem>>, vector<16xi32>,
        %masked_sort3A_427 = arith.constant dense<true> : vector<16xi1>
        %masked_sort3A_428 = arith.constant -2147483648 : i32
        %masked_sort3A_429 = vector.broadcast %masked_sort3A_428 : i32 to vector<16xi32>
        %masked_sort3A_430 = arith.xori %get3A_426, %masked_sort3A_429 : vector<16xi32>
        %masked_sort3A_431, %masked_sort3A_432, %masked_sort3A_433 = tpu.sort %masked_sort3A_430, %get3A_426 masked %masked_sort3A_427 : (vector<16xi32>, vector<16xi32>, vector<16xi1>) -> (vector<16xi1>, vector<16xi32>, vector<16xi32>)
        %masked_sort3A_434 = arith.xori %masked_sort3A_432, %masked_sort3A_429 : vector<16xi32>
        %reshape3A_435 = vector.shape_cast %max3A_388 : vector<16xi32> to vector<16x1xi32>
        %gather3A_436 = vector.shape_cast %reshape3A_435 : vector<16x1xi32> to vector<16xi32>
        %gather3A_437 = tpu.dynamic_gather %masked_sort3A_434[%gather3A_436] in [0] : vector<16xi32>, vector<16xi32> -> vector<16xi32>
        %reshape3A_438 = vector.shape_cast %min3A_393 : vector<16xi32> to vector<16x1xi32>
        %gather3A_439 = vector.shape_cast %reshape3A_438 : vector<16x1xi32> to vector<16xi32>
        %gather3A_440 = tpu.dynamic_gather %masked_sort3A_434[%gather3A_439] in [0] : vector<16xi32>, vector<16xi32> -> vector<16xi32>
        %eq3A_441 = arith.constant 0 : i32
        %eq3A_442 = vector.broadcast %eq3A_441 : i32 to vector<16xi32>
        %eq3A_443 = arith.cmpi eq, %iota3A, %eq3A_442 : vector<16xi32>
        %ne3A_444 = arith.cmpi ne, %masked_sort3A_434, %gather3A_437 : vector<16xi32>
        %or3A_445 = arith.ori %eq3A_443, %ne3A_444 : vector<16xi1>
        %eq3A_446 = arith.constant 15 : i32
        %eq3A_447 = vector.broadcast %eq3A_446 : i32 to vector<16xi32>
        %eq3A_448 = arith.cmpi eq, %iota3A, %eq3A_447 : vector<16xi32>
        %ne3A_449 = arith.cmpi ne, %masked_sort3A_434, %gather3A_440 : vector<16xi32>
        %or3A_450 = arith.ori %eq3A_448, %ne3A_449 : vector<16xi1>
        %jit3A_451 = arith.constant 0 : i32
        %broadcast_in_dim3A_452 = vector.broadcast %jit3A_451 : i32 to vector<16xi32>
        %select_n3A_453 = arith.select %or3A_445, %iota3A, %broadcast_in_dim3A_452 : vector<16xi1>, vector<16xi32>
        %broadcast_in_dim3A_454 = arith.constant true
        %broadcast_in_dim3A_455 = vector.broadcast %broadcast_in_dim3A_454 : i1 to vector<16xi1>
        %masked_cummax3A_456 = arith.constant -2147483648 : i32
        %masked_cummax3A_457 = vector.broadcast %masked_cummax3A_456 : i32 to vector<16xi32>
        %masked_cummax3A_458 = arith.xori %select_n3A_453, %masked_cummax3A_457 : vector<16xi32>
        %masked_cummax3A_459 = tpu.scan <max>, %masked_cummax3A_458 masked %broadcast_in_dim3A_455 : vector<16xi32>, vector<16xi1> -> vector<16xi32>
        %masked_cummax3A_460 = arith.xori %masked_cummax3A_459, %masked_cummax3A_457 : vector<16xi32>
        %sub3A_461 = arith.subi %iota3A, %masked_cummax3A_460 : vector<16xi32>
        %add3A_462 = arith.constant 1 : i32
        %add3A_463 = vector.broadcast %add3A_462 : i32 to vector<16xi32>
        %add3A_464 = arith.addi %sub3A_461, %add3A_463 : vector<16xi32>
        %convert_element_type3A_465 = arith.sitofp %add3A_464 : vector<16xi32> to vector<16xf32>
        tpu.vector_store_idx %arg27[%masked_sort3A_434], %convert_element_type3A_465 masked %or3A_450 {add = true} : memref<10112xf32, #tpu.memory_space<vmem>>[vector<16xi32>], vector<16xf32>, vector<16xi1>
        %get3A_466 = arith.constant 32 : index
        %get3A_467 = tpu.vector_load %arg16[%get3A_466] {strides = array<i32>} : memref<64xi32, #tpu.memory_space<vmem>>, vector<16xi32>,
        %masked_sort3A_468 = arith.constant dense<true> : vector<16xi1>
        %masked_sort3A_469 = arith.constant -2147483648 : i32
        %masked_sort3A_470 = vector.broadcast %masked_sort3A_469 : i32 to vector<16xi32>
        %masked_sort3A_471 = arith.xori %get3A_467, %masked_sort3A_470 : vector<16xi32>
        %masked_sort3A_472, %masked_sort3A_473, %masked_sort3A_474 = tpu.sort %masked_sort3A_471, %get3A_467 masked %masked_sort3A_468 : (vector<16xi32>, vector<16xi32>, vector<16xi1>) -> (vector<16xi1>, vector<16xi32>, vector<16xi32>)
        %masked_sort3A_475 = arith.xori %masked_sort3A_473, %masked_sort3A_470 : vector<16xi32>
        %reshape3A_476 = vector.shape_cast %max3A_388 : vector<16xi32> to vector<16x1xi32>
        %gather3A_477 = vector.shape_cast %reshape3A_476 : vector<16x1xi32> to vector<16xi32>
        %gather3A_478 = tpu.dynamic_gather %masked_sort3A_475[%gather3A_477] in [0] : vector<16xi32>, vector<16xi32> -> vector<16xi32>
        %reshape3A_479 = vector.shape_cast %min3A_393 : vector<16xi32> to vector<16x1xi32>
        %gather3A_480 = vector.shape_cast %reshape3A_479 : vector<16x1xi32> to vector<16xi32>
        %gather3A_481 = tpu.dynamic_gather %masked_sort3A_475[%gather3A_480] in [0] : vector<16xi32>, vector<16xi32> -> vector<16xi32>
        %eq3A_482 = arith.constant 0 : i32
        %eq3A_483 = vector.broadcast %eq3A_482 : i32 to vector<16xi32>
        %eq3A_484 = arith.cmpi eq, %iota3A, %eq3A_483 : vector<16xi32>
        %ne3A_485 = arith.cmpi ne, %masked_sort3A_475, %gather3A_478 : vector<16xi32>
        %or3A_486 = arith.ori %eq3A_484, %ne3A_485 : vector<16xi1>
        %eq3A_487 = arith.constant 15 : i32
        %eq3A_488 = vector.broadcast %eq3A_487 : i32 to vector<16xi32>
        %eq3A_489 = arith.cmpi eq, %iota3A, %eq3A_488 : vector<16xi32>
        %ne3A_490 = arith.cmpi ne, %masked_sort3A_475, %gather3A_481 : vector<16xi32>
        %or3A_491 = arith.ori %eq3A_489, %ne3A_490 : vector<16xi1>
        %jit3A_492 = arith.constant 0 : i32
        %broadcast_in_dim3A_493 = vector.broadcast %jit3A_492 : i32 to vector<16xi32>
        %select_n3A_494 = arith.select %or3A_486, %iota3A, %broadcast_in_dim3A_493 : vector<16xi1>, vector<16xi32>
        %broadcast_in_dim3A_495 = arith.constant true
        %broadcast_in_dim3A_496 = vector.broadcast %broadcast_in_dim3A_495 : i1 to vector<16xi1>
        %masked_cummax3A_497 = arith.constant -2147483648 : i32
        %masked_cummax3A_498 = vector.broadcast %masked_cummax3A_497 : i32 to vector<16xi32>
        %masked_cummax3A_499 = arith.xori %select_n3A_494, %masked_cummax3A_498 : vector<16xi32>
        %masked_cummax3A_500 = tpu.scan <max>, %masked_cummax3A_499 masked %broadcast_in_dim3A_496 : vector<16xi32>, vector<16xi1> -> vector<16xi32>
        %masked_cummax3A_501 = arith.xori %masked_cummax3A_500, %masked_cummax3A_498 : vector<16xi32>
        %sub3A_502 = arith.subi %iota3A, %masked_cummax3A_501 : vector<16xi32>
        %add3A_503 = arith.constant 1 : i32
        %add3A_504 = vector.broadcast %add3A_503 : i32 to vector<16xi32>
        %add3A_505 = arith.addi %sub3A_502, %add3A_504 : vector<16xi32>
        %convert_element_type3A_506 = arith.sitofp %add3A_505 : vector<16xi32> to vector<16xf32>
        tpu.vector_store_idx %arg27[%masked_sort3A_475], %convert_element_type3A_506 masked %or3A_491 {add = true} : memref<10112xf32, #tpu.memory_space<vmem>>[vector<16xi32>], vector<16xf32>, vector<16xi1>
        %get3A_507 = arith.constant 48 : index
        %get3A_508 = tpu.vector_load %arg16[%get3A_507] {strides = array<i32>} : memref<64xi32, #tpu.memory_space<vmem>>, vector<16xi32>,
        %masked_sort3A_509 = arith.constant dense<true> : vector<16xi1>
        %masked_sort3A_510 = arith.constant -2147483648 : i32
        %masked_sort3A_511 = vector.broadcast %masked_sort3A_510 : i32 to vector<16xi32>
        %masked_sort3A_512 = arith.xori %get3A_508, %masked_sort3A_511 : vector<16xi32>
        %masked_sort3A_513, %masked_sort3A_514, %masked_sort3A_515 = tpu.sort %masked_sort3A_512, %get3A_508 masked %masked_sort3A_509 : (vector<16xi32>, vector<16xi32>, vector<16xi1>) -> (vector<16xi1>, vector<16xi32>, vector<16xi32>)
        %masked_sort3A_516 = arith.xori %masked_sort3A_514, %masked_sort3A_511 : vector<16xi32>
        %reshape3A_517 = vector.shape_cast %max3A_388 : vector<16xi32> to vector<16x1xi32>
        %gather3A_518 = vector.shape_cast %reshape3A_517 : vector<16x1xi32> to vector<16xi32>
        %gather3A_519 = tpu.dynamic_gather %masked_sort3A_516[%gather3A_518] in [0] : vector<16xi32>, vector<16xi32> -> vector<16xi32>
        %reshape3A_520 = vector.shape_cast %min3A_393 : vector<16xi32> to vector<16x1xi32>
        %gather3A_521 = vector.shape_cast %reshape3A_520 : vector<16x1xi32> to vector<16xi32>
        %gather3A_522 = tpu.dynamic_gather %masked_sort3A_516[%gather3A_521] in [0] : vector<16xi32>, vector<16xi32> -> vector<16xi32>
        %eq3A_523 = arith.constant 0 : i32
        %eq3A_524 = vector.broadcast %eq3A_523 : i32 to vector<16xi32>
        %eq3A_525 = arith.cmpi eq, %iota3A, %eq3A_524 : vector<16xi32>
        %ne3A_526 = arith.cmpi ne, %masked_sort3A_516, %gather3A_519 : vector<16xi32>
        %or3A_527 = arith.ori %eq3A_525, %ne3A_526 : vector<16xi1>
        %eq3A_528 = arith.constant 15 : i32
        %eq3A_529 = vector.broadcast %eq3A_528 : i32 to vector<16xi32>
        %eq3A_530 = arith.cmpi eq, %iota3A, %eq3A_529 : vector<16xi32>
        %ne3A_531 = arith.cmpi ne, %masked_sort3A_516, %gather3A_522 : vector<16xi32>
        %or3A_532 = arith.ori %eq3A_530, %ne3A_531 : vector<16xi1>
        %jit3A_533 = arith.constant 0 : i32
        %broadcast_in_dim3A_534 = vector.broadcast %jit3A_533 : i32 to vector<16xi32>
        %select_n3A_535 = arith.select %or3A_527, %iota3A, %broadcast_in_dim3A_534 : vector<16xi1>, vector<16xi32>
        %broadcast_in_dim3A_536 = arith.constant true
        %broadcast_in_dim3A_537 = vector.broadcast %broadcast_in_dim3A_536 : i1 to vector<16xi1>
        %masked_cummax3A_538 = arith.constant -2147483648 : i32
        %masked_cummax3A_539 = vector.broadcast %masked_cummax3A_538 : i32 to vector<16xi32>
        %masked_cummax3A_540 = arith.xori %select_n3A_535, %masked_cummax3A_539 : vector<16xi32>
        %masked_cummax3A_541 = tpu.scan <max>, %masked_cummax3A_540 masked %broadcast_in_dim3A_537 : vector<16xi32>, vector<16xi1> -> vector<16xi32>
        %masked_cummax3A_542 = arith.xori %masked_cummax3A_541, %masked_cummax3A_539 : vector<16xi32>
        %sub3A_543 = arith.subi %iota3A, %masked_cummax3A_542 : vector<16xi32>
        %add3A_544 = arith.constant 1 : i32
        %add3A_545 = vector.broadcast %add3A_544 : i32 to vector<16xi32>
        %add3A_546 = arith.addi %sub3A_543, %add3A_545 : vector<16xi32>
        %convert_element_type3A_547 = arith.sitofp %add3A_546 : vector<16xi32> to vector<16xf32>
        tpu.vector_store_idx %arg27[%masked_sort3A_516], %convert_element_type3A_547 masked %or3A_532 {add = true} : memref<10112xf32, #tpu.memory_space<vmem>>[vector<16xi32>], vector<16xf32>, vector<16xi1>
      } else {
      }
      %mul3A_186 = arith.constant 8 : i32
      %mul3A_187 = arith.muli %scan3A_124, %mul3A_186 : i32
      %add3A_188 = arith.constant 2 : i32
      %add3A_189 = arith.addi %mul3A_187, %add3A_188 : i32
      %dma_wait3A_190 = arith.constant 0 : i32
      %dma_wait3A_191 = arith.constant 0 : i32
      %dma_wait3A_192 = tpu.memref_slice %arg2[%dma_wait3A_190, %dma_wait3A_191] : memref<20000x128xf32, #tpu.memory_space<hbm>> -> memref<20000x128xf32, #tpu.memory_space<hbm>>
      tpu.wait_indirect_dma semaphore(%arg47 : memref<!tpu.dma_semaphore, #tpu.memory_space<semaphore_mem>>) src(%dma_wait3A_192 : memref<20000x128xf32, #tpu.memory_space<hbm>>) dst(%arg25 : memref<64x128xf32, #tpu.memory_space<vmem>>)
      %dma_start3A_193 = arith.constant 0 : i32
      %dma_start3A_194 = arith.constant 0 : i32
      %dma_start3A_195 = tpu.memref_slice %arg28[%dma_start3A_193, %dma_start3A_194] : memref<10112x128xf32, #tpu.memory_space<vmem_shared>> -> memref<10112x128xf32, #tpu.memory_space<vmem_shared>>
      tpu.enqueue_indirect_dma source(%arg25 : memref<64x128xf32, #tpu.memory_space<vmem>>) target(%dma_start3A_195 : memref<10112x128xf32, #tpu.memory_space<vmem_shared>>) offsets(%arg17 : memref<64xi32, #tpu.memory_space<vmem>>) semaphore(%arg51 : memref<!tpu.dma_semaphore, #tpu.memory_space<semaphore_mem>>) {add = true}
      %ge3A_196 = arith.constant 2 : i32
      %ge3A_197 = arith.cmpi sge, %add3A_189, %ge3A_196 : i32
      %convert_element_type3A_198 = arith.extui %ge3A_197 : i1 to i32
      %cond3A_199 = arith.constant 0 : i32
      %cond3A_200 = arith.cmpi ne, %convert_element_type3A_198, %cond3A_199 : i32
      scf.if %cond3A_200 {
        %dma_wait3A_384 = arith.constant 0 : i32
        %dma_wait3A_385 = arith.constant 0 : i32
        %dma_wait3A_386 = tpu.memref_slice %arg28[%dma_wait3A_384, %dma_wait3A_385] : memref<10112x128xf32, #tpu.memory_space<vmem_shared>> -> memref<10112x128xf32, #tpu.memory_space<vmem_shared>>
        tpu.wait_indirect_dma semaphore(%arg49 : memref<!tpu.dma_semaphore, #tpu.memory_space<semaphore_mem>>) src(%arg23 : memref<64x128xf32, #tpu.memory_space<vmem>>) dst(%dma_wait3A_386 : memref<10112x128xf32, #tpu.memory_space<vmem_shared>>)
      } else {
      }
      %add3A_201 = arith.constant 6 : i32
      %add3A_202 = arith.addi %add3A_189, %add3A_201 : i32
      %lt3A_203 = arith.constant 160 : i32
      %lt3A_204 = arith.cmpi slt, %add3A_202, %lt3A_203 : i32
      %convert_element_type3A_205 = arith.extui %lt3A_204 : i1 to i32
      %cond3A_206 = arith.constant 0 : i32
      %cond3A_207 = arith.cmpi ne, %convert_element_type3A_205, %cond3A_206 : i32
      scf.if %cond3A_207 {
        %add3A_384 = arith.constant 6 : i32
        %add3A_385 = arith.addi %add3A_189, %add3A_384 : i32
        %mul3A_386 = arith.constant 64 : i32
        %mul3A_387 = arith.muli %add3A_385, %mul3A_386 : i32
        %add3A_388 = arith.addi %add3A_38, %mul3A_387 : i32
        %dma_start3A_389 = tpu.memref_slice %arg3[%add3A_388] : memref<327680xi32, #tpu.memory_space<hbm>> -> memref<64xi32, #tpu.memory_space<hbm>>
        %dma_start3A_390 = tpu.memref_slice %arg3[%add3A_388] : memref<327680xi32, #tpu.memory_space<hbm>> -> memref<64xi32, #tpu.memory_space<hbm>>
        tpu.enqueue_dma source(%dma_start3A_390 : memref<64xi32, #tpu.memory_space<hbm>>) target(%arg7 : memref<64xi32, #tpu.memory_space<vmem>>) target_semaphore(%arg29 : memref<!tpu.dma_semaphore, #tpu.memory_space<semaphore_mem>>)
        %mul3A_391 = arith.constant 64 : i32
        %mul3A_392 = arith.muli %add3A_385, %mul3A_391 : i32
        %add3A_393 = arith.addi %mul3A_35, %mul3A_392 : i32
        %dma_start3A_394 = tpu.memref_slice %arg4[%add3A_393] : memref<163840xi32, #tpu.memory_space<hbm>> -> memref<64xi32, #tpu.memory_space<hbm>>
        %dma_start3A_395 = tpu.memref_slice %arg4[%add3A_393] : memref<163840xi32, #tpu.memory_space<hbm>> -> memref<64xi32, #tpu.memory_space<hbm>>
        tpu.enqueue_dma source(%dma_start3A_395 : memref<64xi32, #tpu.memory_space<hbm>>) target(%arg15 : memref<64xi32, #tpu.memory_space<vmem>>) target_semaphore(%arg37 : memref<!tpu.dma_semaphore, #tpu.memory_space<semaphore_mem>>)
      } else {
      }
      %add3A_208 = arith.constant 2 : i32
      %add3A_209 = arith.addi %add3A_189, %add3A_208 : i32
      %lt3A_210 = arith.constant 160 : i32
      %lt3A_211 = arith.cmpi slt, %add3A_209, %lt3A_210 : i32
      %convert_element_type3A_212 = arith.extui %lt3A_211 : i1 to i32
      %cond3A_213 = arith.constant 0 : i32
      %cond3A_214 = arith.cmpi ne, %convert_element_type3A_212, %cond3A_213 : i32
      scf.if %cond3A_214 {
        %add3A_384 = arith.constant 2 : i32
        %add3A_385 = arith.addi %add3A_189, %add3A_384 : i32
        %mul3A_386 = arith.constant 64 : i32
        %mul3A_387 = arith.muli %add3A_385, %mul3A_386 : i32
        %add3A_388 = arith.addi %add3A_38, %mul3A_387 : i32
        %dma_wait3A_389 = tpu.memref_slice %arg3[%add3A_388] : memref<327680xi32, #tpu.memory_space<hbm>> -> memref<64xi32, #tpu.memory_space<hbm>>
        %dma_wait3A_390 = tpu.memref_slice %arg3[%add3A_388] : memref<327680xi32, #tpu.memory_space<hbm>> -> memref<64xi32, #tpu.memory_space<hbm>>
        tpu.wait_dma2 semaphore(%arg33 : memref<!tpu.dma_semaphore, #tpu.memory_space<semaphore_mem>>) src(%dma_wait3A_390 : memref<64xi32, #tpu.memory_space<hbm>>) dst(%arg11 : memref<64xi32, #tpu.memory_space<vmem>>)
        %mul3A_391 = arith.constant 64 : i32
        %mul3A_392 = arith.muli %add3A_385, %mul3A_391 : i32
        %add3A_393 = arith.addi %mul3A_35, %mul3A_392 : i32
        %dma_wait3A_394 = tpu.memref_slice %arg4[%add3A_393] : memref<163840xi32, #tpu.memory_space<hbm>> -> memref<64xi32, #tpu.memory_space<hbm>>
        %dma_wait3A_395 = tpu.memref_slice %arg4[%add3A_393] : memref<163840xi32, #tpu.memory_space<hbm>> -> memref<64xi32, #tpu.memory_space<hbm>>
        tpu.wait_dma2 semaphore(%arg41 : memref<!tpu.dma_semaphore, #tpu.memory_space<semaphore_mem>>) src(%dma_wait3A_395 : memref<64xi32, #tpu.memory_space<hbm>>) dst(%arg19 : memref<64xi32, #tpu.memory_space<vmem>>)
        %dma_start3A_396 = arith.constant 0 : i32
        %dma_start3A_397 = arith.constant 0 : i32
        %dma_start3A_398 = tpu.memref_slice %arg2[%dma_start3A_396, %dma_start3A_397] : memref<20000x128xf32, #tpu.memory_space<hbm>> -> memref<20000x128xf32, #tpu.memory_space<hbm>>
        tpu.enqueue_indirect_dma source(%dma_start3A_398 : memref<20000x128xf32, #tpu.memory_space<hbm>>) target(%arg23 : memref<64x128xf32, #tpu.memory_space<vmem>>) offsets(%arg11 : memref<64xi32, #tpu.memory_space<vmem>>) semaphore(%arg45 : memref<!tpu.dma_semaphore, #tpu.memory_space<semaphore_mem>>)
      } else {
      }
      %convert_element_type3A_215 = arith.extui %eq3A_39 : i1 to i32
      %cond3A_216 = arith.constant 0 : i32
      %cond3A_217 = arith.cmpi ne, %convert_element_type3A_215, %cond3A_216 : i32
      scf.if %cond3A_217 {
        %iota3A = tpu.iota {dimensions = array<i32: 0>} : vector<16xi32>
        %sub3A_384 = arith.constant 1 : i32
        %sub3A_385 = vector.broadcast %sub3A_384 : i32 to vector<16xi32>
        %sub3A_386 = arith.subi %iota3A, %sub3A_385 : vector<16xi32>
        %max3A = arith.constant 0 : i32
        %max3A_387 = vector.broadcast %max3A : i32 to vector<16xi32>
        %max3A_388 = arith.maxsi %sub3A_386, %max3A_387 : vector<16xi32>
        %add3A_389 = arith.constant 1 : i32
        %add3A_390 = vector.broadcast %add3A_389 : i32 to vector<16xi32>
        %add3A_391 = arith.addi %iota3A, %add3A_390 : vector<16xi32>
        %min3A = arith.constant 15 : i32
        %min3A_392 = vector.broadcast %min3A : i32 to vector<16xi32>
        %min3A_393 = arith.minsi %add3A_391, %min3A_392 : vector<16xi32>
        %get3A = arith.constant 0 : index
        %get3A_394 = tpu.vector_load %arg17[%get3A] {strides = array<i32>} : memref<64xi32, #tpu.memory_space<vmem>>, vector<16xi32>,
        %masked_sort3A = arith.constant dense<true> : vector<16xi1>
        %masked_sort3A_395 = arith.constant -2147483648 : i32
        %masked_sort3A_396 = vector.broadcast %masked_sort3A_395 : i32 to vector<16xi32>
        %masked_sort3A_397 = arith.xori %get3A_394, %masked_sort3A_396 : vector<16xi32>
        %masked_sort3A_398, %masked_sort3A_399, %masked_sort3A_400 = tpu.sort %masked_sort3A_397, %get3A_394 masked %masked_sort3A : (vector<16xi32>, vector<16xi32>, vector<16xi1>) -> (vector<16xi1>, vector<16xi32>, vector<16xi32>)
        %masked_sort3A_401 = arith.xori %masked_sort3A_399, %masked_sort3A_396 : vector<16xi32>
        %reshape3A = vector.shape_cast %max3A_388 : vector<16xi32> to vector<16x1xi32>
        %gather3A = vector.shape_cast %reshape3A : vector<16x1xi32> to vector<16xi32>
        %gather3A_402 = tpu.dynamic_gather %masked_sort3A_401[%gather3A] in [0] : vector<16xi32>, vector<16xi32> -> vector<16xi32>
        %reshape3A_403 = vector.shape_cast %min3A_393 : vector<16xi32> to vector<16x1xi32>
        %gather3A_404 = vector.shape_cast %reshape3A_403 : vector<16x1xi32> to vector<16xi32>
        %gather3A_405 = tpu.dynamic_gather %masked_sort3A_401[%gather3A_404] in [0] : vector<16xi32>, vector<16xi32> -> vector<16xi32>
        %eq3A_406 = arith.constant 0 : i32
        %eq3A_407 = vector.broadcast %eq3A_406 : i32 to vector<16xi32>
        %eq3A_408 = arith.cmpi eq, %iota3A, %eq3A_407 : vector<16xi32>
        %ne3A = arith.cmpi ne, %masked_sort3A_401, %gather3A_402 : vector<16xi32>
        %or3A = arith.ori %eq3A_408, %ne3A : vector<16xi1>
        %eq3A_409 = arith.constant 15 : i32
        %eq3A_410 = vector.broadcast %eq3A_409 : i32 to vector<16xi32>
        %eq3A_411 = arith.cmpi eq, %iota3A, %eq3A_410 : vector<16xi32>
        %ne3A_412 = arith.cmpi ne, %masked_sort3A_401, %gather3A_405 : vector<16xi32>
        %or3A_413 = arith.ori %eq3A_411, %ne3A_412 : vector<16xi1>
        %jit3A = arith.constant 0 : i32
        %broadcast_in_dim3A = vector.broadcast %jit3A : i32 to vector<16xi32>
        %select_n3A = arith.select %or3A, %iota3A, %broadcast_in_dim3A : vector<16xi1>, vector<16xi32>
        %broadcast_in_dim3A_414 = arith.constant true
        %broadcast_in_dim3A_415 = vector.broadcast %broadcast_in_dim3A_414 : i1 to vector<16xi1>
        %masked_cummax3A = arith.constant -2147483648 : i32
        %masked_cummax3A_416 = vector.broadcast %masked_cummax3A : i32 to vector<16xi32>
        %masked_cummax3A_417 = arith.xori %select_n3A, %masked_cummax3A_416 : vector<16xi32>
        %masked_cummax3A_418 = tpu.scan <max>, %masked_cummax3A_417 masked %broadcast_in_dim3A_415 : vector<16xi32>, vector<16xi1> -> vector<16xi32>
        %masked_cummax3A_419 = arith.xori %masked_cummax3A_418, %masked_cummax3A_416 : vector<16xi32>
        %sub3A_420 = arith.subi %iota3A, %masked_cummax3A_419 : vector<16xi32>
        %add3A_421 = arith.constant 1 : i32
        %add3A_422 = vector.broadcast %add3A_421 : i32 to vector<16xi32>
        %add3A_423 = arith.addi %sub3A_420, %add3A_422 : vector<16xi32>
        %convert_element_type3A_424 = arith.sitofp %add3A_423 : vector<16xi32> to vector<16xf32>
        tpu.vector_store_idx %arg27[%masked_sort3A_401], %convert_element_type3A_424 masked %or3A_413 {add = true} : memref<10112xf32, #tpu.memory_space<vmem>>[vector<16xi32>], vector<16xf32>, vector<16xi1>
        %get3A_425 = arith.constant 16 : index
        %get3A_426 = tpu.vector_load %arg17[%get3A_425] {strides = array<i32>} : memref<64xi32, #tpu.memory_space<vmem>>, vector<16xi32>,
        %masked_sort3A_427 = arith.constant dense<true> : vector<16xi1>
        %masked_sort3A_428 = arith.constant -2147483648 : i32
        %masked_sort3A_429 = vector.broadcast %masked_sort3A_428 : i32 to vector<16xi32>
        %masked_sort3A_430 = arith.xori %get3A_426, %masked_sort3A_429 : vector<16xi32>
        %masked_sort3A_431, %masked_sort3A_432, %masked_sort3A_433 = tpu.sort %masked_sort3A_430, %get3A_426 masked %masked_sort3A_427 : (vector<16xi32>, vector<16xi32>, vector<16xi1>) -> (vector<16xi1>, vector<16xi32>, vector<16xi32>)
        %masked_sort3A_434 = arith.xori %masked_sort3A_432, %masked_sort3A_429 : vector<16xi32>
        %reshape3A_435 = vector.shape_cast %max3A_388 : vector<16xi32> to vector<16x1xi32>
        %gather3A_436 = vector.shape_cast %reshape3A_435 : vector<16x1xi32> to vector<16xi32>
        %gather3A_437 = tpu.dynamic_gather %masked_sort3A_434[%gather3A_436] in [0] : vector<16xi32>, vector<16xi32> -> vector<16xi32>
        %reshape3A_438 = vector.shape_cast %min3A_393 : vector<16xi32> to vector<16x1xi32>
        %gather3A_439 = vector.shape_cast %reshape3A_438 : vector<16x1xi32> to vector<16xi32>
        %gather3A_440 = tpu.dynamic_gather %masked_sort3A_434[%gather3A_439] in [0] : vector<16xi32>, vector<16xi32> -> vector<16xi32>
        %eq3A_441 = arith.constant 0 : i32
        %eq3A_442 = vector.broadcast %eq3A_441 : i32 to vector<16xi32>
        %eq3A_443 = arith.cmpi eq, %iota3A, %eq3A_442 : vector<16xi32>
        %ne3A_444 = arith.cmpi ne, %masked_sort3A_434, %gather3A_437 : vector<16xi32>
        %or3A_445 = arith.ori %eq3A_443, %ne3A_444 : vector<16xi1>
        %eq3A_446 = arith.constant 15 : i32
        %eq3A_447 = vector.broadcast %eq3A_446 : i32 to vector<16xi32>
        %eq3A_448 = arith.cmpi eq, %iota3A, %eq3A_447 : vector<16xi32>
        %ne3A_449 = arith.cmpi ne, %masked_sort3A_434, %gather3A_440 : vector<16xi32>
        %or3A_450 = arith.ori %eq3A_448, %ne3A_449 : vector<16xi1>
        %jit3A_451 = arith.constant 0 : i32
        %broadcast_in_dim3A_452 = vector.broadcast %jit3A_451 : i32 to vector<16xi32>
        %select_n3A_453 = arith.select %or3A_445, %iota3A, %broadcast_in_dim3A_452 : vector<16xi1>, vector<16xi32>
        %broadcast_in_dim3A_454 = arith.constant true
        %broadcast_in_dim3A_455 = vector.broadcast %broadcast_in_dim3A_454 : i1 to vector<16xi1>
        %masked_cummax3A_456 = arith.constant -2147483648 : i32
        %masked_cummax3A_457 = vector.broadcast %masked_cummax3A_456 : i32 to vector<16xi32>
        %masked_cummax3A_458 = arith.xori %select_n3A_453, %masked_cummax3A_457 : vector<16xi32>
        %masked_cummax3A_459 = tpu.scan <max>, %masked_cummax3A_458 masked %broadcast_in_dim3A_455 : vector<16xi32>, vector<16xi1> -> vector<16xi32>
        %masked_cummax3A_460 = arith.xori %masked_cummax3A_459, %masked_cummax3A_457 : vector<16xi32>
        %sub3A_461 = arith.subi %iota3A, %masked_cummax3A_460 : vector<16xi32>
        %add3A_462 = arith.constant 1 : i32
        %add3A_463 = vector.broadcast %add3A_462 : i32 to vector<16xi32>
        %add3A_464 = arith.addi %sub3A_461, %add3A_463 : vector<16xi32>
        %convert_element_type3A_465 = arith.sitofp %add3A_464 : vector<16xi32> to vector<16xf32>
        tpu.vector_store_idx %arg27[%masked_sort3A_434], %convert_element_type3A_465 masked %or3A_450 {add = true} : memref<10112xf32, #tpu.memory_space<vmem>>[vector<16xi32>], vector<16xf32>, vector<16xi1>
        %get3A_466 = arith.constant 32 : index
        %get3A_467 = tpu.vector_load %arg17[%get3A_466] {strides = array<i32>} : memref<64xi32, #tpu.memory_space<vmem>>, vector<16xi32>,
        %masked_sort3A_468 = arith.constant dense<true> : vector<16xi1>
        %masked_sort3A_469 = arith.constant -2147483648 : i32
        %masked_sort3A_470 = vector.broadcast %masked_sort3A_469 : i32 to vector<16xi32>
        %masked_sort3A_471 = arith.xori %get3A_467, %masked_sort3A_470 : vector<16xi32>
        %masked_sort3A_472, %masked_sort3A_473, %masked_sort3A_474 = tpu.sort %masked_sort3A_471, %get3A_467 masked %masked_sort3A_468 : (vector<16xi32>, vector<16xi32>, vector<16xi1>) -> (vector<16xi1>, vector<16xi32>, vector<16xi32>)
        %masked_sort3A_475 = arith.xori %masked_sort3A_473, %masked_sort3A_470 : vector<16xi32>
        %reshape3A_476 = vector.shape_cast %max3A_388 : vector<16xi32> to vector<16x1xi32>
        %gather3A_477 = vector.shape_cast %reshape3A_476 : vector<16x1xi32> to vector<16xi32>
        %gather3A_478 = tpu.dynamic_gather %masked_sort3A_475[%gather3A_477] in [0] : vector<16xi32>, vector<16xi32> -> vector<16xi32>
        %reshape3A_479 = vector.shape_cast %min3A_393 : vector<16xi32> to vector<16x1xi32>
        %gather3A_480 = vector.shape_cast %reshape3A_479 : vector<16x1xi32> to vector<16xi32>
        %gather3A_481 = tpu.dynamic_gather %masked_sort3A_475[%gather3A_480] in [0] : vector<16xi32>, vector<16xi32> -> vector<16xi32>
        %eq3A_482 = arith.constant 0 : i32
        %eq3A_483 = vector.broadcast %eq3A_482 : i32 to vector<16xi32>
        %eq3A_484 = arith.cmpi eq, %iota3A, %eq3A_483 : vector<16xi32>
        %ne3A_485 = arith.cmpi ne, %masked_sort3A_475, %gather3A_478 : vector<16xi32>
        %or3A_486 = arith.ori %eq3A_484, %ne3A_485 : vector<16xi1>
        %eq3A_487 = arith.constant 15 : i32
        %eq3A_488 = vector.broadcast %eq3A_487 : i32 to vector<16xi32>
        %eq3A_489 = arith.cmpi eq, %iota3A, %eq3A_488 : vector<16xi32>
        %ne3A_490 = arith.cmpi ne, %masked_sort3A_475, %gather3A_481 : vector<16xi32>
        %or3A_491 = arith.ori %eq3A_489, %ne3A_490 : vector<16xi1>
        %jit3A_492 = arith.constant 0 : i32
        %broadcast_in_dim3A_493 = vector.broadcast %jit3A_492 : i32 to vector<16xi32>
        %select_n3A_494 = arith.select %or3A_486, %iota3A, %broadcast_in_dim3A_493 : vector<16xi1>, vector<16xi32>
        %broadcast_in_dim3A_495 = arith.constant true
        %broadcast_in_dim3A_496 = vector.broadcast %broadcast_in_dim3A_495 : i1 to vector<16xi1>
        %masked_cummax3A_497 = arith.constant -2147483648 : i32
        %masked_cummax3A_498 = vector.broadcast %masked_cummax3A_497 : i32 to vector<16xi32>
        %masked_cummax3A_499 = arith.xori %select_n3A_494, %masked_cummax3A_498 : vector<16xi32>
        %masked_cummax3A_500 = tpu.scan <max>, %masked_cummax3A_499 masked %broadcast_in_dim3A_496 : vector<16xi32>, vector<16xi1> -> vector<16xi32>
        %masked_cummax3A_501 = arith.xori %masked_cummax3A_500, %masked_cummax3A_498 : vector<16xi32>
        %sub3A_502 = arith.subi %iota3A, %masked_cummax3A_501 : vector<16xi32>
        %add3A_503 = arith.constant 1 : i32
        %add3A_504 = vector.broadcast %add3A_503 : i32 to vector<16xi32>
        %add3A_505 = arith.addi %sub3A_502, %add3A_504 : vector<16xi32>
        %convert_element_type3A_506 = arith.sitofp %add3A_505 : vector<16xi32> to vector<16xf32>
        tpu.vector_store_idx %arg27[%masked_sort3A_475], %convert_element_type3A_506 masked %or3A_491 {add = true} : memref<10112xf32, #tpu.memory_space<vmem>>[vector<16xi32>], vector<16xf32>, vector<16xi1>
        %get3A_507 = arith.constant 48 : index
        %get3A_508 = tpu.vector_load %arg17[%get3A_507] {strides = array<i32>} : memref<64xi32, #tpu.memory_space<vmem>>, vector<16xi32>,
        %masked_sort3A_509 = arith.constant dense<true> : vector<16xi1>
        %masked_sort3A_510 = arith.constant -2147483648 : i32
        %masked_sort3A_511 = vector.broadcast %masked_sort3A_510 : i32 to vector<16xi32>
        %masked_sort3A_512 = arith.xori %get3A_508, %masked_sort3A_511 : vector<16xi32>
        %masked_sort3A_513, %masked_sort3A_514, %masked_sort3A_515 = tpu.sort %masked_sort3A_512, %get3A_508 masked %masked_sort3A_509 : (vector<16xi32>, vector<16xi32>, vector<16xi1>) -> (vector<16xi1>, vector<16xi32>, vector<16xi32>)
        %masked_sort3A_516 = arith.xori %masked_sort3A_514, %masked_sort3A_511 : vector<16xi32>
        %reshape3A_517 = vector.shape_cast %max3A_388 : vector<16xi32> to vector<16x1xi32>
        %gather3A_518 = vector.shape_cast %reshape3A_517 : vector<16x1xi32> to vector<16xi32>
        %gather3A_519 = tpu.dynamic_gather %masked_sort3A_516[%gather3A_518] in [0] : vector<16xi32>, vector<16xi32> -> vector<16xi32>
        %reshape3A_520 = vector.shape_cast %min3A_393 : vector<16xi32> to vector<16x1xi32>
        %gather3A_521 = vector.shape_cast %reshape3A_520 : vector<16x1xi32> to vector<16xi32>
        %gather3A_522 = tpu.dynamic_gather %masked_sort3A_516[%gather3A_521] in [0] : vector<16xi32>, vector<16xi32> -> vector<16xi32>
        %eq3A_523 = arith.constant 0 : i32
        %eq3A_524 = vector.broadcast %eq3A_523 : i32 to vector<16xi32>
        %eq3A_525 = arith.cmpi eq, %iota3A, %eq3A_524 : vector<16xi32>
        %ne3A_526 = arith.cmpi ne, %masked_sort3A_516, %gather3A_519 : vector<16xi32>
        %or3A_527 = arith.ori %eq3A_525, %ne3A_526 : vector<16xi1>
        %eq3A_528 = arith.constant 15 : i32
        %eq3A_529 = vector.broadcast %eq3A_528 : i32 to vector<16xi32>
        %eq3A_530 = arith.cmpi eq, %iota3A, %eq3A_529 : vector<16xi32>
        %ne3A_531 = arith.cmpi ne, %masked_sort3A_516, %gather3A_522 : vector<16xi32>
        %or3A_532 = arith.ori %eq3A_530, %ne3A_531 : vector<16xi1>
        %jit3A_533 = arith.constant 0 : i32
        %broadcast_in_dim3A_534 = vector.broadcast %jit3A_533 : i32 to vector<16xi32>
        %select_n3A_535 = arith.select %or3A_527, %iota3A, %broadcast_in_dim3A_534 : vector<16xi1>, vector<16xi32>
        %broadcast_in_dim3A_536 = arith.constant true
        %broadcast_in_dim3A_537 = vector.broadcast %broadcast_in_dim3A_536 : i1 to vector<16xi1>
        %masked_cummax3A_538 = arith.constant -2147483648 : i32
        %masked_cummax3A_539 = vector.broadcast %masked_cummax3A_538 : i32 to vector<16xi32>
        %masked_cummax3A_540 = arith.xori %select_n3A_535, %masked_cummax3A_539 : vector<16xi32>
        %masked_cummax3A_541 = tpu.scan <max>, %masked_cummax3A_540 masked %broadcast_in_dim3A_537 : vector<16xi32>, vector<16xi1> -> vector<16xi32>
        %masked_cummax3A_542 = arith.xori %masked_cummax3A_541, %masked_cummax3A_539 : vector<16xi32>
        %sub3A_543 = arith.subi %iota3A, %masked_cummax3A_542 : vector<16xi32>
        %add3A_544 = arith.constant 1 : i32
        %add3A_545 = vector.broadcast %add3A_544 : i32 to vector<16xi32>
        %add3A_546 = arith.addi %sub3A_543, %add3A_545 : vector<16xi32>
        %convert_element_type3A_547 = arith.sitofp %add3A_546 : vector<16xi32> to vector<16xf32>
        tpu.vector_store_idx %arg27[%masked_sort3A_516], %convert_element_type3A_547 masked %or3A_532 {add = true} : memref<10112xf32, #tpu.memory_space<vmem>>[vector<16xi32>], vector<16xf32>, vector<16xi1>
      } else {
      }
      %mul3A_218 = arith.constant 8 : i32
      %mul3A_219 = arith.muli %scan3A_124, %mul3A_218 : i32
      %add3A_220 = arith.constant 3 : i32
      %add3A_221 = arith.addi %mul3A_219, %add3A_220 : i32
      %dma_wait3A_222 = arith.constant 0 : i32
      %dma_wait3A_223 = arith.constant 0 : i32
      %dma_wait3A_224 = tpu.memref_slice %arg2[%dma_wait3A_222, %dma_wait3A_223] : memref<20000x128xf32, #tpu.memory_space<hbm>> -> memref<20000x128xf32, #tpu.memory_space<hbm>>
      tpu.wait_indirect_dma semaphore(%arg48 : memref<!tpu.dma_semaphore, #tpu.memory_space<semaphore_mem>>) src(%dma_wait3A_224 : memref<20000x128xf32, #tpu.memory_space<hbm>>) dst(%arg26 : memref<64x128xf32, #tpu.memory_space<vmem>>)
      %dma_start3A_225 = arith.constant 0 : i32
      %dma_start3A_226 = arith.constant 0 : i32
      %dma_start3A_227 = tpu.memref_slice %arg28[%dma_start3A_225, %dma_start3A_226] : memref<10112x128xf32, #tpu.memory_space<vmem_shared>> -> memref<10112x128xf32, #tpu.memory_space<vmem_shared>>
      tpu.enqueue_indirect_dma source(%arg26 : memref<64x128xf32, #tpu.memory_space<vmem>>) target(%dma_start3A_227 : memref<10112x128xf32, #tpu.memory_space<vmem_shared>>) offsets(%arg18 : memref<64xi32, #tpu.memory_space<vmem>>) semaphore(%arg52 : memref<!tpu.dma_semaphore, #tpu.memory_space<semaphore_mem>>) {add = true}
      %ge3A_228 = arith.constant 2 : i32
      %ge3A_229 = arith.cmpi sge, %add3A_221, %ge3A_228 : i32
      %convert_element_type3A_230 = arith.extui %ge3A_229 : i1 to i32
      %cond3A_231 = arith.constant 0 : i32
      %cond3A_232 = arith.cmpi ne, %convert_element_type3A_230, %cond3A_231 : i32
      scf.if %cond3A_232 {
        %dma_wait3A_384 = arith.constant 0 : i32
        %dma_wait3A_385 = arith.constant 0 : i32
        %dma_wait3A_386 = tpu.memref_slice %arg28[%dma_wait3A_384, %dma_wait3A_385] : memref<10112x128xf32, #tpu.memory_space<vmem_shared>> -> memref<10112x128xf32, #tpu.memory_space<vmem_shared>>
        tpu.wait_indirect_dma semaphore(%arg50 : memref<!tpu.dma_semaphore, #tpu.memory_space<semaphore_mem>>) src(%arg24 : memref<64x128xf32, #tpu.memory_space<vmem>>) dst(%dma_wait3A_386 : memref<10112x128xf32, #tpu.memory_space<vmem_shared>>)
      } else {
      }
      %add3A_233 = arith.constant 6 : i32
      %add3A_234 = arith.addi %add3A_221, %add3A_233 : i32
      %lt3A_235 = arith.constant 160 : i32
      %lt3A_236 = arith.cmpi slt, %add3A_234, %lt3A_235 : i32
      %convert_element_type3A_237 = arith.extui %lt3A_236 : i1 to i32
      %cond3A_238 = arith.constant 0 : i32
      %cond3A_239 = arith.cmpi ne, %convert_element_type3A_237, %cond3A_238 : i32
      scf.if %cond3A_239 {
        %add3A_384 = arith.constant 6 : i32
        %add3A_385 = arith.addi %add3A_221, %add3A_384 : i32
        %mul3A_386 = arith.constant 64 : i32
        %mul3A_387 = arith.muli %add3A_385, %mul3A_386 : i32
        %add3A_388 = arith.addi %add3A_38, %mul3A_387 : i32
        %dma_start3A_389 = tpu.memref_slice %arg3[%add3A_388] : memref<327680xi32, #tpu.memory_space<hbm>> -> memref<64xi32, #tpu.memory_space<hbm>>
        %dma_start3A_390 = tpu.memref_slice %arg3[%add3A_388] : memref<327680xi32, #tpu.memory_space<hbm>> -> memref<64xi32, #tpu.memory_space<hbm>>
        tpu.enqueue_dma source(%dma_start3A_390 : memref<64xi32, #tpu.memory_space<hbm>>) target(%arg8 : memref<64xi32, #tpu.memory_space<vmem>>) target_semaphore(%arg30 : memref<!tpu.dma_semaphore, #tpu.memory_space<semaphore_mem>>)
        %mul3A_391 = arith.constant 64 : i32
        %mul3A_392 = arith.muli %add3A_385, %mul3A_391 : i32
        %add3A_393 = arith.addi %mul3A_35, %mul3A_392 : i32
        %dma_start3A_394 = tpu.memref_slice %arg4[%add3A_393] : memref<163840xi32, #tpu.memory_space<hbm>> -> memref<64xi32, #tpu.memory_space<hbm>>
        %dma_start3A_395 = tpu.memref_slice %arg4[%add3A_393] : memref<163840xi32, #tpu.memory_space<hbm>> -> memref<64xi32, #tpu.memory_space<hbm>>
        tpu.enqueue_dma source(%dma_start3A_395 : memref<64xi32, #tpu.memory_space<hbm>>) target(%arg16 : memref<64xi32, #tpu.memory_space<vmem>>) target_semaphore(%arg38 : memref<!tpu.dma_semaphore, #tpu.memory_space<semaphore_mem>>)
      } else {
      }
      %add3A_240 = arith.constant 2 : i32
      %add3A_241 = arith.addi %add3A_221, %add3A_240 : i32
      %lt3A_242 = arith.constant 160 : i32
      %lt3A_243 = arith.cmpi slt, %add3A_241, %lt3A_242 : i32
      %convert_element_type3A_244 = arith.extui %lt3A_243 : i1 to i32
      %cond3A_245 = arith.constant 0 : i32
      %cond3A_246 = arith.cmpi ne, %convert_element_type3A_244, %cond3A_245 : i32
      scf.if %cond3A_246 {
        %add3A_384 = arith.constant 2 : i32
        %add3A_385 = arith.addi %add3A_221, %add3A_384 : i32
        %mul3A_386 = arith.constant 64 : i32
        %mul3A_387 = arith.muli %add3A_385, %mul3A_386 : i32
        %add3A_388 = arith.addi %add3A_38, %mul3A_387 : i32
        %dma_wait3A_389 = tpu.memref_slice %arg3[%add3A_388] : memref<327680xi32, #tpu.memory_space<hbm>> -> memref<64xi32, #tpu.memory_space<hbm>>
        %dma_wait3A_390 = tpu.memref_slice %arg3[%add3A_388] : memref<327680xi32, #tpu.memory_space<hbm>> -> memref<64xi32, #tpu.memory_space<hbm>>
        tpu.wait_dma2 semaphore(%arg34 : memref<!tpu.dma_semaphore, #tpu.memory_space<semaphore_mem>>) src(%dma_wait3A_390 : memref<64xi32, #tpu.memory_space<hbm>>) dst(%arg12 : memref<64xi32, #tpu.memory_space<vmem>>)
        %mul3A_391 = arith.constant 64 : i32
        %mul3A_392 = arith.muli %add3A_385, %mul3A_391 : i32
        %add3A_393 = arith.addi %mul3A_35, %mul3A_392 : i32
        %dma_wait3A_394 = tpu.memref_slice %arg4[%add3A_393] : memref<163840xi32, #tpu.memory_space<hbm>> -> memref<64xi32, #tpu.memory_space<hbm>>
        %dma_wait3A_395 = tpu.memref_slice %arg4[%add3A_393] : memref<163840xi32, #tpu.memory_space<hbm>> -> memref<64xi32, #tpu.memory_space<hbm>>
        tpu.wait_dma2 semaphore(%arg42 : memref<!tpu.dma_semaphore, #tpu.memory_space<semaphore_mem>>) src(%dma_wait3A_395 : memref<64xi32, #tpu.memory_space<hbm>>) dst(%arg20 : memref<64xi32, #tpu.memory_space<vmem>>)
        %dma_start3A_396 = arith.constant 0 : i32
        %dma_start3A_397 = arith.constant 0 : i32
        %dma_start3A_398 = tpu.memref_slice %arg2[%dma_start3A_396, %dma_start3A_397] : memref<20000x128xf32, #tpu.memory_space<hbm>> -> memref<20000x128xf32, #tpu.memory_space<hbm>>
        tpu.enqueue_indirect_dma source(%dma_start3A_398 : memref<20000x128xf32, #tpu.memory_space<hbm>>) target(%arg24 : memref<64x128xf32, #tpu.memory_space<vmem>>) offsets(%arg12 : memref<64xi32, #tpu.memory_space<vmem>>) semaphore(%arg46 : memref<!tpu.dma_semaphore, #tpu.memory_space<semaphore_mem>>)
      } else {
      }
      %not3A_247 = arith.constant true
      %not3A_248 = arith.xori %eq3A_39, %not3A_247 : i1
      %convert_element_type3A_249 = arith.extui %not3A_248 : i1 to i32
      %cond3A_250 = arith.constant 0 : i32
      %cond3A_251 = arith.cmpi ne, %convert_element_type3A_249, %cond3A_250 : i32
      scf.if %cond3A_251 {
        %iota3A = tpu.iota {dimensions = array<i32: 0>} : vector<16xi32>
        %sub3A_384 = arith.constant 1 : i32
        %sub3A_385 = vector.broadcast %sub3A_384 : i32 to vector<16xi32>
        %sub3A_386 = arith.subi %iota3A, %sub3A_385 : vector<16xi32>
        %max3A = arith.constant 0 : i32
        %max3A_387 = vector.broadcast %max3A : i32 to vector<16xi32>
        %max3A_388 = arith.maxsi %sub3A_386, %max3A_387 : vector<16xi32>
        %add3A_389 = arith.constant 1 : i32
        %add3A_390 = vector.broadcast %add3A_389 : i32 to vector<16xi32>
        %add3A_391 = arith.addi %iota3A, %add3A_390 : vector<16xi32>
        %min3A = arith.constant 15 : i32
        %min3A_392 = vector.broadcast %min3A : i32 to vector<16xi32>
        %min3A_393 = arith.minsi %add3A_391, %min3A_392 : vector<16xi32>
        %get3A = arith.constant 0 : index
        %get3A_394 = tpu.vector_load %arg18[%get3A] {strides = array<i32>} : memref<64xi32, #tpu.memory_space<vmem>>, vector<16xi32>,
        %masked_sort3A = arith.constant dense<true> : vector<16xi1>
        %masked_sort3A_395 = arith.constant -2147483648 : i32
        %masked_sort3A_396 = vector.broadcast %masked_sort3A_395 : i32 to vector<16xi32>
        %masked_sort3A_397 = arith.xori %get3A_394, %masked_sort3A_396 : vector<16xi32>
        %masked_sort3A_398, %masked_sort3A_399, %masked_sort3A_400 = tpu.sort %masked_sort3A_397, %get3A_394 masked %masked_sort3A : (vector<16xi32>, vector<16xi32>, vector<16xi1>) -> (vector<16xi1>, vector<16xi32>, vector<16xi32>)
        %masked_sort3A_401 = arith.xori %masked_sort3A_399, %masked_sort3A_396 : vector<16xi32>
        %reshape3A = vector.shape_cast %max3A_388 : vector<16xi32> to vector<16x1xi32>
        %gather3A = vector.shape_cast %reshape3A : vector<16x1xi32> to vector<16xi32>
        %gather3A_402 = tpu.dynamic_gather %masked_sort3A_401[%gather3A] in [0] : vector<16xi32>, vector<16xi32> -> vector<16xi32>
        %reshape3A_403 = vector.shape_cast %min3A_393 : vector<16xi32> to vector<16x1xi32>
        %gather3A_404 = vector.shape_cast %reshape3A_403 : vector<16x1xi32> to vector<16xi32>
        %gather3A_405 = tpu.dynamic_gather %masked_sort3A_401[%gather3A_404] in [0] : vector<16xi32>, vector<16xi32> -> vector<16xi32>
        %eq3A_406 = arith.constant 0 : i32
        %eq3A_407 = vector.broadcast %eq3A_406 : i32 to vector<16xi32>
        %eq3A_408 = arith.cmpi eq, %iota3A, %eq3A_407 : vector<16xi32>
        %ne3A = arith.cmpi ne, %masked_sort3A_401, %gather3A_402 : vector<16xi32>
        %or3A = arith.ori %eq3A_408, %ne3A : vector<16xi1>
        %eq3A_409 = arith.constant 15 : i32
        %eq3A_410 = vector.broadcast %eq3A_409 : i32 to vector<16xi32>
        %eq3A_411 = arith.cmpi eq, %iota3A, %eq3A_410 : vector<16xi32>
        %ne3A_412 = arith.cmpi ne, %masked_sort3A_401, %gather3A_405 : vector<16xi32>
        %or3A_413 = arith.ori %eq3A_411, %ne3A_412 : vector<16xi1>
        %jit3A = arith.constant 0 : i32
        %broadcast_in_dim3A = vector.broadcast %jit3A : i32 to vector<16xi32>
        %select_n3A = arith.select %or3A, %iota3A, %broadcast_in_dim3A : vector<16xi1>, vector<16xi32>
        %broadcast_in_dim3A_414 = arith.constant true
        %broadcast_in_dim3A_415 = vector.broadcast %broadcast_in_dim3A_414 : i1 to vector<16xi1>
        %masked_cummax3A = arith.constant -2147483648 : i32
        %masked_cummax3A_416 = vector.broadcast %masked_cummax3A : i32 to vector<16xi32>
        %masked_cummax3A_417 = arith.xori %select_n3A, %masked_cummax3A_416 : vector<16xi32>
        %masked_cummax3A_418 = tpu.scan <max>, %masked_cummax3A_417 masked %broadcast_in_dim3A_415 : vector<16xi32>, vector<16xi1> -> vector<16xi32>
        %masked_cummax3A_419 = arith.xori %masked_cummax3A_418, %masked_cummax3A_416 : vector<16xi32>
        %sub3A_420 = arith.subi %iota3A, %masked_cummax3A_419 : vector<16xi32>
        %add3A_421 = arith.constant 1 : i32
        %add3A_422 = vector.broadcast %add3A_421 : i32 to vector<16xi32>
        %add3A_423 = arith.addi %sub3A_420, %add3A_422 : vector<16xi32>
        %convert_element_type3A_424 = arith.sitofp %add3A_423 : vector<16xi32> to vector<16xf32>
        tpu.vector_store_idx %arg27[%masked_sort3A_401], %convert_element_type3A_424 masked %or3A_413 {add = true} : memref<10112xf32, #tpu.memory_space<vmem>>[vector<16xi32>], vector<16xf32>, vector<16xi1>
        %get3A_425 = arith.constant 16 : index
        %get3A_426 = tpu.vector_load %arg18[%get3A_425] {strides = array<i32>} : memref<64xi32, #tpu.memory_space<vmem>>, vector<16xi32>,
        %masked_sort3A_427 = arith.constant dense<true> : vector<16xi1>
        %masked_sort3A_428 = arith.constant -2147483648 : i32
        %masked_sort3A_429 = vector.broadcast %masked_sort3A_428 : i32 to vector<16xi32>
        %masked_sort3A_430 = arith.xori %get3A_426, %masked_sort3A_429 : vector<16xi32>
        %masked_sort3A_431, %masked_sort3A_432, %masked_sort3A_433 = tpu.sort %masked_sort3A_430, %get3A_426 masked %masked_sort3A_427 : (vector<16xi32>, vector<16xi32>, vector<16xi1>) -> (vector<16xi1>, vector<16xi32>, vector<16xi32>)
        %masked_sort3A_434 = arith.xori %masked_sort3A_432, %masked_sort3A_429 : vector<16xi32>
        %reshape3A_435 = vector.shape_cast %max3A_388 : vector<16xi32> to vector<16x1xi32>
        %gather3A_436 = vector.shape_cast %reshape3A_435 : vector<16x1xi32> to vector<16xi32>
        %gather3A_437 = tpu.dynamic_gather %masked_sort3A_434[%gather3A_436] in [0] : vector<16xi32>, vector<16xi32> -> vector<16xi32>
        %reshape3A_438 = vector.shape_cast %min3A_393 : vector<16xi32> to vector<16x1xi32>
        %gather3A_439 = vector.shape_cast %reshape3A_438 : vector<16x1xi32> to vector<16xi32>
        %gather3A_440 = tpu.dynamic_gather %masked_sort3A_434[%gather3A_439] in [0] : vector<16xi32>, vector<16xi32> -> vector<16xi32>
        %eq3A_441 = arith.constant 0 : i32
        %eq3A_442 = vector.broadcast %eq3A_441 : i32 to vector<16xi32>
        %eq3A_443 = arith.cmpi eq, %iota3A, %eq3A_442 : vector<16xi32>
        %ne3A_444 = arith.cmpi ne, %masked_sort3A_434, %gather3A_437 : vector<16xi32>
        %or3A_445 = arith.ori %eq3A_443, %ne3A_444 : vector<16xi1>
        %eq3A_446 = arith.constant 15 : i32
        %eq3A_447 = vector.broadcast %eq3A_446 : i32 to vector<16xi32>
        %eq3A_448 = arith.cmpi eq, %iota3A, %eq3A_447 : vector<16xi32>
        %ne3A_449 = arith.cmpi ne, %masked_sort3A_434, %gather3A_440 : vector<16xi32>
        %or3A_450 = arith.ori %eq3A_448, %ne3A_449 : vector<16xi1>
        %jit3A_451 = arith.constant 0 : i32
        %broadcast_in_dim3A_452 = vector.broadcast %jit3A_451 : i32 to vector<16xi32>
        %select_n3A_453 = arith.select %or3A_445, %iota3A, %broadcast_in_dim3A_452 : vector<16xi1>, vector<16xi32>
        %broadcast_in_dim3A_454 = arith.constant true
        %broadcast_in_dim3A_455 = vector.broadcast %broadcast_in_dim3A_454 : i1 to vector<16xi1>
        %masked_cummax3A_456 = arith.constant -2147483648 : i32
        %masked_cummax3A_457 = vector.broadcast %masked_cummax3A_456 : i32 to vector<16xi32>
        %masked_cummax3A_458 = arith.xori %select_n3A_453, %masked_cummax3A_457 : vector<16xi32>
        %masked_cummax3A_459 = tpu.scan <max>, %masked_cummax3A_458 masked %broadcast_in_dim3A_455 : vector<16xi32>, vector<16xi1> -> vector<16xi32>
        %masked_cummax3A_460 = arith.xori %masked_cummax3A_459, %masked_cummax3A_457 : vector<16xi32>
        %sub3A_461 = arith.subi %iota3A, %masked_cummax3A_460 : vector<16xi32>
        %add3A_462 = arith.constant 1 : i32
        %add3A_463 = vector.broadcast %add3A_462 : i32 to vector<16xi32>
        %add3A_464 = arith.addi %sub3A_461, %add3A_463 : vector<16xi32>
        %convert_element_type3A_465 = arith.sitofp %add3A_464 : vector<16xi32> to vector<16xf32>
        tpu.vector_store_idx %arg27[%masked_sort3A_434], %convert_element_type3A_465 masked %or3A_450 {add = true} : memref<10112xf32, #tpu.memory_space<vmem>>[vector<16xi32>], vector<16xf32>, vector<16xi1>
        %get3A_466 = arith.constant 32 : index
        %get3A_467 = tpu.vector_load %arg18[%get3A_466] {strides = array<i32>} : memref<64xi32, #tpu.memory_space<vmem>>, vector<16xi32>,
        %masked_sort3A_468 = arith.constant dense<true> : vector<16xi1>
        %masked_sort3A_469 = arith.constant -2147483648 : i32
        %masked_sort3A_470 = vector.broadcast %masked_sort3A_469 : i32 to vector<16xi32>
        %masked_sort3A_471 = arith.xori %get3A_467, %masked_sort3A_470 : vector<16xi32>
        %masked_sort3A_472, %masked_sort3A_473, %masked_sort3A_474 = tpu.sort %masked_sort3A_471, %get3A_467 masked %masked_sort3A_468 : (vector<16xi32>, vector<16xi32>, vector<16xi1>) -> (vector<16xi1>, vector<16xi32>, vector<16xi32>)
        %masked_sort3A_475 = arith.xori %masked_sort3A_473, %masked_sort3A_470 : vector<16xi32>
        %reshape3A_476 = vector.shape_cast %max3A_388 : vector<16xi32> to vector<16x1xi32>
        %gather3A_477 = vector.shape_cast %reshape3A_476 : vector<16x1xi32> to vector<16xi32>
        %gather3A_478 = tpu.dynamic_gather %masked_sort3A_475[%gather3A_477] in [0] : vector<16xi32>, vector<16xi32> -> vector<16xi32>
        %reshape3A_479 = vector.shape_cast %min3A_393 : vector<16xi32> to vector<16x1xi32>
        %gather3A_480 = vector.shape_cast %reshape3A_479 : vector<16x1xi32> to vector<16xi32>
        %gather3A_481 = tpu.dynamic_gather %masked_sort3A_475[%gather3A_480] in [0] : vector<16xi32>, vector<16xi32> -> vector<16xi32>
        %eq3A_482 = arith.constant 0 : i32
        %eq3A_483 = vector.broadcast %eq3A_482 : i32 to vector<16xi32>
        %eq3A_484 = arith.cmpi eq, %iota3A, %eq3A_483 : vector<16xi32>
        %ne3A_485 = arith.cmpi ne, %masked_sort3A_475, %gather3A_478 : vector<16xi32>
        %or3A_486 = arith.ori %eq3A_484, %ne3A_485 : vector<16xi1>
        %eq3A_487 = arith.constant 15 : i32
        %eq3A_488 = vector.broadcast %eq3A_487 : i32 to vector<16xi32>
        %eq3A_489 = arith.cmpi eq, %iota3A, %eq3A_488 : vector<16xi32>
        %ne3A_490 = arith.cmpi ne, %masked_sort3A_475, %gather3A_481 : vector<16xi32>
        %or3A_491 = arith.ori %eq3A_489, %ne3A_490 : vector<16xi1>
        %jit3A_492 = arith.constant 0 : i32
        %broadcast_in_dim3A_493 = vector.broadcast %jit3A_492 : i32 to vector<16xi32>
        %select_n3A_494 = arith.select %or3A_486, %iota3A, %broadcast_in_dim3A_493 : vector<16xi1>, vector<16xi32>
        %broadcast_in_dim3A_495 = arith.constant true
        %broadcast_in_dim3A_496 = vector.broadcast %broadcast_in_dim3A_495 : i1 to vector<16xi1>
        %masked_cummax3A_497 = arith.constant -2147483648 : i32
        %masked_cummax3A_498 = vector.broadcast %masked_cummax3A_497 : i32 to vector<16xi32>
        %masked_cummax3A_499 = arith.xori %select_n3A_494, %masked_cummax3A_498 : vector<16xi32>
        %masked_cummax3A_500 = tpu.scan <max>, %masked_cummax3A_499 masked %broadcast_in_dim3A_496 : vector<16xi32>, vector<16xi1> -> vector<16xi32>
        %masked_cummax3A_501 = arith.xori %masked_cummax3A_500, %masked_cummax3A_498 : vector<16xi32>
        %sub3A_502 = arith.subi %iota3A, %masked_cummax3A_501 : vector<16xi32>
        %add3A_503 = arith.constant 1 : i32
        %add3A_504 = vector.broadcast %add3A_503 : i32 to vector<16xi32>
        %add3A_505 = arith.addi %sub3A_502, %add3A_504 : vector<16xi32>
        %convert_element_type3A_506 = arith.sitofp %add3A_505 : vector<16xi32> to vector<16xf32>
        tpu.vector_store_idx %arg27[%masked_sort3A_475], %convert_element_type3A_506 masked %or3A_491 {add = true} : memref<10112xf32, #tpu.memory_space<vmem>>[vector<16xi32>], vector<16xf32>, vector<16xi1>
        %get3A_507 = arith.constant 48 : index
        %get3A_508 = tpu.vector_load %arg18[%get3A_507] {strides = array<i32>} : memref<64xi32, #tpu.memory_space<vmem>>, vector<16xi32>,
        %masked_sort3A_509 = arith.constant dense<true> : vector<16xi1>
        %masked_sort3A_510 = arith.constant -2147483648 : i32
        %masked_sort3A_511 = vector.broadcast %masked_sort3A_510 : i32 to vector<16xi32>
        %masked_sort3A_512 = arith.xori %get3A_508, %masked_sort3A_511 : vector<16xi32>
        %masked_sort3A_513, %masked_sort3A_514, %masked_sort3A_515 = tpu.sort %masked_sort3A_512, %get3A_508 masked %masked_sort3A_509 : (vector<16xi32>, vector<16xi32>, vector<16xi1>) -> (vector<16xi1>, vector<16xi32>, vector<16xi32>)
        %masked_sort3A_516 = arith.xori %masked_sort3A_514, %masked_sort3A_511 : vector<16xi32>
        %reshape3A_517 = vector.shape_cast %max3A_388 : vector<16xi32> to vector<16x1xi32>
        %gather3A_518 = vector.shape_cast %reshape3A_517 : vector<16x1xi32> to vector<16xi32>
        %gather3A_519 = tpu.dynamic_gather %masked_sort3A_516[%gather3A_518] in [0] : vector<16xi32>, vector<16xi32> -> vector<16xi32>
        %reshape3A_520 = vector.shape_cast %min3A_393 : vector<16xi32> to vector<16x1xi32>
        %gather3A_521 = vector.shape_cast %reshape3A_520 : vector<16x1xi32> to vector<16xi32>
        %gather3A_522 = tpu.dynamic_gather %masked_sort3A_516[%gather3A_521] in [0] : vector<16xi32>, vector<16xi32> -> vector<16xi32>
        %eq3A_523 = arith.constant 0 : i32
        %eq3A_524 = vector.broadcast %eq3A_523 : i32 to vector<16xi32>
        %eq3A_525 = arith.cmpi eq, %iota3A, %eq3A_524 : vector<16xi32>
        %ne3A_526 = arith.cmpi ne, %masked_sort3A_516, %gather3A_519 : vector<16xi32>
        %or3A_527 = arith.ori %eq3A_525, %ne3A_526 : vector<16xi1>
        %eq3A_528 = arith.constant 15 : i32
        %eq3A_529 = vector.broadcast %eq3A_528 : i32 to vector<16xi32>
        %eq3A_530 = arith.cmpi eq, %iota3A, %eq3A_529 : vector<16xi32>
        %ne3A_531 = arith.cmpi ne, %masked_sort3A_516, %gather3A_522 : vector<16xi32>
        %or3A_532 = arith.ori %eq3A_530, %ne3A_531 : vector<16xi1>
        %jit3A_533 = arith.constant 0 : i32
        %broadcast_in_dim3A_534 = vector.broadcast %jit3A_533 : i32 to vector<16xi32>
        %select_n3A_535 = arith.select %or3A_527, %iota3A, %broadcast_in_dim3A_534 : vector<16xi1>, vector<16xi32>
        %broadcast_in_dim3A_536 = arith.constant true
        %broadcast_in_dim3A_537 = vector.broadcast %broadcast_in_dim3A_536 : i1 to vector<16xi1>
        %masked_cummax3A_538 = arith.constant -2147483648 : i32
        %masked_cummax3A_539 = vector.broadcast %masked_cummax3A_538 : i32 to vector<16xi32>
        %masked_cummax3A_540 = arith.xori %select_n3A_535, %masked_cummax3A_539 : vector<16xi32>
        %masked_cummax3A_541 = tpu.scan <max>, %masked_cummax3A_540 masked %broadcast_in_dim3A_537 : vector<16xi32>, vector<16xi1> -> vector<16xi32>
        %masked_cummax3A_542 = arith.xori %masked_cummax3A_541, %masked_cummax3A_539 : vector<16xi32>
        %sub3A_543 = arith.subi %iota3A, %masked_cummax3A_542 : vector<16xi32>
        %add3A_544 = arith.constant 1 : i32
        %add3A_545 = vector.broadcast %add3A_544 : i32 to vector<16xi32>
        %add3A_546 = arith.addi %sub3A_543, %add3A_545 : vector<16xi32>
        %convert_element_type3A_547 = arith.sitofp %add3A_546 : vector<16xi32> to vector<16xf32>
        tpu.vector_store_idx %arg27[%masked_sort3A_516], %convert_element_type3A_547 masked %or3A_532 {add = true} : memref<10112xf32, #tpu.memory_space<vmem>>[vector<16xi32>], vector<16xf32>, vector<16xi1>
      } else {
      }
      %mul3A_252 = arith.constant 8 : i32
      %mul3A_253 = arith.muli %scan3A_124, %mul3A_252 : i32
      %add3A_254 = arith.constant 4 : i32
      %add3A_255 = arith.addi %mul3A_253, %add3A_254 : i32
      %dma_wait3A_256 = arith.constant 0 : i32
      %dma_wait3A_257 = arith.constant 0 : i32
      %dma_wait3A_258 = tpu.memref_slice %arg2[%dma_wait3A_256, %dma_wait3A_257] : memref<20000x128xf32, #tpu.memory_space<hbm>> -> memref<20000x128xf32, #tpu.memory_space<hbm>>
      tpu.wait_indirect_dma semaphore(%arg45 : memref<!tpu.dma_semaphore, #tpu.memory_space<semaphore_mem>>) src(%dma_wait3A_258 : memref<20000x128xf32, #tpu.memory_space<hbm>>) dst(%arg23 : memref<64x128xf32, #tpu.memory_space<vmem>>)
      %dma_start3A_259 = arith.constant 0 : i32
      %dma_start3A_260 = arith.constant 0 : i32
      %dma_start3A_261 = tpu.memref_slice %arg28[%dma_start3A_259, %dma_start3A_260] : memref<10112x128xf32, #tpu.memory_space<vmem_shared>> -> memref<10112x128xf32, #tpu.memory_space<vmem_shared>>
      tpu.enqueue_indirect_dma source(%arg23 : memref<64x128xf32, #tpu.memory_space<vmem>>) target(%dma_start3A_261 : memref<10112x128xf32, #tpu.memory_space<vmem_shared>>) offsets(%arg19 : memref<64xi32, #tpu.memory_space<vmem>>) semaphore(%arg49 : memref<!tpu.dma_semaphore, #tpu.memory_space<semaphore_mem>>) {add = true}
      %ge3A_262 = arith.constant 2 : i32
      %ge3A_263 = arith.cmpi sge, %add3A_255, %ge3A_262 : i32
      %convert_element_type3A_264 = arith.extui %ge3A_263 : i1 to i32
      %cond3A_265 = arith.constant 0 : i32
      %cond3A_266 = arith.cmpi ne, %convert_element_type3A_264, %cond3A_265 : i32
      scf.if %cond3A_266 {
        %dma_wait3A_384 = arith.constant 0 : i32
        %dma_wait3A_385 = arith.constant 0 : i32
        %dma_wait3A_386 = tpu.memref_slice %arg28[%dma_wait3A_384, %dma_wait3A_385] : memref<10112x128xf32, #tpu.memory_space<vmem_shared>> -> memref<10112x128xf32, #tpu.memory_space<vmem_shared>>
        tpu.wait_indirect_dma semaphore(%arg51 : memref<!tpu.dma_semaphore, #tpu.memory_space<semaphore_mem>>) src(%arg25 : memref<64x128xf32, #tpu.memory_space<vmem>>) dst(%dma_wait3A_386 : memref<10112x128xf32, #tpu.memory_space<vmem_shared>>)
      } else {
      }
      %add3A_267 = arith.constant 6 : i32
      %add3A_268 = arith.addi %add3A_255, %add3A_267 : i32
      %lt3A_269 = arith.constant 160 : i32
      %lt3A_270 = arith.cmpi slt, %add3A_268, %lt3A_269 : i32
      %convert_element_type3A_271 = arith.extui %lt3A_270 : i1 to i32
      %cond3A_272 = arith.constant 0 : i32
      %cond3A_273 = arith.cmpi ne, %convert_element_type3A_271, %cond3A_272 : i32
      scf.if %cond3A_273 {
        %add3A_384 = arith.constant 6 : i32
        %add3A_385 = arith.addi %add3A_255, %add3A_384 : i32
        %mul3A_386 = arith.constant 64 : i32
        %mul3A_387 = arith.muli %add3A_385, %mul3A_386 : i32
        %add3A_388 = arith.addi %add3A_38, %mul3A_387 : i32
        %dma_start3A_389 = tpu.memref_slice %arg3[%add3A_388] : memref<327680xi32, #tpu.memory_space<hbm>> -> memref<64xi32, #tpu.memory_space<hbm>>
        %dma_start3A_390 = tpu.memref_slice %arg3[%add3A_388] : memref<327680xi32, #tpu.memory_space<hbm>> -> memref<64xi32, #tpu.memory_space<hbm>>
        tpu.enqueue_dma source(%dma_start3A_390 : memref<64xi32, #tpu.memory_space<hbm>>) target(%arg9 : memref<64xi32, #tpu.memory_space<vmem>>) target_semaphore(%arg31 : memref<!tpu.dma_semaphore, #tpu.memory_space<semaphore_mem>>)
        %mul3A_391 = arith.constant 64 : i32
        %mul3A_392 = arith.muli %add3A_385, %mul3A_391 : i32
        %add3A_393 = arith.addi %mul3A_35, %mul3A_392 : i32
        %dma_start3A_394 = tpu.memref_slice %arg4[%add3A_393] : memref<163840xi32, #tpu.memory_space<hbm>> -> memref<64xi32, #tpu.memory_space<hbm>>
        %dma_start3A_395 = tpu.memref_slice %arg4[%add3A_393] : memref<163840xi32, #tpu.memory_space<hbm>> -> memref<64xi32, #tpu.memory_space<hbm>>
        tpu.enqueue_dma source(%dma_start3A_395 : memref<64xi32, #tpu.memory_space<hbm>>) target(%arg17 : memref<64xi32, #tpu.memory_space<vmem>>) target_semaphore(%arg39 : memref<!tpu.dma_semaphore, #tpu.memory_space<semaphore_mem>>)
      } else {
      }
      %add3A_274 = arith.constant 2 : i32
      %add3A_275 = arith.addi %add3A_255, %add3A_274 : i32
      %lt3A_276 = arith.constant 160 : i32
      %lt3A_277 = arith.cmpi slt, %add3A_275, %lt3A_276 : i32
      %convert_element_type3A_278 = arith.extui %lt3A_277 : i1 to i32
      %cond3A_279 = arith.constant 0 : i32
      %cond3A_280 = arith.cmpi ne, %convert_element_type3A_278, %cond3A_279 : i32
      scf.if %cond3A_280 {
        %add3A_384 = arith.constant 2 : i32
        %add3A_385 = arith.addi %add3A_255, %add3A_384 : i32
        %mul3A_386 = arith.constant 64 : i32
        %mul3A_387 = arith.muli %add3A_385, %mul3A_386 : i32
        %add3A_388 = arith.addi %add3A_38, %mul3A_387 : i32
        %dma_wait3A_389 = tpu.memref_slice %arg3[%add3A_388] : memref<327680xi32, #tpu.memory_space<hbm>> -> memref<64xi32, #tpu.memory_space<hbm>>
        %dma_wait3A_390 = tpu.memref_slice %arg3[%add3A_388] : memref<327680xi32, #tpu.memory_space<hbm>> -> memref<64xi32, #tpu.memory_space<hbm>>
        tpu.wait_dma2 semaphore(%arg35 : memref<!tpu.dma_semaphore, #tpu.memory_space<semaphore_mem>>) src(%dma_wait3A_390 : memref<64xi32, #tpu.memory_space<hbm>>) dst(%arg13 : memref<64xi32, #tpu.memory_space<vmem>>)
        %mul3A_391 = arith.constant 64 : i32
        %mul3A_392 = arith.muli %add3A_385, %mul3A_391 : i32
        %add3A_393 = arith.addi %mul3A_35, %mul3A_392 : i32
        %dma_wait3A_394 = tpu.memref_slice %arg4[%add3A_393] : memref<163840xi32, #tpu.memory_space<hbm>> -> memref<64xi32, #tpu.memory_space<hbm>>
        %dma_wait3A_395 = tpu.memref_slice %arg4[%add3A_393] : memref<163840xi32, #tpu.memory_space<hbm>> -> memref<64xi32, #tpu.memory_space<hbm>>
        tpu.wait_dma2 semaphore(%arg43 : memref<!tpu.dma_semaphore, #tpu.memory_space<semaphore_mem>>) src(%dma_wait3A_395 : memref<64xi32, #tpu.memory_space<hbm>>) dst(%arg21 : memref<64xi32, #tpu.memory_space<vmem>>)
        %dma_start3A_396 = arith.constant 0 : i32
        %dma_start3A_397 = arith.constant 0 : i32
        %dma_start3A_398 = tpu.memref_slice %arg2[%dma_start3A_396, %dma_start3A_397] : memref<20000x128xf32, #tpu.memory_space<hbm>> -> memref<20000x128xf32, #tpu.memory_space<hbm>>
        tpu.enqueue_indirect_dma source(%dma_start3A_398 : memref<20000x128xf32, #tpu.memory_space<hbm>>) target(%arg25 : memref<64x128xf32, #tpu.memory_space<vmem>>) offsets(%arg13 : memref<64xi32, #tpu.memory_space<vmem>>) semaphore(%arg47 : memref<!tpu.dma_semaphore, #tpu.memory_space<semaphore_mem>>)
      } else {
      }
      %convert_element_type3A_281 = arith.extui %eq3A_39 : i1 to i32
      %cond3A_282 = arith.constant 0 : i32
      %cond3A_283 = arith.cmpi ne, %convert_element_type3A_281, %cond3A_282 : i32
      scf.if %cond3A_283 {
        %iota3A = tpu.iota {dimensions = array<i32: 0>} : vector<16xi32>
        %sub3A_384 = arith.constant 1 : i32
        %sub3A_385 = vector.broadcast %sub3A_384 : i32 to vector<16xi32>
        %sub3A_386 = arith.subi %iota3A, %sub3A_385 : vector<16xi32>
        %max3A = arith.constant 0 : i32
        %max3A_387 = vector.broadcast %max3A : i32 to vector<16xi32>
        %max3A_388 = arith.maxsi %sub3A_386, %max3A_387 : vector<16xi32>
        %add3A_389 = arith.constant 1 : i32
        %add3A_390 = vector.broadcast %add3A_389 : i32 to vector<16xi32>
        %add3A_391 = arith.addi %iota3A, %add3A_390 : vector<16xi32>
        %min3A = arith.constant 15 : i32
        %min3A_392 = vector.broadcast %min3A : i32 to vector<16xi32>
        %min3A_393 = arith.minsi %add3A_391, %min3A_392 : vector<16xi32>
        %get3A = arith.constant 0 : index
        %get3A_394 = tpu.vector_load %arg19[%get3A] {strides = array<i32>} : memref<64xi32, #tpu.memory_space<vmem>>, vector<16xi32>,
        %masked_sort3A = arith.constant dense<true> : vector<16xi1>
        %masked_sort3A_395 = arith.constant -2147483648 : i32
        %masked_sort3A_396 = vector.broadcast %masked_sort3A_395 : i32 to vector<16xi32>
        %masked_sort3A_397 = arith.xori %get3A_394, %masked_sort3A_396 : vector<16xi32>
        %masked_sort3A_398, %masked_sort3A_399, %masked_sort3A_400 = tpu.sort %masked_sort3A_397, %get3A_394 masked %masked_sort3A : (vector<16xi32>, vector<16xi32>, vector<16xi1>) -> (vector<16xi1>, vector<16xi32>, vector<16xi32>)
        %masked_sort3A_401 = arith.xori %masked_sort3A_399, %masked_sort3A_396 : vector<16xi32>
        %reshape3A = vector.shape_cast %max3A_388 : vector<16xi32> to vector<16x1xi32>
        %gather3A = vector.shape_cast %reshape3A : vector<16x1xi32> to vector<16xi32>
        %gather3A_402 = tpu.dynamic_gather %masked_sort3A_401[%gather3A] in [0] : vector<16xi32>, vector<16xi32> -> vector<16xi32>
        %reshape3A_403 = vector.shape_cast %min3A_393 : vector<16xi32> to vector<16x1xi32>
        %gather3A_404 = vector.shape_cast %reshape3A_403 : vector<16x1xi32> to vector<16xi32>
        %gather3A_405 = tpu.dynamic_gather %masked_sort3A_401[%gather3A_404] in [0] : vector<16xi32>, vector<16xi32> -> vector<16xi32>
        %eq3A_406 = arith.constant 0 : i32
        %eq3A_407 = vector.broadcast %eq3A_406 : i32 to vector<16xi32>
        %eq3A_408 = arith.cmpi eq, %iota3A, %eq3A_407 : vector<16xi32>
        %ne3A = arith.cmpi ne, %masked_sort3A_401, %gather3A_402 : vector<16xi32>
        %or3A = arith.ori %eq3A_408, %ne3A : vector<16xi1>
        %eq3A_409 = arith.constant 15 : i32
        %eq3A_410 = vector.broadcast %eq3A_409 : i32 to vector<16xi32>
        %eq3A_411 = arith.cmpi eq, %iota3A, %eq3A_410 : vector<16xi32>
        %ne3A_412 = arith.cmpi ne, %masked_sort3A_401, %gather3A_405 : vector<16xi32>
        %or3A_413 = arith.ori %eq3A_411, %ne3A_412 : vector<16xi1>
        %jit3A = arith.constant 0 : i32
        %broadcast_in_dim3A = vector.broadcast %jit3A : i32 to vector<16xi32>
        %select_n3A = arith.select %or3A, %iota3A, %broadcast_in_dim3A : vector<16xi1>, vector<16xi32>
        %broadcast_in_dim3A_414 = arith.constant true
        %broadcast_in_dim3A_415 = vector.broadcast %broadcast_in_dim3A_414 : i1 to vector<16xi1>
        %masked_cummax3A = arith.constant -2147483648 : i32
        %masked_cummax3A_416 = vector.broadcast %masked_cummax3A : i32 to vector<16xi32>
        %masked_cummax3A_417 = arith.xori %select_n3A, %masked_cummax3A_416 : vector<16xi32>
        %masked_cummax3A_418 = tpu.scan <max>, %masked_cummax3A_417 masked %broadcast_in_dim3A_415 : vector<16xi32>, vector<16xi1> -> vector<16xi32>
        %masked_cummax3A_419 = arith.xori %masked_cummax3A_418, %masked_cummax3A_416 : vector<16xi32>
        %sub3A_420 = arith.subi %iota3A, %masked_cummax3A_419 : vector<16xi32>
        %add3A_421 = arith.constant 1 : i32
        %add3A_422 = vector.broadcast %add3A_421 : i32 to vector<16xi32>
        %add3A_423 = arith.addi %sub3A_420, %add3A_422 : vector<16xi32>
        %convert_element_type3A_424 = arith.sitofp %add3A_423 : vector<16xi32> to vector<16xf32>
        tpu.vector_store_idx %arg27[%masked_sort3A_401], %convert_element_type3A_424 masked %or3A_413 {add = true} : memref<10112xf32, #tpu.memory_space<vmem>>[vector<16xi32>], vector<16xf32>, vector<16xi1>
        %get3A_425 = arith.constant 16 : index
        %get3A_426 = tpu.vector_load %arg19[%get3A_425] {strides = array<i32>} : memref<64xi32, #tpu.memory_space<vmem>>, vector<16xi32>,
        %masked_sort3A_427 = arith.constant dense<true> : vector<16xi1>
        %masked_sort3A_428 = arith.constant -2147483648 : i32
        %masked_sort3A_429 = vector.broadcast %masked_sort3A_428 : i32 to vector<16xi32>
        %masked_sort3A_430 = arith.xori %get3A_426, %masked_sort3A_429 : vector<16xi32>
        %masked_sort3A_431, %masked_sort3A_432, %masked_sort3A_433 = tpu.sort %masked_sort3A_430, %get3A_426 masked %masked_sort3A_427 : (vector<16xi32>, vector<16xi32>, vector<16xi1>) -> (vector<16xi1>, vector<16xi32>, vector<16xi32>)
        %masked_sort3A_434 = arith.xori %masked_sort3A_432, %masked_sort3A_429 : vector<16xi32>
        %reshape3A_435 = vector.shape_cast %max3A_388 : vector<16xi32> to vector<16x1xi32>
        %gather3A_436 = vector.shape_cast %reshape3A_435 : vector<16x1xi32> to vector<16xi32>
        %gather3A_437 = tpu.dynamic_gather %masked_sort3A_434[%gather3A_436] in [0] : vector<16xi32>, vector<16xi32> -> vector<16xi32>
        %reshape3A_438 = vector.shape_cast %min3A_393 : vector<16xi32> to vector<16x1xi32>
        %gather3A_439 = vector.shape_cast %reshape3A_438 : vector<16x1xi32> to vector<16xi32>
        %gather3A_440 = tpu.dynamic_gather %masked_sort3A_434[%gather3A_439] in [0] : vector<16xi32>, vector<16xi32> -> vector<16xi32>
        %eq3A_441 = arith.constant 0 : i32
        %eq3A_442 = vector.broadcast %eq3A_441 : i32 to vector<16xi32>
        %eq3A_443 = arith.cmpi eq, %iota3A, %eq3A_442 : vector<16xi32>
        %ne3A_444 = arith.cmpi ne, %masked_sort3A_434, %gather3A_437 : vector<16xi32>
        %or3A_445 = arith.ori %eq3A_443, %ne3A_444 : vector<16xi1>
        %eq3A_446 = arith.constant 15 : i32
        %eq3A_447 = vector.broadcast %eq3A_446 : i32 to vector<16xi32>
        %eq3A_448 = arith.cmpi eq, %iota3A, %eq3A_447 : vector<16xi32>
        %ne3A_449 = arith.cmpi ne, %masked_sort3A_434, %gather3A_440 : vector<16xi32>
        %or3A_450 = arith.ori %eq3A_448, %ne3A_449 : vector<16xi1>
        %jit3A_451 = arith.constant 0 : i32
        %broadcast_in_dim3A_452 = vector.broadcast %jit3A_451 : i32 to vector<16xi32>
        %select_n3A_453 = arith.select %or3A_445, %iota3A, %broadcast_in_dim3A_452 : vector<16xi1>, vector<16xi32>
        %broadcast_in_dim3A_454 = arith.constant true
        %broadcast_in_dim3A_455 = vector.broadcast %broadcast_in_dim3A_454 : i1 to vector<16xi1>
        %masked_cummax3A_456 = arith.constant -2147483648 : i32
        %masked_cummax3A_457 = vector.broadcast %masked_cummax3A_456 : i32 to vector<16xi32>
        %masked_cummax3A_458 = arith.xori %select_n3A_453, %masked_cummax3A_457 : vector<16xi32>
        %masked_cummax3A_459 = tpu.scan <max>, %masked_cummax3A_458 masked %broadcast_in_dim3A_455 : vector<16xi32>, vector<16xi1> -> vector<16xi32>
        %masked_cummax3A_460 = arith.xori %masked_cummax3A_459, %masked_cummax3A_457 : vector<16xi32>
        %sub3A_461 = arith.subi %iota3A, %masked_cummax3A_460 : vector<16xi32>
        %add3A_462 = arith.constant 1 : i32
        %add3A_463 = vector.broadcast %add3A_462 : i32 to vector<16xi32>
        %add3A_464 = arith.addi %sub3A_461, %add3A_463 : vector<16xi32>
        %convert_element_type3A_465 = arith.sitofp %add3A_464 : vector<16xi32> to vector<16xf32>
        tpu.vector_store_idx %arg27[%masked_sort3A_434], %convert_element_type3A_465 masked %or3A_450 {add = true} : memref<10112xf32, #tpu.memory_space<vmem>>[vector<16xi32>], vector<16xf32>, vector<16xi1>
        %get3A_466 = arith.constant 32 : index
        %get3A_467 = tpu.vector_load %arg19[%get3A_466] {strides = array<i32>} : memref<64xi32, #tpu.memory_space<vmem>>, vector<16xi32>,
        %masked_sort3A_468 = arith.constant dense<true> : vector<16xi1>
        %masked_sort3A_469 = arith.constant -2147483648 : i32
        %masked_sort3A_470 = vector.broadcast %masked_sort3A_469 : i32 to vector<16xi32>
        %masked_sort3A_471 = arith.xori %get3A_467, %masked_sort3A_470 : vector<16xi32>
        %masked_sort3A_472, %masked_sort3A_473, %masked_sort3A_474 = tpu.sort %masked_sort3A_471, %get3A_467 masked %masked_sort3A_468 : (vector<16xi32>, vector<16xi32>, vector<16xi1>) -> (vector<16xi1>, vector<16xi32>, vector<16xi32>)
        %masked_sort3A_475 = arith.xori %masked_sort3A_473, %masked_sort3A_470 : vector<16xi32>
        %reshape3A_476 = vector.shape_cast %max3A_388 : vector<16xi32> to vector<16x1xi32>
        %gather3A_477 = vector.shape_cast %reshape3A_476 : vector<16x1xi32> to vector<16xi32>
        %gather3A_478 = tpu.dynamic_gather %masked_sort3A_475[%gather3A_477] in [0] : vector<16xi32>, vector<16xi32> -> vector<16xi32>
        %reshape3A_479 = vector.shape_cast %min3A_393 : vector<16xi32> to vector<16x1xi32>
        %gather3A_480 = vector.shape_cast %reshape3A_479 : vector<16x1xi32> to vector<16xi32>
        %gather3A_481 = tpu.dynamic_gather %masked_sort3A_475[%gather3A_480] in [0] : vector<16xi32>, vector<16xi32> -> vector<16xi32>
        %eq3A_482 = arith.constant 0 : i32
        %eq3A_483 = vector.broadcast %eq3A_482 : i32 to vector<16xi32>
        %eq3A_484 = arith.cmpi eq, %iota3A, %eq3A_483 : vector<16xi32>
        %ne3A_485 = arith.cmpi ne, %masked_sort3A_475, %gather3A_478 : vector<16xi32>
        %or3A_486 = arith.ori %eq3A_484, %ne3A_485 : vector<16xi1>
        %eq3A_487 = arith.constant 15 : i32
        %eq3A_488 = vector.broadcast %eq3A_487 : i32 to vector<16xi32>
        %eq3A_489 = arith.cmpi eq, %iota3A, %eq3A_488 : vector<16xi32>
        %ne3A_490 = arith.cmpi ne, %masked_sort3A_475, %gather3A_481 : vector<16xi32>
        %or3A_491 = arith.ori %eq3A_489, %ne3A_490 : vector<16xi1>
        %jit3A_492 = arith.constant 0 : i32
        %broadcast_in_dim3A_493 = vector.broadcast %jit3A_492 : i32 to vector<16xi32>
        %select_n3A_494 = arith.select %or3A_486, %iota3A, %broadcast_in_dim3A_493 : vector<16xi1>, vector<16xi32>
        %broadcast_in_dim3A_495 = arith.constant true
        %broadcast_in_dim3A_496 = vector.broadcast %broadcast_in_dim3A_495 : i1 to vector<16xi1>
        %masked_cummax3A_497 = arith.constant -2147483648 : i32
        %masked_cummax3A_498 = vector.broadcast %masked_cummax3A_497 : i32 to vector<16xi32>
        %masked_cummax3A_499 = arith.xori %select_n3A_494, %masked_cummax3A_498 : vector<16xi32>
        %masked_cummax3A_500 = tpu.scan <max>, %masked_cummax3A_499 masked %broadcast_in_dim3A_496 : vector<16xi32>, vector<16xi1> -> vector<16xi32>
        %masked_cummax3A_501 = arith.xori %masked_cummax3A_500, %masked_cummax3A_498 : vector<16xi32>
        %sub3A_502 = arith.subi %iota3A, %masked_cummax3A_501 : vector<16xi32>
        %add3A_503 = arith.constant 1 : i32
        %add3A_504 = vector.broadcast %add3A_503 : i32 to vector<16xi32>
        %add3A_505 = arith.addi %sub3A_502, %add3A_504 : vector<16xi32>
        %convert_element_type3A_506 = arith.sitofp %add3A_505 : vector<16xi32> to vector<16xf32>
        tpu.vector_store_idx %arg27[%masked_sort3A_475], %convert_element_type3A_506 masked %or3A_491 {add = true} : memref<10112xf32, #tpu.memory_space<vmem>>[vector<16xi32>], vector<16xf32>, vector<16xi1>
        %get3A_507 = arith.constant 48 : index
        %get3A_508 = tpu.vector_load %arg19[%get3A_507] {strides = array<i32>} : memref<64xi32, #tpu.memory_space<vmem>>, vector<16xi32>,
        %masked_sort3A_509 = arith.constant dense<true> : vector<16xi1>
        %masked_sort3A_510 = arith.constant -2147483648 : i32
        %masked_sort3A_511 = vector.broadcast %masked_sort3A_510 : i32 to vector<16xi32>
        %masked_sort3A_512 = arith.xori %get3A_508, %masked_sort3A_511 : vector<16xi32>
        %masked_sort3A_513, %masked_sort3A_514, %masked_sort3A_515 = tpu.sort %masked_sort3A_512, %get3A_508 masked %masked_sort3A_509 : (vector<16xi32>, vector<16xi32>, vector<16xi1>) -> (vector<16xi1>, vector<16xi32>, vector<16xi32>)
        %masked_sort3A_516 = arith.xori %masked_sort3A_514, %masked_sort3A_511 : vector<16xi32>
        %reshape3A_517 = vector.shape_cast %max3A_388 : vector<16xi32> to vector<16x1xi32>
        %gather3A_518 = vector.shape_cast %reshape3A_517 : vector<16x1xi32> to vector<16xi32>
        %gather3A_519 = tpu.dynamic_gather %masked_sort3A_516[%gather3A_518] in [0] : vector<16xi32>, vector<16xi32> -> vector<16xi32>
        %reshape3A_520 = vector.shape_cast %min3A_393 : vector<16xi32> to vector<16x1xi32>
        %gather3A_521 = vector.shape_cast %reshape3A_520 : vector<16x1xi32> to vector<16xi32>
        %gather3A_522 = tpu.dynamic_gather %masked_sort3A_516[%gather3A_521] in [0] : vector<16xi32>, vector<16xi32> -> vector<16xi32>
        %eq3A_523 = arith.constant 0 : i32
        %eq3A_524 = vector.broadcast %eq3A_523 : i32 to vector<16xi32>
        %eq3A_525 = arith.cmpi eq, %iota3A, %eq3A_524 : vector<16xi32>
        %ne3A_526 = arith.cmpi ne, %masked_sort3A_516, %gather3A_519 : vector<16xi32>
        %or3A_527 = arith.ori %eq3A_525, %ne3A_526 : vector<16xi1>
        %eq3A_528 = arith.constant 15 : i32
        %eq3A_529 = vector.broadcast %eq3A_528 : i32 to vector<16xi32>
        %eq3A_530 = arith.cmpi eq, %iota3A, %eq3A_529 : vector<16xi32>
        %ne3A_531 = arith.cmpi ne, %masked_sort3A_516, %gather3A_522 : vector<16xi32>
        %or3A_532 = arith.ori %eq3A_530, %ne3A_531 : vector<16xi1>
        %jit3A_533 = arith.constant 0 : i32
        %broadcast_in_dim3A_534 = vector.broadcast %jit3A_533 : i32 to vector<16xi32>
        %select_n3A_535 = arith.select %or3A_527, %iota3A, %broadcast_in_dim3A_534 : vector<16xi1>, vector<16xi32>
        %broadcast_in_dim3A_536 = arith.constant true
        %broadcast_in_dim3A_537 = vector.broadcast %broadcast_in_dim3A_536 : i1 to vector<16xi1>
        %masked_cummax3A_538 = arith.constant -2147483648 : i32
        %masked_cummax3A_539 = vector.broadcast %masked_cummax3A_538 : i32 to vector<16xi32>
        %masked_cummax3A_540 = arith.xori %select_n3A_535, %masked_cummax3A_539 : vector<16xi32>
        %masked_cummax3A_541 = tpu.scan <max>, %masked_cummax3A_540 masked %broadcast_in_dim3A_537 : vector<16xi32>, vector<16xi1> -> vector<16xi32>
        %masked_cummax3A_542 = arith.xori %masked_cummax3A_541, %masked_cummax3A_539 : vector<16xi32>
        %sub3A_543 = arith.subi %iota3A, %masked_cummax3A_542 : vector<16xi32>
        %add3A_544 = arith.constant 1 : i32
        %add3A_545 = vector.broadcast %add3A_544 : i32 to vector<16xi32>
        %add3A_546 = arith.addi %sub3A_543, %add3A_545 : vector<16xi32>
        %convert_element_type3A_547 = arith.sitofp %add3A_546 : vector<16xi32> to vector<16xf32>
        tpu.vector_store_idx %arg27[%masked_sort3A_516], %convert_element_type3A_547 masked %or3A_532 {add = true} : memref<10112xf32, #tpu.memory_space<vmem>>[vector<16xi32>], vector<16xf32>, vector<16xi1>
      } else {
      }
      %mul3A_284 = arith.constant 8 : i32
      %mul3A_285 = arith.muli %scan3A_124, %mul3A_284 : i32
      %add3A_286 = arith.constant 5 : i32
      %add3A_287 = arith.addi %mul3A_285, %add3A_286 : i32
      %dma_wait3A_288 = arith.constant 0 : i32
      %dma_wait3A_289 = arith.constant 0 : i32
      %dma_wait3A_290 = tpu.memref_slice %arg2[%dma_wait3A_288, %dma_wait3A_289] : memref<20000x128xf32, #tpu.memory_space<hbm>> -> memref<20000x128xf32, #tpu.memory_space<hbm>>
      tpu.wait_indirect_dma semaphore(%arg46 : memref<!tpu.dma_semaphore, #tpu.memory_space<semaphore_mem>>) src(%dma_wait3A_290 : memref<20000x128xf32, #tpu.memory_space<hbm>>) dst(%arg24 : memref<64x128xf32, #tpu.memory_space<vmem>>)
      %dma_start3A_291 = arith.constant 0 : i32
      %dma_start3A_292 = arith.constant 0 : i32
      %dma_start3A_293 = tpu.memref_slice %arg28[%dma_start3A_291, %dma_start3A_292] : memref<10112x128xf32, #tpu.memory_space<vmem_shared>> -> memref<10112x128xf32, #tpu.memory_space<vmem_shared>>
      tpu.enqueue_indirect_dma source(%arg24 : memref<64x128xf32, #tpu.memory_space<vmem>>) target(%dma_start3A_293 : memref<10112x128xf32, #tpu.memory_space<vmem_shared>>) offsets(%arg20 : memref<64xi32, #tpu.memory_space<vmem>>) semaphore(%arg50 : memref<!tpu.dma_semaphore, #tpu.memory_space<semaphore_mem>>) {add = true}
      %ge3A_294 = arith.constant 2 : i32
      %ge3A_295 = arith.cmpi sge, %add3A_287, %ge3A_294 : i32
      %convert_element_type3A_296 = arith.extui %ge3A_295 : i1 to i32
      %cond3A_297 = arith.constant 0 : i32
      %cond3A_298 = arith.cmpi ne, %convert_element_type3A_296, %cond3A_297 : i32
      scf.if %cond3A_298 {
        %dma_wait3A_384 = arith.constant 0 : i32
        %dma_wait3A_385 = arith.constant 0 : i32
        %dma_wait3A_386 = tpu.memref_slice %arg28[%dma_wait3A_384, %dma_wait3A_385] : memref<10112x128xf32, #tpu.memory_space<vmem_shared>> -> memref<10112x128xf32, #tpu.memory_space<vmem_shared>>
        tpu.wait_indirect_dma semaphore(%arg52 : memref<!tpu.dma_semaphore, #tpu.memory_space<semaphore_mem>>) src(%arg26 : memref<64x128xf32, #tpu.memory_space<vmem>>) dst(%dma_wait3A_386 : memref<10112x128xf32, #tpu.memory_space<vmem_shared>>)
      } else {
      }
      %add3A_299 = arith.constant 6 : i32
      %add3A_300 = arith.addi %add3A_287, %add3A_299 : i32
      %lt3A_301 = arith.constant 160 : i32
      %lt3A_302 = arith.cmpi slt, %add3A_300, %lt3A_301 : i32
      %convert_element_type3A_303 = arith.extui %lt3A_302 : i1 to i32
      %cond3A_304 = arith.constant 0 : i32
      %cond3A_305 = arith.cmpi ne, %convert_element_type3A_303, %cond3A_304 : i32
      scf.if %cond3A_305 {
        %add3A_384 = arith.constant 6 : i32
        %add3A_385 = arith.addi %add3A_287, %add3A_384 : i32
        %mul3A_386 = arith.constant 64 : i32
        %mul3A_387 = arith.muli %add3A_385, %mul3A_386 : i32
        %add3A_388 = arith.addi %add3A_38, %mul3A_387 : i32
        %dma_start3A_389 = tpu.memref_slice %arg3[%add3A_388] : memref<327680xi32, #tpu.memory_space<hbm>> -> memref<64xi32, #tpu.memory_space<hbm>>
        %dma_start3A_390 = tpu.memref_slice %arg3[%add3A_388] : memref<327680xi32, #tpu.memory_space<hbm>> -> memref<64xi32, #tpu.memory_space<hbm>>
        tpu.enqueue_dma source(%dma_start3A_390 : memref<64xi32, #tpu.memory_space<hbm>>) target(%arg10 : memref<64xi32, #tpu.memory_space<vmem>>) target_semaphore(%arg32 : memref<!tpu.dma_semaphore, #tpu.memory_space<semaphore_mem>>)
        %mul3A_391 = arith.constant 64 : i32
        %mul3A_392 = arith.muli %add3A_385, %mul3A_391 : i32
        %add3A_393 = arith.addi %mul3A_35, %mul3A_392 : i32
        %dma_start3A_394 = tpu.memref_slice %arg4[%add3A_393] : memref<163840xi32, #tpu.memory_space<hbm>> -> memref<64xi32, #tpu.memory_space<hbm>>
        %dma_start3A_395 = tpu.memref_slice %arg4[%add3A_393] : memref<163840xi32, #tpu.memory_space<hbm>> -> memref<64xi32, #tpu.memory_space<hbm>>
        tpu.enqueue_dma source(%dma_start3A_395 : memref<64xi32, #tpu.memory_space<hbm>>) target(%arg18 : memref<64xi32, #tpu.memory_space<vmem>>) target_semaphore(%arg40 : memref<!tpu.dma_semaphore, #tpu.memory_space<semaphore_mem>>)
      } else {
      }
      %add3A_306 = arith.constant 2 : i32
      %add3A_307 = arith.addi %add3A_287, %add3A_306 : i32
      %lt3A_308 = arith.constant 160 : i32
      %lt3A_309 = arith.cmpi slt, %add3A_307, %lt3A_308 : i32
      %convert_element_type3A_310 = arith.extui %lt3A_309 : i1 to i32
      %cond3A_311 = arith.constant 0 : i32
      %cond3A_312 = arith.cmpi ne, %convert_element_type3A_310, %cond3A_311 : i32
      scf.if %cond3A_312 {
        %add3A_384 = arith.constant 2 : i32
        %add3A_385 = arith.addi %add3A_287, %add3A_384 : i32
        %mul3A_386 = arith.constant 64 : i32
        %mul3A_387 = arith.muli %add3A_385, %mul3A_386 : i32
        %add3A_388 = arith.addi %add3A_38, %mul3A_387 : i32
        %dma_wait3A_389 = tpu.memref_slice %arg3[%add3A_388] : memref<327680xi32, #tpu.memory_space<hbm>> -> memref<64xi32, #tpu.memory_space<hbm>>
        %dma_wait3A_390 = tpu.memref_slice %arg3[%add3A_388] : memref<327680xi32, #tpu.memory_space<hbm>> -> memref<64xi32, #tpu.memory_space<hbm>>
        tpu.wait_dma2 semaphore(%arg36 : memref<!tpu.dma_semaphore, #tpu.memory_space<semaphore_mem>>) src(%dma_wait3A_390 : memref<64xi32, #tpu.memory_space<hbm>>) dst(%arg14 : memref<64xi32, #tpu.memory_space<vmem>>)
        %mul3A_391 = arith.constant 64 : i32
        %mul3A_392 = arith.muli %add3A_385, %mul3A_391 : i32
        %add3A_393 = arith.addi %mul3A_35, %mul3A_392 : i32
        %dma_wait3A_394 = tpu.memref_slice %arg4[%add3A_393] : memref<163840xi32, #tpu.memory_space<hbm>> -> memref<64xi32, #tpu.memory_space<hbm>>
        %dma_wait3A_395 = tpu.memref_slice %arg4[%add3A_393] : memref<163840xi32, #tpu.memory_space<hbm>> -> memref<64xi32, #tpu.memory_space<hbm>>
        tpu.wait_dma2 semaphore(%arg44 : memref<!tpu.dma_semaphore, #tpu.memory_space<semaphore_mem>>) src(%dma_wait3A_395 : memref<64xi32, #tpu.memory_space<hbm>>) dst(%arg22 : memref<64xi32, #tpu.memory_space<vmem>>)
        %dma_start3A_396 = arith.constant 0 : i32
        %dma_start3A_397 = arith.constant 0 : i32
        %dma_start3A_398 = tpu.memref_slice %arg2[%dma_start3A_396, %dma_start3A_397] : memref<20000x128xf32, #tpu.memory_space<hbm>> -> memref<20000x128xf32, #tpu.memory_space<hbm>>
        tpu.enqueue_indirect_dma source(%dma_start3A_398 : memref<20000x128xf32, #tpu.memory_space<hbm>>) target(%arg26 : memref<64x128xf32, #tpu.memory_space<vmem>>) offsets(%arg14 : memref<64xi32, #tpu.memory_space<vmem>>) semaphore(%arg48 : memref<!tpu.dma_semaphore, #tpu.memory_space<semaphore_mem>>)
      } else {
      }
      %not3A_313 = arith.constant true
      %not3A_314 = arith.xori %eq3A_39, %not3A_313 : i1
      %convert_element_type3A_315 = arith.extui %not3A_314 : i1 to i32
      %cond3A_316 = arith.constant 0 : i32
      %cond3A_317 = arith.cmpi ne, %convert_element_type3A_315, %cond3A_316 : i32
      scf.if %cond3A_317 {
        %iota3A = tpu.iota {dimensions = array<i32: 0>} : vector<16xi32>
        %sub3A_384 = arith.constant 1 : i32
        %sub3A_385 = vector.broadcast %sub3A_384 : i32 to vector<16xi32>
        %sub3A_386 = arith.subi %iota3A, %sub3A_385 : vector<16xi32>
        %max3A = arith.constant 0 : i32
        %max3A_387 = vector.broadcast %max3A : i32 to vector<16xi32>
        %max3A_388 = arith.maxsi %sub3A_386, %max3A_387 : vector<16xi32>
        %add3A_389 = arith.constant 1 : i32
        %add3A_390 = vector.broadcast %add3A_389 : i32 to vector<16xi32>
        %add3A_391 = arith.addi %iota3A, %add3A_390 : vector<16xi32>
        %min3A = arith.constant 15 : i32
        %min3A_392 = vector.broadcast %min3A : i32 to vector<16xi32>
        %min3A_393 = arith.minsi %add3A_391, %min3A_392 : vector<16xi32>
        %get3A = arith.constant 0 : index
        %get3A_394 = tpu.vector_load %arg20[%get3A] {strides = array<i32>} : memref<64xi32, #tpu.memory_space<vmem>>, vector<16xi32>,
        %masked_sort3A = arith.constant dense<true> : vector<16xi1>
        %masked_sort3A_395 = arith.constant -2147483648 : i32
        %masked_sort3A_396 = vector.broadcast %masked_sort3A_395 : i32 to vector<16xi32>
        %masked_sort3A_397 = arith.xori %get3A_394, %masked_sort3A_396 : vector<16xi32>
        %masked_sort3A_398, %masked_sort3A_399, %masked_sort3A_400 = tpu.sort %masked_sort3A_397, %get3A_394 masked %masked_sort3A : (vector<16xi32>, vector<16xi32>, vector<16xi1>) -> (vector<16xi1>, vector<16xi32>, vector<16xi32>)
        %masked_sort3A_401 = arith.xori %masked_sort3A_399, %masked_sort3A_396 : vector<16xi32>
        %reshape3A = vector.shape_cast %max3A_388 : vector<16xi32> to vector<16x1xi32>
        %gather3A = vector.shape_cast %reshape3A : vector<16x1xi32> to vector<16xi32>
        %gather3A_402 = tpu.dynamic_gather %masked_sort3A_401[%gather3A] in [0] : vector<16xi32>, vector<16xi32> -> vector<16xi32>
        %reshape3A_403 = vector.shape_cast %min3A_393 : vector<16xi32> to vector<16x1xi32>
        %gather3A_404 = vector.shape_cast %reshape3A_403 : vector<16x1xi32> to vector<16xi32>
        %gather3A_405 = tpu.dynamic_gather %masked_sort3A_401[%gather3A_404] in [0] : vector<16xi32>, vector<16xi32> -> vector<16xi32>
        %eq3A_406 = arith.constant 0 : i32
        %eq3A_407 = vector.broadcast %eq3A_406 : i32 to vector<16xi32>
        %eq3A_408 = arith.cmpi eq, %iota3A, %eq3A_407 : vector<16xi32>
        %ne3A = arith.cmpi ne, %masked_sort3A_401, %gather3A_402 : vector<16xi32>
        %or3A = arith.ori %eq3A_408, %ne3A : vector<16xi1>
        %eq3A_409 = arith.constant 15 : i32
        %eq3A_410 = vector.broadcast %eq3A_409 : i32 to vector<16xi32>
        %eq3A_411 = arith.cmpi eq, %iota3A, %eq3A_410 : vector<16xi32>
        %ne3A_412 = arith.cmpi ne, %masked_sort3A_401, %gather3A_405 : vector<16xi32>
        %or3A_413 = arith.ori %eq3A_411, %ne3A_412 : vector<16xi1>
        %jit3A = arith.constant 0 : i32
        %broadcast_in_dim3A = vector.broadcast %jit3A : i32 to vector<16xi32>
        %select_n3A = arith.select %or3A, %iota3A, %broadcast_in_dim3A : vector<16xi1>, vector<16xi32>
        %broadcast_in_dim3A_414 = arith.constant true
        %broadcast_in_dim3A_415 = vector.broadcast %broadcast_in_dim3A_414 : i1 to vector<16xi1>
        %masked_cummax3A = arith.constant -2147483648 : i32
        %masked_cummax3A_416 = vector.broadcast %masked_cummax3A : i32 to vector<16xi32>
        %masked_cummax3A_417 = arith.xori %select_n3A, %masked_cummax3A_416 : vector<16xi32>
        %masked_cummax3A_418 = tpu.scan <max>, %masked_cummax3A_417 masked %broadcast_in_dim3A_415 : vector<16xi32>, vector<16xi1> -> vector<16xi32>
        %masked_cummax3A_419 = arith.xori %masked_cummax3A_418, %masked_cummax3A_416 : vector<16xi32>
        %sub3A_420 = arith.subi %iota3A, %masked_cummax3A_419 : vector<16xi32>
        %add3A_421 = arith.constant 1 : i32
        %add3A_422 = vector.broadcast %add3A_421 : i32 to vector<16xi32>
        %add3A_423 = arith.addi %sub3A_420, %add3A_422 : vector<16xi32>
        %convert_element_type3A_424 = arith.sitofp %add3A_423 : vector<16xi32> to vector<16xf32>
        tpu.vector_store_idx %arg27[%masked_sort3A_401], %convert_element_type3A_424 masked %or3A_413 {add = true} : memref<10112xf32, #tpu.memory_space<vmem>>[vector<16xi32>], vector<16xf32>, vector<16xi1>
        %get3A_425 = arith.constant 16 : index
        %get3A_426 = tpu.vector_load %arg20[%get3A_425] {strides = array<i32>} : memref<64xi32, #tpu.memory_space<vmem>>, vector<16xi32>,
        %masked_sort3A_427 = arith.constant dense<true> : vector<16xi1>
        %masked_sort3A_428 = arith.constant -2147483648 : i32
        %masked_sort3A_429 = vector.broadcast %masked_sort3A_428 : i32 to vector<16xi32>
        %masked_sort3A_430 = arith.xori %get3A_426, %masked_sort3A_429 : vector<16xi32>
        %masked_sort3A_431, %masked_sort3A_432, %masked_sort3A_433 = tpu.sort %masked_sort3A_430, %get3A_426 masked %masked_sort3A_427 : (vector<16xi32>, vector<16xi32>, vector<16xi1>) -> (vector<16xi1>, vector<16xi32>, vector<16xi32>)
        %masked_sort3A_434 = arith.xori %masked_sort3A_432, %masked_sort3A_429 : vector<16xi32>
        %reshape3A_435 = vector.shape_cast %max3A_388 : vector<16xi32> to vector<16x1xi32>
        %gather3A_436 = vector.shape_cast %reshape3A_435 : vector<16x1xi32> to vector<16xi32>
        %gather3A_437 = tpu.dynamic_gather %masked_sort3A_434[%gather3A_436] in [0] : vector<16xi32>, vector<16xi32> -> vector<16xi32>
        %reshape3A_438 = vector.shape_cast %min3A_393 : vector<16xi32> to vector<16x1xi32>
        %gather3A_439 = vector.shape_cast %reshape3A_438 : vector<16x1xi32> to vector<16xi32>
        %gather3A_440 = tpu.dynamic_gather %masked_sort3A_434[%gather3A_439] in [0] : vector<16xi32>, vector<16xi32> -> vector<16xi32>
        %eq3A_441 = arith.constant 0 : i32
        %eq3A_442 = vector.broadcast %eq3A_441 : i32 to vector<16xi32>
        %eq3A_443 = arith.cmpi eq, %iota3A, %eq3A_442 : vector<16xi32>
        %ne3A_444 = arith.cmpi ne, %masked_sort3A_434, %gather3A_437 : vector<16xi32>
        %or3A_445 = arith.ori %eq3A_443, %ne3A_444 : vector<16xi1>
        %eq3A_446 = arith.constant 15 : i32
        %eq3A_447 = vector.broadcast %eq3A_446 : i32 to vector<16xi32>
        %eq3A_448 = arith.cmpi eq, %iota3A, %eq3A_447 : vector<16xi32>
        %ne3A_449 = arith.cmpi ne, %masked_sort3A_434, %gather3A_440 : vector<16xi32>
        %or3A_450 = arith.ori %eq3A_448, %ne3A_449 : vector<16xi1>
        %jit3A_451 = arith.constant 0 : i32
        %broadcast_in_dim3A_452 = vector.broadcast %jit3A_451 : i32 to vector<16xi32>
        %select_n3A_453 = arith.select %or3A_445, %iota3A, %broadcast_in_dim3A_452 : vector<16xi1>, vector<16xi32>
        %broadcast_in_dim3A_454 = arith.constant true
        %broadcast_in_dim3A_455 = vector.broadcast %broadcast_in_dim3A_454 : i1 to vector<16xi1>
        %masked_cummax3A_456 = arith.constant -2147483648 : i32
        %masked_cummax3A_457 = vector.broadcast %masked_cummax3A_456 : i32 to vector<16xi32>
        %masked_cummax3A_458 = arith.xori %select_n3A_453, %masked_cummax3A_457 : vector<16xi32>
        %masked_cummax3A_459 = tpu.scan <max>, %masked_cummax3A_458 masked %broadcast_in_dim3A_455 : vector<16xi32>, vector<16xi1> -> vector<16xi32>
        %masked_cummax3A_460 = arith.xori %masked_cummax3A_459, %masked_cummax3A_457 : vector<16xi32>
        %sub3A_461 = arith.subi %iota3A, %masked_cummax3A_460 : vector<16xi32>
        %add3A_462 = arith.constant 1 : i32
        %add3A_463 = vector.broadcast %add3A_462 : i32 to vector<16xi32>
        %add3A_464 = arith.addi %sub3A_461, %add3A_463 : vector<16xi32>
        %convert_element_type3A_465 = arith.sitofp %add3A_464 : vector<16xi32> to vector<16xf32>
        tpu.vector_store_idx %arg27[%masked_sort3A_434], %convert_element_type3A_465 masked %or3A_450 {add = true} : memref<10112xf32, #tpu.memory_space<vmem>>[vector<16xi32>], vector<16xf32>, vector<16xi1>
        %get3A_466 = arith.constant 32 : index
        %get3A_467 = tpu.vector_load %arg20[%get3A_466] {strides = array<i32>} : memref<64xi32, #tpu.memory_space<vmem>>, vector<16xi32>,
        %masked_sort3A_468 = arith.constant dense<true> : vector<16xi1>
        %masked_sort3A_469 = arith.constant -2147483648 : i32
        %masked_sort3A_470 = vector.broadcast %masked_sort3A_469 : i32 to vector<16xi32>
        %masked_sort3A_471 = arith.xori %get3A_467, %masked_sort3A_470 : vector<16xi32>
        %masked_sort3A_472, %masked_sort3A_473, %masked_sort3A_474 = tpu.sort %masked_sort3A_471, %get3A_467 masked %masked_sort3A_468 : (vector<16xi32>, vector<16xi32>, vector<16xi1>) -> (vector<16xi1>, vector<16xi32>, vector<16xi32>)
        %masked_sort3A_475 = arith.xori %masked_sort3A_473, %masked_sort3A_470 : vector<16xi32>
        %reshape3A_476 = vector.shape_cast %max3A_388 : vector<16xi32> to vector<16x1xi32>
        %gather3A_477 = vector.shape_cast %reshape3A_476 : vector<16x1xi32> to vector<16xi32>
        %gather3A_478 = tpu.dynamic_gather %masked_sort3A_475[%gather3A_477] in [0] : vector<16xi32>, vector<16xi32> -> vector<16xi32>
        %reshape3A_479 = vector.shape_cast %min3A_393 : vector<16xi32> to vector<16x1xi32>
        %gather3A_480 = vector.shape_cast %reshape3A_479 : vector<16x1xi32> to vector<16xi32>
        %gather3A_481 = tpu.dynamic_gather %masked_sort3A_475[%gather3A_480] in [0] : vector<16xi32>, vector<16xi32> -> vector<16xi32>
        %eq3A_482 = arith.constant 0 : i32
        %eq3A_483 = vector.broadcast %eq3A_482 : i32 to vector<16xi32>
        %eq3A_484 = arith.cmpi eq, %iota3A, %eq3A_483 : vector<16xi32>
        %ne3A_485 = arith.cmpi ne, %masked_sort3A_475, %gather3A_478 : vector<16xi32>
        %or3A_486 = arith.ori %eq3A_484, %ne3A_485 : vector<16xi1>
        %eq3A_487 = arith.constant 15 : i32
        %eq3A_488 = vector.broadcast %eq3A_487 : i32 to vector<16xi32>
        %eq3A_489 = arith.cmpi eq, %iota3A, %eq3A_488 : vector<16xi32>
        %ne3A_490 = arith.cmpi ne, %masked_sort3A_475, %gather3A_481 : vector<16xi32>
        %or3A_491 = arith.ori %eq3A_489, %ne3A_490 : vector<16xi1>
        %jit3A_492 = arith.constant 0 : i32
        %broadcast_in_dim3A_493 = vector.broadcast %jit3A_492 : i32 to vector<16xi32>
        %select_n3A_494 = arith.select %or3A_486, %iota3A, %broadcast_in_dim3A_493 : vector<16xi1>, vector<16xi32>
        %broadcast_in_dim3A_495 = arith.constant true
        %broadcast_in_dim3A_496 = vector.broadcast %broadcast_in_dim3A_495 : i1 to vector<16xi1>
        %masked_cummax3A_497 = arith.constant -2147483648 : i32
        %masked_cummax3A_498 = vector.broadcast %masked_cummax3A_497 : i32 to vector<16xi32>
        %masked_cummax3A_499 = arith.xori %select_n3A_494, %masked_cummax3A_498 : vector<16xi32>
        %masked_cummax3A_500 = tpu.scan <max>, %masked_cummax3A_499 masked %broadcast_in_dim3A_496 : vector<16xi32>, vector<16xi1> -> vector<16xi32>
        %masked_cummax3A_501 = arith.xori %masked_cummax3A_500, %masked_cummax3A_498 : vector<16xi32>
        %sub3A_502 = arith.subi %iota3A, %masked_cummax3A_501 : vector<16xi32>
        %add3A_503 = arith.constant 1 : i32
        %add3A_504 = vector.broadcast %add3A_503 : i32 to vector<16xi32>
        %add3A_505 = arith.addi %sub3A_502, %add3A_504 : vector<16xi32>
        %convert_element_type3A_506 = arith.sitofp %add3A_505 : vector<16xi32> to vector<16xf32>
        tpu.vector_store_idx %arg27[%masked_sort3A_475], %convert_element_type3A_506 masked %or3A_491 {add = true} : memref<10112xf32, #tpu.memory_space<vmem>>[vector<16xi32>], vector<16xf32>, vector<16xi1>
        %get3A_507 = arith.constant 48 : index
        %get3A_508 = tpu.vector_load %arg20[%get3A_507] {strides = array<i32>} : memref<64xi32, #tpu.memory_space<vmem>>, vector<16xi32>,
        %masked_sort3A_509 = arith.constant dense<true> : vector<16xi1>
        %masked_sort3A_510 = arith.constant -2147483648 : i32
        %masked_sort3A_511 = vector.broadcast %masked_sort3A_510 : i32 to vector<16xi32>
        %masked_sort3A_512 = arith.xori %get3A_508, %masked_sort3A_511 : vector<16xi32>
        %masked_sort3A_513, %masked_sort3A_514, %masked_sort3A_515 = tpu.sort %masked_sort3A_512, %get3A_508 masked %masked_sort3A_509 : (vector<16xi32>, vector<16xi32>, vector<16xi1>) -> (vector<16xi1>, vector<16xi32>, vector<16xi32>)
        %masked_sort3A_516 = arith.xori %masked_sort3A_514, %masked_sort3A_511 : vector<16xi32>
        %reshape3A_517 = vector.shape_cast %max3A_388 : vector<16xi32> to vector<16x1xi32>
        %gather3A_518 = vector.shape_cast %reshape3A_517 : vector<16x1xi32> to vector<16xi32>
        %gather3A_519 = tpu.dynamic_gather %masked_sort3A_516[%gather3A_518] in [0] : vector<16xi32>, vector<16xi32> -> vector<16xi32>
        %reshape3A_520 = vector.shape_cast %min3A_393 : vector<16xi32> to vector<16x1xi32>
        %gather3A_521 = vector.shape_cast %reshape3A_520 : vector<16x1xi32> to vector<16xi32>
        %gather3A_522 = tpu.dynamic_gather %masked_sort3A_516[%gather3A_521] in [0] : vector<16xi32>, vector<16xi32> -> vector<16xi32>
        %eq3A_523 = arith.constant 0 : i32
        %eq3A_524 = vector.broadcast %eq3A_523 : i32 to vector<16xi32>
        %eq3A_525 = arith.cmpi eq, %iota3A, %eq3A_524 : vector<16xi32>
        %ne3A_526 = arith.cmpi ne, %masked_sort3A_516, %gather3A_519 : vector<16xi32>
        %or3A_527 = arith.ori %eq3A_525, %ne3A_526 : vector<16xi1>
        %eq3A_528 = arith.constant 15 : i32
        %eq3A_529 = vector.broadcast %eq3A_528 : i32 to vector<16xi32>
        %eq3A_530 = arith.cmpi eq, %iota3A, %eq3A_529 : vector<16xi32>
        %ne3A_531 = arith.cmpi ne, %masked_sort3A_516, %gather3A_522 : vector<16xi32>
        %or3A_532 = arith.ori %eq3A_530, %ne3A_531 : vector<16xi1>
        %jit3A_533 = arith.constant 0 : i32
        %broadcast_in_dim3A_534 = vector.broadcast %jit3A_533 : i32 to vector<16xi32>
        %select_n3A_535 = arith.select %or3A_527, %iota3A, %broadcast_in_dim3A_534 : vector<16xi1>, vector<16xi32>
        %broadcast_in_dim3A_536 = arith.constant true
        %broadcast_in_dim3A_537 = vector.broadcast %broadcast_in_dim3A_536 : i1 to vector<16xi1>
        %masked_cummax3A_538 = arith.constant -2147483648 : i32
        %masked_cummax3A_539 = vector.broadcast %masked_cummax3A_538 : i32 to vector<16xi32>
        %masked_cummax3A_540 = arith.xori %select_n3A_535, %masked_cummax3A_539 : vector<16xi32>
        %masked_cummax3A_541 = tpu.scan <max>, %masked_cummax3A_540 masked %broadcast_in_dim3A_537 : vector<16xi32>, vector<16xi1> -> vector<16xi32>
        %masked_cummax3A_542 = arith.xori %masked_cummax3A_541, %masked_cummax3A_539 : vector<16xi32>
        %sub3A_543 = arith.subi %iota3A, %masked_cummax3A_542 : vector<16xi32>
        %add3A_544 = arith.constant 1 : i32
        %add3A_545 = vector.broadcast %add3A_544 : i32 to vector<16xi32>
        %add3A_546 = arith.addi %sub3A_543, %add3A_545 : vector<16xi32>
        %convert_element_type3A_547 = arith.sitofp %add3A_546 : vector<16xi32> to vector<16xf32>
        tpu.vector_store_idx %arg27[%masked_sort3A_516], %convert_element_type3A_547 masked %or3A_532 {add = true} : memref<10112xf32, #tpu.memory_space<vmem>>[vector<16xi32>], vector<16xf32>, vector<16xi1>
      } else {
      }
      %mul3A_318 = arith.constant 8 : i32
      %mul3A_319 = arith.muli %scan3A_124, %mul3A_318 : i32
      %add3A_320 = arith.constant 6 : i32
      %add3A_321 = arith.addi %mul3A_319, %add3A_320 : i32
      %dma_wait3A_322 = arith.constant 0 : i32
      %dma_wait3A_323 = arith.constant 0 : i32
      %dma_wait3A_324 = tpu.memref_slice %arg2[%dma_wait3A_322, %dma_wait3A_323] : memref<20000x128xf32, #tpu.memory_space<hbm>> -> memref<20000x128xf32, #tpu.memory_space<hbm>>
      tpu.wait_indirect_dma semaphore(%arg47 : memref<!tpu.dma_semaphore, #tpu.memory_space<semaphore_mem>>) src(%dma_wait3A_324 : memref<20000x128xf32, #tpu.memory_space<hbm>>) dst(%arg25 : memref<64x128xf32, #tpu.memory_space<vmem>>)
      %dma_start3A_325 = arith.constant 0 : i32
      %dma_start3A_326 = arith.constant 0 : i32
      %dma_start3A_327 = tpu.memref_slice %arg28[%dma_start3A_325, %dma_start3A_326] : memref<10112x128xf32, #tpu.memory_space<vmem_shared>> -> memref<10112x128xf32, #tpu.memory_space<vmem_shared>>
      tpu.enqueue_indirect_dma source(%arg25 : memref<64x128xf32, #tpu.memory_space<vmem>>) target(%dma_start3A_327 : memref<10112x128xf32, #tpu.memory_space<vmem_shared>>) offsets(%arg21 : memref<64xi32, #tpu.memory_space<vmem>>) semaphore(%arg51 : memref<!tpu.dma_semaphore, #tpu.memory_space<semaphore_mem>>) {add = true}
      %ge3A_328 = arith.constant 2 : i32
      %ge3A_329 = arith.cmpi sge, %add3A_321, %ge3A_328 : i32
      %convert_element_type3A_330 = arith.extui %ge3A_329 : i1 to i32
      %cond3A_331 = arith.constant 0 : i32
      %cond3A_332 = arith.cmpi ne, %convert_element_type3A_330, %cond3A_331 : i32
      scf.if %cond3A_332 {
        %dma_wait3A_384 = arith.constant 0 : i32
        %dma_wait3A_385 = arith.constant 0 : i32
        %dma_wait3A_386 = tpu.memref_slice %arg28[%dma_wait3A_384, %dma_wait3A_385] : memref<10112x128xf32, #tpu.memory_space<vmem_shared>> -> memref<10112x128xf32, #tpu.memory_space<vmem_shared>>
        tpu.wait_indirect_dma semaphore(%arg49 : memref<!tpu.dma_semaphore, #tpu.memory_space<semaphore_mem>>) src(%arg23 : memref<64x128xf32, #tpu.memory_space<vmem>>) dst(%dma_wait3A_386 : memref<10112x128xf32, #tpu.memory_space<vmem_shared>>)
      } else {
      }
      %add3A_333 = arith.constant 6 : i32
      %add3A_334 = arith.addi %add3A_321, %add3A_333 : i32
      %lt3A_335 = arith.constant 160 : i32
      %lt3A_336 = arith.cmpi slt, %add3A_334, %lt3A_335 : i32
      %convert_element_type3A_337 = arith.extui %lt3A_336 : i1 to i32
      %cond3A_338 = arith.constant 0 : i32
      %cond3A_339 = arith.cmpi ne, %convert_element_type3A_337, %cond3A_338 : i32
      scf.if %cond3A_339 {
        %add3A_384 = arith.constant 6 : i32
        %add3A_385 = arith.addi %add3A_321, %add3A_384 : i32
        %mul3A_386 = arith.constant 64 : i32
        %mul3A_387 = arith.muli %add3A_385, %mul3A_386 : i32
        %add3A_388 = arith.addi %add3A_38, %mul3A_387 : i32
        %dma_start3A_389 = tpu.memref_slice %arg3[%add3A_388] : memref<327680xi32, #tpu.memory_space<hbm>> -> memref<64xi32, #tpu.memory_space<hbm>>
        %dma_start3A_390 = tpu.memref_slice %arg3[%add3A_388] : memref<327680xi32, #tpu.memory_space<hbm>> -> memref<64xi32, #tpu.memory_space<hbm>>
        tpu.enqueue_dma source(%dma_start3A_390 : memref<64xi32, #tpu.memory_space<hbm>>) target(%arg11 : memref<64xi32, #tpu.memory_space<vmem>>) target_semaphore(%arg33 : memref<!tpu.dma_semaphore, #tpu.memory_space<semaphore_mem>>)
        %mul3A_391 = arith.constant 64 : i32
        %mul3A_392 = arith.muli %add3A_385, %mul3A_391 : i32
        %add3A_393 = arith.addi %mul3A_35, %mul3A_392 : i32
        %dma_start3A_394 = tpu.memref_slice %arg4[%add3A_393] : memref<163840xi32, #tpu.memory_space<hbm>> -> memref<64xi32, #tpu.memory_space<hbm>>
        %dma_start3A_395 = tpu.memref_slice %arg4[%add3A_393] : memref<163840xi32, #tpu.memory_space<hbm>> -> memref<64xi32, #tpu.memory_space<hbm>>
        tpu.enqueue_dma source(%dma_start3A_395 : memref<64xi32, #tpu.memory_space<hbm>>) target(%arg19 : memref<64xi32, #tpu.memory_space<vmem>>) target_semaphore(%arg41 : memref<!tpu.dma_semaphore, #tpu.memory_space<semaphore_mem>>)
      } else {
      }
      %add3A_340 = arith.constant 2 : i32
      %add3A_341 = arith.addi %add3A_321, %add3A_340 : i32
      %lt3A_342 = arith.constant 160 : i32
      %lt3A_343 = arith.cmpi slt, %add3A_341, %lt3A_342 : i32
      %convert_element_type3A_344 = arith.extui %lt3A_343 : i1 to i32
      %cond3A_345 = arith.constant 0 : i32
      %cond3A_346 = arith.cmpi ne, %convert_element_type3A_344, %cond3A_345 : i32
      scf.if %cond3A_346 {
        %add3A_384 = arith.constant 2 : i32
        %add3A_385 = arith.addi %add3A_321, %add3A_384 : i32
        %mul3A_386 = arith.constant 64 : i32
        %mul3A_387 = arith.muli %add3A_385, %mul3A_386 : i32
        %add3A_388 = arith.addi %add3A_38, %mul3A_387 : i32
        %dma_wait3A_389 = tpu.memref_slice %arg3[%add3A_388] : memref<327680xi32, #tpu.memory_space<hbm>> -> memref<64xi32, #tpu.memory_space<hbm>>
        %dma_wait3A_390 = tpu.memref_slice %arg3[%add3A_388] : memref<327680xi32, #tpu.memory_space<hbm>> -> memref<64xi32, #tpu.memory_space<hbm>>
        tpu.wait_dma2 semaphore(%arg29 : memref<!tpu.dma_semaphore, #tpu.memory_space<semaphore_mem>>) src(%dma_wait3A_390 : memref<64xi32, #tpu.memory_space<hbm>>) dst(%arg7 : memref<64xi32, #tpu.memory_space<vmem>>)
        %mul3A_391 = arith.constant 64 : i32
        %mul3A_392 = arith.muli %add3A_385, %mul3A_391 : i32
        %add3A_393 = arith.addi %mul3A_35, %mul3A_392 : i32
        %dma_wait3A_394 = tpu.memref_slice %arg4[%add3A_393] : memref<163840xi32, #tpu.memory_space<hbm>> -> memref<64xi32, #tpu.memory_space<hbm>>
        %dma_wait3A_395 = tpu.memref_slice %arg4[%add3A_393] : memref<163840xi32, #tpu.memory_space<hbm>> -> memref<64xi32, #tpu.memory_space<hbm>>
        tpu.wait_dma2 semaphore(%arg37 : memref<!tpu.dma_semaphore, #tpu.memory_space<semaphore_mem>>) src(%dma_wait3A_395 : memref<64xi32, #tpu.memory_space<hbm>>) dst(%arg15 : memref<64xi32, #tpu.memory_space<vmem>>)
        %dma_start3A_396 = arith.constant 0 : i32
        %dma_start3A_397 = arith.constant 0 : i32
        %dma_start3A_398 = tpu.memref_slice %arg2[%dma_start3A_396, %dma_start3A_397] : memref<20000x128xf32, #tpu.memory_space<hbm>> -> memref<20000x128xf32, #tpu.memory_space<hbm>>
        tpu.enqueue_indirect_dma source(%dma_start3A_398 : memref<20000x128xf32, #tpu.memory_space<hbm>>) target(%arg23 : memref<64x128xf32, #tpu.memory_space<vmem>>) offsets(%arg7 : memref<64xi32, #tpu.memory_space<vmem>>) semaphore(%arg45 : memref<!tpu.dma_semaphore, #tpu.memory_space<semaphore_mem>>)
      } else {
      }
      %convert_element_type3A_347 = arith.extui %eq3A_39 : i1 to i32
      %cond3A_348 = arith.constant 0 : i32
      %cond3A_349 = arith.cmpi ne, %convert_element_type3A_347, %cond3A_348 : i32
      scf.if %cond3A_349 {
        %iota3A = tpu.iota {dimensions = array<i32: 0>} : vector<16xi32>
        %sub3A_384 = arith.constant 1 : i32
        %sub3A_385 = vector.broadcast %sub3A_384 : i32 to vector<16xi32>
        %sub3A_386 = arith.subi %iota3A, %sub3A_385 : vector<16xi32>
        %max3A = arith.constant 0 : i32
        %max3A_387 = vector.broadcast %max3A : i32 to vector<16xi32>
        %max3A_388 = arith.maxsi %sub3A_386, %max3A_387 : vector<16xi32>
        %add3A_389 = arith.constant 1 : i32
        %add3A_390 = vector.broadcast %add3A_389 : i32 to vector<16xi32>
        %add3A_391 = arith.addi %iota3A, %add3A_390 : vector<16xi32>
        %min3A = arith.constant 15 : i32
        %min3A_392 = vector.broadcast %min3A : i32 to vector<16xi32>
        %min3A_393 = arith.minsi %add3A_391, %min3A_392 : vector<16xi32>
        %get3A = arith.constant 0 : index
        %get3A_394 = tpu.vector_load %arg21[%get3A] {strides = array<i32>} : memref<64xi32, #tpu.memory_space<vmem>>, vector<16xi32>,
        %masked_sort3A = arith.constant dense<true> : vector<16xi1>
        %masked_sort3A_395 = arith.constant -2147483648 : i32
        %masked_sort3A_396 = vector.broadcast %masked_sort3A_395 : i32 to vector<16xi32>
        %masked_sort3A_397 = arith.xori %get3A_394, %masked_sort3A_396 : vector<16xi32>
        %masked_sort3A_398, %masked_sort3A_399, %masked_sort3A_400 = tpu.sort %masked_sort3A_397, %get3A_394 masked %masked_sort3A : (vector<16xi32>, vector<16xi32>, vector<16xi1>) -> (vector<16xi1>, vector<16xi32>, vector<16xi32>)
        %masked_sort3A_401 = arith.xori %masked_sort3A_399, %masked_sort3A_396 : vector<16xi32>
        %reshape3A = vector.shape_cast %max3A_388 : vector<16xi32> to vector<16x1xi32>
        %gather3A = vector.shape_cast %reshape3A : vector<16x1xi32> to vector<16xi32>
        %gather3A_402 = tpu.dynamic_gather %masked_sort3A_401[%gather3A] in [0] : vector<16xi32>, vector<16xi32> -> vector<16xi32>
        %reshape3A_403 = vector.shape_cast %min3A_393 : vector<16xi32> to vector<16x1xi32>
        %gather3A_404 = vector.shape_cast %reshape3A_403 : vector<16x1xi32> to vector<16xi32>
        %gather3A_405 = tpu.dynamic_gather %masked_sort3A_401[%gather3A_404] in [0] : vector<16xi32>, vector<16xi32> -> vector<16xi32>
        %eq3A_406 = arith.constant 0 : i32
        %eq3A_407 = vector.broadcast %eq3A_406 : i32 to vector<16xi32>
        %eq3A_408 = arith.cmpi eq, %iota3A, %eq3A_407 : vector<16xi32>
        %ne3A = arith.cmpi ne, %masked_sort3A_401, %gather3A_402 : vector<16xi32>
        %or3A = arith.ori %eq3A_408, %ne3A : vector<16xi1>
        %eq3A_409 = arith.constant 15 : i32
        %eq3A_410 = vector.broadcast %eq3A_409 : i32 to vector<16xi32>
        %eq3A_411 = arith.cmpi eq, %iota3A, %eq3A_410 : vector<16xi32>
        %ne3A_412 = arith.cmpi ne, %masked_sort3A_401, %gather3A_405 : vector<16xi32>
        %or3A_413 = arith.ori %eq3A_411, %ne3A_412 : vector<16xi1>
        %jit3A = arith.constant 0 : i32
        %broadcast_in_dim3A = vector.broadcast %jit3A : i32 to vector<16xi32>
        %select_n3A = arith.select %or3A, %iota3A, %broadcast_in_dim3A : vector<16xi1>, vector<16xi32>
        %broadcast_in_dim3A_414 = arith.constant true
        %broadcast_in_dim3A_415 = vector.broadcast %broadcast_in_dim3A_414 : i1 to vector<16xi1>
        %masked_cummax3A = arith.constant -2147483648 : i32
        %masked_cummax3A_416 = vector.broadcast %masked_cummax3A : i32 to vector<16xi32>
        %masked_cummax3A_417 = arith.xori %select_n3A, %masked_cummax3A_416 : vector<16xi32>
        %masked_cummax3A_418 = tpu.scan <max>, %masked_cummax3A_417 masked %broadcast_in_dim3A_415 : vector<16xi32>, vector<16xi1> -> vector<16xi32>
        %masked_cummax3A_419 = arith.xori %masked_cummax3A_418, %masked_cummax3A_416 : vector<16xi32>
        %sub3A_420 = arith.subi %iota3A, %masked_cummax3A_419 : vector<16xi32>
        %add3A_421 = arith.constant 1 : i32
        %add3A_422 = vector.broadcast %add3A_421 : i32 to vector<16xi32>
        %add3A_423 = arith.addi %sub3A_420, %add3A_422 : vector<16xi32>
        %convert_element_type3A_424 = arith.sitofp %add3A_423 : vector<16xi32> to vector<16xf32>
        tpu.vector_store_idx %arg27[%masked_sort3A_401], %convert_element_type3A_424 masked %or3A_413 {add = true} : memref<10112xf32, #tpu.memory_space<vmem>>[vector<16xi32>], vector<16xf32>, vector<16xi1>
        %get3A_425 = arith.constant 16 : index
        %get3A_426 = tpu.vector_load %arg21[%get3A_425] {strides = array<i32>} : memref<64xi32, #tpu.memory_space<vmem>>, vector<16xi32>,
        %masked_sort3A_427 = arith.constant dense<true> : vector<16xi1>
        %masked_sort3A_428 = arith.constant -2147483648 : i32
        %masked_sort3A_429 = vector.broadcast %masked_sort3A_428 : i32 to vector<16xi32>
        %masked_sort3A_430 = arith.xori %get3A_426, %masked_sort3A_429 : vector<16xi32>
        %masked_sort3A_431, %masked_sort3A_432, %masked_sort3A_433 = tpu.sort %masked_sort3A_430, %get3A_426 masked %masked_sort3A_427 : (vector<16xi32>, vector<16xi32>, vector<16xi1>) -> (vector<16xi1>, vector<16xi32>, vector<16xi32>)
        %masked_sort3A_434 = arith.xori %masked_sort3A_432, %masked_sort3A_429 : vector<16xi32>
        %reshape3A_435 = vector.shape_cast %max3A_388 : vector<16xi32> to vector<16x1xi32>
        %gather3A_436 = vector.shape_cast %reshape3A_435 : vector<16x1xi32> to vector<16xi32>
        %gather3A_437 = tpu.dynamic_gather %masked_sort3A_434[%gather3A_436] in [0] : vector<16xi32>, vector<16xi32> -> vector<16xi32>
        %reshape3A_438 = vector.shape_cast %min3A_393 : vector<16xi32> to vector<16x1xi32>
        %gather3A_439 = vector.shape_cast %reshape3A_438 : vector<16x1xi32> to vector<16xi32>
        %gather3A_440 = tpu.dynamic_gather %masked_sort3A_434[%gather3A_439] in [0] : vector<16xi32>, vector<16xi32> -> vector<16xi32>
        %eq3A_441 = arith.constant 0 : i32
        %eq3A_442 = vector.broadcast %eq3A_441 : i32 to vector<16xi32>
        %eq3A_443 = arith.cmpi eq, %iota3A, %eq3A_442 : vector<16xi32>
        %ne3A_444 = arith.cmpi ne, %masked_sort3A_434, %gather3A_437 : vector<16xi32>
        %or3A_445 = arith.ori %eq3A_443, %ne3A_444 : vector<16xi1>
        %eq3A_446 = arith.constant 15 : i32
        %eq3A_447 = vector.broadcast %eq3A_446 : i32 to vector<16xi32>
        %eq3A_448 = arith.cmpi eq, %iota3A, %eq3A_447 : vector<16xi32>
        %ne3A_449 = arith.cmpi ne, %masked_sort3A_434, %gather3A_440 : vector<16xi32>
        %or3A_450 = arith.ori %eq3A_448, %ne3A_449 : vector<16xi1>
        %jit3A_451 = arith.constant 0 : i32
        %broadcast_in_dim3A_452 = vector.broadcast %jit3A_451 : i32 to vector<16xi32>
        %select_n3A_453 = arith.select %or3A_445, %iota3A, %broadcast_in_dim3A_452 : vector<16xi1>, vector<16xi32>
        %broadcast_in_dim3A_454 = arith.constant true
        %broadcast_in_dim3A_455 = vector.broadcast %broadcast_in_dim3A_454 : i1 to vector<16xi1>
        %masked_cummax3A_456 = arith.constant -2147483648 : i32
        %masked_cummax3A_457 = vector.broadcast %masked_cummax3A_456 : i32 to vector<16xi32>
        %masked_cummax3A_458 = arith.xori %select_n3A_453, %masked_cummax3A_457 : vector<16xi32>
        %masked_cummax3A_459 = tpu.scan <max>, %masked_cummax3A_458 masked %broadcast_in_dim3A_455 : vector<16xi32>, vector<16xi1> -> vector<16xi32>
        %masked_cummax3A_460 = arith.xori %masked_cummax3A_459, %masked_cummax3A_457 : vector<16xi32>
        %sub3A_461 = arith.subi %iota3A, %masked_cummax3A_460 : vector<16xi32>
        %add3A_462 = arith.constant 1 : i32
        %add3A_463 = vector.broadcast %add3A_462 : i32 to vector<16xi32>
        %add3A_464 = arith.addi %sub3A_461, %add3A_463 : vector<16xi32>
        %convert_element_type3A_465 = arith.sitofp %add3A_464 : vector<16xi32> to vector<16xf32>
        tpu.vector_store_idx %arg27[%masked_sort3A_434], %convert_element_type3A_465 masked %or3A_450 {add = true} : memref<10112xf32, #tpu.memory_space<vmem>>[vector<16xi32>], vector<16xf32>, vector<16xi1>
        %get3A_466 = arith.constant 32 : index
        %get3A_467 = tpu.vector_load %arg21[%get3A_466] {strides = array<i32>} : memref<64xi32, #tpu.memory_space<vmem>>, vector<16xi32>,
        %masked_sort3A_468 = arith.constant dense<true> : vector<16xi1>
        %masked_sort3A_469 = arith.constant -2147483648 : i32
        %masked_sort3A_470 = vector.broadcast %masked_sort3A_469 : i32 to vector<16xi32>
        %masked_sort3A_471 = arith.xori %get3A_467, %masked_sort3A_470 : vector<16xi32>
        %masked_sort3A_472, %masked_sort3A_473, %masked_sort3A_474 = tpu.sort %masked_sort3A_471, %get3A_467 masked %masked_sort3A_468 : (vector<16xi32>, vector<16xi32>, vector<16xi1>) -> (vector<16xi1>, vector<16xi32>, vector<16xi32>)
        %masked_sort3A_475 = arith.xori %masked_sort3A_473, %masked_sort3A_470 : vector<16xi32>
        %reshape3A_476 = vector.shape_cast %max3A_388 : vector<16xi32> to vector<16x1xi32>
        %gather3A_477 = vector.shape_cast %reshape3A_476 : vector<16x1xi32> to vector<16xi32>
        %gather3A_478 = tpu.dynamic_gather %masked_sort3A_475[%gather3A_477] in [0] : vector<16xi32>, vector<16xi32> -> vector<16xi32>
        %reshape3A_479 = vector.shape_cast %min3A_393 : vector<16xi32> to vector<16x1xi32>
        %gather3A_480 = vector.shape_cast %reshape3A_479 : vector<16x1xi32> to vector<16xi32>
        %gather3A_481 = tpu.dynamic_gather %masked_sort3A_475[%gather3A_480] in [0] : vector<16xi32>, vector<16xi32> -> vector<16xi32>
        %eq3A_482 = arith.constant 0 : i32
        %eq3A_483 = vector.broadcast %eq3A_482 : i32 to vector<16xi32>
        %eq3A_484 = arith.cmpi eq, %iota3A, %eq3A_483 : vector<16xi32>
        %ne3A_485 = arith.cmpi ne, %masked_sort3A_475, %gather3A_478 : vector<16xi32>
        %or3A_486 = arith.ori %eq3A_484, %ne3A_485 : vector<16xi1>
        %eq3A_487 = arith.constant 15 : i32
        %eq3A_488 = vector.broadcast %eq3A_487 : i32 to vector<16xi32>
        %eq3A_489 = arith.cmpi eq, %iota3A, %eq3A_488 : vector<16xi32>
        %ne3A_490 = arith.cmpi ne, %masked_sort3A_475, %gather3A_481 : vector<16xi32>
        %or3A_491 = arith.ori %eq3A_489, %ne3A_490 : vector<16xi1>
        %jit3A_492 = arith.constant 0 : i32
        %broadcast_in_dim3A_493 = vector.broadcast %jit3A_492 : i32 to vector<16xi32>
        %select_n3A_494 = arith.select %or3A_486, %iota3A, %broadcast_in_dim3A_493 : vector<16xi1>, vector<16xi32>
        %broadcast_in_dim3A_495 = arith.constant true
        %broadcast_in_dim3A_496 = vector.broadcast %broadcast_in_dim3A_495 : i1 to vector<16xi1>
        %masked_cummax3A_497 = arith.constant -2147483648 : i32
        %masked_cummax3A_498 = vector.broadcast %masked_cummax3A_497 : i32 to vector<16xi32>
        %masked_cummax3A_499 = arith.xori %select_n3A_494, %masked_cummax3A_498 : vector<16xi32>
        %masked_cummax3A_500 = tpu.scan <max>, %masked_cummax3A_499 masked %broadcast_in_dim3A_496 : vector<16xi32>, vector<16xi1> -> vector<16xi32>
        %masked_cummax3A_501 = arith.xori %masked_cummax3A_500, %masked_cummax3A_498 : vector<16xi32>
        %sub3A_502 = arith.subi %iota3A, %masked_cummax3A_501 : vector<16xi32>
        %add3A_503 = arith.constant 1 : i32
        %add3A_504 = vector.broadcast %add3A_503 : i32 to vector<16xi32>
        %add3A_505 = arith.addi %sub3A_502, %add3A_504 : vector<16xi32>
        %convert_element_type3A_506 = arith.sitofp %add3A_505 : vector<16xi32> to vector<16xf32>
        tpu.vector_store_idx %arg27[%masked_sort3A_475], %convert_element_type3A_506 masked %or3A_491 {add = true} : memref<10112xf32, #tpu.memory_space<vmem>>[vector<16xi32>], vector<16xf32>, vector<16xi1>
        %get3A_507 = arith.constant 48 : index
        %get3A_508 = tpu.vector_load %arg21[%get3A_507] {strides = array<i32>} : memref<64xi32, #tpu.memory_space<vmem>>, vector<16xi32>,
        %masked_sort3A_509 = arith.constant dense<true> : vector<16xi1>
        %masked_sort3A_510 = arith.constant -2147483648 : i32
        %masked_sort3A_511 = vector.broadcast %masked_sort3A_510 : i32 to vector<16xi32>
        %masked_sort3A_512 = arith.xori %get3A_508, %masked_sort3A_511 : vector<16xi32>
        %masked_sort3A_513, %masked_sort3A_514, %masked_sort3A_515 = tpu.sort %masked_sort3A_512, %get3A_508 masked %masked_sort3A_509 : (vector<16xi32>, vector<16xi32>, vector<16xi1>) -> (vector<16xi1>, vector<16xi32>, vector<16xi32>)
        %masked_sort3A_516 = arith.xori %masked_sort3A_514, %masked_sort3A_511 : vector<16xi32>
        %reshape3A_517 = vector.shape_cast %max3A_388 : vector<16xi32> to vector<16x1xi32>
        %gather3A_518 = vector.shape_cast %reshape3A_517 : vector<16x1xi32> to vector<16xi32>
        %gather3A_519 = tpu.dynamic_gather %masked_sort3A_516[%gather3A_518] in [0] : vector<16xi32>, vector<16xi32> -> vector<16xi32>
        %reshape3A_520 = vector.shape_cast %min3A_393 : vector<16xi32> to vector<16x1xi32>
        %gather3A_521 = vector.shape_cast %reshape3A_520 : vector<16x1xi32> to vector<16xi32>
        %gather3A_522 = tpu.dynamic_gather %masked_sort3A_516[%gather3A_521] in [0] : vector<16xi32>, vector<16xi32> -> vector<16xi32>
        %eq3A_523 = arith.constant 0 : i32
        %eq3A_524 = vector.broadcast %eq3A_523 : i32 to vector<16xi32>
        %eq3A_525 = arith.cmpi eq, %iota3A, %eq3A_524 : vector<16xi32>
        %ne3A_526 = arith.cmpi ne, %masked_sort3A_516, %gather3A_519 : vector<16xi32>
        %or3A_527 = arith.ori %eq3A_525, %ne3A_526 : vector<16xi1>
        %eq3A_528 = arith.constant 15 : i32
        %eq3A_529 = vector.broadcast %eq3A_528 : i32 to vector<16xi32>
        %eq3A_530 = arith.cmpi eq, %iota3A, %eq3A_529 : vector<16xi32>
        %ne3A_531 = arith.cmpi ne, %masked_sort3A_516, %gather3A_522 : vector<16xi32>
        %or3A_532 = arith.ori %eq3A_530, %ne3A_531 : vector<16xi1>
        %jit3A_533 = arith.constant 0 : i32
        %broadcast_in_dim3A_534 = vector.broadcast %jit3A_533 : i32 to vector<16xi32>
        %select_n3A_535 = arith.select %or3A_527, %iota3A, %broadcast_in_dim3A_534 : vector<16xi1>, vector<16xi32>
        %broadcast_in_dim3A_536 = arith.constant true
        %broadcast_in_dim3A_537 = vector.broadcast %broadcast_in_dim3A_536 : i1 to vector<16xi1>
        %masked_cummax3A_538 = arith.constant -2147483648 : i32
        %masked_cummax3A_539 = vector.broadcast %masked_cummax3A_538 : i32 to vector<16xi32>
        %masked_cummax3A_540 = arith.xori %select_n3A_535, %masked_cummax3A_539 : vector<16xi32>
        %masked_cummax3A_541 = tpu.scan <max>, %masked_cummax3A_540 masked %broadcast_in_dim3A_537 : vector<16xi32>, vector<16xi1> -> vector<16xi32>
        %masked_cummax3A_542 = arith.xori %masked_cummax3A_541, %masked_cummax3A_539 : vector<16xi32>
        %sub3A_543 = arith.subi %iota3A, %masked_cummax3A_542 : vector<16xi32>
        %add3A_544 = arith.constant 1 : i32
        %add3A_545 = vector.broadcast %add3A_544 : i32 to vector<16xi32>
        %add3A_546 = arith.addi %sub3A_543, %add3A_545 : vector<16xi32>
        %convert_element_type3A_547 = arith.sitofp %add3A_546 : vector<16xi32> to vector<16xf32>
        tpu.vector_store_idx %arg27[%masked_sort3A_516], %convert_element_type3A_547 masked %or3A_532 {add = true} : memref<10112xf32, #tpu.memory_space<vmem>>[vector<16xi32>], vector<16xf32>, vector<16xi1>
      } else {
      }
      %mul3A_350 = arith.constant 8 : i32
      %mul3A_351 = arith.muli %scan3A_124, %mul3A_350 : i32
      %add3A_352 = arith.constant 7 : i32
      %add3A_353 = arith.addi %mul3A_351, %add3A_352 : i32
      %dma_wait3A_354 = arith.constant 0 : i32
      %dma_wait3A_355 = arith.constant 0 : i32
      %dma_wait3A_356 = tpu.memref_slice %arg2[%dma_wait3A_354, %dma_wait3A_355] : memref<20000x128xf32, #tpu.memory_space<hbm>> -> memref<20000x128xf32, #tpu.memory_space<hbm>>
      tpu.wait_indirect_dma semaphore(%arg48 : memref<!tpu.dma_semaphore, #tpu.memory_space<semaphore_mem>>) src(%dma_wait3A_356 : memref<20000x128xf32, #tpu.memory_space<hbm>>) dst(%arg26 : memref<64x128xf32, #tpu.memory_space<vmem>>)
      %dma_start3A_357 = arith.constant 0 : i32
      %dma_start3A_358 = arith.constant 0 : i32
      %dma_start3A_359 = tpu.memref_slice %arg28[%dma_start3A_357, %dma_start3A_358] : memref<10112x128xf32, #tpu.memory_space<vmem_shared>> -> memref<10112x128xf32, #tpu.memory_space<vmem_shared>>
      tpu.enqueue_indirect_dma source(%arg26 : memref<64x128xf32, #tpu.memory_space<vmem>>) target(%dma_start3A_359 : memref<10112x128xf32, #tpu.memory_space<vmem_shared>>) offsets(%arg22 : memref<64xi32, #tpu.memory_space<vmem>>) semaphore(%arg52 : memref<!tpu.dma_semaphore, #tpu.memory_space<semaphore_mem>>) {add = true}
      %ge3A_360 = arith.constant 2 : i32
      %ge3A_361 = arith.cmpi sge, %add3A_353, %ge3A_360 : i32
      %convert_element_type3A_362 = arith.extui %ge3A_361 : i1 to i32
      %cond3A_363 = arith.constant 0 : i32
      %cond3A_364 = arith.cmpi ne, %convert_element_type3A_362, %cond3A_363 : i32
      scf.if %cond3A_364 {
        %dma_wait3A_384 = arith.constant 0 : i32
        %dma_wait3A_385 = arith.constant 0 : i32
        %dma_wait3A_386 = tpu.memref_slice %arg28[%dma_wait3A_384, %dma_wait3A_385] : memref<10112x128xf32, #tpu.memory_space<vmem_shared>> -> memref<10112x128xf32, #tpu.memory_space<vmem_shared>>
        tpu.wait_indirect_dma semaphore(%arg50 : memref<!tpu.dma_semaphore, #tpu.memory_space<semaphore_mem>>) src(%arg24 : memref<64x128xf32, #tpu.memory_space<vmem>>) dst(%dma_wait3A_386 : memref<10112x128xf32, #tpu.memory_space<vmem_shared>>)
      } else {
      }
      %add3A_365 = arith.constant 6 : i32
      %add3A_366 = arith.addi %add3A_353, %add3A_365 : i32
      %lt3A_367 = arith.constant 160 : i32
      %lt3A_368 = arith.cmpi slt, %add3A_366, %lt3A_367 : i32
      %convert_element_type3A_369 = arith.extui %lt3A_368 : i1 to i32
      %cond3A_370 = arith.constant 0 : i32
      %cond3A_371 = arith.cmpi ne, %convert_element_type3A_369, %cond3A_370 : i32
      scf.if %cond3A_371 {
        %add3A_384 = arith.constant 6 : i32
        %add3A_385 = arith.addi %add3A_353, %add3A_384 : i32
        %mul3A_386 = arith.constant 64 : i32
        %mul3A_387 = arith.muli %add3A_385, %mul3A_386 : i32
        %add3A_388 = arith.addi %add3A_38, %mul3A_387 : i32
        %dma_start3A_389 = tpu.memref_slice %arg3[%add3A_388] : memref<327680xi32, #tpu.memory_space<hbm>> -> memref<64xi32, #tpu.memory_space<hbm>>
        %dma_start3A_390 = tpu.memref_slice %arg3[%add3A_388] : memref<327680xi32, #tpu.memory_space<hbm>> -> memref<64xi32, #tpu.memory_space<hbm>>
        tpu.enqueue_dma source(%dma_start3A_390 : memref<64xi32, #tpu.memory_space<hbm>>) target(%arg12 : memref<64xi32, #tpu.memory_space<vmem>>) target_semaphore(%arg34 : memref<!tpu.dma_semaphore, #tpu.memory_space<semaphore_mem>>)
        %mul3A_391 = arith.constant 64 : i32
        %mul3A_392 = arith.muli %add3A_385, %mul3A_391 : i32
        %add3A_393 = arith.addi %mul3A_35, %mul3A_392 : i32
        %dma_start3A_394 = tpu.memref_slice %arg4[%add3A_393] : memref<163840xi32, #tpu.memory_space<hbm>> -> memref<64xi32, #tpu.memory_space<hbm>>
        %dma_start3A_395 = tpu.memref_slice %arg4[%add3A_393] : memref<163840xi32, #tpu.memory_space<hbm>> -> memref<64xi32, #tpu.memory_space<hbm>>
        tpu.enqueue_dma source(%dma_start3A_395 : memref<64xi32, #tpu.memory_space<hbm>>) target(%arg20 : memref<64xi32, #tpu.memory_space<vmem>>) target_semaphore(%arg42 : memref<!tpu.dma_semaphore, #tpu.memory_space<semaphore_mem>>)
      } else {
      }
      %add3A_372 = arith.constant 2 : i32
      %add3A_373 = arith.addi %add3A_353, %add3A_372 : i32
      %lt3A_374 = arith.constant 160 : i32
      %lt3A_375 = arith.cmpi slt, %add3A_373, %lt3A_374 : i32
      %convert_element_type3A_376 = arith.extui %lt3A_375 : i1 to i32
      %cond3A_377 = arith.constant 0 : i32
      %cond3A_378 = arith.cmpi ne, %convert_element_type3A_376, %cond3A_377 : i32
      scf.if %cond3A_378 {
        %add3A_384 = arith.constant 2 : i32
        %add3A_385 = arith.addi %add3A_353, %add3A_384 : i32
        %mul3A_386 = arith.constant 64 : i32
        %mul3A_387 = arith.muli %add3A_385, %mul3A_386 : i32
        %add3A_388 = arith.addi %add3A_38, %mul3A_387 : i32
        %dma_wait3A_389 = tpu.memref_slice %arg3[%add3A_388] : memref<327680xi32, #tpu.memory_space<hbm>> -> memref<64xi32, #tpu.memory_space<hbm>>
        %dma_wait3A_390 = tpu.memref_slice %arg3[%add3A_388] : memref<327680xi32, #tpu.memory_space<hbm>> -> memref<64xi32, #tpu.memory_space<hbm>>
        tpu.wait_dma2 semaphore(%arg30 : memref<!tpu.dma_semaphore, #tpu.memory_space<semaphore_mem>>) src(%dma_wait3A_390 : memref<64xi32, #tpu.memory_space<hbm>>) dst(%arg8 : memref<64xi32, #tpu.memory_space<vmem>>)
        %mul3A_391 = arith.constant 64 : i32
        %mul3A_392 = arith.muli %add3A_385, %mul3A_391 : i32
        %add3A_393 = arith.addi %mul3A_35, %mul3A_392 : i32
        %dma_wait3A_394 = tpu.memref_slice %arg4[%add3A_393] : memref<163840xi32, #tpu.memory_space<hbm>> -> memref<64xi32, #tpu.memory_space<hbm>>
        %dma_wait3A_395 = tpu.memref_slice %arg4[%add3A_393] : memref<163840xi32, #tpu.memory_space<hbm>> -> memref<64xi32, #tpu.memory_space<hbm>>
        tpu.wait_dma2 semaphore(%arg38 : memref<!tpu.dma_semaphore, #tpu.memory_space<semaphore_mem>>) src(%dma_wait3A_395 : memref<64xi32, #tpu.memory_space<hbm>>) dst(%arg16 : memref<64xi32, #tpu.memory_space<vmem>>)
        %dma_start3A_396 = arith.constant 0 : i32
        %dma_start3A_397 = arith.constant 0 : i32
        %dma_start3A_398 = tpu.memref_slice %arg2[%dma_start3A_396, %dma_start3A_397] : memref<20000x128xf32, #tpu.memory_space<hbm>> -> memref<20000x128xf32, #tpu.memory_space<hbm>>
        tpu.enqueue_indirect_dma source(%dma_start3A_398 : memref<20000x128xf32, #tpu.memory_space<hbm>>) target(%arg24 : memref<64x128xf32, #tpu.memory_space<vmem>>) offsets(%arg8 : memref<64xi32, #tpu.memory_space<vmem>>) semaphore(%arg46 : memref<!tpu.dma_semaphore, #tpu.memory_space<semaphore_mem>>)
      } else {
      }
      %not3A_379 = arith.constant true
      %not3A_380 = arith.xori %eq3A_39, %not3A_379 : i1
      %convert_element_type3A_381 = arith.extui %not3A_380 : i1 to i32
      %cond3A_382 = arith.constant 0 : i32
      %cond3A_383 = arith.cmpi ne, %convert_element_type3A_381, %cond3A_382 : i32
      scf.if %cond3A_383 {
        %iota3A = tpu.iota {dimensions = array<i32: 0>} : vector<16xi32>
        %sub3A_384 = arith.constant 1 : i32
        %sub3A_385 = vector.broadcast %sub3A_384 : i32 to vector<16xi32>
        %sub3A_386 = arith.subi %iota3A, %sub3A_385 : vector<16xi32>
        %max3A = arith.constant 0 : i32
        %max3A_387 = vector.broadcast %max3A : i32 to vector<16xi32>
        %max3A_388 = arith.maxsi %sub3A_386, %max3A_387 : vector<16xi32>
        %add3A_389 = arith.constant 1 : i32
        %add3A_390 = vector.broadcast %add3A_389 : i32 to vector<16xi32>
        %add3A_391 = arith.addi %iota3A, %add3A_390 : vector<16xi32>
        %min3A = arith.constant 15 : i32
        %min3A_392 = vector.broadcast %min3A : i32 to vector<16xi32>
        %min3A_393 = arith.minsi %add3A_391, %min3A_392 : vector<16xi32>
        %get3A = arith.constant 0 : index
        %get3A_394 = tpu.vector_load %arg22[%get3A] {strides = array<i32>} : memref<64xi32, #tpu.memory_space<vmem>>, vector<16xi32>,
        %masked_sort3A = arith.constant dense<true> : vector<16xi1>
        %masked_sort3A_395 = arith.constant -2147483648 : i32
        %masked_sort3A_396 = vector.broadcast %masked_sort3A_395 : i32 to vector<16xi32>
        %masked_sort3A_397 = arith.xori %get3A_394, %masked_sort3A_396 : vector<16xi32>
        %masked_sort3A_398, %masked_sort3A_399, %masked_sort3A_400 = tpu.sort %masked_sort3A_397, %get3A_394 masked %masked_sort3A : (vector<16xi32>, vector<16xi32>, vector<16xi1>) -> (vector<16xi1>, vector<16xi32>, vector<16xi32>)
        %masked_sort3A_401 = arith.xori %masked_sort3A_399, %masked_sort3A_396 : vector<16xi32>
        %reshape3A = vector.shape_cast %max3A_388 : vector<16xi32> to vector<16x1xi32>
        %gather3A = vector.shape_cast %reshape3A : vector<16x1xi32> to vector<16xi32>
        %gather3A_402 = tpu.dynamic_gather %masked_sort3A_401[%gather3A] in [0] : vector<16xi32>, vector<16xi32> -> vector<16xi32>
        %reshape3A_403 = vector.shape_cast %min3A_393 : vector<16xi32> to vector<16x1xi32>
        %gather3A_404 = vector.shape_cast %reshape3A_403 : vector<16x1xi32> to vector<16xi32>
        %gather3A_405 = tpu.dynamic_gather %masked_sort3A_401[%gather3A_404] in [0] : vector<16xi32>, vector<16xi32> -> vector<16xi32>
        %eq3A_406 = arith.constant 0 : i32
        %eq3A_407 = vector.broadcast %eq3A_406 : i32 to vector<16xi32>
        %eq3A_408 = arith.cmpi eq, %iota3A, %eq3A_407 : vector<16xi32>
        %ne3A = arith.cmpi ne, %masked_sort3A_401, %gather3A_402 : vector<16xi32>
        %or3A = arith.ori %eq3A_408, %ne3A : vector<16xi1>
        %eq3A_409 = arith.constant 15 : i32
        %eq3A_410 = vector.broadcast %eq3A_409 : i32 to vector<16xi32>
        %eq3A_411 = arith.cmpi eq, %iota3A, %eq3A_410 : vector<16xi32>
        %ne3A_412 = arith.cmpi ne, %masked_sort3A_401, %gather3A_405 : vector<16xi32>
        %or3A_413 = arith.ori %eq3A_411, %ne3A_412 : vector<16xi1>
        %jit3A = arith.constant 0 : i32
        %broadcast_in_dim3A = vector.broadcast %jit3A : i32 to vector<16xi32>
        %select_n3A = arith.select %or3A, %iota3A, %broadcast_in_dim3A : vector<16xi1>, vector<16xi32>
        %broadcast_in_dim3A_414 = arith.constant true
        %broadcast_in_dim3A_415 = vector.broadcast %broadcast_in_dim3A_414 : i1 to vector<16xi1>
        %masked_cummax3A = arith.constant -2147483648 : i32
        %masked_cummax3A_416 = vector.broadcast %masked_cummax3A : i32 to vector<16xi32>
        %masked_cummax3A_417 = arith.xori %select_n3A, %masked_cummax3A_416 : vector<16xi32>
        %masked_cummax3A_418 = tpu.scan <max>, %masked_cummax3A_417 masked %broadcast_in_dim3A_415 : vector<16xi32>, vector<16xi1> -> vector<16xi32>
        %masked_cummax3A_419 = arith.xori %masked_cummax3A_418, %masked_cummax3A_416 : vector<16xi32>
        %sub3A_420 = arith.subi %iota3A, %masked_cummax3A_419 : vector<16xi32>
        %add3A_421 = arith.constant 1 : i32
        %add3A_422 = vector.broadcast %add3A_421 : i32 to vector<16xi32>
        %add3A_423 = arith.addi %sub3A_420, %add3A_422 : vector<16xi32>
        %convert_element_type3A_424 = arith.sitofp %add3A_423 : vector<16xi32> to vector<16xf32>
        tpu.vector_store_idx %arg27[%masked_sort3A_401], %convert_element_type3A_424 masked %or3A_413 {add = true} : memref<10112xf32, #tpu.memory_space<vmem>>[vector<16xi32>], vector<16xf32>, vector<16xi1>
        %get3A_425 = arith.constant 16 : index
        %get3A_426 = tpu.vector_load %arg22[%get3A_425] {strides = array<i32>} : memref<64xi32, #tpu.memory_space<vmem>>, vector<16xi32>,
        %masked_sort3A_427 = arith.constant dense<true> : vector<16xi1>
        %masked_sort3A_428 = arith.constant -2147483648 : i32
        %masked_sort3A_429 = vector.broadcast %masked_sort3A_428 : i32 to vector<16xi32>
        %masked_sort3A_430 = arith.xori %get3A_426, %masked_sort3A_429 : vector<16xi32>
        %masked_sort3A_431, %masked_sort3A_432, %masked_sort3A_433 = tpu.sort %masked_sort3A_430, %get3A_426 masked %masked_sort3A_427 : (vector<16xi32>, vector<16xi32>, vector<16xi1>) -> (vector<16xi1>, vector<16xi32>, vector<16xi32>)
        %masked_sort3A_434 = arith.xori %masked_sort3A_432, %masked_sort3A_429 : vector<16xi32>
        %reshape3A_435 = vector.shape_cast %max3A_388 : vector<16xi32> to vector<16x1xi32>
        %gather3A_436 = vector.shape_cast %reshape3A_435 : vector<16x1xi32> to vector<16xi32>
        %gather3A_437 = tpu.dynamic_gather %masked_sort3A_434[%gather3A_436] in [0] : vector<16xi32>, vector<16xi32> -> vector<16xi32>
        %reshape3A_438 = vector.shape_cast %min3A_393 : vector<16xi32> to vector<16x1xi32>
        %gather3A_439 = vector.shape_cast %reshape3A_438 : vector<16x1xi32> to vector<16xi32>
        %gather3A_440 = tpu.dynamic_gather %masked_sort3A_434[%gather3A_439] in [0] : vector<16xi32>, vector<16xi32> -> vector<16xi32>
        %eq3A_441 = arith.constant 0 : i32
        %eq3A_442 = vector.broadcast %eq3A_441 : i32 to vector<16xi32>
        %eq3A_443 = arith.cmpi eq, %iota3A, %eq3A_442 : vector<16xi32>
        %ne3A_444 = arith.cmpi ne, %masked_sort3A_434, %gather3A_437 : vector<16xi32>
        %or3A_445 = arith.ori %eq3A_443, %ne3A_444 : vector<16xi1>
        %eq3A_446 = arith.constant 15 : i32
        %eq3A_447 = vector.broadcast %eq3A_446 : i32 to vector<16xi32>
        %eq3A_448 = arith.cmpi eq, %iota3A, %eq3A_447 : vector<16xi32>
        %ne3A_449 = arith.cmpi ne, %masked_sort3A_434, %gather3A_440 : vector<16xi32>
        %or3A_450 = arith.ori %eq3A_448, %ne3A_449 : vector<16xi1>
        %jit3A_451 = arith.constant 0 : i32
        %broadcast_in_dim3A_452 = vector.broadcast %jit3A_451 : i32 to vector<16xi32>
        %select_n3A_453 = arith.select %or3A_445, %iota3A, %broadcast_in_dim3A_452 : vector<16xi1>, vector<16xi32>
        %broadcast_in_dim3A_454 = arith.constant true
        %broadcast_in_dim3A_455 = vector.broadcast %broadcast_in_dim3A_454 : i1 to vector<16xi1>
        %masked_cummax3A_456 = arith.constant -2147483648 : i32
        %masked_cummax3A_457 = vector.broadcast %masked_cummax3A_456 : i32 to vector<16xi32>
        %masked_cummax3A_458 = arith.xori %select_n3A_453, %masked_cummax3A_457 : vector<16xi32>
        %masked_cummax3A_459 = tpu.scan <max>, %masked_cummax3A_458 masked %broadcast_in_dim3A_455 : vector<16xi32>, vector<16xi1> -> vector<16xi32>
        %masked_cummax3A_460 = arith.xori %masked_cummax3A_459, %masked_cummax3A_457 : vector<16xi32>
        %sub3A_461 = arith.subi %iota3A, %masked_cummax3A_460 : vector<16xi32>
        %add3A_462 = arith.constant 1 : i32
        %add3A_463 = vector.broadcast %add3A_462 : i32 to vector<16xi32>
        %add3A_464 = arith.addi %sub3A_461, %add3A_463 : vector<16xi32>
        %convert_element_type3A_465 = arith.sitofp %add3A_464 : vector<16xi32> to vector<16xf32>
        tpu.vector_store_idx %arg27[%masked_sort3A_434], %convert_element_type3A_465 masked %or3A_450 {add = true} : memref<10112xf32, #tpu.memory_space<vmem>>[vector<16xi32>], vector<16xf32>, vector<16xi1>
        %get3A_466 = arith.constant 32 : index
        %get3A_467 = tpu.vector_load %arg22[%get3A_466] {strides = array<i32>} : memref<64xi32, #tpu.memory_space<vmem>>, vector<16xi32>,
        %masked_sort3A_468 = arith.constant dense<true> : vector<16xi1>
        %masked_sort3A_469 = arith.constant -2147483648 : i32
        %masked_sort3A_470 = vector.broadcast %masked_sort3A_469 : i32 to vector<16xi32>
        %masked_sort3A_471 = arith.xori %get3A_467, %masked_sort3A_470 : vector<16xi32>
        %masked_sort3A_472, %masked_sort3A_473, %masked_sort3A_474 = tpu.sort %masked_sort3A_471, %get3A_467 masked %masked_sort3A_468 : (vector<16xi32>, vector<16xi32>, vector<16xi1>) -> (vector<16xi1>, vector<16xi32>, vector<16xi32>)
        %masked_sort3A_475 = arith.xori %masked_sort3A_473, %masked_sort3A_470 : vector<16xi32>
        %reshape3A_476 = vector.shape_cast %max3A_388 : vector<16xi32> to vector<16x1xi32>
        %gather3A_477 = vector.shape_cast %reshape3A_476 : vector<16x1xi32> to vector<16xi32>
        %gather3A_478 = tpu.dynamic_gather %masked_sort3A_475[%gather3A_477] in [0] : vector<16xi32>, vector<16xi32> -> vector<16xi32>
        %reshape3A_479 = vector.shape_cast %min3A_393 : vector<16xi32> to vector<16x1xi32>
        %gather3A_480 = vector.shape_cast %reshape3A_479 : vector<16x1xi32> to vector<16xi32>
        %gather3A_481 = tpu.dynamic_gather %masked_sort3A_475[%gather3A_480] in [0] : vector<16xi32>, vector<16xi32> -> vector<16xi32>
        %eq3A_482 = arith.constant 0 : i32
        %eq3A_483 = vector.broadcast %eq3A_482 : i32 to vector<16xi32>
        %eq3A_484 = arith.cmpi eq, %iota3A, %eq3A_483 : vector<16xi32>
        %ne3A_485 = arith.cmpi ne, %masked_sort3A_475, %gather3A_478 : vector<16xi32>
        %or3A_486 = arith.ori %eq3A_484, %ne3A_485 : vector<16xi1>
        %eq3A_487 = arith.constant 15 : i32
        %eq3A_488 = vector.broadcast %eq3A_487 : i32 to vector<16xi32>
        %eq3A_489 = arith.cmpi eq, %iota3A, %eq3A_488 : vector<16xi32>
        %ne3A_490 = arith.cmpi ne, %masked_sort3A_475, %gather3A_481 : vector<16xi32>
        %or3A_491 = arith.ori %eq3A_489, %ne3A_490 : vector<16xi1>
        %jit3A_492 = arith.constant 0 : i32
        %broadcast_in_dim3A_493 = vector.broadcast %jit3A_492 : i32 to vector<16xi32>
        %select_n3A_494 = arith.select %or3A_486, %iota3A, %broadcast_in_dim3A_493 : vector<16xi1>, vector<16xi32>
        %broadcast_in_dim3A_495 = arith.constant true
        %broadcast_in_dim3A_496 = vector.broadcast %broadcast_in_dim3A_495 : i1 to vector<16xi1>
        %masked_cummax3A_497 = arith.constant -2147483648 : i32
        %masked_cummax3A_498 = vector.broadcast %masked_cummax3A_497 : i32 to vector<16xi32>
        %masked_cummax3A_499 = arith.xori %select_n3A_494, %masked_cummax3A_498 : vector<16xi32>
        %masked_cummax3A_500 = tpu.scan <max>, %masked_cummax3A_499 masked %broadcast_in_dim3A_496 : vector<16xi32>, vector<16xi1> -> vector<16xi32>
        %masked_cummax3A_501 = arith.xori %masked_cummax3A_500, %masked_cummax3A_498 : vector<16xi32>
        %sub3A_502 = arith.subi %iota3A, %masked_cummax3A_501 : vector<16xi32>
        %add3A_503 = arith.constant 1 : i32
        %add3A_504 = vector.broadcast %add3A_503 : i32 to vector<16xi32>
        %add3A_505 = arith.addi %sub3A_502, %add3A_504 : vector<16xi32>
        %convert_element_type3A_506 = arith.sitofp %add3A_505 : vector<16xi32> to vector<16xf32>
        tpu.vector_store_idx %arg27[%masked_sort3A_475], %convert_element_type3A_506 masked %or3A_491 {add = true} : memref<10112xf32, #tpu.memory_space<vmem>>[vector<16xi32>], vector<16xf32>, vector<16xi1>
        %get3A_507 = arith.constant 48 : index
        %get3A_508 = tpu.vector_load %arg22[%get3A_507] {strides = array<i32>} : memref<64xi32, #tpu.memory_space<vmem>>, vector<16xi32>,
        %masked_sort3A_509 = arith.constant dense<true> : vector<16xi1>
        %masked_sort3A_510 = arith.constant -2147483648 : i32
        %masked_sort3A_511 = vector.broadcast %masked_sort3A_510 : i32 to vector<16xi32>
        %masked_sort3A_512 = arith.xori %get3A_508, %masked_sort3A_511 : vector<16xi32>
        %masked_sort3A_513, %masked_sort3A_514, %masked_sort3A_515 = tpu.sort %masked_sort3A_512, %get3A_508 masked %masked_sort3A_509 : (vector<16xi32>, vector<16xi32>, vector<16xi1>) -> (vector<16xi1>, vector<16xi32>, vector<16xi32>)
        %masked_sort3A_516 = arith.xori %masked_sort3A_514, %masked_sort3A_511 : vector<16xi32>
        %reshape3A_517 = vector.shape_cast %max3A_388 : vector<16xi32> to vector<16x1xi32>
        %gather3A_518 = vector.shape_cast %reshape3A_517 : vector<16x1xi32> to vector<16xi32>
        %gather3A_519 = tpu.dynamic_gather %masked_sort3A_516[%gather3A_518] in [0] : vector<16xi32>, vector<16xi32> -> vector<16xi32>
        %reshape3A_520 = vector.shape_cast %min3A_393 : vector<16xi32> to vector<16x1xi32>
        %gather3A_521 = vector.shape_cast %reshape3A_520 : vector<16x1xi32> to vector<16xi32>
        %gather3A_522 = tpu.dynamic_gather %masked_sort3A_516[%gather3A_521] in [0] : vector<16xi32>, vector<16xi32> -> vector<16xi32>
        %eq3A_523 = arith.constant 0 : i32
        %eq3A_524 = vector.broadcast %eq3A_523 : i32 to vector<16xi32>
        %eq3A_525 = arith.cmpi eq, %iota3A, %eq3A_524 : vector<16xi32>
        %ne3A_526 = arith.cmpi ne, %masked_sort3A_516, %gather3A_519 : vector<16xi32>
        %or3A_527 = arith.ori %eq3A_525, %ne3A_526 : vector<16xi1>
        %eq3A_528 = arith.constant 15 : i32
        %eq3A_529 = vector.broadcast %eq3A_528 : i32 to vector<16xi32>
        %eq3A_530 = arith.cmpi eq, %iota3A, %eq3A_529 : vector<16xi32>
        %ne3A_531 = arith.cmpi ne, %masked_sort3A_516, %gather3A_522 : vector<16xi32>
        %or3A_532 = arith.ori %eq3A_530, %ne3A_531 : vector<16xi1>
        %jit3A_533 = arith.constant 0 : i32
        %broadcast_in_dim3A_534 = vector.broadcast %jit3A_533 : i32 to vector<16xi32>
        %select_n3A_535 = arith.select %or3A_527, %iota3A, %broadcast_in_dim3A_534 : vector<16xi1>, vector<16xi32>
        %broadcast_in_dim3A_536 = arith.constant true
        %broadcast_in_dim3A_537 = vector.broadcast %broadcast_in_dim3A_536 : i1 to vector<16xi1>
        %masked_cummax3A_538 = arith.constant -2147483648 : i32
        %masked_cummax3A_539 = vector.broadcast %masked_cummax3A_538 : i32 to vector<16xi32>
        %masked_cummax3A_540 = arith.xori %select_n3A_535, %masked_cummax3A_539 : vector<16xi32>
        %masked_cummax3A_541 = tpu.scan <max>, %masked_cummax3A_540 masked %broadcast_in_dim3A_537 : vector<16xi32>, vector<16xi1> -> vector<16xi32>
        %masked_cummax3A_542 = arith.xori %masked_cummax3A_541, %masked_cummax3A_539 : vector<16xi32>
        %sub3A_543 = arith.subi %iota3A, %masked_cummax3A_542 : vector<16xi32>
        %add3A_544 = arith.constant 1 : i32
        %add3A_545 = vector.broadcast %add3A_544 : i32 to vector<16xi32>
        %add3A_546 = arith.addi %sub3A_543, %add3A_545 : vector<16xi32>
        %convert_element_type3A_547 = arith.sitofp %add3A_546 : vector<16xi32> to vector<16xf32>
        tpu.vector_store_idx %arg27[%masked_sort3A_516], %convert_element_type3A_547 masked %or3A_532 {add = true} : memref<10112xf32, #tpu.memory_space<vmem>>[vector<16xi32>], vector<16xf32>, vector<16xi1>
      } else {
      }
    }
    %scan3A_113 = arith.constant 20 : i32
    %dma_wait3A_114 = arith.constant 0 : i32
    %dma_wait3A_115 = arith.constant 0 : i32
    %dma_wait3A_116 = tpu.memref_slice %arg28[%dma_wait3A_114, %dma_wait3A_115] : memref<10112x128xf32, #tpu.memory_space<vmem_shared>> -> memref<10112x128xf32, #tpu.memory_space<vmem_shared>>
    tpu.wait_indirect_dma semaphore(%arg51 : memref<!tpu.dma_semaphore, #tpu.memory_space<semaphore_mem>>) src(%arg25 : memref<64x128xf32, #tpu.memory_space<vmem>>) dst(%dma_wait3A_116 : memref<10112x128xf32, #tpu.memory_space<vmem_shared>>)
    %dma_wait3A_117 = arith.constant 0 : i32
    %dma_wait3A_118 = arith.constant 0 : i32
    %dma_wait3A_119 = tpu.memref_slice %arg28[%dma_wait3A_117, %dma_wait3A_118] : memref<10112x128xf32, #tpu.memory_space<vmem_shared>> -> memref<10112x128xf32, #tpu.memory_space<vmem_shared>>
    tpu.wait_indirect_dma semaphore(%arg52 : memref<!tpu.dma_semaphore, #tpu.memory_space<semaphore_mem>>) src(%arg26 : memref<64x128xf32, #tpu.memory_space<vmem>>) dst(%dma_wait3A_119 : memref<10112x128xf32, #tpu.memory_space<vmem_shared>>)
    %barrier3A_120 = arith.constant 0 : index
    tpu.barrier barrier_id(%barrier3A_120)
    "tpu.region"() ({
      %run_scoped3A = tpu.sem_alloc : memref<!tpu.dma_semaphore, #tpu.memory_space<semaphore_mem>>
      %dma_start3A_124 = arith.constant 0 : i32
      %dma_start3A_125 = tpu.memref_slice %arg5[%arg0, %mul3A_0, %dma_start3A_124] : memref<2x10112x128xf32, #tpu.memory_space<hbm>> -> memref<1x632x128xf32, #tpu.memory_space<hbm>>
      %dma_start3A_126 = tpu.memref_squeeze %dma_start3A_125 : memref<1x632x128xf32, #tpu.memory_space<hbm>> -> memref<632x128xf32, #tpu.memory_space<hbm>>
      %dma_start3A_127 = arith.constant 0 : i32
      %dma_start3A_128 = tpu.memref_slice %arg28[%mul3A_0, %dma_start3A_127] : memref<10112x128xf32, #tpu.memory_space<vmem_shared>> -> memref<632x128xf32, #tpu.memory_space<vmem_shared>>
      tpu.enqueue_dma source(%dma_start3A_128 : memref<632x128xf32, #tpu.memory_space<vmem_shared>>) target(%dma_start3A_126 : memref<632x128xf32, #tpu.memory_space<hbm>>) target_semaphore(%run_scoped3A : memref<!tpu.dma_semaphore, #tpu.memory_space<semaphore_mem>>)
      %dma_wait3A_129 = arith.constant 0 : i32
      %dma_wait3A_130 = tpu.memref_slice %arg5[%arg0, %mul3A_0, %dma_wait3A_129] : memref<2x10112x128xf32, #tpu.memory_space<hbm>> -> memref<1x632x128xf32, #tpu.memory_space<hbm>>
      %dma_wait3A_131 = tpu.memref_squeeze %dma_wait3A_130 : memref<1x632x128xf32, #tpu.memory_space<hbm>> -> memref<632x128xf32, #tpu.memory_space<hbm>>
      %dma_wait3A_132 = arith.constant 0 : i32
      %dma_wait3A_133 = tpu.memref_slice %arg28[%mul3A_0, %dma_wait3A_132] : memref<10112x128xf32, #tpu.memory_space<vmem_shared>> -> memref<632x128xf32, #tpu.memory_space<vmem_shared>>
      tpu.wait_dma2 semaphore(%run_scoped3A : memref<!tpu.dma_semaphore, #tpu.memory_space<semaphore_mem>>) src(%dma_wait3A_133 : memref<632x128xf32, #tpu.memory_space<vmem_shared>>) dst(%dma_wait3A_131 : memref<632x128xf32, #tpu.memory_space<hbm>>)
      tpu.yield
    }) : () -> ()
    %mul3A_121 = arith.constant 16 : i32
    %mul3A_122 = arith.muli %arg0, %mul3A_121 : i32
    %add3A_123 = arith.addi %mul3A_122, %arg1 : i32
    "tpu.region"() ({
      %run_scoped3A = tpu.sem_alloc : memref<!tpu.dma_semaphore, #tpu.memory_space<semaphore_mem>>
      %dma_start3A_124 = arith.constant 0 : i32
      %dma_start3A_125 = tpu.memref_slice %arg6[%add3A_123, %dma_start3A_124] : memref<32x10112xf32, #tpu.memory_space<hbm>> -> memref<1x10112xf32, #tpu.memory_space<hbm>>
      %dma_start3A_126 = tpu.memref_squeeze %dma_start3A_125 : memref<1x10112xf32, #tpu.memory_space<hbm>> -> memref<10112xf32, #tpu.memory_space<hbm>>
      %dma_start3A_127 = arith.constant 0 : i32
      %dma_start3A_128 = tpu.memref_slice %arg6[%add3A_123, %dma_start3A_127] : memref<32x10112xf32, #tpu.memory_space<hbm>> -> memref<1x10112xf32, #tpu.memory_space<hbm>>
      %dma_start3A_129 = tpu.memref_squeeze %dma_start3A_128 : memref<1x10112xf32, #tpu.memory_space<hbm>> -> memref<10112xf32, #tpu.memory_space<hbm>>
      tpu.enqueue_dma source(%arg27 : memref<10112xf32, #tpu.memory_space<vmem>>) target(%dma_start3A_129 : memref<10112xf32, #tpu.memory_space<hbm>>) target_semaphore(%run_scoped3A : memref<!tpu.dma_semaphore, #tpu.memory_space<semaphore_mem>>)
      %dma_wait3A_130 = arith.constant 0 : i32
      %dma_wait3A_131 = tpu.memref_slice %arg6[%add3A_123, %dma_wait3A_130] : memref<32x10112xf32, #tpu.memory_space<hbm>> -> memref<1x10112xf32, #tpu.memory_space<hbm>>
      %dma_wait3A_132 = tpu.memref_squeeze %dma_wait3A_131 : memref<1x10112xf32, #tpu.memory_space<hbm>> -> memref<10112xf32, #tpu.memory_space<hbm>>
      %dma_wait3A_133 = arith.constant 0 : i32
      %dma_wait3A_134 = tpu.memref_slice %arg6[%add3A_123, %dma_wait3A_133] : memref<32x10112xf32, #tpu.memory_space<hbm>> -> memref<1x10112xf32, #tpu.memory_space<hbm>>
      %dma_wait3A_135 = tpu.memref_squeeze %dma_wait3A_134 : memref<1x10112xf32, #tpu.memory_space<hbm>> -> memref<10112xf32, #tpu.memory_space<hbm>>
      tpu.wait_dma2 semaphore(%run_scoped3A : memref<!tpu.dma_semaphore, #tpu.memory_space<semaphore_mem>>) src(%arg27 : memref<10112xf32, #tpu.memory_space<vmem>>) dst(%dma_wait3A_135 : memref<10112xf32, #tpu.memory_space<hbm>>)
      tpu.yield
    }) : () -> ()
    return
  }
}

module attributes {stable_mosaic.version = 14 : i64} {
  func.func @_tc_pre_body(%arg0: i32, %arg1: memref<2000x256xf32, #tpu.memory_space<vmem>>, %arg2: memref<256x256xf32, #tpu.memory_space<vmem>>, %arg3: memref<1x256xf32, #tpu.memory_space<vmem>>, %arg4: memref<2000x256xf32, #tpu.memory_space<vmem>>) attributes {dimension_semantics = [#tpu.dimension_semantics<arbitrary>], iteration_bounds = array<i64: 5>, scalar_prefetch = 0 : i64, scratch_operands = 0 : i64, tpu.core_type = #tpu.core_type<tc>, window_params = [{transform_indices = @transform_0, window_bounds = array<i64: 2000, 256>}, {pipeline_mode = #tpu.pipeline_mode<synchronous>, transform_indices = @transform_1, window_bounds = array<i64: 256, 256>}, {pipeline_mode = #tpu.pipeline_mode<synchronous>, transform_indices = @transform_2, window_bounds = array<i64: 1, 256>}, {transform_indices = @transform_3, window_bounds = array<i64: 2000, 256>}]} {
    %get3A = arith.constant 0 : index
    %get3A_0 = arith.constant 0 : index
    %get3A_1 = vector.load %arg1[%get3A, %get3A_0] : memref<2000x256xf32, #tpu.memory_space<vmem>>, vector<2000x256xf32>
    %get3A_2 = arith.constant 0 : index
    %get3A_3 = arith.constant 0 : index
    %get3A_4 = vector.load %arg2[%get3A_2, %get3A_3] : memref<256x256xf32, #tpu.memory_space<vmem>>, vector<256x256xf32>
    %dot_general3A = arith.constant dense<0.000000e+00> : vector<2000x256xf32>
    %dot_general3A_5 = tpu.matmul %get3A_1, %get3A_4, %dot_general3A {dimension_numbers = #tpu.dot_dimension_numbers<[1], [0], [0], [1], [0, 0, 1, 1], [], []>, transpose_lhs_hint = false} : vector<2000x256xf32>, vector<256x256xf32>, vector<2000x256xf32> -> vector<2000x256xf32>
    %get3A_6 = arith.constant 0 : index
    %get3A_7 = arith.constant 0 : index
    %get3A_8 = vector.load %arg3[%get3A_6, %get3A_7] : memref<1x256xf32, #tpu.memory_space<vmem>>, vector<1x256xf32>
    %add3A = vector.broadcast %get3A_8 : vector<1x256xf32> to vector<2000x256xf32>
    %add3A_9 = arith.addf %dot_general3A_5, %add3A : vector<2000x256xf32>
    %swap3A = arith.constant 0 : index
    %swap3A_10 = arith.constant 0 : index
    %swap3A_11 = vector.load %arg4[%swap3A, %swap3A_10] : memref<2000x256xf32, #tpu.memory_space<vmem>>, vector<2000x256xf32>
    tpu.vector_store %arg4[%swap3A, %swap3A_10], %add3A_9 {strides = array<i32>} : memref<2000x256xf32, #tpu.memory_space<vmem>>, vector<2000x256xf32>,
    return
  }
  func.func @transform_0(%arg0: i32) -> (i32, i32) {
    %c0_i32 = arith.constant 0 : i32
    %c0_i32_0 = arith.constant 0 : i32
    return %arg0, %c0_i32 : i32, i32
  }
  func.func @transform_1(%arg0: i32) -> (i32, i32) {
    %c0_i32 = arith.constant 0 : i32
    %c0_i32_0 = arith.constant 0 : i32
    %c0_i32_1 = arith.constant 0 : i32
    return %c0_i32, %c0_i32_0 : i32, i32
  }
  func.func @transform_2(%arg0: i32) -> (i32, i32) {
    %c0_i32 = arith.constant 0 : i32
    %c0_i32_0 = arith.constant 0 : i32
    %c0_i32_1 = arith.constant 0 : i32
    return %c0_i32, %c0_i32_0 : i32, i32
  }
  func.func @transform_3(%arg0: i32) -> (i32, i32) {
    %c0_i32 = arith.constant 0 : i32
    %c0_i32_0 = arith.constant 0 : i32
    return %arg0, %c0_i32 : i32, i32
  }
}

module attributes {stable_mosaic.version = 14 : i64} {
  func.func @_tc_body(%arg0: i32, %arg1: memref<2000x256xf32, #tpu.memory_space<vmem>>, %arg2: memref<1x2000x128xf32, #tpu.memory_space<vmem>>, %arg3: memref<1x2000x128xf32, #tpu.memory_space<vmem>>, %arg4: memref<2000x1xf32, #tpu.memory_space<vmem>>, %arg5: memref<2000x256xf32, #tpu.memory_space<vmem>>, %arg6: memref<128x256xf32, #tpu.memory_space<vmem>>, %arg7: memref<128x256xf32, #tpu.memory_space<vmem>>, %arg8: memref<256x8xf32, #tpu.memory_space<vmem>>, %arg9: memref<1x8xf32, #tpu.memory_space<vmem>>, %arg10: memref<256x1280xf32, #tpu.memory_space<vmem>>, %arg11: memref<1x1280xf32, #tpu.memory_space<vmem>>, %arg12: memref<2000x1xf32, #tpu.memory_space<vmem>>, %arg13: memref<5x2000x256xf32, #tpu.memory_space<vmem>>) attributes {dimension_semantics = [#tpu.dimension_semantics<arbitrary>], iteration_bounds = array<i64: 5>, scalar_prefetch = 0 : i64, scratch_operands = 0 : i64, tpu.core_type = #tpu.core_type<tc>, window_params = [{transform_indices = @transform_0, window_bounds = array<i64: 2000, 256>}, {transform_indices = @transform_1, window_bounds = array<i64: 1, 2000, 128>}, {transform_indices = @transform_2, window_bounds = array<i64: 1, 2000, 128>}, {transform_indices = @transform_3, window_bounds = array<i64: 2000, 1>}, {transform_indices = @transform_4, window_bounds = array<i64: 2000, 256>}, {pipeline_mode = #tpu.pipeline_mode<synchronous>, transform_indices = @transform_5, window_bounds = array<i64: 128, 256>}, {pipeline_mode = #tpu.pipeline_mode<synchronous>, transform_indices = @transform_6, window_bounds = array<i64: 128, 256>}, {pipeline_mode = #tpu.pipeline_mode<synchronous>, transform_indices = @transform_7, window_bounds = array<i64: 256, 8>}, {pipeline_mode = #tpu.pipeline_mode<synchronous>, transform_indices = @transform_8, window_bounds = array<i64: 1, 8>}, {pipeline_mode = #tpu.pipeline_mode<synchronous>, transform_indices = @transform_9, window_bounds = array<i64: 256, 1280>}, {pipeline_mode = #tpu.pipeline_mode<synchronous>, transform_indices = @transform_10, window_bounds = array<i64: 1, 1280>}, {transform_indices = @transform_11, window_bounds = array<i64: 2000, 1>}, {transform_indices = @transform_12, window_bounds = array<i64: 5, 2000, 256>}]} {
    %get3A = arith.constant 0 : index
    %get3A_0 = arith.constant 0 : index
    %get3A_1 = vector.load %arg4[%get3A, %get3A_0] : memref<2000x1xf32, #tpu.memory_space<vmem>>, vector<2000x1xf32>
    %max3A = arith.constant 1.000000e+00 : f32
    %max3A_2 = vector.broadcast %max3A : f32 to vector<2000x1xf32>
    %max3A_3 = arith.maximumf %get3A_1, %max3A_2 : vector<2000x1xf32>
    %get3A_4 = arith.constant 0 : index
    %get3A_5 = arith.constant 0 : index
    %get3A_6 = arith.constant 0 : index
    %get3A_7 = vector.load %arg2[%get3A_4, %get3A_5, %get3A_6] : memref<1x2000x128xf32, #tpu.memory_space<vmem>>, vector<1x2000x128xf32>
    %get3A_8 = vector.shape_cast %get3A_7 : vector<1x2000x128xf32> to vector<2000x128xf32>
    %div3A = vector.broadcast %max3A_3 : vector<2000x1xf32> to vector<2000x128xf32>
    %div3A_9 = arith.divf %get3A_8, %div3A : vector<2000x128xf32>
    %get3A_10 = arith.constant 0 : index
    %get3A_11 = arith.constant 0 : index
    %get3A_12 = arith.constant 0 : index
    %get3A_13 = vector.load %arg3[%get3A_10, %get3A_11, %get3A_12] : memref<1x2000x128xf32, #tpu.memory_space<vmem>>, vector<1x2000x128xf32>
    %get3A_14 = vector.shape_cast %get3A_13 : vector<1x2000x128xf32> to vector<2000x128xf32>
    %div3A_15 = vector.broadcast %max3A_3 : vector<2000x1xf32> to vector<2000x128xf32>
    %div3A_16 = arith.divf %get3A_14, %div3A_15 : vector<2000x128xf32>
    %get3A_17 = arith.constant 0 : index
    %get3A_18 = arith.constant 0 : index
    %get3A_19 = vector.load %arg1[%get3A_17, %get3A_18] : memref<2000x256xf32, #tpu.memory_space<vmem>>, vector<2000x256xf32>
    %get3A_20 = arith.constant 0 : index
    %get3A_21 = arith.constant 0 : index
    %get3A_22 = vector.load %arg6[%get3A_20, %get3A_21] : memref<128x256xf32, #tpu.memory_space<vmem>>, vector<128x256xf32>
    %dot_general3A = arith.constant dense<0.000000e+00> : vector<2000x256xf32>
    %dot_general3A_23 = tpu.matmul %div3A_9, %get3A_22, %dot_general3A {dimension_numbers = #tpu.dot_dimension_numbers<[1], [0], [0], [1], [0, 0, 1, 1], [], []>, transpose_lhs_hint = false} : vector<2000x128xf32>, vector<128x256xf32>, vector<2000x256xf32> -> vector<2000x256xf32>
    %add3A = arith.addf %get3A_19, %dot_general3A_23 : vector<2000x256xf32>
    %get3A_24 = arith.constant 0 : index
    %get3A_25 = arith.constant 0 : index
    %get3A_26 = vector.load %arg7[%get3A_24, %get3A_25] : memref<128x256xf32, #tpu.memory_space<vmem>>, vector<128x256xf32>
    %dot_general3A_27 = arith.constant dense<0.000000e+00> : vector<2000x256xf32>
    %dot_general3A_28 = tpu.matmul %div3A_16, %get3A_26, %dot_general3A_27 {dimension_numbers = #tpu.dot_dimension_numbers<[1], [0], [0], [1], [0, 0, 1, 1], [], []>, transpose_lhs_hint = false} : vector<2000x128xf32>, vector<128x256xf32>, vector<2000x256xf32> -> vector<2000x256xf32>
    %add3A_29 = arith.addf %add3A, %dot_general3A_28 : vector<2000x256xf32>
    %max3A_30 = arith.constant 0.000000e+00 : f32
    %max3A_31 = vector.broadcast %max3A_30 : f32 to vector<2000x256xf32>
    %max3A_32 = arith.maximumf %add3A_29, %max3A_31 : vector<2000x256xf32>
    %get3A_33 = arith.constant 0 : index
    %get3A_34 = arith.constant 0 : index
    %get3A_35 = vector.load %arg5[%get3A_33, %get3A_34] : memref<2000x256xf32, #tpu.memory_space<vmem>>, vector<2000x256xf32>
    %add3A_36 = arith.addf %max3A_32, %get3A_35 : vector<2000x256xf32>
    %get3A_37 = arith.constant 0 : index
    %get3A_38 = arith.constant 0 : index
    %get3A_39 = vector.load %arg8[%get3A_37, %get3A_38] : memref<256x8xf32, #tpu.memory_space<vmem>>, vector<256x8xf32>
    %dot_general3A_40 = arith.constant dense<0.000000e+00> : vector<2000x8xf32>
    %dot_general3A_41 = tpu.matmul %add3A_36, %get3A_39, %dot_general3A_40 {dimension_numbers = #tpu.dot_dimension_numbers<[1], [0], [0], [1], [0, 0, 1, 1], [], []>, transpose_lhs_hint = false} : vector<2000x256xf32>, vector<256x8xf32>, vector<2000x8xf32> -> vector<2000x8xf32>
    %get3A_42 = arith.constant 0 : index
    %get3A_43 = arith.constant 0 : index
    %get3A_44 = vector.load %arg9[%get3A_42, %get3A_43] : memref<1x8xf32, #tpu.memory_space<vmem>>, vector<1x8xf32>
    %add3A_45 = vector.broadcast %get3A_44 : vector<1x8xf32> to vector<2000x8xf32>
    %add3A_46 = arith.addf %dot_general3A_41, %add3A_45 : vector<2000x8xf32>
    %max3A_47 = arith.constant 0.000000e+00 : f32
    %max3A_48 = vector.broadcast %max3A_47 : f32 to vector<2000x8xf32>
    %max3A_49 = arith.maximumf %add3A_46, %max3A_48 : vector<2000x8xf32>
    %slice3A = vector.extract_strided_slice %max3A_49 {offsets = [0, 0], sizes = [2000, 1], strides = [1, 1]} : vector<2000x8xf32> to vector<2000x1xf32>
    %swap3A = arith.constant 0 : index
    %swap3A_50 = arith.constant 0 : index
    %swap3A_51 = vector.load %arg12[%swap3A, %swap3A_50] : memref<2000x1xf32, #tpu.memory_space<vmem>>, vector<2000x1xf32>
    tpu.vector_store %arg12[%swap3A, %swap3A_50], %slice3A {strides = array<i32>} : memref<2000x1xf32, #tpu.memory_space<vmem>>, vector<2000x1xf32>,
    %get3A_52 = arith.constant 0 : index
    %get3A_53 = arith.constant 0 : index
    %get3A_54 = vector.load %arg10[%get3A_52, %get3A_53] : memref<256x1280xf32, #tpu.memory_space<vmem>>, vector<256x256xf32>
    %dot_general3A_55 = arith.constant dense<0.000000e+00> : vector<2000x256xf32>
    %dot_general3A_56 = tpu.matmul %add3A_36, %get3A_54, %dot_general3A_55 {dimension_numbers = #tpu.dot_dimension_numbers<[1], [0], [0], [1], [0, 0, 1, 1], [], []>, transpose_lhs_hint = false} : vector<2000x256xf32>, vector<256x256xf32>, vector<2000x256xf32> -> vector<2000x256xf32>
    %get3A_57 = arith.constant 0 : index
    %get3A_58 = arith.constant 0 : index
    %get3A_59 = vector.load %arg11[%get3A_57, %get3A_58] : memref<1x1280xf32, #tpu.memory_space<vmem>>, vector<1x256xf32>
    %add3A_60 = vector.broadcast %get3A_59 : vector<1x256xf32> to vector<2000x256xf32>
    %add3A_61 = arith.addf %dot_general3A_56, %add3A_60 : vector<2000x256xf32>
    %tanh3A = math.tanh %add3A_61 : vector<2000x256xf32>
    %swap3A_62 = arith.constant 0 : index
    %swap3A_63 = arith.constant 0 : index
    %swap3A_64 = arith.constant 0 : index
    %swap3A_65 = vector.load %arg13[%swap3A_62, %swap3A_63, %swap3A_64] : memref<5x2000x256xf32, #tpu.memory_space<vmem>>, vector<1x2000x256xf32>
    %swap3A_66 = vector.shape_cast %swap3A_65 : vector<1x2000x256xf32> to vector<2000x256xf32>
    %swap3A_67 = vector.shape_cast %tanh3A : vector<2000x256xf32> to vector<1x2000x256xf32>
    tpu.vector_store %arg13[%swap3A_62, %swap3A_63, %swap3A_64], %swap3A_67 {strides = array<i32>} : memref<5x2000x256xf32, #tpu.memory_space<vmem>>, vector<1x2000x256xf32>,
    %get3A_68 = arith.constant 0 : index
    %get3A_69 = arith.constant 256 : index
    %get3A_70 = vector.load %arg10[%get3A_68, %get3A_69] : memref<256x1280xf32, #tpu.memory_space<vmem>>, vector<256x256xf32>
    %dot_general3A_71 = arith.constant dense<0.000000e+00> : vector<2000x256xf32>
    %dot_general3A_72 = tpu.matmul %add3A_36, %get3A_70, %dot_general3A_71 {dimension_numbers = #tpu.dot_dimension_numbers<[1], [0], [0], [1], [0, 0, 1, 1], [], []>, transpose_lhs_hint = false} : vector<2000x256xf32>, vector<256x256xf32>, vector<2000x256xf32> -> vector<2000x256xf32>
    %get3A_73 = arith.constant 0 : index
    %get3A_74 = arith.constant 256 : index
    %get3A_75 = vector.load %arg11[%get3A_73, %get3A_74] : memref<1x1280xf32, #tpu.memory_space<vmem>>, vector<1x256xf32>
    %add3A_76 = vector.broadcast %get3A_75 : vector<1x256xf32> to vector<2000x256xf32>
    %add3A_77 = arith.addf %dot_general3A_72, %add3A_76 : vector<2000x256xf32>
    %tanh3A_78 = math.tanh %add3A_77 : vector<2000x256xf32>
    %swap3A_79 = arith.constant 1 : index
    %swap3A_80 = arith.constant 0 : index
    %swap3A_81 = arith.constant 0 : index
    %swap3A_82 = vector.load %arg13[%swap3A_79, %swap3A_80, %swap3A_81] : memref<5x2000x256xf32, #tpu.memory_space<vmem>>, vector<1x2000x256xf32>
    %swap3A_83 = vector.shape_cast %swap3A_82 : vector<1x2000x256xf32> to vector<2000x256xf32>
    %swap3A_84 = vector.shape_cast %tanh3A_78 : vector<2000x256xf32> to vector<1x2000x256xf32>
    tpu.vector_store %arg13[%swap3A_79, %swap3A_80, %swap3A_81], %swap3A_84 {strides = array<i32>} : memref<5x2000x256xf32, #tpu.memory_space<vmem>>, vector<1x2000x256xf32>,
    %get3A_85 = arith.constant 0 : index
    %get3A_86 = arith.constant 512 : index
    %get3A_87 = vector.load %arg10[%get3A_85, %get3A_86] : memref<256x1280xf32, #tpu.memory_space<vmem>>, vector<256x256xf32>
    %dot_general3A_88 = arith.constant dense<0.000000e+00> : vector<2000x256xf32>
    %dot_general3A_89 = tpu.matmul %add3A_36, %get3A_87, %dot_general3A_88 {dimension_numbers = #tpu.dot_dimension_numbers<[1], [0], [0], [1], [0, 0, 1, 1], [], []>, transpose_lhs_hint = false} : vector<2000x256xf32>, vector<256x256xf32>, vector<2000x256xf32> -> vector<2000x256xf32>
    %get3A_90 = arith.constant 0 : index
    %get3A_91 = arith.constant 512 : index
    %get3A_92 = vector.load %arg11[%get3A_90, %get3A_91] : memref<1x1280xf32, #tpu.memory_space<vmem>>, vector<1x256xf32>
    %add3A_93 = vector.broadcast %get3A_92 : vector<1x256xf32> to vector<2000x256xf32>
    %add3A_94 = arith.addf %dot_general3A_89, %add3A_93 : vector<2000x256xf32>
    %tanh3A_95 = math.tanh %add3A_94 : vector<2000x256xf32>
    %swap3A_96 = arith.constant 2 : index
    %swap3A_97 = arith.constant 0 : index
    %swap3A_98 = arith.constant 0 : index
    %swap3A_99 = vector.load %arg13[%swap3A_96, %swap3A_97, %swap3A_98] : memref<5x2000x256xf32, #tpu.memory_space<vmem>>, vector<1x2000x256xf32>
    %swap3A_100 = vector.shape_cast %swap3A_99 : vector<1x2000x256xf32> to vector<2000x256xf32>
    %swap3A_101 = vector.shape_cast %tanh3A_95 : vector<2000x256xf32> to vector<1x2000x256xf32>
    tpu.vector_store %arg13[%swap3A_96, %swap3A_97, %swap3A_98], %swap3A_101 {strides = array<i32>} : memref<5x2000x256xf32, #tpu.memory_space<vmem>>, vector<1x2000x256xf32>,
    %get3A_102 = arith.constant 0 : index
    %get3A_103 = arith.constant 768 : index
    %get3A_104 = vector.load %arg10[%get3A_102, %get3A_103] : memref<256x1280xf32, #tpu.memory_space<vmem>>, vector<256x256xf32>
    %dot_general3A_105 = arith.constant dense<0.000000e+00> : vector<2000x256xf32>
    %dot_general3A_106 = tpu.matmul %add3A_36, %get3A_104, %dot_general3A_105 {dimension_numbers = #tpu.dot_dimension_numbers<[1], [0], [0], [1], [0, 0, 1, 1], [], []>, transpose_lhs_hint = false} : vector<2000x256xf32>, vector<256x256xf32>, vector<2000x256xf32> -> vector<2000x256xf32>
    %get3A_107 = arith.constant 0 : index
    %get3A_108 = arith.constant 768 : index
    %get3A_109 = vector.load %arg11[%get3A_107, %get3A_108] : memref<1x1280xf32, #tpu.memory_space<vmem>>, vector<1x256xf32>
    %add3A_110 = vector.broadcast %get3A_109 : vector<1x256xf32> to vector<2000x256xf32>
    %add3A_111 = arith.addf %dot_general3A_106, %add3A_110 : vector<2000x256xf32>
    %tanh3A_112 = math.tanh %add3A_111 : vector<2000x256xf32>
    %swap3A_113 = arith.constant 3 : index
    %swap3A_114 = arith.constant 0 : index
    %swap3A_115 = arith.constant 0 : index
    %swap3A_116 = vector.load %arg13[%swap3A_113, %swap3A_114, %swap3A_115] : memref<5x2000x256xf32, #tpu.memory_space<vmem>>, vector<1x2000x256xf32>
    %swap3A_117 = vector.shape_cast %swap3A_116 : vector<1x2000x256xf32> to vector<2000x256xf32>
    %swap3A_118 = vector.shape_cast %tanh3A_112 : vector<2000x256xf32> to vector<1x2000x256xf32>
    tpu.vector_store %arg13[%swap3A_113, %swap3A_114, %swap3A_115], %swap3A_118 {strides = array<i32>} : memref<5x2000x256xf32, #tpu.memory_space<vmem>>, vector<1x2000x256xf32>,
    %get3A_119 = arith.constant 0 : index
    %get3A_120 = arith.constant 1024 : index
    %get3A_121 = vector.load %arg10[%get3A_119, %get3A_120] : memref<256x1280xf32, #tpu.memory_space<vmem>>, vector<256x256xf32>
    %dot_general3A_122 = arith.constant dense<0.000000e+00> : vector<2000x256xf32>
    %dot_general3A_123 = tpu.matmul %add3A_36, %get3A_121, %dot_general3A_122 {dimension_numbers = #tpu.dot_dimension_numbers<[1], [0], [0], [1], [0, 0, 1, 1], [], []>, transpose_lhs_hint = false} : vector<2000x256xf32>, vector<256x256xf32>, vector<2000x256xf32> -> vector<2000x256xf32>
    %get3A_124 = arith.constant 0 : index
    %get3A_125 = arith.constant 1024 : index
    %get3A_126 = vector.load %arg11[%get3A_124, %get3A_125] : memref<1x1280xf32, #tpu.memory_space<vmem>>, vector<1x256xf32>
    %add3A_127 = vector.broadcast %get3A_126 : vector<1x256xf32> to vector<2000x256xf32>
    %add3A_128 = arith.addf %dot_general3A_123, %add3A_127 : vector<2000x256xf32>
    %tanh3A_129 = math.tanh %add3A_128 : vector<2000x256xf32>
    %swap3A_130 = arith.constant 4 : index
    %swap3A_131 = arith.constant 0 : index
    %swap3A_132 = arith.constant 0 : index
    %swap3A_133 = vector.load %arg13[%swap3A_130, %swap3A_131, %swap3A_132] : memref<5x2000x256xf32, #tpu.memory_space<vmem>>, vector<1x2000x256xf32>
    %swap3A_134 = vector.shape_cast %swap3A_133 : vector<1x2000x256xf32> to vector<2000x256xf32>
    %swap3A_135 = vector.shape_cast %tanh3A_129 : vector<2000x256xf32> to vector<1x2000x256xf32>
    tpu.vector_store %arg13[%swap3A_130, %swap3A_131, %swap3A_132], %swap3A_135 {strides = array<i32>} : memref<5x2000x256xf32, #tpu.memory_space<vmem>>, vector<1x2000x256xf32>,
    return
  }
  func.func @transform_0(%arg0: i32) -> (i32, i32) {
    %c0_i32 = arith.constant 0 : i32
    %c0_i32_0 = arith.constant 0 : i32
    return %arg0, %c0_i32 : i32, i32
  }
  func.func @transform_1(%arg0: i32) -> (i32, i32, i32) {
    %c0_i32 = arith.constant 0 : i32
    %c0_i32_0 = arith.constant 0 : i32
    %c0_i32_1 = arith.constant 0 : i32
    return %c0_i32, %arg0, %c0_i32_0 : i32, i32, i32
  }
  func.func @transform_2(%arg0: i32) -> (i32, i32, i32) {
    %c1_i32 = arith.constant 1 : i32
    %c0_i32 = arith.constant 0 : i32
    %c0_i32_0 = arith.constant 0 : i32
    return %c1_i32, %arg0, %c0_i32 : i32, i32, i32
  }
  func.func @transform_3(%arg0: i32) -> (i32, i32) {
    %c0_i32 = arith.constant 0 : i32
    %c0_i32_0 = arith.constant 0 : i32
    return %arg0, %c0_i32 : i32, i32
  }
  func.func @transform_4(%arg0: i32) -> (i32, i32) {
    %c0_i32 = arith.constant 0 : i32
    %c0_i32_0 = arith.constant 0 : i32
    return %arg0, %c0_i32 : i32, i32
  }
  func.func @transform_5(%arg0: i32) -> (i32, i32) {
    %c0_i32 = arith.constant 0 : i32
    %c0_i32_0 = arith.constant 0 : i32
    %c0_i32_1 = arith.constant 0 : i32
    return %c0_i32, %c0_i32_0 : i32, i32
  }
  func.func @transform_6(%arg0: i32) -> (i32, i32) {
    %c0_i32 = arith.constant 0 : i32
    %c0_i32_0 = arith.constant 0 : i32
    %c0_i32_1 = arith.constant 0 : i32
    return %c0_i32, %c0_i32_0 : i32, i32
  }
  func.func @transform_7(%arg0: i32) -> (i32, i32) {
    %c0_i32 = arith.constant 0 : i32
    %c0_i32_0 = arith.constant 0 : i32
    %c0_i32_1 = arith.constant 0 : i32
    return %c0_i32, %c0_i32_0 : i32, i32
  }
  func.func @transform_8(%arg0: i32) -> (i32, i32) {
    %c0_i32 = arith.constant 0 : i32
    %c0_i32_0 = arith.constant 0 : i32
    %c0_i32_1 = arith.constant 0 : i32
    return %c0_i32, %c0_i32_0 : i32, i32
  }
  func.func @transform_9(%arg0: i32) -> (i32, i32) {
    %c0_i32 = arith.constant 0 : i32
    %c0_i32_0 = arith.constant 0 : i32
    %c0_i32_1 = arith.constant 0 : i32
    return %c0_i32, %c0_i32_0 : i32, i32
  }
  func.func @transform_10(%arg0: i32) -> (i32, i32) {
    %c0_i32 = arith.constant 0 : i32
    %c0_i32_0 = arith.constant 0 : i32
    %c0_i32_1 = arith.constant 0 : i32
    return %c0_i32, %c0_i32_0 : i32, i32
  }
  func.func @transform_11(%arg0: i32) -> (i32, i32) {
    %c0_i32 = arith.constant 0 : i32
    %c0_i32_0 = arith.constant 0 : i32
    return %arg0, %c0_i32 : i32, i32
  }
  func.func @transform_12(%arg0: i32) -> (i32, i32, i32) {
    %c0_i32 = arith.constant 0 : i32
    %c0_i32_0 = arith.constant 0 : i32
    %c0_i32_1 = arith.constant 0 : i32
    return %c0_i32, %arg0, %c0_i32_0 : i32, i32, i32
  }
}

</mosaic_0001>

<sc_bundles>
// kernel: kernel.5.cloned.1.call-start
scs
__scs_entry_jumppad:
0x0: {  	(pc) =	sbr.rel $0x88, $3  }
0x1: {  	(tag) =	ssettag $0x0;
	lr =	simm.s32 $0x1  }
0x2: {  	[smem:$0x3F97] =	sst lr;
	_ =	strace $0xD0000000  }
0x3: {  	_ = 	snop  }
0x4: {  	_ = 	snop  }
0x5: {  	_ = 	snop  }
0x6: {  	_ = 	snop  }
0x7: {  	_ = 	snop  }
__scs_overlays_trampoline_lowered:
0x8: {  	[smem:$0x3FA6] =	sst s0  }
0x9: {  	[smem:$0x3FA7] =	sst s1  }
0xa: {  	[smem:$0x3FA8] =	sst s2  }
0xb: {  	[smem:$0x3FA9] =	sst s3  }
0xc: {  	[smem:$0x3FAA] =	sst s4  }
0xd: {  	[smem:$0x3FAB] =	sst s5  }
0xe: {  	[smem:$0x3FAC] =	sst s6  }
0xf: {  	[smem:$0x3FAD] =	sst s7  }
0x10: {  	[smem:$0x3FAE] =	sst s8  }
0x11: {  	[smem:$0x3FAF] =	sst s9;
	s0 =	simm.s32 @!p0 $0x0  }
0x12: {  	s1 =	sld [smem:$0x3F95];
	s0 =	simm.s32 @p0 $0x1  }
0x13: {  	[smem:$0x3FB0] =	sst s0;
	s0 =	simm.s32 @!p1 $0x0  }
0x14: {  	s2 =	sld [smem:$0x3F94];
	s0 =	simm.s32 @p1 $0x1  }
0x15: {  	[smem:$0x3FB1] =	sst s0;
	s0 =	simm.s32 @!p2 $0x0  }
0x16: {  	s3 =	sld [smem:$0x3FDB];
	s0 =	simm.s32 @p2 $0x1  }
0x17: {  	s4 =	simm.s32 $0x1BF5;
	[smem:$0x3FB3] =	sst s0  }
0x18: {  	s0 =	sld [smem:$0x3F96];
	_ =	swait.ge [sflag:s4], $0x0  }
0x19: {  	s7 =	sld [smem:$0x3F97]  }
0x1a: {  	s8 =	sadd.s32 $0xFFFFE003, lr  }
0x1b: {  	s9 =	sadd.s32 $0xFFFFFEF7, lr;
	s5 =	simm.s32 $0xFFFFFFFF;
	p2 =	slt.u32 s8, $0xFFFFF086  }
0x1c: {  	p1 =	slt.u32 s9, $0xF7A;
	s5 =	simm.s32 @!p2 $0x0  }
0x1d: {  	s5 =	simm.s32 @p1 $0x1;
	p0 =	seq.s32 s7, s2  }
0x1e: {  	s7 =	smul.u32 @!p0 $0xF7A, s2;
	p2 =	seq.s32 @!p0 s5, $0x0  }
0x1f: {  	s9 =	smul.u32 $0xF7A, s1;
	s8 =	simm.s32 @!p0 $0x1BF5;
	p2 =	por !p2, p0  }
0x20: {  	[sflag:s8] =	ssyncset.s32 @!p0 $0xFFFFF086;
	s6 =	sadd.s32 @!p0 s3, s7;
	s7 =	simm.s32 @!p0 $0x108  }
0x21: {  	s3 =	sadd.s32 s3, s9;
	s6 =	sadd.s32 @!p0 $0x88, s6;
	s7 =	simm.s32 @p2 $0x1082  }
0x22: {  	[simem:s7], [sflag:s8] =	dma.local @!p0 [hbm:s6], $0xF7A  }
0x23: {  	s9 =	sor.u32 $0xD0000000, s2;
	s6 =	simm.s32 $0x108;
	_ =	swait.ge @!p0 [sflag:s8], $0x0  }
0x24: {  	s3 =	sadd.s32 $0x88, s3;
	s6 =	simm.s32 @!p1 $0x1082;
	[sflag:s4] =	ssyncset.s32 $0xFFFFF086  }
0x25: {  	[simem:s6], [sflag:s4] =	dma.local [hbm:s3], $0xF7A  }
0x26: {  	[smem:$0x3F97] =	sst s1;
	(tag) =	ssettag s2;
	_ =	strace s9  }
0x27: {  	s1 =	sld [smem:$0x3FA7]  }
0x28: {  	s2 =	sld [smem:$0x3FA8]  }
0x29: {  	s4 =	sld [smem:$0x3FAA]  }
0x2a: {  	p0 =	seq.s32 s5, $0x0;
	s5 =	sld [smem:$0x3FAB]  }
0x2b: {  	s6 =	sld [smem:$0x3FAC]  }
0x2c: {  	s7 =	sld [smem:$0x3FAD]  }
0x2d: {  	s3 =	simm.s32 $0x108;
	s8 =	sld [smem:$0x3FAE]  }
0x2e: {  	s3 =	simm.s32 @!p0 $0x1082;
	s9 =	sld [smem:$0x3FAF]  }
0x2f: {  	lr =	sadd.s32 s0, s3;
	s0 =	sld [smem:$0x3FA6]  }
0x30: {  	s3 =	sld [smem:$0x3FA9]  }
0x31: {  	[smem:$0x3FB2] =	sst s10  }
0x32: {  	s10 =	sld [smem:$0x3FB0];
	_ =	sdelay $0x3  }
0x33: {  	p0 =	seq.s32 s10, $0x1;
	s10 =	sld [smem:$0x3FB2];
	_ =	sdelay $0x3  }
0x34: {  	[smem:$0x3FB2] =	sst s10  }
0x35: {  	s10 =	sld [smem:$0x3FB1];
	_ =	sdelay $0x3  }
0x36: {  	p1 =	seq.s32 s10, $0x1;
	s10 =	sld [smem:$0x3FB2];
	_ =	sdelay $0x3  }
0x37: {  	[smem:$0x3FB2] =	sst s10  }
0x38: {  	s10 =	sld [smem:$0x3FB3]  }
0x39: {  	_ = 	snop;
	(pc) =	sbr.ind lr, $3  }
0x3a: {  	_ = 	snop  }
0x3b: {  	_ = 	snop  }
0x3c: {  	p2 =	seq.s32 s10, $0x1;
	s10 =	sld [smem:$0x3FB2]  }
0x3d: {  	_ =	shalt  }
0x3e: {  	_ =	shalt  }
0x3f: {  	_ =	shalt  }
0x40: {  	_ =	shalt  }
0x41: {  	_ =	shalt  }
0x42: {  	_ =	shalt  }
0x43: {  	_ =	shalt  }
0x44: {  	_ =	shalt  }
0x45: {  	_ =	shalt  }
0x46: {  	_ =	shalt  }
0x47: {  	_ =	shalt  }
0x48: {  	_ =	shalt  }
0x49: {  	_ =	shalt  }
0x4a: {  	_ =	shalt  }
0x4b: {  	_ =	shalt  }
0x4c: {  	_ =	shalt  }
0x4d: {  	_ =	shalt  }
0x4e: {  	_ =	shalt  }
0x4f: {  	_ =	shalt  }
0x50: {  	_ =	shalt  }
0x51: {  	_ =	shalt  }
0x52: {  	_ =	shalt  }
0x53: {  	_ =	shalt  }
0x54: {  	_ =	shalt  }
0x55: {  	_ =	shalt  }
0x56: {  	_ =	shalt  }
0x57: {  	_ =	shalt  }
0x58: {  	_ =	shalt  }
0x59: {  	_ =	shalt  }
0x5a: {  	_ =	shalt  }
0x5b: {  	_ =	shalt  }
0x5c: {  	_ =	shalt  }
0x5d: {  	_ =	shalt  }
0x5e: {  	_ =	shalt  }
0x5f: {  	_ =	shalt  }
0x60: {  	_ =	shalt  }
0x61: {  	_ =	shalt  }
0x62: {  	_ =	shalt  }
0x63: {  	_ =	shalt  }
0x64: {  	_ =	shalt  }
0x65: {  	_ =	shalt  }
0x66: {  	_ =	shalt  }
0x67: {  	_ =	shalt  }
0x68: {  	_ =	shalt  }
0x69: {  	_ =	shalt  }
0x6a: {  	_ =	shalt  }
0x6b: {  	_ =	shalt  }
0x6c: {  	_ =	shalt  }
0x6d: {  	_ =	shalt  }
0x6e: {  	_ =	shalt  }
0x6f: {  	_ =	shalt  }
0x70: {  	_ =	shalt  }
0x71: {  	_ =	shalt  }
0x72: {  	_ =	shalt  }
0x73: {  	_ =	shalt  }
0x74: {  	_ =	shalt  }
0x75: {  	_ =	shalt  }
0x76: {  	_ =	shalt  }
0x77: {  	_ =	shalt  }
0x78: {  	_ =	shalt  }
0x79: {  	_ =	shalt  }
0x7a: {  	_ =	shalt  }
0x7b: {  	_ =	shalt  }
0x7c: {  	_ =	shalt  }
0x7d: {  	_ =	shalt  }
0x7e: {  	_ =	shalt  }
0x7f: {  	_ =	shalt  }
0x80: {  	_ =	shalt  }
0x81: {  	_ =	shalt  }
0x82: {  	_ =	shalt  }
0x83: {  	_ =	shalt  }
0x84: {  	_ =	shalt  }
0x85: {  	_ =	shalt  }
0x86: {  	_ =	shalt  }
0x87: {  	_ =	shalt  }
.Lfunc_end0:
.L_simem_size_0:
called_computation_lowered:
.L_overlay_start_0:
0x88: {  	s2 =	sld [smem:$0x3FD9]  }
0x89: {  	s3 =	sld [smem:$0x3FFE];
	_ =	sdelay $0x1  }
0x8a: {  	s1 =	srdreg.scid  }
0x8b: {  	s0 =	sand.u32 $0x1, s1  }
0x8c: {  	s14 =	sshll.u32 s0, $0xA;
	s2 =	sadd.s32 s3, s2  }
0x8d: {  	s2 =	sadd.s32 s2, s14  }
0x8e: {  	[smem:$0x3FBE] =	sst s2  }
0x8f: {  	_ = 	snop  }
0x90: {  	s2 =	sld [smem:$0x3FD0];
	_ =	sdelay $0x2  }
0x91: {  	s15 =	simm.s32 $0xA;
	s4 =	simm.s32 $0x10  }
0x92: {  	[smem:s4], [sflag:s15] =	dma.local [hbm:s2], $0x1  }
0x93: {  	_ =	swait.eq [sflag:s15], $0x1  }
0x94: {  	[sflag:s15] =	ssyncset.done $0x0  }
0x95: {  	[sflag:s15] =	ssyncadd.s32 $0xFFFFFFFF  }
0x96: {  	s16 =	sld [smem:$0x11];
	(tm) =	ssettm $0x1  }
0x97: {  	s17 =	sld [smem:$0x3FFB];
	_ =	sdelay $0x3  }
0x98: {  	_ =	strace s17  }
0x99: {  	s3 =	sld [smem:$0x3FFC];
	_ =	sdelay $0x3  }
0x9a: {  	_ =	strace s3  }
0x9b: {  	s3 =	sld [smem:$0x3FFD];
	_ =	sdelay $0x3  }
0x9c: {  	_ =	strace s3  }
0x9d: {  	_ =	strace $0x8FFFFFFF  }
0x9e: {  	s18 =	sld [smem:$0x3FDB];
	_ =	sdelay $0x1  }
0x9f: {  	s19 =	simm.s32 $_scs_section_size  }
0xa0: {  	s5 =	simm.s32 $_size__tile_overlayer_lowered;
	s6 =	simm.s32 $_tile_overlayer_lowered  }
0xa1: {  	s22 =	simm.s32 $0x1BFF;
	s21 =	sshll.u32 s6, $0x1;
	s3 =	sadd.s32 s19, s18  }
0xa2: {  	s7 =	simm.s32 $0x0;
	s20 =	sshll.u32 s5, $0x1;
	s5 =	sadd.s32 s21, s3  }
0xa3: {  	[timem:s7], [sflag:s22] =	dma.local [hbm:s5], s20  }
0xa4: {  	_ =	swait.ge [sflag:s22], s20  }
0xa5: {  	s4 =	ssub.s32 $0x0, s20;
	[sflag:s22] =	ssyncset.done $0x0  }
0xa6: {  	[sflag:s22] =	ssyncadd.s32 s4;
	_ =	sdelay $0x1  }
0xa7: {  	s23 =	simm.s32 $0x1B8B  }
0xa8: {  	_ =	swait.ge [sflag:s23], $0x1  }
0xa9: {  	[sflag:s23] =	ssyncset.done $0x0  }
0xaa: {  	s25 =	simm.s32 $0x1B8E;
	s24 =	sld [smem:$0x3FFE];
	[sflag:s23] =	ssyncadd.s32 $0xFFFFFFFF  }
0xab: {  	s26 =	simm.s32 $execute0_lowered;
	[smem:$0x3FD2] =	sst s25  }
0xac: {  	s5 =	sshll.u32 s26, $0x1;
	_ =	strace $0x80000046;
	[dreg:$0x1] =	wrdreg $0xFFFFFFFF  }
0xad: {  	s28 =	simm.s32 $_size_execute0_lowered;
	s3 =	sadd.s32 s3, s5;
	[dreg:$0x0] =	wrdreg $0x0  }
0xae: {  	s5 =	sshll.u32 s28, $0x1;
	[dreg:$0x2] =	wrdreg s3  }
0xaf: {  	[dreg:$0x3] =	wrdreg s5  }
0xb0: {  	[dreg:$0x4] =	wrdreg $0xC0  }
0xb1: {  	_ =	task [dreg:s7], $0x5FFFF  }
0xb2: {  	[dreg:$0x1] =	wrdreg $0xFFFFFFFF  }
0xb3: {  	[dreg:$0x0] =	wrdreg $0x60  }
0xb4: {  	[dreg:$0x2] =	wrdreg s16  }
0xb5: {  	[dreg:$0x3] =	wrdreg s24  }
0xb6: {  	[dreg:$0x4] =	wrdreg $0xAF800  }
0xb7: {  	[dreg:$0x5] =	wrdreg $0x9  }
0xb8: {  	_ =	task.clear_ibuf [dreg:s7], $0x6FFFF;
	_ =	strace $0x90000046  }
0xb9: {  	s29 =	simm.s32 $0x9;
	_ =	strace $0x80000048  }
0xba: {  	_ =	swait.ge [sflag:s29], $0x1  }
0xbb: {  	[sflag:s29] =	ssyncadd.s32 $0xFFFFFFFF  }
0xbc: {  	_ =	strace $0x90000048  }
0xbd: {  	_ =	sfence  }
0xbe: {  	s30 =	sld [smem:$0x0];
	_ =	sdelay $0x2  }
0xbf: {  	s31 =	sshll.u32 s1, $0xD;
	s1 =	sshrl.u32 s1, $0x2  }
0xc0: {  	s3 =	sand.u32 $0x4000, s31;
	s1 =	sadd.s32 s1, s30  }
0xc1: {  	s0 =	sor.u32 s3, s0;
	s1 =	sshll.u32 s1, $0x11  }
0xc2: {  	s0 =	sor.u32 s1, s0  }
0xc3: {  	s0 =	sadd.s32 $0x8F2B, s0  }
0xc4: {  	[sflag:s0] =	ssyncadd.remote.s32 $0x1  }
0xc5: {  	_ =	sfence.sel $0xFFFF  }
0xc6: {  	[dreg:$0x0] =	wrdreg $0xFFFFFFFF;
	(pc) =	sbr.abs _section_cstart, $3  }
0xc7: {  	[dreg:$0x1] =	wrdreg $0xFFFFFFFF  }
0xc8: {  	_ =	task.clear_ibuf [dreg:s7], $0x2FFFF;
	_ =	strace $0x9FFFFFFF  }
0xc9: {  	(tm) =	ssettm $0x7FFFFFFF  }
tec
execute0_lowered:
.L_overlay_start_1:
0x0: {  	(tag) =	ssettag $0x1  }
0x1: {  	s1 =	rddreg [dreg:$0x0]  }
0x2: {  	s3 =	rddreg [dreg:$0x1]  }
0x3: {  	s2 =	rddreg [dreg:$0x2]  }
0x4: {  	s0 =	srdreg.scid;
	s14 =	stileid.u32  }
0x5: {  	s4 =	simm.s32 $0x0;
	s28 =	simm.s32 $0x4800;
	s7 =	smul.u32 $0x13C00, s14  }
0x6: {  	s29 =	simm.s32 $0x8800;
	s30 =	simm.s32 $0x12;
	s19 =	smul.u32 $0x4F000, s14  }
0x7: {  	s31 =	simm.s32 $0x10;
	s0 =	sand.u32 $0x1, s0;
	s11 =	smul.u32 $0x2800, s14  }
0x8: {  	[smem:$0x7FF] =	sst s4;
	s8 =	sadd.s32 $0x6800, s3;
	s25 =	smul.u32 $0x500, s14  }
0x9: {  	s18 =	sshll.u32 s14, $0x7;
	s9 =	sadd.s32 $0x1800, s3;
	s5 =	smul.u32 $0x13C000, s0  }
0xa: {  	s6 =	sshll.u32 s0, $0x4;
	_ =	strace $0x80000047;
	s10 =	ssub.s32 $0x2, s0  }
0xb: {  	s13 =	smul.u32 $0x28000, s0;
	p0 =	sne.s32 s0, $0x0;
	s6 =	sor.u32 s14, s6  }
0xc: {  	p1 =	seq.s32 s0, $0x0;
	s12 =	sshrl.u32 s10, $0x1;
	s6 =	sshrl.u32 s6, $0x3  }
0xd: {  	s24 =	sshrl.u32 s11, $0x3;
	s5 =	sadd.s32 s7, s5;
	s6 =	smul.u32 $0x13C00, s6  }
0xe: {  	s7 =	sand.u32 $0x380, s18;
	s14 =	sadd.s32 s9, s24;
	s5 =	sshrl.u32 s5, $0x3  }
0xf: {  	[dreg:$0xa] =	wrdreg s14;
	s6 =	sor.u32 s7, s6;
	s7 =	sshrl.u32 s19, $0x2  }
0x10: {  	s5 =	sadd.s32 s5, s3;
	s6 =	sshrl.u32 s6, $0x3;
	s15 =	sadd.s32 s7, s2  }
0x11: {  	s3 =	sadd.s32 s6, s3;
	s7 =	sadd.s32 $0x2000, s15;
	[dreg:$0x4] =	wrdreg s15  }
0x12: {  	s6 =	ssub.s32 s10, s12;
	s20 =	sadd.s32 $0x4000, s15;
	[dreg:$0x5] =	wrdreg s7  }
0x13: {  	s21 =	sadd.s32 $0x6000, s15;
	s22 =	sadd.s32 $0x8000, s15;
	[dreg:$0x6] =	wrdreg s20  }
0x14: {  	s12 =	sadd.s32 s25, s9;
	s7 =	sadd.s32 s11, s13;
	[dreg:$0x7] =	wrdreg s21  }
0x15: {  	[dreg:$0x8] =	wrdreg s22;
	s23 =	sshrl.u32 s7, $0x3;
	s26 =	sor.u32 $0x200, s7  }
0x16: {  	s13 =	sor.u32 $0x240, s7;
	s17 =	sor.u32 $0x280, s7;
	s18 =	sor.u32 $0x2C0, s7  }
0x17: {  	s24 =	sor.u32 $0x180, s7;
	s10 =	sshrl.u32 s26, $0x3;
	s26 =	sadd.s32 $0xA000, s15  }
0x18: {  	s20 =	sshrl.u32 s18, $0x3;
	s18 =	sadd.s32 $0x8, s14;
	[dreg:$0x13] =	wrdreg s26  }
0x19: {  	s25 =	sshrl.u32 s24, $0x3;
	s24 =	sadd.s32 $0x20, s14;
	[dreg:$0x1c] =	wrdreg s18  }
0x1a: {  	s19 =	sor.u32 $0x300, s7;
	s16 =	sadd.s32 s8, s23;
	[smem:$0x7FB] =	sst s24  }
0x1b: {  	s11 =	sshrl.u32 s13, $0x3;
	s9 =	sadd.s32 s10, s8;
	[dreg:$0x9] =	wrdreg s16  }
0x1c: {  	s21 =	sshrl.u32 s19, $0x3;
	s13 =	sadd.s32 s11, s8;
	[dreg:$0xb] =	wrdreg s9  }
0x1d: {  	s23 =	sor.u32 $0x1C0, s7;
	s22 =	sadd.s32 s21, s8;
	[dreg:$0xc] =	wrdreg s13  }
0x1e: {  	s7 =	sor.u32 $0x340, s7;
	s10 =	smax.u32 s6, $0x1;
	[dreg:$0xf] =	wrdreg s22  }
0x1f: {  	s7 =	sshrl.u32 s7, $0x3;
	s11 =	sadd.s32 $0xE000, s15;
	[dreg:$0x17] =	wrdreg s10  }
0x20: {  	s19 =	sadd.s32 $0x10, s16;
	s21 =	sadd.s32 $0x18, s16;
	[dreg:$0x18] =	wrdreg s11  }
0x21: {  	s26 =	sadd.s32 $0x28, s14;
	s6 =	simm.s32 $0x80;
	[dreg:$0x1d] =	wrdreg s19  }
0x22: {  	s24 =	simm.s32 $0x5;
	s18 =	simm.s32 $0x17;
	[dreg:$0x1f] =	wrdreg s21  }
0x23: {  	s9 =	sshrl.u32 s17, $0x3;
	s7 =	sadd.s32 s7, s8;
	[smem:$0x7FD] =	sst s26  }
0x24: {  	s13 =	sadd.s32 $0x10000, s15;
	s17 =	sadd.s32 $0x8, s16;
	[dreg:$0x12] =	wrdreg s7  }
0x25: {  	s22 =	sadd.s32 $0x18, s14;
	s19 =	simm.s32 $0x7;
	[dreg:$0x19] =	wrdreg s13  }
0x26: {  	s21 =	simm.s32 $0x18;
	s10 =	simm.s32 $0x8;
	[dreg:$0x1b] =	wrdreg s17  }
0x27: {  	s9 =	sadd.s32 s9, s8;
	s7 =	sadd.s32 $0xC000, s15;
	[smem:$0x7F9] =	sst s22  }
0x28: {  	s15 =	sadd.s32 $0x12000, s15;
	s22 =	simm.s32 $0x40;
	[dreg:$0xd] =	wrdreg s9  }
0x29: {  	s13 =	simm.s32 $0xD;
	s17 =	simm.s32 $0xE;
	[dreg:$0x14] =	wrdreg s7  }
0x2a: {  	s9 =	sadd.s32 s20, s8;
	[dreg:$0x1a] =	wrdreg s15;
	s20 =	sadd.s32 $0x10, s14  }
0x2b: {  	v0 =	vimm.s32 $0xFFEDCBA9;
	v1 =	vimm.s32 $0x87654321;
	s7 =	simm.s32 $0x6800;
	s14 =	simm.s32 $0x14;
	[dreg:$0xe] =	wrdreg s9  }
0x2c: {  	v0 =	vunpack.c.l.s4.s8 v0;
	v1 =	vunpack.c.l.s4.s8 v1;
	s9 =	sshrl.u32 s23, $0x3;
	[dreg:$0x1e] =	wrdreg s20;
	s23 =	sadd.s32 $0x20, s16  }
0x2d: {  	v2 =	vimm.s32 $0xEDCBA987;
	v3 =	vimm.s32 $0x65432100;
	s15 =	simm.s32 $0x16;
	s9 =	sadd.s32 s9, s8;
	[smem:$0x7FA] =	sst s23  }
0x2e: {  	v2 =	vunpack.c.l.s4.s8 v2;
	v0 =	vunpack.c.0.s8.s32 v0;
	v1 =	vunpack.c.0.s8.s32 v1;
	s20 =	simm.s32 $0xF;
	s23 =	simm.s32 $0x800;
	[dreg:$0x10] =	wrdreg s9  }
.Ltmp0:
0x2f: {  	v3 =	vunpack.c.l.s4.s8 v3;
	s9 =	sadd.s32 s25, s8;
	s8 =	sadd.s32 $0x1A600, s5;
	(pc) =	sbr.rel .LBB2_1-.Ltmp0, $4  }
0x30: {  	v2 =	vunpack.c.0.s8.s32 v2;
	v4 =	vcombine.low v1, v0;
	s25 =	sadd.s32 $0x28, s16;
	s16 =	simm.s32 $0x6;
	[dreg:$0x11] =	wrdreg s9  }
0x31: {  	vm0 =	vcmask $0x3F3C;
	v3 =	vunpack.c.0.s8.s32 v3;
	v0 =	vimm.f32 $0.0e+00;
	s5 =	simm.s32 $0x0;
	[dreg:$0x15] =	wrdreg s8;
	s9 =	sadd.s32 $0x10800, s3  }
0x32: {  	v1 =	vand.u32 $0xF, v2;
	v2 =	vand.u32 $0xF, v4;
	v4 =	vlaneseq.u32;
	[smem:$0x7FC] =	sst s25;
	s3 =	simm.s32 $0x19;
	s8 =	simm.s32 $0x13  }
0x33: {  	v1 =	vcombine.low v3, v1;
	v3 =	vor.u32 $0x80000000, v4;
	v4 =	vadd.s32 $0x1, v4;
	s25 =	simm.s32 $0x15;
	[dreg:$0x16] =	wrdreg s9;
	s9 =	simm.s32 $0x11  }
.LBB2_23:
0x34: {  	_ =	swait.ge [sflag:s18], $0x2000  }
0x35: {  	[sflag:s18] =	ssyncset.done $0x0  }
0x36: {  	[sflag:s18] =	ssyncadd.s32 $0xFFFFE000  }
0x37: {  	_ =	swait.ge [sflag:s21], $0x2000  }
0x38: {  	[sflag:s21] =	ssyncset.done $0x0  }
0x39: {  	[sflag:s21] =	ssyncadd.s32 $0xFFFFE000  }
0x3a: {  	s0 =	stileid.u32;
	[bflag:$0x0] =	sbarrier.arrive $0xFFFF  }
0x3b: {  	s0 =	sshll.u32 s0, $0x6;
	s3 =	rddreg [dreg:$0x4]  }
0x3c: {  	s0 =	sor.u32 $0x1C19, s0;
	s5 =	rddreg [dreg:$0x15];
	s3 =	sshrl.u32 s3, $0x3  }
0x3d: {  	[hbm:s5], [sflag:s0] =	dma.local [spmem:s3], $0x2780  }
0x3e: {  	s3 =	simm.s32 $0x19  }
0x3f: {  	_ =	swait.ge [sflag:s3], $0x2780  }
0x40: {  	s26 =	simm.s32 $0x400;
	[sflag:s3] =	ssyncset.done $0x0  }
0x41: {  	s6 =	simm.s32 $0x80;
	s11 =	rddreg [dreg:$0x16];
	[sflag:s3] =	ssyncadd.s32 $0xFFFFD880  }
0x42: {  	[hbm4b:s11+s6] =	stream.strided.scatter [tilespmem:s29], [sflag:$0x19], $0x2780, s26, s6, $0x38;
	[tilespmem:$0x1EB80] =	vst v63  }
0x43: {  	_ =	swait.ge [sflag:s3], $0x2780  }
0x44: {  	s11 =	sld [smem:$0x7F8];
	_ =	sdelay $0x2  }
0x45: {  	s26 =	rddreg [dreg:$0x17];
	s5 =	sadd.s32 $0x1, s11  }
0x46: {  	p2 =	sne.s32 s5, s26  }
.Ltmp1:
0x47: {  	_ = 	snop;
	(pc) =	sbr.rel @!p2 .LBB2_24-.Ltmp1, $3  }
0x48: {  	_ =	sdelay $0x1  }
0x49: {  	[sflag:s3] =	ssyncset.done $0x0  }
0x4a: {  	[sflag:s3] =	ssyncadd.s32 $0xFFFFD880  }
.LBB2_1:
0x4b: {  	[smem:$0x7F8] =	sst s5;
	s0 =	simm.s32 $0x0;
	s5 =	simm.s32 $0x200  }
.LBB2_2:
0x4c: {  	p2 =	sne.s32 s5, $0x7E00;
	[tilespmem:s0+$0x870] =	vst v0  }
0x4d: {  	[tilespmem:s0+$0x800] =	vst v0  }
0x4e: {  	[tilespmem:s0+$0x810] =	vst v0  }
.Ltmp2:
0x4f: {  	[tilespmem:s0+$0x820] =	vst v0;
	(pc) =	sbr.rel @p2 .LBB2_2-.Ltmp2, $4  }
0x50: {  	[tilespmem:s0+$0x830] =	vst v0  }
0x51: {  	[tilespmem:s0+$0x840] =	vst v0  }
0x52: {  	[tilespmem:s0+$0x850] =	vst v0  }
0x53: {  	[tilespmem:s0+$0x860] =	vst v0;
	s0 =	sshra.s32 s5, $0x2;
	s5 =	sadd.s32 $0x200, s5  }
0x54: {  	[tilespmem:s0+$0x870] =	vst v0  }
0x55: {  	[tilespmem:s0+$0x800] =	vst v0  }
0x56: {  	[tilespmem:s0+$0x810] =	vst v0  }
0x57: {  	[tilespmem:s0+$0x820] =	vst v0  }
0x58: {  	[tilespmem:s0+$0x830] =	vst v0  }
0x59: {  	[tilespmem:s0+$0x840] =	vst v0  }
0x5a: {  	[tilespmem:s0+$0x850] =	vst v0  }
0x5b: {  	[tilespmem:s0+$0x860] =	vst v0;
	s26 =	rddreg [dreg:$0x4]  }
0x5c: {  	[spmem:s26] =	stream.linear.scatter [tilespmem:s23], [sflag:$0x19], $0x2000, $0x38;
	[tilespmem:$0x1EB80] =	vst v63  }
0x5d: {  	_ =	swait.ge [sflag:s3], $0x2000  }
0x5e: {  	[sflag:s3] =	ssyncset.done $0x0  }
0x5f: {  	s5 =	rddreg [dreg:$0x5];
	[sflag:s3] =	ssyncadd.s32 $0xFFFFE000  }
0x60: {  	[spmem:s5] =	stream.linear.scatter [tilespmem:s23], [sflag:$0x19], $0x2000, $0x38;
	[tilespmem:$0x1EB80] =	vst v63  }
0x61: {  	_ =	swait.ge [sflag:s3], $0x2000  }
0x62: {  	[sflag:s3] =	ssyncset.done $0x0  }
0x63: {  	s11 =	rddreg [dreg:$0x6];
	[sflag:s3] =	ssyncadd.s32 $0xFFFFE000  }
0x64: {  	[spmem:s11] =	stream.linear.scatter [tilespmem:s23], [sflag:$0x19], $0x2000, $0x38;
	[tilespmem:$0x1EB80] =	vst v63  }
0x65: {  	_ =	swait.ge [sflag:s3], $0x2000  }
0x66: {  	[sflag:s3] =	ssyncset.done $0x0  }
0x67: {  	s26 =	rddreg [dreg:$0x7];
	[sflag:s3] =	ssyncadd.s32 $0xFFFFE000  }
0x68: {  	[spmem:s26] =	stream.linear.scatter [tilespmem:s23], [sflag:$0x19], $0x2000, $0x38;
	[tilespmem:$0x1EB80] =	vst v63  }
0x69: {  	_ =	swait.ge [sflag:s3], $0x2000  }
0x6a: {  	[sflag:s3] =	ssyncset.done $0x0  }
0x6b: {  	s5 =	rddreg [dreg:$0x8];
	[sflag:s3] =	ssyncadd.s32 $0xFFFFE000  }
0x6c: {  	[spmem:s5] =	stream.linear.scatter [tilespmem:s23], [sflag:$0x19], $0x2000, $0x38;
	[tilespmem:$0x1EB80] =	vst v63  }
0x6d: {  	_ =	swait.ge [sflag:s3], $0x2000  }
0x6e: {  	[sflag:s3] =	ssyncset.done $0x0  }
0x6f: {  	s11 =	rddreg [dreg:$0x13];
	[sflag:s3] =	ssyncadd.s32 $0xFFFFE000  }
0x70: {  	[spmem:s11] =	stream.linear.scatter [tilespmem:s23], [sflag:$0x19], $0x2000, $0x38;
	[tilespmem:$0x1EB80] =	vst v63  }
0x71: {  	_ =	swait.ge [sflag:s3], $0x2000  }
0x72: {  	[sflag:s3] =	ssyncset.done $0x0  }
0x73: {  	s26 =	rddreg [dreg:$0x14];
	[sflag:s3] =	ssyncadd.s32 $0xFFFFE000  }
0x74: {  	[spmem:s26] =	stream.linear.scatter [tilespmem:s23], [sflag:$0x19], $0x2000, $0x38;
	[tilespmem:$0x1EB80] =	vst v63  }
0x75: {  	_ =	swait.ge [sflag:s3], $0x2000  }
0x76: {  	[sflag:s3] =	ssyncset.done $0x0  }
0x77: {  	s5 =	rddreg [dreg:$0x18];
	[sflag:s3] =	ssyncadd.s32 $0xFFFFE000  }
0x78: {  	[spmem:s5] =	stream.linear.scatter [tilespmem:s23], [sflag:$0x19], $0x2000, $0x38;
	[tilespmem:$0x1EB80] =	vst v63  }
0x79: {  	_ =	swait.ge [sflag:s3], $0x2000  }
0x7a: {  	[sflag:s3] =	ssyncset.done $0x0  }
0x7b: {  	s11 =	rddreg [dreg:$0x19];
	[sflag:s3] =	ssyncadd.s32 $0xFFFFE000  }
0x7c: {  	[spmem:s11] =	stream.linear.scatter [tilespmem:s23], [sflag:$0x19], $0x2000, $0x38;
	[tilespmem:$0x1EB80] =	vst v63  }
0x7d: {  	_ =	swait.ge [sflag:s3], $0x2000  }
0x7e: {  	[sflag:s3] =	ssyncset.done $0x0  }
0x7f: {  	s26 =	rddreg [dreg:$0x1a];
	[sflag:s3] =	ssyncadd.s32 $0xFFFFE000  }
0x80: {  	[spmem:s26] =	stream.linear.scatter [tilespmem:s23], [sflag:$0x19], $0x1C00, $0x38;
	[tilespmem:$0x1EB80] =	vst v63  }
0x81: {  	_ =	swait.ge [sflag:s3], $0x1C00  }
0x82: {  	[sflag:s3] =	ssyncset.done $0x0  }
0x83: {  	s0 =	simm.s32 $0x40;
	s5 =	simm.s32 $0x0;
	[sflag:s3] =	ssyncadd.s32 $0xFFFFE400  }
.LBB2_4:
0x84: {  	p2 =	sne.s32 s0, $0x9DC0;
	[tilespmem:s5+$0x8800] =	vst v0;
	s5 =	smov.u32 s0;
	s0 =	sadd.s32 $0x40, s0  }
.Ltmp3:
0x85: {  	(pc) =	sbr.rel @p2 .LBB2_4-.Ltmp3, $2  }
0x86: {  	_ =	sdelay $0x2  }
0x87: {  	s5 =	sshra.s32 s5, $0x2  }
0x88: {  	[tilespmem:s5+$0x8800] =	vst v0  }
0x89: {  	[bflag:$0x0] =	sbarrier.arrive $0xFFFF  }
0x8a: {  	s0 =	simm.s32 $0x0;
	s3 =	rddreg [dreg:$0x9]  }
0x8b: {  	[tilespmem:s0], [sflag:$0x1] =	stream.linear.gather [hbm4b:s3+s0], $0x40, $0x38;
	[tilespmem:$0x1EB80] =	vst v63  }
0x8c: {  	s26 =	simm.s32 $0x400;
	s11 =	rddreg [dreg:$0xa]  }
0x8d: {  	[tilespmem:s26], [sflag:$0x9] =	stream.linear.gather [hbm4b:s11+s0], $0x40, $0x38;
	[tilespmem:$0x1EB80] =	vst v63  }
0x8e: {  	s5 =	rddreg [dreg:$0x1b]  }
0x8f: {  	[tilespmem:s6], [sflag:$0x2] =	stream.linear.gather [hbm4b:s5+s0], $0x40, $0x38;
	[tilespmem:$0x1EB80] =	vst v63  }
0x90: {  	s11 =	rddreg [dreg:$0x1c];
	s26 =	simm.s32 $0x480  }
0x91: {  	[tilespmem:s26], [sflag:$0xA] =	stream.linear.gather [hbm4b:s11+s0], $0x40, $0x38;
	[tilespmem:$0x1EB80] =	vst v63  }
0x92: {  	s11 =	rddreg [dreg:$0x1d];
	s26 =	simm.s32 $0x100  }
0x93: {  	[tilespmem:s26], [sflag:$0x3] =	stream.linear.gather [hbm4b:s11+s0], $0x40, $0x38;
	[tilespmem:$0x1EB80] =	vst v63  }
0x94: {  	s11 =	rddreg [dreg:$0x1e];
	s26 =	simm.s32 $0x500  }
0x95: {  	[tilespmem:s26], [sflag:$0xB] =	stream.linear.gather [hbm4b:s11+s0], $0x40, $0x38;
	[tilespmem:$0x1EB80] =	vst v63  }
0x96: {  	s11 =	rddreg [dreg:$0x1f];
	s26 =	simm.s32 $0x180  }
0x97: {  	[tilespmem:s26], [sflag:$0x4] =	stream.linear.gather [hbm4b:s11+s0], $0x40, $0x38;
	[tilespmem:$0x1EB80] =	vst v63  }
0x98: {  	s11 =	sld [smem:$0x7F9];
	_ =	sdelay $0x1  }
0x99: {  	s26 =	simm.s32 $0x580  }
0x9a: {  	[tilespmem:s26], [sflag:$0xC] =	stream.linear.gather [hbm4b:s11+s0], $0x40, $0x38;
	[tilespmem:$0x1EB80] =	vst v63  }
0x9b: {  	s11 =	sld [smem:$0x7FA];
	_ =	sdelay $0x1  }
0x9c: {  	s26 =	simm.s32 $0x200  }
0x9d: {  	[tilespmem:s26], [sflag:$0x5] =	stream.linear.gather [hbm4b:s11+s0], $0x40, $0x38;
	[tilespmem:$0x1EB80] =	vst v63  }
0x9e: {  	s11 =	sld [smem:$0x7FB];
	_ =	sdelay $0x1  }
0x9f: {  	s26 =	simm.s32 $0x600  }
0xa0: {  	[tilespmem:s26], [sflag:$0xD] =	stream.linear.gather [hbm4b:s11+s0], $0x40, $0x38;
	[tilespmem:$0x1EB80] =	vst v63  }
0xa1: {  	s11 =	sld [smem:$0x7FC];
	_ =	sdelay $0x1  }
0xa2: {  	s26 =	simm.s32 $0x280  }
0xa3: {  	[tilespmem:s26], [sflag:$0x6] =	stream.linear.gather [hbm4b:s11+s0], $0x40, $0x38;
	[tilespmem:$0x1EB80] =	vst v63  }
0xa4: {  	s11 =	sld [smem:$0x7FD];
	_ =	sdelay $0x1  }
0xa5: {  	s26 =	simm.s32 $0x680  }
0xa6: {  	[tilespmem:s26], [sflag:$0xE] =	stream.linear.gather [hbm4b:s11+s0], $0x40, $0x38;
	[tilespmem:$0x1EB80] =	vst v63  }
0xa7: {  	s11 =	simm.s32 $0x1  }
0xa8: {  	_ =	swait.ge [sflag:s11], $0x40  }
0xa9: {  	[sflag:s11] =	ssyncset.done $0x0  }
0xaa: {  	s26 =	simm.s32 $0x9;
	[sflag:s11] =	ssyncadd.s32 $0xFFFFFFC0  }
0xab: {  	_ =	swait.ge [sflag:s26], $0x40  }
0xac: {  	[sflag:s26] =	ssyncset.done $0x0  }
0xad: {  	s5 =	simm.s32 $0x2;
	[sflag:s26] =	ssyncadd.s32 $0xFFFFFFC0  }
0xae: {  	[tilespmem:s23], [sflag:$0x11] =	stream.indirect.gather [hbm4b:s1+s22], $0x80, s0, s22, $0xb8;
	[tilespmem:$0x1EB80] =	vst v63  }
0xaf: {  	_ =	swait.ge [sflag:s5], $0x40  }
0xb0: {  	[sflag:s5] =	ssyncset.done $0x0  }
0xb1: {  	s11 =	simm.s32 $0xA;
	[sflag:s5] =	ssyncadd.s32 $0xFFFFFFC0  }
.Ltmp4:
0xb2: {  	_ =	swait.ge [sflag:s11], $0x40;
	(pc) =	sbr.rel .LBB2_6-.Ltmp4, $4  }
0xb3: {  	[sflag:s11] =	ssyncset.done $0x0  }
0xb4: {  	s26 =	simm.s32 $0x2800;
	[sflag:s11] =	ssyncadd.s32 $0xFFFFFFC0  }
0xb5: {  	[tilespmem:s26], [sflag:$0x12] =	stream.indirect.gather [hbm4b:s1+s22], $0x80, s6, s22, $0xb8;
	[tilespmem:$0x1EB80] =	vst v63  }
0xb6: {  	s6 =	simm.s32 $0x2800  }
.LBB2_22:
0xb7: {  	s0 =	sadd.s32 $0x40, s0  }
0xb8: {  	p2 =	sne.s32 s0, $0x500  }
.Ltmp5:
0xb9: {  	_ = 	snop;
	(pc) =	sbr.rel @!p2 .LBB2_23-.Ltmp5, $2  }
0xba: {  	_ =	sdelay $0x2  }
0xbb: {  	s6 =	simm.s32 $0x2800  }
.LBB2_6:
0xbc: {  	_ =	swait.ge [sflag:s9], $0x2000  }
0xbd: {  	p2 =	seq.s32 s0, $0x0;
	[sflag:s9] =	ssyncset.done $0x0  }
0xbe: {  	s3 =	simm.s32 $0x400;
	s5 =	simm.s32 @!p2 $0x17;
	[sflag:s9] =	ssyncadd.s32 $0xFFFFE000  }
0xbf: {  	[spmem:s2] =	stream.indirect.scatter.add.f32 [tilespmem:s23], [sflag:$0x15], $0x80, s3, s22, $0xb8;
	[tilespmem:$0x1EB80] =	vst v63  }
0xc0: {  	_ =	swait.ge @!p2 [sflag:s5], $0x2000  }
0xc1: {  	s11 =	simm.s32 $0x300;
	[sflag:s5] =	ssyncset.done @!p2 $0x0;
	s26 =	rddreg [dreg:$0x11]  }
0xc2: {  	[sflag:s5] =	ssyncadd.s32 @!p2 $0xFFFFE000;
	s3 =	sadd.s32 s0, s26;
	s5 =	sadd.s32 s0, s12  }
0xc3: {  	[tilespmem:s11], [sflag:$0x7] =	stream.linear.gather [hbm4b:s3+s4], $0x40, $0x38;
	[tilespmem:$0x1EB80] =	vst v63  }
0xc4: {  	s26 =	simm.s32 $0x700;
	s11 =	sadd.s32 $0x30, s5  }
0xc5: {  	[tilespmem:s26], [sflag:$0xF] =	stream.linear.gather [hbm4b:s11+s4], $0x40, $0x38;
	[tilespmem:$0x1EB80] =	vst v63  }
0xc6: {  	s26 =	simm.s32 $0x3  }
0xc7: {  	_ =	swait.ge [sflag:s26], $0x40  }
0xc8: {  	[sflag:s26] =	ssyncset.done $0x0  }
.Ltmp6:
0xc9: {  	s11 =	simm.s32 $0xB;
	[sflag:s26] =	ssyncadd.s32 $0xFFFFFFC0;
	(pc) =	sbr.rel @p0 .LBB2_8-.Ltmp6, $4  }
0xca: {  	_ =	swait.ge [sflag:s11], $0x40  }
0xcb: {  	[sflag:s11] =	ssyncset.done $0x0  }
0xcc: {  	s26 =	simm.s32 $0x100;
	[sflag:s11] =	ssyncadd.s32 $0xFFFFFFC0  }
0xcd: {  	[tilespmem:s28], [sflag:$0x13] =	stream.indirect.gather [hbm4b:s1+s22], $0x80, s26, s22, $0xb8;
	[tilespmem:$0x1EB80] =	vst v63  }
0xce: {  	v5 =	vld [tilespmem:$0x400];
	_ =	sdelay $0x4  }
0xcf: {  	v6 =	vxor.u32 $0x80000000, v5  }
0xd0: {  	(xrf1) =	vsort.ascd.msk.u32 $0xffff, v6, v5;
	_ =	sdelay $0xd  }
0xd1: {  	v5, _, _ =	vpop (xrf1)  }
0xd2: {  	v5 =	vxor.u32 $0x80000000, v5  }
0xd3: {  	v6 =	vperm.xlane v5, v1;
	_ =	sdelay $0x1  }
0xd4: {  	vm1 =	veq.s32 v5, v6  }
0xd5: {  	v6 =	vsel vm1, $0x80000000, v3  }
0xd6: {  	(xrf0) =	vmax.scan.msk.u32 $0xffff, v6;
	_ =	sdelay $0x1  }
0xd7: {  	v6 =	vperm.xlane v5, v2;
	_ =	sdelay $0x1  }
0xd8: {  	vm1 =	vne.s32 v5, v6  }
0xd9: {  	vm1 =	vmor vm1, vm0  }
0xda: {  	v6, _, _ =	vpop (xrf0)  }
0xdb: {  	v6 =	vxor.u32 $0x80000000, v6  }
0xdc: {  	v6 =	vsub.s32 v4, v6  }
0xdd: {  	v6 =	vcvt.s32.f32 v6;
	_ =	sdelay $0x1  }
0xde: {  	[tilespmem:v5+s29+$0x0] =	vst.idx.add.f32.msk vm1, v6  }
0xdf: {  	v5 =	vld [tilespmem:$0x410];
	_ =	sdelay $0x4  }
0xe0: {  	v6 =	vxor.u32 $0x80000000, v5  }
0xe1: {  	(xrf1) =	vsort.ascd.msk.u32 $0xffff, v6, v5;
	_ =	sdelay $0xd  }
0xe2: {  	v5, _, _ =	vpop (xrf1)  }
0xe3: {  	v5 =	vxor.u32 $0x80000000, v5  }
0xe4: {  	v6 =	vperm.xlane v5, v1;
	_ =	sdelay $0x1  }
0xe5: {  	vm1 =	veq.s32 v5, v6  }
0xe6: {  	v6 =	vsel vm1, $0x80000000, v3  }
0xe7: {  	(xrf0) =	vmax.scan.msk.u32 $0xffff, v6;
	_ =	sdelay $0x1  }
0xe8: {  	v6 =	vperm.xlane v5, v2;
	_ =	sdelay $0x1  }
0xe9: {  	vm1 =	vne.s32 v5, v6  }
0xea: {  	vm1 =	vmor vm1, vm0  }
0xeb: {  	v6, _, _ =	vpop (xrf0)  }
0xec: {  	v6 =	vxor.u32 $0x80000000, v6  }
0xed: {  	v6 =	vsub.s32 v4, v6  }
0xee: {  	v6 =	vcvt.s32.f32 v6;
	_ =	sdelay $0x1  }
0xef: {  	[tilespmem:v5+s29+$0x0] =	vst.idx.add.f32.msk vm1, v6  }
0xf0: {  	v5 =	vld [tilespmem:$0x420];
	_ =	sdelay $0x4  }
0xf1: {  	v6 =	vxor.u32 $0x80000000, v5  }
0xf2: {  	(xrf1) =	vsort.ascd.msk.u32 $0xffff, v6, v5;
	_ =	sdelay $0xd  }
0xf3: {  	v5, _, _ =	vpop (xrf1)  }
0xf4: {  	v5 =	vxor.u32 $0x80000000, v5  }
0xf5: {  	v6 =	vperm.xlane v5, v1;
	_ =	sdelay $0x1  }
0xf6: {  	vm1 =	veq.s32 v5, v6  }
0xf7: {  	v6 =	vsel vm1, $0x80000000, v3  }
0xf8: {  	(xrf0) =	vmax.scan.msk.u32 $0xffff, v6;
	_ =	sdelay $0x1  }
0xf9: {  	v6 =	vperm.xlane v5, v2;
	_ =	sdelay $0x1  }
0xfa: {  	vm1 =	vne.s32 v5, v6  }
0xfb: {  	vm1 =	vmor vm1, vm0  }
0xfc: {  	v6, _, _ =	vpop (xrf0)  }
0xfd: {  	v6 =	vxor.u32 $0x80000000, v6  }
0xfe: {  	v6 =	vsub.s32 v4, v6  }
0xff: {  	v6 =	vcvt.s32.f32 v6;
	_ =	sdelay $0x1  }
0x100: {  	[tilespmem:v5+s29+$0x0] =	vst.idx.add.f32.msk vm1, v6  }
0x101: {  	v5 =	vld [tilespmem:$0x430];
	_ =	sdelay $0x4  }
0x102: {  	v6 =	vxor.u32 $0x80000000, v5  }
0x103: {  	(xrf1) =	vsort.ascd.msk.u32 $0xffff, v6, v5;
	_ =	sdelay $0xd  }
0x104: {  	v5, _, _ =	vpop (xrf1)  }
0x105: {  	v5 =	vxor.u32 $0x80000000, v5  }
0x106: {  	v6 =	vperm.xlane v5, v1;
	_ =	sdelay $0x1  }
0x107: {  	vm1 =	veq.s32 v5, v6  }
0x108: {  	v6 =	vsel vm1, $0x80000000, v3  }
0x109: {  	(xrf0) =	vmax.scan.msk.u32 $0xffff, v6;
	_ =	sdelay $0x1  }
0x10a: {  	v6 =	vperm.xlane v5, v2;
	_ =	sdelay $0x1  }
0x10b: {  	vm1 =	vne.s32 v5, v6  }
0x10c: {  	vm1 =	vmor vm1, vm0  }
0x10d: {  	v6, _, _ =	vpop (xrf0)  }
0x10e: {  	v6 =	vxor.u32 $0x80000000, v6  }
0x10f: {  	v6 =	vsub.s32 v4, v6  }
0x110: {  	v6 =	vcvt.s32.f32 v6;
	_ =	sdelay $0x1  }
0x111: {  	[tilespmem:v5+s29+$0x0] =	vst.idx.add.f32.msk vm1, v6  }
.LBB2_8:
0x112: {  	_ =	swait.ge [sflag:s30], $0x2000  }
0x113: {  	[sflag:s30] =	ssyncset.done $0x0  }
0x114: {  	s3 =	simm.s32 $0x480;
	s11 =	simm.s32 @!p2 $0x18;
	[sflag:s30] =	ssyncadd.s32 $0xFFFFE000  }
0x115: {  	[spmem:s2] =	stream.indirect.scatter.add.f32 [tilespmem:s6], [sflag:$0x16], $0x80, s3, s22, $0xb8;
	[tilespmem:$0x1EB80] =	vst v63  }
0x116: {  	_ =	swait.ge @!p2 [sflag:s11], $0x2000  }
0x117: {  	[sflag:s11] =	ssyncset.done @!p2 $0x0;
	s26 =	rddreg [dreg:$0x10]  }
0x118: {  	[sflag:s11] =	ssyncadd.s32 @!p2 $0xFFFFE000;
	s3 =	sadd.s32 s0, s26;
	s26 =	simm.s32 $0x380  }
0x119: {  	[tilespmem:s26], [sflag:$0x8] =	stream.linear.gather [hbm4b:s3+s4], $0x40, $0x38;
	[tilespmem:$0x1EB80] =	vst v63  }
0x11a: {  	s5 =	sadd.s32 $0x38, s5;
	s26 =	simm.s32 $0x780  }
0x11b: {  	[tilespmem:s26], [sflag:$0x10] =	stream.linear.gather [hbm4b:s5+s4], $0x40, $0x38;
	[tilespmem:$0x1EB80] =	vst v63  }
0x11c: {  	s5 =	simm.s32 $0x4  }
0x11d: {  	_ =	swait.ge [sflag:s5], $0x40  }
0x11e: {  	[sflag:s5] =	ssyncset.done $0x0  }
.Ltmp7:
0x11f: {  	s11 =	simm.s32 $0xC;
	[sflag:s5] =	ssyncadd.s32 $0xFFFFFFC0;
	(pc) =	sbr.rel @p1 .LBB2_10-.Ltmp7, $4  }
0x120: {  	_ =	swait.ge [sflag:s11], $0x40  }
0x121: {  	[sflag:s11] =	ssyncset.done $0x0  }
0x122: {  	s26 =	simm.s32 $0x180;
	[sflag:s11] =	ssyncadd.s32 $0xFFFFFFC0  }
0x123: {  	[tilespmem:s7], [sflag:$0x14] =	stream.indirect.gather [hbm4b:s1+s22], $0x80, s26, s22, $0xb8;
	[tilespmem:$0x1EB80] =	vst v63  }
0x124: {  	v5 =	vld [tilespmem:$0x480];
	_ =	sdelay $0x4  }
0x125: {  	v6 =	vxor.u32 $0x80000000, v5  }
0x126: {  	(xrf1) =	vsort.ascd.msk.u32 $0xffff, v6, v5;
	_ =	sdelay $0xd  }
0x127: {  	v5, _, _ =	vpop (xrf1)  }
0x128: {  	v5 =	vxor.u32 $0x80000000, v5  }
0x129: {  	v6 =	vperm.xlane v5, v1;
	_ =	sdelay $0x1  }
0x12a: {  	vm1 =	veq.s32 v5, v6  }
0x12b: {  	v6 =	vsel vm1, $0x80000000, v3  }
0x12c: {  	(xrf0) =	vmax.scan.msk.u32 $0xffff, v6;
	_ =	sdelay $0x1  }
0x12d: {  	v6 =	vperm.xlane v5, v2;
	_ =	sdelay $0x1  }
0x12e: {  	vm1 =	vne.s32 v5, v6  }
0x12f: {  	vm1 =	vmor vm1, vm0  }
0x130: {  	v6, _, _ =	vpop (xrf0)  }
0x131: {  	v6 =	vxor.u32 $0x80000000, v6  }
0x132: {  	v6 =	vsub.s32 v4, v6  }
0x133: {  	v6 =	vcvt.s32.f32 v6;
	_ =	sdelay $0x1  }
0x134: {  	[tilespmem:v5+s29+$0x0] =	vst.idx.add.f32.msk vm1, v6  }
0x135: {  	v5 =	vld [tilespmem:$0x490];
	_ =	sdelay $0x4  }
0x136: {  	v6 =	vxor.u32 $0x80000000, v5  }
0x137: {  	(xrf1) =	vsort.ascd.msk.u32 $0xffff, v6, v5;
	_ =	sdelay $0xd  }
0x138: {  	v5, _, _ =	vpop (xrf1)  }
0x139: {  	v5 =	vxor.u32 $0x80000000, v5  }
0x13a: {  	v6 =	vperm.xlane v5, v1;
	_ =	sdelay $0x1  }
0x13b: {  	vm1 =	veq.s32 v5, v6  }
0x13c: {  	v6 =	vsel vm1, $0x80000000, v3  }
0x13d: {  	(xrf0) =	vmax.scan.msk.u32 $0xffff, v6;
	_ =	sdelay $0x1  }
0x13e: {  	v6 =	vperm.xlane v5, v2;
	_ =	sdelay $0x1  }
0x13f: {  	vm1 =	vne.s32 v5, v6  }
0x140: {  	vm1 =	vmor vm1, vm0  }
0x141: {  	v6, _, _ =	vpop (xrf0)  }
0x142: {  	v6 =	vxor.u32 $0x80000000, v6  }
0x143: {  	v6 =	vsub.s32 v4, v6  }
0x144: {  	v6 =	vcvt.s32.f32 v6;
	_ =	sdelay $0x1  }
0x145: {  	[tilespmem:v5+s29+$0x0] =	vst.idx.add.f32.msk vm1, v6  }
0x146: {  	v5 =	vld [tilespmem:$0x4A0];
	_ =	sdelay $0x4  }
0x147: {  	v6 =	vxor.u32 $0x80000000, v5  }
0x148: {  	(xrf1) =	vsort.ascd.msk.u32 $0xffff, v6, v5;
	_ =	sdelay $0xd  }
0x149: {  	v5, _, _ =	vpop (xrf1)  }
0x14a: {  	v5 =	vxor.u32 $0x80000000, v5  }
0x14b: {  	v6 =	vperm.xlane v5, v1;
	_ =	sdelay $0x1  }
0x14c: {  	vm1 =	veq.s32 v5, v6  }
0x14d: {  	v6 =	vsel vm1, $0x80000000, v3  }
0x14e: {  	(xrf0) =	vmax.scan.msk.u32 $0xffff, v6;
	_ =	sdelay $0x1  }
0x14f: {  	v6 =	vperm.xlane v5, v2;
	_ =	sdelay $0x1  }
0x150: {  	vm1 =	vne.s32 v5, v6  }
0x151: {  	vm1 =	vmor vm1, vm0  }
0x152: {  	v6, _, _ =	vpop (xrf0)  }
0x153: {  	v6 =	vxor.u32 $0x80000000, v6  }
0x154: {  	v6 =	vsub.s32 v4, v6  }
0x155: {  	v6 =	vcvt.s32.f32 v6;
	_ =	sdelay $0x1  }
0x156: {  	[tilespmem:v5+s29+$0x0] =	vst.idx.add.f32.msk vm1, v6  }
0x157: {  	v5 =	vld [tilespmem:$0x4B0];
	_ =	sdelay $0x4  }
0x158: {  	v6 =	vxor.u32 $0x80000000, v5  }
0x159: {  	(xrf1) =	vsort.ascd.msk.u32 $0xffff, v6, v5;
	_ =	sdelay $0xd  }
0x15a: {  	v5, _, _ =	vpop (xrf1)  }
0x15b: {  	v5 =	vxor.u32 $0x80000000, v5  }
0x15c: {  	v6 =	vperm.xlane v5, v1;
	_ =	sdelay $0x1  }
0x15d: {  	vm1 =	veq.s32 v5, v6  }
0x15e: {  	v6 =	vsel vm1, $0x80000000, v3  }
0x15f: {  	(xrf0) =	vmax.scan.msk.u32 $0xffff, v6;
	_ =	sdelay $0x1  }
0x160: {  	v6 =	vperm.xlane v5, v2;
	_ =	sdelay $0x1  }
0x161: {  	vm1 =	vne.s32 v5, v6  }
0x162: {  	vm1 =	vmor vm1, vm0  }
0x163: {  	v6, _, _ =	vpop (xrf0)  }
0x164: {  	v6 =	vxor.u32 $0x80000000, v6  }
0x165: {  	v6 =	vsub.s32 v4, v6  }
0x166: {  	v6 =	vcvt.s32.f32 v6;
	_ =	sdelay $0x1  }
0x167: {  	[tilespmem:v5+s29+$0x0] =	vst.idx.add.f32.msk vm1, v6  }
.LBB2_10:
0x168: {  	_ =	swait.ge [sflag:s8], $0x2000  }
0x169: {  	[sflag:s8] =	ssyncset.done $0x0  }
0x16a: {  	s3 =	simm.s32 $0x500;
	[sflag:s8] =	ssyncadd.s32 $0xFFFFE000  }
0x16b: {  	[spmem:s2] =	stream.indirect.scatter.add.f32 [tilespmem:s28], [sflag:$0x17], $0x80, s3, s22, $0xb8;
	[tilespmem:$0x1EB80] =	vst v63  }
0x16c: {  	_ =	swait.ge [sflag:s25], $0x2000  }
0x16d: {  	p2 =	seq.s32 s0, $0x4C0;
	[sflag:s25] =	ssyncset.done $0x0;
	s3 =	rddreg [dreg:$0xb]  }
0x16e: {  	s5 =	simm.s32 @!p2 $0x0;
	[sflag:s25] =	ssyncadd.s32 $0xFFFFE000;
	s11 =	sadd.s32 @!p2 s0, s3  }
0x16f: {  	[tilespmem:s5], [sflag:$0x1] =	stream.linear.gather @!p2 [hbm4b:s11+s5], $0x40, $0x38;
	[tilespmem:$0x1EB80] =	vst v63  }
0x170: {  	s11 =	sadd.s32 @!p2 s0, s12  }
0x171: {  	s3 =	simm.s32 @!p2 $0x400;
	s26 =	sadd.s32 @!p2 $0x40, s11  }
0x172: {  	[tilespmem:s3], [sflag:$0x9] =	stream.linear.gather @!p2 [hbm4b:s26+s5], $0x40, $0x38;
	[tilespmem:$0x1EB80] =	vst v63  }
0x173: {  	_ =	swait.ge [sflag:s24], $0x40  }
0x174: {  	[sflag:s24] =	ssyncset.done $0x0  }
.Ltmp8:
0x175: {  	[sflag:s24] =	ssyncadd.s32 $0xFFFFFFC0;
	(pc) =	sbr.rel @p0 .LBB2_12-.Ltmp8, $4  }
0x176: {  	_ =	swait.ge [sflag:s13], $0x40  }
0x177: {  	[sflag:s13] =	ssyncset.done $0x0  }
0x178: {  	s26 =	simm.s32 $0x200;
	[sflag:s13] =	ssyncadd.s32 $0xFFFFFFC0  }
0x179: {  	[tilespmem:s23], [sflag:$0x11] =	stream.indirect.gather [hbm4b:s1+s22], $0x80, s26, s22, $0xb8;
	[tilespmem:$0x1EB80] =	vst v63  }
0x17a: {  	v5 =	vld [tilespmem:$0x500];
	_ =	sdelay $0x4  }
0x17b: {  	v6 =	vxor.u32 $0x80000000, v5  }
0x17c: {  	(xrf1) =	vsort.ascd.msk.u32 $0xffff, v6, v5;
	_ =	sdelay $0xd  }
0x17d: {  	v5, _, _ =	vpop (xrf1)  }
0x17e: {  	v5 =	vxor.u32 $0x80000000, v5  }
0x17f: {  	v6 =	vperm.xlane v5, v1;
	_ =	sdelay $0x1  }
0x180: {  	vm1 =	veq.s32 v5, v6  }
0x181: {  	v6 =	vsel vm1, $0x80000000, v3  }
0x182: {  	(xrf0) =	vmax.scan.msk.u32 $0xffff, v6;
	_ =	sdelay $0x1  }
0x183: {  	v6 =	vperm.xlane v5, v2;
	_ =	sdelay $0x1  }
0x184: {  	vm1 =	vne.s32 v5, v6  }
0x185: {  	vm1 =	vmor vm1, vm0  }
0x186: {  	v6, _, _ =	vpop (xrf0)  }
0x187: {  	v6 =	vxor.u32 $0x80000000, v6  }
0x188: {  	v6 =	vsub.s32 v4, v6  }
0x189: {  	v6 =	vcvt.s32.f32 v6;
	_ =	sdelay $0x1  }
0x18a: {  	[tilespmem:v5+s29+$0x0] =	vst.idx.add.f32.msk vm1, v6  }
0x18b: {  	v5 =	vld [tilespmem:$0x510];
	_ =	sdelay $0x4  }
0x18c: {  	v6 =	vxor.u32 $0x80000000, v5  }
0x18d: {  	(xrf1) =	vsort.ascd.msk.u32 $0xffff, v6, v5;
	_ =	sdelay $0xd  }
0x18e: {  	v5, _, _ =	vpop (xrf1)  }
0x18f: {  	v5 =	vxor.u32 $0x80000000, v5  }
0x190: {  	v6 =	vperm.xlane v5, v1;
	_ =	sdelay $0x1  }
0x191: {  	vm1 =	veq.s32 v5, v6  }
0x192: {  	v6 =	vsel vm1, $0x80000000, v3  }
0x193: {  	(xrf0) =	vmax.scan.msk.u32 $0xffff, v6;
	_ =	sdelay $0x1  }
0x194: {  	v6 =	vperm.xlane v5, v2;
	_ =	sdelay $0x1  }
0x195: {  	vm1 =	vne.s32 v5, v6  }
0x196: {  	vm1 =	vmor vm1, vm0  }
0x197: {  	v6, _, _ =	vpop (xrf0)  }
0x198: {  	v6 =	vxor.u32 $0x80000000, v6  }
0x199: {  	v6 =	vsub.s32 v4, v6  }
0x19a: {  	v6 =	vcvt.s32.f32 v6;
	_ =	sdelay $0x1  }
0x19b: {  	[tilespmem:v5+s29+$0x0] =	vst.idx.add.f32.msk vm1, v6  }
0x19c: {  	v5 =	vld [tilespmem:$0x520];
	_ =	sdelay $0x4  }
0x19d: {  	v6 =	vxor.u32 $0x80000000, v5  }
0x19e: {  	(xrf1) =	vsort.ascd.msk.u32 $0xffff, v6, v5;
	_ =	sdelay $0xd  }
0x19f: {  	v5, _, _ =	vpop (xrf1)  }
0x1a0: {  	v5 =	vxor.u32 $0x80000000, v5  }
0x1a1: {  	v6 =	vperm.xlane v5, v1;
	_ =	sdelay $0x1  }
0x1a2: {  	vm1 =	veq.s32 v5, v6  }
0x1a3: {  	v6 =	vsel vm1, $0x80000000, v3  }
0x1a4: {  	(xrf0) =	vmax.scan.msk.u32 $0xffff, v6;
	_ =	sdelay $0x1  }
0x1a5: {  	v6 =	vperm.xlane v5, v2;
	_ =	sdelay $0x1  }
0x1a6: {  	vm1 =	vne.s32 v5, v6  }
0x1a7: {  	vm1 =	vmor vm1, vm0  }
0x1a8: {  	v6, _, _ =	vpop (xrf0)  }
0x1a9: {  	v6 =	vxor.u32 $0x80000000, v6  }
0x1aa: {  	v6 =	vsub.s32 v4, v6  }
0x1ab: {  	v6 =	vcvt.s32.f32 v6;
	_ =	sdelay $0x1  }
0x1ac: {  	[tilespmem:v5+s29+$0x0] =	vst.idx.add.f32.msk vm1, v6  }
0x1ad: {  	v5 =	vld [tilespmem:$0x530];
	_ =	sdelay $0x4  }
0x1ae: {  	v6 =	vxor.u32 $0x80000000, v5  }
0x1af: {  	(xrf1) =	vsort.ascd.msk.u32 $0xffff, v6, v5;
	_ =	sdelay $0xd  }
0x1b0: {  	v5, _, _ =	vpop (xrf1)  }
0x1b1: {  	v5 =	vxor.u32 $0x80000000, v5  }
0x1b2: {  	v6 =	vperm.xlane v5, v1;
	_ =	sdelay $0x1  }
0x1b3: {  	vm1 =	veq.s32 v5, v6  }
0x1b4: {  	v6 =	vsel vm1, $0x80000000, v3  }
0x1b5: {  	(xrf0) =	vmax.scan.msk.u32 $0xffff, v6;
	_ =	sdelay $0x1  }
0x1b6: {  	v6 =	vperm.xlane v5, v2;
	_ =	sdelay $0x1  }
0x1b7: {  	vm1 =	vne.s32 v5, v6  }
0x1b8: {  	vm1 =	vmor vm1, vm0  }
0x1b9: {  	v6, _, _ =	vpop (xrf0)  }
0x1ba: {  	v6 =	vxor.u32 $0x80000000, v6  }
0x1bb: {  	v6 =	vsub.s32 v4, v6  }
0x1bc: {  	v6 =	vcvt.s32.f32 v6;
	_ =	sdelay $0x1  }
0x1bd: {  	[tilespmem:v5+s29+$0x0] =	vst.idx.add.f32.msk vm1, v6  }
.LBB2_12:
0x1be: {  	_ =	swait.ge [sflag:s14], $0x2000  }
0x1bf: {  	[sflag:s14] =	ssyncset.done $0x0  }
0x1c0: {  	s3 =	simm.s32 $0x580;
	[sflag:s14] =	ssyncadd.s32 $0xFFFFE000  }
0x1c1: {  	[spmem:s2] =	stream.indirect.scatter.add.f32 [tilespmem:s7], [sflag:$0x18], $0x80, s3, s22, $0xb8;
	[tilespmem:$0x1EB80] =	vst v63  }
0x1c2: {  	_ =	swait.ge [sflag:s15], $0x2000  }
0x1c3: {  	[sflag:s15] =	ssyncset.done $0x0;
	s3 =	rddreg [dreg:$0xc]  }
0x1c4: {  	s26 =	simm.s32 @!p2 $0x80;
	[sflag:s15] =	ssyncadd.s32 $0xFFFFE000;
	s3 =	sadd.s32 @!p2 s0, s3  }
0x1c5: {  	[tilespmem:s26], [sflag:$0x2] =	stream.linear.gather @!p2 [hbm4b:s3+s5], $0x40, $0x38;
	[tilespmem:$0x1EB80] =	vst v63  }
0x1c6: {  	s3 =	sadd.s32 @!p2 $0x48, s11;
	s26 =	simm.s32 @!p2 $0x480  }
0x1c7: {  	[tilespmem:s26], [sflag:$0xA] =	stream.linear.gather @!p2 [hbm4b:s3+s5], $0x40, $0x38;
	[tilespmem:$0x1EB80] =	vst v63  }
0x1c8: {  	_ =	swait.ge [sflag:s16], $0x40  }
0x1c9: {  	[sflag:s16] =	ssyncset.done $0x0  }
.Ltmp9:
0x1ca: {  	[sflag:s16] =	ssyncadd.s32 $0xFFFFFFC0;
	(pc) =	sbr.rel @p1 .LBB2_14-.Ltmp9, $4  }
0x1cb: {  	_ =	swait.ge [sflag:s17], $0x40  }
0x1cc: {  	[sflag:s17] =	ssyncset.done $0x0  }
0x1cd: {  	s26 =	simm.s32 $0x280;
	[sflag:s17] =	ssyncadd.s32 $0xFFFFFFC0  }
0x1ce: {  	[tilespmem:s6], [sflag:$0x12] =	stream.indirect.gather [hbm4b:s1+s22], $0x80, s26, s22, $0xb8;
	[tilespmem:$0x1EB80] =	vst v63  }
0x1cf: {  	v5 =	vld [tilespmem:$0x580];
	_ =	sdelay $0x4  }
0x1d0: {  	v6 =	vxor.u32 $0x80000000, v5  }
0x1d1: {  	(xrf1) =	vsort.ascd.msk.u32 $0xffff, v6, v5;
	_ =	sdelay $0xd  }
0x1d2: {  	v5, _, _ =	vpop (xrf1)  }
0x1d3: {  	v5 =	vxor.u32 $0x80000000, v5  }
0x1d4: {  	v6 =	vperm.xlane v5, v1;
	_ =	sdelay $0x1  }
0x1d5: {  	vm1 =	veq.s32 v5, v6  }
0x1d6: {  	v6 =	vsel vm1, $0x80000000, v3  }
0x1d7: {  	(xrf0) =	vmax.scan.msk.u32 $0xffff, v6;
	_ =	sdelay $0x1  }
0x1d8: {  	v6 =	vperm.xlane v5, v2;
	_ =	sdelay $0x1  }
0x1d9: {  	vm1 =	vne.s32 v5, v6  }
0x1da: {  	vm1 =	vmor vm1, vm0  }
0x1db: {  	v6, _, _ =	vpop (xrf0)  }
0x1dc: {  	v6 =	vxor.u32 $0x80000000, v6  }
0x1dd: {  	v6 =	vsub.s32 v4, v6  }
0x1de: {  	v6 =	vcvt.s32.f32 v6;
	_ =	sdelay $0x1  }
0x1df: {  	[tilespmem:v5+s29+$0x0] =	vst.idx.add.f32.msk vm1, v6  }
0x1e0: {  	v5 =	vld [tilespmem:$0x590];
	_ =	sdelay $0x4  }
0x1e1: {  	v6 =	vxor.u32 $0x80000000, v5  }
0x1e2: {  	(xrf1) =	vsort.ascd.msk.u32 $0xffff, v6, v5;
	_ =	sdelay $0xd  }
0x1e3: {  	v5, _, _ =	vpop (xrf1)  }
0x1e4: {  	v5 =	vxor.u32 $0x80000000, v5  }
0x1e5: {  	v6 =	vperm.xlane v5, v1;
	_ =	sdelay $0x1  }
0x1e6: {  	vm1 =	veq.s32 v5, v6  }
0x1e7: {  	v6 =	vsel vm1, $0x80000000, v3  }
0x1e8: {  	(xrf0) =	vmax.scan.msk.u32 $0xffff, v6;
	_ =	sdelay $0x1  }
0x1e9: {  	v6 =	vperm.xlane v5, v2;
	_ =	sdelay $0x1  }
0x1ea: {  	vm1 =	vne.s32 v5, v6  }
0x1eb: {  	vm1 =	vmor vm1, vm0  }
0x1ec: {  	v6, _, _ =	vpop (xrf0)  }
0x1ed: {  	v6 =	vxor.u32 $0x80000000, v6  }
0x1ee: {  	v6 =	vsub.s32 v4, v6  }
0x1ef: {  	v6 =	vcvt.s32.f32 v6;
	_ =	sdelay $0x1  }
0x1f0: {  	[tilespmem:v5+s29+$0x0] =	vst.idx.add.f32.msk vm1, v6  }
0x1f1: {  	v5 =	vld [tilespmem:$0x5A0];
	_ =	sdelay $0x4  }
0x1f2: {  	v6 =	vxor.u32 $0x80000000, v5  }
0x1f3: {  	(xrf1) =	vsort.ascd.msk.u32 $0xffff, v6, v5;
	_ =	sdelay $0xd  }
0x1f4: {  	v5, _, _ =	vpop (xrf1)  }
0x1f5: {  	v5 =	vxor.u32 $0x80000000, v5  }
0x1f6: {  	v6 =	vperm.xlane v5, v1;
	_ =	sdelay $0x1  }
0x1f7: {  	vm1 =	veq.s32 v5, v6  }
0x1f8: {  	v6 =	vsel vm1, $0x80000000, v3  }
0x1f9: {  	(xrf0) =	vmax.scan.msk.u32 $0xffff, v6;
	_ =	sdelay $0x1  }
0x1fa: {  	v6 =	vperm.xlane v5, v2;
	_ =	sdelay $0x1  }
0x1fb: {  	vm1 =	vne.s32 v5, v6  }
0x1fc: {  	vm1 =	vmor vm1, vm0  }
0x1fd: {  	v6, _, _ =	vpop (xrf0)  }
0x1fe: {  	v6 =	vxor.u32 $0x80000000, v6  }
0x1ff: {  	v6 =	vsub.s32 v4, v6  }
0x200: {  	v6 =	vcvt.s32.f32 v6;
	_ =	sdelay $0x1  }
0x201: {  	[tilespmem:v5+s29+$0x0] =	vst.idx.add.f32.msk vm1, v6  }
0x202: {  	v5 =	vld [tilespmem:$0x5B0];
	_ =	sdelay $0x4  }
0x203: {  	v6 =	vxor.u32 $0x80000000, v5  }
0x204: {  	(xrf1) =	vsort.ascd.msk.u32 $0xffff, v6, v5;
	_ =	sdelay $0xd  }
0x205: {  	v5, _, _ =	vpop (xrf1)  }
0x206: {  	v5 =	vxor.u32 $0x80000000, v5  }
0x207: {  	v6 =	vperm.xlane v5, v1;
	_ =	sdelay $0x1  }
0x208: {  	vm1 =	veq.s32 v5, v6  }
0x209: {  	v6 =	vsel vm1, $0x80000000, v3  }
0x20a: {  	(xrf0) =	vmax.scan.msk.u32 $0xffff, v6;
	_ =	sdelay $0x1  }
0x20b: {  	v6 =	vperm.xlane v5, v2;
	_ =	sdelay $0x1  }
0x20c: {  	vm1 =	vne.s32 v5, v6  }
0x20d: {  	vm1 =	vmor vm1, vm0  }
0x20e: {  	v6, _, _ =	vpop (xrf0)  }
0x20f: {  	v6 =	vxor.u32 $0x80000000, v6  }
0x210: {  	v6 =	vsub.s32 v4, v6  }
0x211: {  	v6 =	vcvt.s32.f32 v6;
	_ =	sdelay $0x1  }
0x212: {  	[tilespmem:v5+s29+$0x0] =	vst.idx.add.f32.msk vm1, v6  }
.LBB2_14:
0x213: {  	_ =	swait.ge [sflag:s9], $0x2000  }
0x214: {  	[sflag:s9] =	ssyncset.done $0x0  }
0x215: {  	s3 =	simm.s32 $0x600;
	[sflag:s9] =	ssyncadd.s32 $0xFFFFE000  }
0x216: {  	[spmem:s2] =	stream.indirect.scatter.add.f32 [tilespmem:s23], [sflag:$0x15], $0x80, s3, s22, $0xb8;
	[tilespmem:$0x1EB80] =	vst v63  }
0x217: {  	_ =	swait.ge [sflag:s18], $0x2000  }
0x218: {  	s5 =	simm.s32 @!p2 $0x0;
	[sflag:s18] =	ssyncset.done $0x0;
	s3 =	rddreg [dreg:$0xd]  }
0x219: {  	s26 =	simm.s32 @!p2 $0x100;
	[sflag:s18] =	ssyncadd.s32 $0xFFFFE000;
	s3 =	sadd.s32 @!p2 s0, s3  }
0x21a: {  	[tilespmem:s26], [sflag:$0x3] =	stream.linear.gather @!p2 [hbm4b:s3+s5], $0x40, $0x38;
	[tilespmem:$0x1EB80] =	vst v63  }
0x21b: {  	s3 =	sadd.s32 @!p2 $0x50, s11;
	s26 =	simm.s32 @!p2 $0x500  }
0x21c: {  	[tilespmem:s26], [sflag:$0xB] =	stream.linear.gather @!p2 [hbm4b:s3+s5], $0x40, $0x38;
	[tilespmem:$0x1EB80] =	vst v63  }
0x21d: {  	_ =	swait.ge [sflag:s19], $0x40  }
0x21e: {  	[sflag:s19] =	ssyncset.done $0x0  }
.Ltmp10:
0x21f: {  	[sflag:s19] =	ssyncadd.s32 $0xFFFFFFC0;
	(pc) =	sbr.rel @p0 .LBB2_16-.Ltmp10, $4  }
0x220: {  	_ =	swait.ge [sflag:s20], $0x40  }
0x221: {  	[sflag:s20] =	ssyncset.done $0x0  }
0x222: {  	s26 =	simm.s32 $0x300;
	[sflag:s20] =	ssyncadd.s32 $0xFFFFFFC0  }
0x223: {  	[tilespmem:s28], [sflag:$0x13] =	stream.indirect.gather [hbm4b:s1+s22], $0x80, s26, s22, $0xb8;
	[tilespmem:$0x1EB80] =	vst v63  }
0x224: {  	v5 =	vld [tilespmem:$0x600];
	_ =	sdelay $0x4  }
0x225: {  	v6 =	vxor.u32 $0x80000000, v5  }
0x226: {  	(xrf1) =	vsort.ascd.msk.u32 $0xffff, v6, v5;
	_ =	sdelay $0xd  }
0x227: {  	v5, _, _ =	vpop (xrf1)  }
0x228: {  	v5 =	vxor.u32 $0x80000000, v5  }
0x229: {  	v6 =	vperm.xlane v5, v1;
	_ =	sdelay $0x1  }
0x22a: {  	vm1 =	veq.s32 v5, v6  }
0x22b: {  	v6 =	vsel vm1, $0x80000000, v3  }
0x22c: {  	(xrf0) =	vmax.scan.msk.u32 $0xffff, v6;
	_ =	sdelay $0x1  }
0x22d: {  	v6 =	vperm.xlane v5, v2;
	_ =	sdelay $0x1  }
0x22e: {  	vm1 =	vne.s32 v5, v6  }
0x22f: {  	vm1 =	vmor vm1, vm0  }
0x230: {  	v6, _, _ =	vpop (xrf0)  }
0x231: {  	v6 =	vxor.u32 $0x80000000, v6  }
0x232: {  	v6 =	vsub.s32 v4, v6  }
0x233: {  	v6 =	vcvt.s32.f32 v6;
	_ =	sdelay $0x1  }
0x234: {  	[tilespmem:v5+s29+$0x0] =	vst.idx.add.f32.msk vm1, v6  }
0x235: {  	v5 =	vld [tilespmem:$0x610];
	_ =	sdelay $0x4  }
0x236: {  	v6 =	vxor.u32 $0x80000000, v5  }
0x237: {  	(xrf1) =	vsort.ascd.msk.u32 $0xffff, v6, v5;
	_ =	sdelay $0xd  }
0x238: {  	v5, _, _ =	vpop (xrf1)  }
0x239: {  	v5 =	vxor.u32 $0x80000000, v5  }
0x23a: {  	v6 =	vperm.xlane v5, v1;
	_ =	sdelay $0x1  }
0x23b: {  	vm1 =	veq.s32 v5, v6  }
0x23c: {  	v6 =	vsel vm1, $0x80000000, v3  }
0x23d: {  	(xrf0) =	vmax.scan.msk.u32 $0xffff, v6;
	_ =	sdelay $0x1  }
0x23e: {  	v6 =	vperm.xlane v5, v2;
	_ =	sdelay $0x1  }
0x23f: {  	vm1 =	vne.s32 v5, v6  }
0x240: {  	vm1 =	vmor vm1, vm0  }
0x241: {  	v6, _, _ =	vpop (xrf0)  }
0x242: {  	v6 =	vxor.u32 $0x80000000, v6  }
0x243: {  	v6 =	vsub.s32 v4, v6  }
0x244: {  	v6 =	vcvt.s32.f32 v6;
	_ =	sdelay $0x1  }
0x245: {  	[tilespmem:v5+s29+$0x0] =	vst.idx.add.f32.msk vm1, v6  }
0x246: {  	v5 =	vld [tilespmem:$0x620];
	_ =	sdelay $0x4  }
0x247: {  	v6 =	vxor.u32 $0x80000000, v5  }
0x248: {  	(xrf1) =	vsort.ascd.msk.u32 $0xffff, v6, v5;
	_ =	sdelay $0xd  }
0x249: {  	v5, _, _ =	vpop (xrf1)  }
0x24a: {  	v5 =	vxor.u32 $0x80000000, v5  }
0x24b: {  	v6 =	vperm.xlane v5, v1;
	_ =	sdelay $0x1  }
0x24c: {  	vm1 =	veq.s32 v5, v6  }
0x24d: {  	v6 =	vsel vm1, $0x80000000, v3  }
0x24e: {  	(xrf0) =	vmax.scan.msk.u32 $0xffff, v6;
	_ =	sdelay $0x1  }
0x24f: {  	v6 =	vperm.xlane v5, v2;
	_ =	sdelay $0x1  }
0x250: {  	vm1 =	vne.s32 v5, v6  }
0x251: {  	vm1 =	vmor vm1, vm0  }
0x252: {  	v6, _, _ =	vpop (xrf0)  }
0x253: {  	v6 =	vxor.u32 $0x80000000, v6  }
0x254: {  	v6 =	vsub.s32 v4, v6  }
0x255: {  	v6 =	vcvt.s32.f32 v6;
	_ =	sdelay $0x1  }
0x256: {  	[tilespmem:v5+s29+$0x0] =	vst.idx.add.f32.msk vm1, v6  }
0x257: {  	v5 =	vld [tilespmem:$0x630];
	_ =	sdelay $0x4  }
0x258: {  	v6 =	vxor.u32 $0x80000000, v5  }
0x259: {  	(xrf1) =	vsort.ascd.msk.u32 $0xffff, v6, v5;
	_ =	sdelay $0xd  }
0x25a: {  	v5, _, _ =	vpop (xrf1)  }
0x25b: {  	v5 =	vxor.u32 $0x80000000, v5  }
0x25c: {  	v6 =	vperm.xlane v5, v1;
	_ =	sdelay $0x1  }
0x25d: {  	vm1 =	veq.s32 v5, v6  }
0x25e: {  	v6 =	vsel vm1, $0x80000000, v3  }
0x25f: {  	(xrf0) =	vmax.scan.msk.u32 $0xffff, v6;
	_ =	sdelay $0x1  }
0x260: {  	v6 =	vperm.xlane v5, v2;
	_ =	sdelay $0x1  }
0x261: {  	vm1 =	vne.s32 v5, v6  }
0x262: {  	vm1 =	vmor vm1, vm0  }
0x263: {  	v6, _, _ =	vpop (xrf0)  }
0x264: {  	v6 =	vxor.u32 $0x80000000, v6  }
0x265: {  	v6 =	vsub.s32 v4, v6  }
0x266: {  	v6 =	vcvt.s32.f32 v6;
	_ =	sdelay $0x1  }
0x267: {  	[tilespmem:v5+s29+$0x0] =	vst.idx.add.f32.msk vm1, v6  }
.LBB2_16:
0x268: {  	_ =	swait.ge [sflag:s30], $0x2000  }
0x269: {  	[sflag:s30] =	ssyncset.done $0x0  }
0x26a: {  	s3 =	simm.s32 $0x680;
	[sflag:s30] =	ssyncadd.s32 $0xFFFFE000  }
0x26b: {  	[spmem:s2] =	stream.indirect.scatter.add.f32 [tilespmem:s6], [sflag:$0x16], $0x80, s3, s22, $0xb8;
	[tilespmem:$0x1EB80] =	vst v63  }
0x26c: {  	_ =	swait.ge [sflag:s21], $0x2000  }
0x26d: {  	[sflag:s21] =	ssyncset.done $0x0;
	s3 =	rddreg [dreg:$0xe]  }
0x26e: {  	s26 =	simm.s32 @!p2 $0x180;
	[sflag:s21] =	ssyncadd.s32 $0xFFFFE000;
	s3 =	sadd.s32 @!p2 s0, s3  }
0x26f: {  	[tilespmem:s26], [sflag:$0x4] =	stream.linear.gather @!p2 [hbm4b:s3+s5], $0x40, $0x38;
	[tilespmem:$0x1EB80] =	vst v63  }
0x270: {  	s3 =	sadd.s32 @!p2 $0x58, s11;
	s26 =	simm.s32 @!p2 $0x580  }
0x271: {  	[tilespmem:s26], [sflag:$0xC] =	stream.linear.gather @!p2 [hbm4b:s3+s5], $0x40, $0x38;
	[tilespmem:$0x1EB80] =	vst v63  }
0x272: {  	_ =	swait.ge [sflag:s10], $0x40  }
0x273: {  	[sflag:s10] =	ssyncset.done $0x0  }
.Ltmp11:
0x274: {  	[sflag:s10] =	ssyncadd.s32 $0xFFFFFFC0;
	(pc) =	sbr.rel @p1 .LBB2_18-.Ltmp11, $4  }
0x275: {  	_ =	swait.ge [sflag:s31], $0x40  }
0x276: {  	[sflag:s31] =	ssyncset.done $0x0  }
0x277: {  	s26 =	simm.s32 $0x380;
	[sflag:s31] =	ssyncadd.s32 $0xFFFFFFC0  }
0x278: {  	[tilespmem:s7], [sflag:$0x14] =	stream.indirect.gather [hbm4b:s1+s22], $0x80, s26, s22, $0xb8;
	[tilespmem:$0x1EB80] =	vst v63  }
0x279: {  	v5 =	vld [tilespmem:$0x680];
	_ =	sdelay $0x4  }
0x27a: {  	v6 =	vxor.u32 $0x80000000, v5  }
0x27b: {  	(xrf1) =	vsort.ascd.msk.u32 $0xffff, v6, v5;
	_ =	sdelay $0xd  }
0x27c: {  	v5, _, _ =	vpop (xrf1)  }
0x27d: {  	v5 =	vxor.u32 $0x80000000, v5  }
0x27e: {  	v6 =	vperm.xlane v5, v1;
	_ =	sdelay $0x1  }
0x27f: {  	vm1 =	veq.s32 v5, v6  }
0x280: {  	v6 =	vsel vm1, $0x80000000, v3  }
0x281: {  	(xrf0) =	vmax.scan.msk.u32 $0xffff, v6;
	_ =	sdelay $0x1  }
0x282: {  	v6 =	vperm.xlane v5, v2;
	_ =	sdelay $0x1  }
0x283: {  	vm1 =	vne.s32 v5, v6  }
0x284: {  	vm1 =	vmor vm1, vm0  }
0x285: {  	v6, _, _ =	vpop (xrf0)  }
0x286: {  	v6 =	vxor.u32 $0x80000000, v6  }
0x287: {  	v6 =	vsub.s32 v4, v6  }
0x288: {  	v6 =	vcvt.s32.f32 v6;
	_ =	sdelay $0x1  }
0x289: {  	[tilespmem:v5+s29+$0x0] =	vst.idx.add.f32.msk vm1, v6  }
0x28a: {  	v5 =	vld [tilespmem:$0x690];
	_ =	sdelay $0x4  }
0x28b: {  	v6 =	vxor.u32 $0x80000000, v5  }
0x28c: {  	(xrf1) =	vsort.ascd.msk.u32 $0xffff, v6, v5;
	_ =	sdelay $0xd  }
0x28d: {  	v5, _, _ =	vpop (xrf1)  }
0x28e: {  	v5 =	vxor.u32 $0x80000000, v5  }
0x28f: {  	v6 =	vperm.xlane v5, v1;
	_ =	sdelay $0x1  }
0x290: {  	vm1 =	veq.s32 v5, v6  }
0x291: {  	v6 =	vsel vm1, $0x80000000, v3  }
0x292: {  	(xrf0) =	vmax.scan.msk.u32 $0xffff, v6;
	_ =	sdelay $0x1  }
0x293: {  	v6 =	vperm.xlane v5, v2;
	_ =	sdelay $0x1  }
0x294: {  	vm1 =	vne.s32 v5, v6  }
0x295: {  	vm1 =	vmor vm1, vm0  }
0x296: {  	v6, _, _ =	vpop (xrf0)  }
0x297: {  	v6 =	vxor.u32 $0x80000000, v6  }
0x298: {  	v6 =	vsub.s32 v4, v6  }
0x299: {  	v6 =	vcvt.s32.f32 v6;
	_ =	sdelay $0x1  }
0x29a: {  	[tilespmem:v5+s29+$0x0] =	vst.idx.add.f32.msk vm1, v6  }
0x29b: {  	v5 =	vld [tilespmem:$0x6A0];
	_ =	sdelay $0x4  }
0x29c: {  	v6 =	vxor.u32 $0x80000000, v5  }
0x29d: {  	(xrf1) =	vsort.ascd.msk.u32 $0xffff, v6, v5;
	_ =	sdelay $0xd  }
0x29e: {  	v5, _, _ =	vpop (xrf1)  }
0x29f: {  	v5 =	vxor.u32 $0x80000000, v5  }
0x2a0: {  	v6 =	vperm.xlane v5, v1;
	_ =	sdelay $0x1  }
0x2a1: {  	vm1 =	veq.s32 v5, v6  }
0x2a2: {  	v6 =	vsel vm1, $0x80000000, v3  }
0x2a3: {  	(xrf0) =	vmax.scan.msk.u32 $0xffff, v6;
	_ =	sdelay $0x1  }
0x2a4: {  	v6 =	vperm.xlane v5, v2;
	_ =	sdelay $0x1  }
0x2a5: {  	vm1 =	vne.s32 v5, v6  }
0x2a6: {  	vm1 =	vmor vm1, vm0  }
0x2a7: {  	v6, _, _ =	vpop (xrf0)  }
0x2a8: {  	v6 =	vxor.u32 $0x80000000, v6  }
0x2a9: {  	v6 =	vsub.s32 v4, v6  }
0x2aa: {  	v6 =	vcvt.s32.f32 v6;
	_ =	sdelay $0x1  }
0x2ab: {  	[tilespmem:v5+s29+$0x0] =	vst.idx.add.f32.msk vm1, v6  }
0x2ac: {  	v5 =	vld [tilespmem:$0x6B0];
	_ =	sdelay $0x4  }
0x2ad: {  	v6 =	vxor.u32 $0x80000000, v5  }
0x2ae: {  	(xrf1) =	vsort.ascd.msk.u32 $0xffff, v6, v5;
	_ =	sdelay $0xd  }
0x2af: {  	v5, _, _ =	vpop (xrf1)  }
0x2b0: {  	v5 =	vxor.u32 $0x80000000, v5  }
0x2b1: {  	v6 =	vperm.xlane v5, v1;
	_ =	sdelay $0x1  }
0x2b2: {  	vm1 =	veq.s32 v5, v6  }
0x2b3: {  	v6 =	vsel vm1, $0x80000000, v3  }
0x2b4: {  	(xrf0) =	vmax.scan.msk.u32 $0xffff, v6;
	_ =	sdelay $0x1  }
0x2b5: {  	v6 =	vperm.xlane v5, v2;
	_ =	sdelay $0x1  }
0x2b6: {  	vm1 =	vne.s32 v5, v6  }
0x2b7: {  	vm1 =	vmor vm1, vm0  }
0x2b8: {  	v6, _, _ =	vpop (xrf0)  }
0x2b9: {  	v6 =	vxor.u32 $0x80000000, v6  }
0x2ba: {  	v6 =	vsub.s32 v4, v6  }
0x2bb: {  	v6 =	vcvt.s32.f32 v6;
	_ =	sdelay $0x1  }
0x2bc: {  	[tilespmem:v5+s29+$0x0] =	vst.idx.add.f32.msk vm1, v6  }
.LBB2_18:
0x2bd: {  	_ =	swait.ge [sflag:s8], $0x2000  }
0x2be: {  	[sflag:s8] =	ssyncset.done $0x0  }
0x2bf: {  	s3 =	simm.s32 $0x700;
	[sflag:s8] =	ssyncadd.s32 $0xFFFFE000  }
0x2c0: {  	[spmem:s2] =	stream.indirect.scatter.add.f32 [tilespmem:s28], [sflag:$0x17], $0x80, s3, s22, $0xb8;
	[tilespmem:$0x1EB80] =	vst v63  }
0x2c1: {  	_ =	swait.ge [sflag:s25], $0x2000  }
0x2c2: {  	s5 =	simm.s32 @!p2 $0x0;
	[sflag:s25] =	ssyncset.done $0x0;
	s3 =	rddreg [dreg:$0xf]  }
0x2c3: {  	s26 =	simm.s32 @!p2 $0x200;
	[sflag:s25] =	ssyncadd.s32 $0xFFFFE000;
	s3 =	sadd.s32 @!p2 s0, s3  }
0x2c4: {  	[tilespmem:s26], [sflag:$0x5] =	stream.linear.gather @!p2 [hbm4b:s3+s5], $0x40, $0x38;
	[tilespmem:$0x1EB80] =	vst v63  }
0x2c5: {  	s3 =	sadd.s32 @!p2 $0x60, s11;
	s26 =	simm.s32 @!p2 $0x600  }
0x2c6: {  	[tilespmem:s26], [sflag:$0xD] =	stream.linear.gather @!p2 [hbm4b:s3+s5], $0x40, $0x38;
	[tilespmem:$0x1EB80] =	vst v63  }
0x2c7: {  	s3 =	simm.s32 @!p2 $0x1  }
0x2c8: {  	_ =	swait.ge @!p2 [sflag:s3], $0x40  }
0x2c9: {  	[sflag:s3] =	ssyncset.done @!p2 $0x0  }
.Ltmp12:
0x2ca: {  	[sflag:s3] =	ssyncadd.s32 @!p2 $0xFFFFFFC0;
	s3 =	simm.s32 @!p2 $0x9;
	(pc) =	sbr.rel @p0 .LBB2_20-.Ltmp12, $4  }
0x2cb: {  	_ =	swait.ge @!p2 [sflag:s3], $0x40  }
0x2cc: {  	[sflag:s3] =	ssyncset.done @!p2 $0x0  }
0x2cd: {  	s26 =	simm.s32 @!p2 $0x40;
	[sflag:s3] =	ssyncadd.s32 @!p2 $0xFFFFFFC0;
	s3 =	simm.s32 @!p2 $0x800  }
0x2ce: {  	[tilespmem:s3], [sflag:$0x11] =	stream.indirect.gather @!p2 [hbm4b:s1+s26], $0x80, s5, s26, $0xb8;
	[tilespmem:$0x1EB80] =	vst v63  }
0x2cf: {  	v5 =	vld [tilespmem:$0x700];
	_ =	sdelay $0x4  }
0x2d0: {  	v6 =	vxor.u32 $0x80000000, v5  }
0x2d1: {  	(xrf1) =	vsort.ascd.msk.u32 $0xffff, v6, v5;
	_ =	sdelay $0xd  }
0x2d2: {  	v5, _, _ =	vpop (xrf1)  }
0x2d3: {  	v5 =	vxor.u32 $0x80000000, v5  }
0x2d4: {  	v6 =	vperm.xlane v5, v1;
	_ =	sdelay $0x1  }
0x2d5: {  	vm1 =	veq.s32 v5, v6  }
0x2d6: {  	v6 =	vsel vm1, $0x80000000, v3  }
0x2d7: {  	(xrf0) =	vmax.scan.msk.u32 $0xffff, v6;
	_ =	sdelay $0x1  }
0x2d8: {  	v6 =	vperm.xlane v5, v2;
	_ =	sdelay $0x1  }
0x2d9: {  	vm1 =	vne.s32 v5, v6  }
0x2da: {  	vm1 =	vmor vm1, vm0  }
0x2db: {  	v6, _, _ =	vpop (xrf0)  }
0x2dc: {  	v6 =	vxor.u32 $0x80000000, v6  }
0x2dd: {  	v6 =	vsub.s32 v4, v6  }
0x2de: {  	v6 =	vcvt.s32.f32 v6;
	_ =	sdelay $0x1  }
0x2df: {  	[tilespmem:v5+s29+$0x0] =	vst.idx.add.f32.msk vm1, v6  }
0x2e0: {  	v5 =	vld [tilespmem:$0x710];
	_ =	sdelay $0x4  }
0x2e1: {  	v6 =	vxor.u32 $0x80000000, v5  }
0x2e2: {  	(xrf1) =	vsort.ascd.msk.u32 $0xffff, v6, v5;
	_ =	sdelay $0xd  }
0x2e3: {  	v5, _, _ =	vpop (xrf1)  }
0x2e4: {  	v5 =	vxor.u32 $0x80000000, v5  }
0x2e5: {  	v6 =	vperm.xlane v5, v1;
	_ =	sdelay $0x1  }
0x2e6: {  	vm1 =	veq.s32 v5, v6  }
0x2e7: {  	v6 =	vsel vm1, $0x80000000, v3  }
0x2e8: {  	(xrf0) =	vmax.scan.msk.u32 $0xffff, v6;
	_ =	sdelay $0x1  }
0x2e9: {  	v6 =	vperm.xlane v5, v2;
	_ =	sdelay $0x1  }
0x2ea: {  	vm1 =	vne.s32 v5, v6  }
0x2eb: {  	vm1 =	vmor vm1, vm0  }
0x2ec: {  	v6, _, _ =	vpop (xrf0)  }
0x2ed: {  	v6 =	vxor.u32 $0x80000000, v6  }
0x2ee: {  	v6 =	vsub.s32 v4, v6  }
0x2ef: {  	v6 =	vcvt.s32.f32 v6;
	_ =	sdelay $0x1  }
0x2f0: {  	[tilespmem:v5+s29+$0x0] =	vst.idx.add.f32.msk vm1, v6  }
0x2f1: {  	v5 =	vld [tilespmem:$0x720];
	_ =	sdelay $0x4  }
0x2f2: {  	v6 =	vxor.u32 $0x80000000, v5  }
0x2f3: {  	(xrf1) =	vsort.ascd.msk.u32 $0xffff, v6, v5;
	_ =	sdelay $0xd  }
0x2f4: {  	v5, _, _ =	vpop (xrf1)  }
0x2f5: {  	v5 =	vxor.u32 $0x80000000, v5  }
0x2f6: {  	v6 =	vperm.xlane v5, v1;
	_ =	sdelay $0x1  }
0x2f7: {  	vm1 =	veq.s32 v5, v6  }
0x2f8: {  	v6 =	vsel vm1, $0x80000000, v3  }
0x2f9: {  	(xrf0) =	vmax.scan.msk.u32 $0xffff, v6;
	_ =	sdelay $0x1  }
0x2fa: {  	v6 =	vperm.xlane v5, v2;
	_ =	sdelay $0x1  }
0x2fb: {  	vm1 =	vne.s32 v5, v6  }
0x2fc: {  	vm1 =	vmor vm1, vm0  }
0x2fd: {  	v6, _, _ =	vpop (xrf0)  }
0x2fe: {  	v6 =	vxor.u32 $0x80000000, v6  }
0x2ff: {  	v6 =	vsub.s32 v4, v6  }
0x300: {  	v6 =	vcvt.s32.f32 v6;
	_ =	sdelay $0x1  }
0x301: {  	[tilespmem:v5+s29+$0x0] =	vst.idx.add.f32.msk vm1, v6  }
0x302: {  	v5 =	vld [tilespmem:$0x730];
	_ =	sdelay $0x4  }
0x303: {  	v6 =	vxor.u32 $0x80000000, v5  }
0x304: {  	(xrf1) =	vsort.ascd.msk.u32 $0xffff, v6, v5;
	_ =	sdelay $0xd  }
0x305: {  	v5, _, _ =	vpop (xrf1)  }
0x306: {  	v5 =	vxor.u32 $0x80000000, v5  }
0x307: {  	v6 =	vperm.xlane v5, v1;
	_ =	sdelay $0x1  }
0x308: {  	vm1 =	veq.s32 v5, v6  }
0x309: {  	v6 =	vsel vm1, $0x80000000, v3  }
0x30a: {  	(xrf0) =	vmax.scan.msk.u32 $0xffff, v6;
	_ =	sdelay $0x1  }
0x30b: {  	v6 =	vperm.xlane v5, v2;
	_ =	sdelay $0x1  }
0x30c: {  	vm1 =	vne.s32 v5, v6  }
0x30d: {  	vm1 =	vmor vm1, vm0  }
0x30e: {  	v6, _, _ =	vpop (xrf0)  }
0x30f: {  	v6 =	vxor.u32 $0x80000000, v6  }
0x310: {  	v6 =	vsub.s32 v4, v6  }
0x311: {  	v6 =	vcvt.s32.f32 v6;
	_ =	sdelay $0x1  }
0x312: {  	[tilespmem:v5+s29+$0x0] =	vst.idx.add.f32.msk vm1, v6  }
.LBB2_20:
0x313: {  	_ =	swait.ge [sflag:s14], $0x2000  }
0x314: {  	[sflag:s14] =	ssyncset.done $0x0  }
0x315: {  	s3 =	simm.s32 $0x780;
	[sflag:s14] =	ssyncadd.s32 $0xFFFFE000  }
0x316: {  	[spmem:s2] =	stream.indirect.scatter.add.f32 [tilespmem:s7], [sflag:$0x18], $0x80, s3, s22, $0xb8;
	[tilespmem:$0x1EB80] =	vst v63  }
0x317: {  	_ =	swait.ge [sflag:s15], $0x2000  }
0x318: {  	[sflag:s15] =	ssyncset.done $0x0;
	s3 =	rddreg [dreg:$0x12]  }
0x319: {  	s6 =	simm.s32 @!p2 $0x280;
	[sflag:s15] =	ssyncadd.s32 $0xFFFFE000;
	s3 =	sadd.s32 @!p2 s0, s3  }
0x31a: {  	[tilespmem:s6], [sflag:$0x6] =	stream.linear.gather @!p2 [hbm4b:s3+s5], $0x40, $0x38;
	[tilespmem:$0x1EB80] =	vst v63  }
0x31b: {  	s3 =	sadd.s32 @!p2 $0x68, s11;
	s6 =	simm.s32 @!p2 $0x680  }
0x31c: {  	[tilespmem:s6], [sflag:$0xE] =	stream.linear.gather @!p2 [hbm4b:s3+s5], $0x40, $0x38;
	[tilespmem:$0x1EB80] =	vst v63  }
0x31d: {  	s3 =	simm.s32 @!p2 $0x2  }
0x31e: {  	_ =	swait.ge @!p2 [sflag:s3], $0x40  }
0x31f: {  	[sflag:s3] =	ssyncset.done @!p2 $0x0  }
.Ltmp13:
0x320: {  	[sflag:s3] =	ssyncadd.s32 @!p2 $0xFFFFFFC0;
	s3 =	simm.s32 @!p2 $0xA;
	(pc) =	sbr.rel @p1 .LBB2_22-.Ltmp13, $4  }
0x321: {  	_ =	swait.ge @!p2 [sflag:s3], $0x40  }
0x322: {  	[sflag:s3] =	ssyncset.done @!p2 $0x0  }
0x323: {  	s5 =	simm.s32 @!p2 $0x2800;
	[sflag:s3] =	ssyncadd.s32 @!p2 $0xFFFFFFC0;
	s3 =	simm.s32 @!p2 $0x80  }
0x324: {  	[tilespmem:s5], [sflag:$0x12] =	stream.indirect.gather @!p2 [hbm4b:s1+s26], $0x80, s3, s26, $0xb8;
	[tilespmem:$0x1EB80] =	vst v63  }
0x325: {  	v5 =	vld [tilespmem:$0x780];
	_ =	sdelay $0x4  }
0x326: {  	v6 =	vxor.u32 $0x80000000, v5  }
0x327: {  	(xrf1) =	vsort.ascd.msk.u32 $0xffff, v6, v5;
	_ =	sdelay $0xd  }
0x328: {  	v5, _, _ =	vpop (xrf1)  }
0x329: {  	v5 =	vxor.u32 $0x80000000, v5  }
0x32a: {  	v6 =	vperm.xlane v5, v1;
	_ =	sdelay $0x1  }
0x32b: {  	vm1 =	veq.s32 v5, v6  }
0x32c: {  	v6 =	vsel vm1, $0x80000000, v3  }
0x32d: {  	(xrf0) =	vmax.scan.msk.u32 $0xffff, v6;
	_ =	sdelay $0x1  }
0x32e: {  	v6 =	vperm.xlane v5, v2;
	_ =	sdelay $0x1  }
0x32f: {  	vm1 =	vne.s32 v5, v6  }
0x330: {  	vm1 =	vmor vm1, vm0  }
0x331: {  	v6, _, _ =	vpop (xrf0)  }
0x332: {  	v6 =	vxor.u32 $0x80000000, v6  }
0x333: {  	v6 =	vsub.s32 v4, v6  }
0x334: {  	v6 =	vcvt.s32.f32 v6;
	_ =	sdelay $0x1  }
0x335: {  	[tilespmem:v5+s29+$0x0] =	vst.idx.add.f32.msk vm1, v6  }
0x336: {  	v5 =	vld [tilespmem:$0x790];
	_ =	sdelay $0x4  }
0x337: {  	v6 =	vxor.u32 $0x80000000, v5  }
0x338: {  	(xrf1) =	vsort.ascd.msk.u32 $0xffff, v6, v5;
	_ =	sdelay $0xd  }
0x339: {  	v5, _, _ =	vpop (xrf1)  }
0x33a: {  	v5 =	vxor.u32 $0x80000000, v5  }
0x33b: {  	v6 =	vperm.xlane v5, v1;
	_ =	sdelay $0x1  }
0x33c: {  	vm1 =	veq.s32 v5, v6  }
0x33d: {  	v6 =	vsel vm1, $0x80000000, v3  }
0x33e: {  	(xrf0) =	vmax.scan.msk.u32 $0xffff, v6;
	_ =	sdelay $0x1  }
0x33f: {  	v6 =	vperm.xlane v5, v2;
	_ =	sdelay $0x1  }
0x340: {  	vm1 =	vne.s32 v5, v6  }
0x341: {  	vm1 =	vmor vm1, vm0  }
0x342: {  	v6, _, _ =	vpop (xrf0)  }
0x343: {  	v6 =	vxor.u32 $0x80000000, v6  }
0x344: {  	v6 =	vsub.s32 v4, v6  }
0x345: {  	v6 =	vcvt.s32.f32 v6;
	_ =	sdelay $0x1  }
0x346: {  	[tilespmem:v5+s29+$0x0] =	vst.idx.add.f32.msk vm1, v6  }
0x347: {  	v5 =	vld [tilespmem:$0x7A0];
	_ =	sdelay $0x4  }
0x348: {  	v6 =	vxor.u32 $0x80000000, v5  }
0x349: {  	(xrf1) =	vsort.ascd.msk.u32 $0xffff, v6, v5;
	_ =	sdelay $0xd  }
0x34a: {  	v5, _, _ =	vpop (xrf1)  }
0x34b: {  	v5 =	vxor.u32 $0x80000000, v5  }
0x34c: {  	v6 =	vperm.xlane v5, v1;
	_ =	sdelay $0x1  }
0x34d: {  	vm1 =	veq.s32 v5, v6  }
0x34e: {  	v6 =	vsel vm1, $0x80000000, v3  }
0x34f: {  	(xrf0) =	vmax.scan.msk.u32 $0xffff, v6;
	_ =	sdelay $0x1  }
0x350: {  	v6 =	vperm.xlane v5, v2;
	_ =	sdelay $0x1  }
0x351: {  	vm1 =	vne.s32 v5, v6  }
0x352: {  	vm1 =	vmor vm1, vm0  }
0x353: {  	v6, _, _ =	vpop (xrf0)  }
0x354: {  	v6 =	vxor.u32 $0x80000000, v6  }
0x355: {  	v6 =	vsub.s32 v4, v6  }
0x356: {  	v6 =	vcvt.s32.f32 v6;
	_ =	sdelay $0x1  }
0x357: {  	[tilespmem:v5+s29+$0x0] =	vst.idx.add.f32.msk vm1, v6  }
0x358: {  	v5 =	vld [tilespmem:$0x7B0];
	_ =	sdelay $0x4  }
0x359: {  	v6 =	vxor.u32 $0x80000000, v5  }
0x35a: {  	(xrf1) =	vsort.ascd.msk.u32 $0xffff, v6, v5;
	_ =	sdelay $0xd  }
0x35b: {  	v5, _, _ =	vpop (xrf1)  }
0x35c: {  	v5 =	vxor.u32 $0x80000000, v5  }
0x35d: {  	v6 =	vperm.xlane v5, v1;
	_ =	sdelay $0x1  }
0x35e: {  	vm1 =	veq.s32 v5, v6  }
0x35f: {  	v6 =	vsel vm1, $0x80000000, v3  }
0x360: {  	(xrf0) =	vmax.scan.msk.u32 $0xffff, v6;
	_ =	sdelay $0x1  }
0x361: {  	v6 =	vperm.xlane v5, v2;
	_ =	sdelay $0x1  }
0x362: {  	vm1 =	vne.s32 v5, v6  }
0x363: {  	vm1 =	vmor vm1, vm0  }
0x364: {  	v6, _, _ =	vpop (xrf0)  }
.Ltmp14:
0x365: {  	v6 =	vxor.u32 $0x80000000, v6;
	(pc) =	sbr.rel .LBB2_22-.Ltmp14, $3  }
0x366: {  	v6 =	vsub.s32 v4, v6  }
0x367: {  	v6 =	vcvt.s32.f32 v6;
	_ =	sdelay $0x1  }
0x368: {  	[tilespmem:v5+s29+$0x0] =	vst.idx.add.f32.msk vm1, v6  }
.LBB2_24:
0x369: {  	_ =	sfence.sel $0x180000  }
0x36a: {  	[bflag:$0x0] =	sbarrier.arrive $0xFFFF  }
0x36b: {  	_ =	strace $0x90000047  }
0x36c: {  	s0 =	stileid.u32;
	[bflag:$0x2] =	sbarrier.arrive $0xFFFF  }
0x36d: {  	p0 =	sne.s32 s0, $0x0;
	s0 =	rddreg [dreg:$0x3]  }
0x36e: {  	s0 =	sadd.s32 @!p0 $0x100000, s0  }
0x36f: {  	[sflag:s0] =	ssyncadd.tile.s32 @!p0 $0x1;
	_ =	shalt  }
.Lfunc_end2:
_tile_overlayer_lowered:
.L_overlay_start_2:
0x370: {  	(tag) =	ssettag $0x2  }
0x371: {  	s0 =	rddreg [dreg:$0x0];
	s2 =	stileid.u32  }
0x372: {  	s1 =	rddreg [dreg:$0x1];
	p0 =	sne.s32 s2, $0x0  }
0x373: {  	s3 =	rddreg [dreg:$0x2];
	[bflag:$0x3] =	sbarrier.arrive $0xFFFF;
	s2 =	simm.s32 @!p0 $0x1C19  }
0x374: {  	[timem:s3], [sflag:s2] =	dma.local @!p0 [hbm:s0], s1  }
0x375: {  	s0 =	simm.s32 @!p0 $0x19  }
0x376: {  	_ =	swait.ge @!p0 [sflag:s0], s1  }
0x377: {  	s1 =	ssub.s32 @!p0 $0x0, s1;
	[sflag:s0] =	ssyncset.done @!p0 $0x0  }
0x378: {  	[sflag:s0] =	ssyncadd.s32 @!p0 s1  }
0x379: {  	[bflag:$0x3] =	sbarrier.arrive $0xFFFF  }
0x37a: {  	_ =	shalt  }

</sc_bundles>
